<compile_context>
chip_gen: v7x
topology: tpu7x:2x2x1
jax: 0.10.2.dev20260603
libtpu: 0.0.44.dev20260713+nightly
codegen_flags: <defaults>
</compile_context>

<pallas_src>
import functools

import jax
import jax.numpy as jnp
from jax import lax
from jax.experimental import pallas as pl
from jax.experimental.pallas import tpu as pltpu
from jax.experimental.pallas import tpu_sc as plsc

_N = 10000
_E = 320000
_NS = 16
_CH = 125
_RPT = 624
_CHUNKS = _E // _CH
_BN = 2000
_NBLK = _N // _BN

_DOT_KW = dict(preferred_element_type=jnp.float32,
               precision=lax.Precision.DEFAULT)
_DN = (((1,), (0,)), ((), ()))


def _sc_segment_sum(hs_rows, edge_split):
    cpc = _CHUNKS // 2 if edge_split else _CHUNKS
    cpt = cpc // _NS
    ob = 8
    nb = cpt // ob
    mesh = plsc.VectorSubcoreMesh(core_axis_name="c", subcore_axis_name="s")

    @functools.partial(
        pl.kernel,
        out_type=jax.ShapeDtypeStruct((2 * _N, 128), jnp.float32),
        mesh=mesh,
        scratch_types=[
            pltpu.VMEM((2, ob, _CH), jnp.int32),
            pltpu.VMEM((2, ob, _CH), jnp.int32),
            pltpu.VMEM((_CH, 128), jnp.float32),
            pltpu.VMEM((_CH, 128), jnp.float32),
            pltpu.VMEM_SHARED((_N, 128), jnp.float32),
            pltpu.SemaphoreType.DMA,
            pltpu.SemaphoreType.DMA,
            pltpu.SemaphoreType.DMA,
            pltpu.SemaphoreType.DMA,
        ],
    )
    def seg(hs_hbm, src_hbm, dst_hbm, z_hbm, out_hbm,
            sidx2, didx2, rows0, rows1, acc, gsem0, gsem1, isem0, isem1):
        c = lax.axis_index("c")
        s = lax.axis_index("s")
        r0 = s * _RPT
        sbase = c * cpc + s * cpt
        dbase = (c * cpc + s * cpt) if edge_split else (s * cpt)
        rows = (rows0, rows1)
        gsems = (gsem0, gsem1)
        isems = (isem0, isem1)

        def stage(blk, p):
            pltpu.async_copy(src_hbm.at[pl.ds(sbase + blk * ob, ob)],
                             sidx2.at[p], isems[p])
            pltpu.async_copy(dst_hbm.at[pl.ds(dbase + blk * ob, ob)],
                             didx2.at[p], isems[p])

        def stage_wait(blk, p):
            pltpu.make_async_copy(src_hbm.at[pl.ds(sbase + blk * ob, ob)],
                                  sidx2.at[p], isems[p]).wait()
            pltpu.make_async_copy(dst_hbm.at[pl.ds(dbase + blk * ob, ob)],
                                  didx2.at[p], isems[p]).wait()

        def gather(p, j, jb):
            pltpu.async_copy(hs_hbm.at[sidx2.at[p].at[j]], rows[jb],
                             gsems[jb])

        def gather_wait(p, j, jb):
            pltpu.make_async_copy(hs_hbm.at[sidx2.at[p].at[j]], rows[jb],
                                  gsems[jb]).wait()

        stage(0, 0)
        stage_wait(0, 0)
        gather(0, 0, 0)
        gather(0, 1, 1)
        pltpu.sync_copy(z_hbm.at[pl.ds(r0, _RPT)], acc.at[pl.ds(r0, _RPT)])

        @pl.when(s == _NS - 1)
        def _():
            pltpu.sync_copy(z_hbm.at[pl.ds(_NS * _RPT, _N - _NS * _RPT)],
                            acc.at[pl.ds(_NS * _RPT, _N - _NS * _RPT)])

        plsc.subcore_barrier()

        def one_block(blk, p):
            dx = didx2.at[p]
            for j in range(ob):
                jb = j % 2
                if j == 0:
                    @pl.when(blk + 1 < nb)
                    def _():
                        stage(blk + 1, 1 - p)
                gather_wait(p, j, jb)
                pltpu.sync_copy(rows[jb], acc.at[dx.at[j]], add=True)
                if j + 2 < ob:
                    gather(p, j + 2, jb)
                else:
                    @pl.when(blk + 1 < nb)
                    def _():
                        if j + 2 == ob:
                            stage_wait(blk + 1, 1 - p)
                        gather(1 - p, j + 2 - ob, jb)

        @pl.loop(0, nb // 2)
        def _(m):
            one_block(2 * m, 0)
            one_block(2 * m + 1, 1)

        plsc.subcore_barrier()
        pltpu.sync_copy(acc.at[pl.ds(r0, _RPT)],
                        out_hbm.at[pl.ds(c * _N + r0, _RPT)])

        @pl.when(s == _NS - 1)
        def _():
            pltpu.sync_copy(
                acc.at[pl.ds(_NS * _RPT, _N - _NS * _RPT)],
                out_hbm.at[pl.ds(c * _N + _NS * _RPT, _N - _NS * _RPT)])

    def call(hs, src2, dst2, z):
        assert hs.shape == (hs_rows, 128)
        return seg(hs, src2, dst2, z)

    return call


def _tc_abs(x):
    def body(x_ref, o_ref):
        o_ref[...] = jnp.abs(x_ref[...])

    return pl.pallas_call(
        body,
        grid=(_NBLK,),
        in_specs=[pl.BlockSpec((_BN, 128), lambda i: (i, 0))],
        out_specs=pl.BlockSpec((_BN, 128), lambda i: (i, 0)),
        out_shape=jax.ShapeDtypeStruct((_N, 128), jnp.float32),
    )(x)


def _halves_matmul(a3, wref):
    acc = lax.dot_general(a3[0], wref[pl.ds(0, 128), :], _DN, **_DOT_KW)
    return acc + lax.dot_general(a3[1], wref[pl.ds(128, 128), :],
                                 _DN, **_DOT_KW)


def _tc_layer0(aggp, h0, wd, w):
    def body(a_ref, h_ref, wd_ref, w_ref, o_ref):
        agg = a_ref[0] + a_ref[1]
        acc = lax.dot_general(agg, wd_ref[...], _DN, **_DOT_KW)
        acc += lax.dot_general(h_ref[...], w_ref[...], _DN, **_DOT_KW)
        acc = jnp.maximum(acc, 0.0)
        o_ref[0] = acc[:, :128]
        o_ref[1] = acc[:, 128:]

    return pl.pallas_call(
        body,
        grid=(_NBLK,),
        in_specs=[
            pl.BlockSpec((2, _BN, 128), lambda i: (0, i, 0)),
            pl.BlockSpec((_BN, 128), lambda i: (i, 0)),
            pl.BlockSpec((128, 256), lambda i: (0, 0)),
            pl.BlockSpec((128, 256), lambda i: (0, 0)),
        ],
        out_specs=pl.BlockSpec((2, _BN, 128), lambda i: (0, i, 0)),
        out_shape=jax.ShapeDtypeStruct((2, _N, 128), jnp.float32),
    )(aggp, h0, wd, w)


def _tc_layer(aggs, hs, wd, w):
    def body(a_ref, h_ref, wd_ref, w_ref, o_ref):
        acc = _halves_matmul(a_ref, wd_ref)
        acc += _halves_matmul(h_ref, w_ref)
        acc = jnp.maximum(acc, 0.0)
        o_ref[0] = acc[:, :128]
        o_ref[1] = acc[:, 128:]

    return pl.pallas_call(
        body,
        grid=(_NBLK,),
        in_specs=[
            pl.BlockSpec((2, _BN, 128), lambda i: (0, i, 0)),
            pl.BlockSpec((2, _BN, 128), lambda i: (0, i, 0)),
            pl.BlockSpec((256, 256), lambda i: (0, 0)),
            pl.BlockSpec((256, 256), lambda i: (0, 0)),
        ],
        out_specs=pl.BlockSpec((2, _BN, 128), lambda i: (0, i, 0)),
        out_shape=jax.ShapeDtypeStruct((2, _N, 128), jnp.float32),
    )(aggs, hs, wd, w)


def _tc_layer_pool_head(aggs, hs, wd, w, batch2d, w1, b1, w2, b2):
    def body(a_ref, h_ref, wd_ref, w_ref, b_ref,
             w1_ref, b1_ref, w2_ref, b2_ref, o_ref, pool_scr):
        i = pl.program_id(0)

        acc = _halves_matmul(a_ref, wd_ref)
        acc += _halves_matmul(h_ref, w_ref)
        acc = jnp.maximum(acc, 0.0)

        @pl.when(i == 0)
        def _():
            pool_scr[...] = jnp.zeros_like(pool_scr)

        oh = (b_ref[...] == lax.broadcasted_iota(jnp.int32, (_BN, 64), 1))
        pool_scr[...] += lax.dot_general(oh.astype(jnp.float32), acc,
                                         (((0,), (0,)), ((), ())), **_DOT_KW)

        @pl.when(i == _NBLK - 1)
        def _():
            t = lax.dot_general(pool_scr[...], w1_ref[...], _DN,
                                **_DOT_KW) + b1_ref[...]
            t = jnp.maximum(t, 0.0)
            o_ref[...] = lax.dot_general(t, w2_ref[...], _DN,
                                         **_DOT_KW) + b2_ref[...]

    return pl.pallas_call(
        body,
        grid=(_NBLK,),
        in_specs=[
            pl.BlockSpec((2, _BN, 128), lambda i: (0, i, 0)),
            pl.BlockSpec((2, _BN, 128), lambda i: (0, i, 0)),
            pl.BlockSpec((256, 256), lambda i: (0, 0)),
            pl.BlockSpec((256, 256), lambda i: (0, 0)),
            pl.BlockSpec((_BN, 1), lambda i: (i, 0)),
            pl.BlockSpec((256, 256), lambda i: (0, 0)),
            pl.BlockSpec((1, 256), lambda i: (0, 0)),
            pl.BlockSpec((256, 10), lambda i: (0, 0)),
            pl.BlockSpec((1, 10), lambda i: (0, 0)),
        ],
        out_specs=pl.BlockSpec((64, 10), lambda i: (0, 0)),
        out_shape=jax.ShapeDtypeStruct((64, 10), jnp.float32),
        scratch_shapes=[pltpu.VMEM((64, 256), jnp.float32)],
    )(aggs, hs, wd, w, batch2d, w1, b1, w2, b2)


def kernel(x, lower_index, batch, W_down_0, W_0, W_down_1, W_1,
           W_down_2, W_2, lin1_w, lin1_b, lin2_w, lin2_b):
    src = lower_index[0]
    dst = lower_index[1]
    src2 = jnp.concatenate([src, src + _N]).reshape(2 * _CHUNKS, _CH)
    dst2 = dst.reshape(_CHUNKS, _CH)
    z128 = jnp.zeros((_N, 128), jnp.float32)
    batch2d = batch.reshape(_N, 1)
    b1 = lin1_b.reshape(1, 256)
    b2 = lin2_b.reshape(1, 10)

    seg_e = _sc_segment_sum(_N, edge_split=True)
    seg_f = _sc_segment_sum(2 * _N, edge_split=False)

    h0 = _tc_abs(x)
    a0 = seg_e(h0, src2, dst2, z128).reshape(2, _N, 128)
    hs1 = _tc_layer0(a0, h0, W_down_0, W_0)
    a1 = seg_f(hs1.reshape(2 * _N, 128), src2, dst2, z128).reshape(2, _N, 128)
    hs2 = _tc_layer(a1, hs1, W_down_1, W_1)
    a2 = seg_f(hs2.reshape(2 * _N, 128), src2, dst2, z128).reshape(2, _N, 128)
    return _tc_layer_pool_head(a2, hs2, W_down_2, W_2, batch2d,
                               lin1_w, b1, lin2_w, b2)

# --- scband reference (transcript-rebuilt; emitter-appended) ---
"""Pipeline reference for scband-edge-mpnn-22093311771175 (READ-ONLY COPY).

The authoritative reference and input builder live on the scoring server;
editing this copy changes nothing except your own understanding.
"""

import jax, jax.numpy as jnp
import numpy as np

N = 10000
E = 320000
D_IN = 128
HIDDEN = 256
NUM_CLASSES = 10
NUM_GRAPHS = 64


def _glorot(key, shape):
    fan_in, fan_out = shape[0], shape[1]
    lim = jnp.sqrt(6.0 / (fan_in + fan_out))
    return jax.random.uniform(key, shape, dtype=jnp.float32, minval=-lim, maxval=lim)


def setup_inputs(seed: int = 0) -> dict:
    key = jax.random.key(seed)
    ks = jax.random.split(key, 12)
    x = jax.random.normal(ks[0], (N, D_IN), dtype=jnp.float32)
    lower_index = jax.random.randint(ks[1], (2, E), 0, N, dtype=jnp.int32)
    batch = jnp.sort(jax.random.randint(ks[2], (N,), 0, NUM_GRAPHS, dtype=jnp.int32))
    W_down_0 = _glorot(ks[3], (D_IN, HIDDEN))
    W_0 = _glorot(ks[4], (D_IN, HIDDEN))
    W_down_1 = _glorot(ks[5], (HIDDEN, HIDDEN))
    W_1 = _glorot(ks[6], (HIDDEN, HIDDEN))
    W_down_2 = _glorot(ks[7], (HIDDEN, HIDDEN))
    W_2 = _glorot(ks[8], (HIDDEN, HIDDEN))
    lin1_w = _glorot(ks[9], (HIDDEN, HIDDEN))
    lin1_b = jnp.zeros((HIDDEN,), dtype=jnp.float32)
    lin2_w = _glorot(ks[10], (HIDDEN, NUM_CLASSES))
    lin2_b = jnp.zeros((NUM_CLASSES,), dtype=jnp.float32)
    return {
        "x": x, "lower_index": lower_index, "batch": batch,
        "W_down_0": W_down_0, "W_0": W_0,
        "W_down_1": W_down_1, "W_1": W_1,
        "W_down_2": W_down_2, "W_2": W_2,
        "lin1_w": lin1_w, "lin1_b": lin1_b,
        "lin2_w": lin2_w, "lin2_b": lin2_b,
    }


def _oriented_conv(h, lower_index, W_down, W):
    # OrientedConv with update_up_nn = lambda x: 0 (no upper adjacency for dim 1 max),
    # update_down_nn = Linear(bias=False), update_nn = Linear(bias=False), act = relu.
    src = lower_index[0]
    dst = lower_index[1]
    msg = h[src]                                   # gather neighbor cell features
    agg_down = jax.ops.segment_sum(msg, dst, num_segments=N)  # scatter-add lower messages
    up = 0.0                                       # update_up = lambda x: 0
    return jax.nn.relu(up + agg_down @ W_down + h @ W)


def reference(x, lower_index, batch, W_down_0, W_0, W_down_1, W_1, W_down_2, W_2, lin1_w, lin1_b, lin2_w, lin2_b):
    h = jnp.abs(x)                                 # data.x = torch.abs(data.x)
    h = _oriented_conv(h, lower_index, W_down_0, W_0)
    h = _oriented_conv(h, lower_index, W_down_1, W_1)
    h = _oriented_conv(h, lower_index, W_down_2, W_2)
    # readout='sum' global pooling per graph
    pooled = jax.ops.segment_sum(h, batch, num_segments=NUM_GRAPHS)
    out = jax.nn.relu(pooled @ lin1_w + lin1_b)
    # dropout with p=0.0 / eval mode -> identity
    out = out @ lin2_w + lin2_b
    return out

if __name__ == "__main__":
    import jax
    _d = setup_inputs()
    print(jax.jit(kernel)(*tuple(_d.values())))

</pallas_src>

<mosaic_0001>
#map = affine_map<(d0, d1) -> (0, 0)>
module attributes {stable_mosaic.version = 14 : i64} {
  func.func @seg(%arg0: i32, %arg1: i32, %arg2: memref<10000x128xf32, #tpu.memory_space<hbm>>, %arg3: memref<5120x125xi32, #tpu.memory_space<hbm>>, %arg4: memref<2560x125xi32, #tpu.memory_space<hbm>>, %arg5: memref<10000x128xf32, #tpu.memory_space<hbm>>, %arg6: memref<20000x128xf32, #tpu.memory_space<hbm>>, %arg7: memref<2x8x125xi32, #tpu.memory_space<vmem>>, %arg8: memref<2x8x125xi32, #tpu.memory_space<vmem>>, %arg9: memref<125x128xf32, #tpu.memory_space<vmem>>, %arg10: memref<125x128xf32, #tpu.memory_space<vmem>>, %arg11: memref<10000x128xf32, #tpu.memory_space<vmem_shared>>, %arg12: memref<!tpu.dma_semaphore, #tpu.memory_space<semaphore_mem>>, %arg13: memref<!tpu.dma_semaphore, #tpu.memory_space<semaphore_mem>>, %arg14: memref<!tpu.dma_semaphore, #tpu.memory_space<semaphore_mem>>, %arg15: memref<!tpu.dma_semaphore, #tpu.memory_space<semaphore_mem>>) attributes {dimension_semantics = [#tpu.dimension_semantics<core_parallel>, #tpu.dimension_semantics<subcore_parallel>], iteration_bounds = array<i64: 2, 16>, scalar_prefetch = 0 : i64, scratch_operands = 9 : i64, tpu.core_type = #tpu.core_type<sc_vector_subcore>, window_params = [{transform_indices = #map}, {transform_indices = #map}, {transform_indices = #map}, {transform_indices = #map}, {transform_indices = #map}]} {
    %mul3A = arith.constant 624 : i32
    %mul3A_0 = arith.muli %arg1, %mul3A : i32
    %mul3A_1 = arith.constant 1280 : i32
    %mul3A_2 = arith.muli %arg0, %mul3A_1 : i32
    %mul3A_3 = arith.constant 80 : i32
    %mul3A_4 = arith.muli %arg1, %mul3A_3 : i32
    %add3A = arith.addi %mul3A_2, %mul3A_4 : i32
    %mul3A_5 = arith.constant 1280 : i32
    %mul3A_6 = arith.muli %arg0, %mul3A_5 : i32
    %mul3A_7 = arith.constant 80 : i32
    %mul3A_8 = arith.muli %arg1, %mul3A_7 : i32
    %add3A_9 = arith.addi %mul3A_6, %mul3A_8 : i32
    %add3A_10 = arith.constant 0 : i32
    %add3A_11 = arith.addi %add3A, %add3A_10 : i32
    %dma_start3A = arith.constant 0 : i32
    %dma_start3A_12 = arith.constant 0 : i32
    %dma_start3A_13 = arith.constant 0 : i32
    %dma_start3A_14 = tpu.memref_slice %arg7[%dma_start3A, %dma_start3A_12, %dma_start3A_13] : memref<2x8x125xi32, #tpu.memory_space<vmem>> -> memref<1x8x125xi32, #tpu.memory_space<vmem>>
    %dma_start3A_15 = tpu.memref_squeeze %dma_start3A_14 : memref<1x8x125xi32, #tpu.memory_space<vmem>> -> memref<8x125xi32, #tpu.memory_space<vmem>>
    %dma_start3A_16 = arith.constant 0 : i32
    %dma_start3A_17 = tpu.memref_slice %arg3[%add3A_11, %dma_start3A_16] : memref<5120x125xi32, #tpu.memory_space<hbm>> -> memref<8x125xi32, #tpu.memory_space<hbm>>
    %dma_start3A_18 = arith.constant 0 : i32
    %dma_start3A_19 = arith.constant 0 : i32
    %dma_start3A_20 = tpu.memref_slice %arg7[%dma_start3A, %dma_start3A_18, %dma_start3A_19] : memref<2x8x125xi32, #tpu.memory_space<vmem>> -> memref<1x8x125xi32, #tpu.memory_space<vmem>>
    %dma_start3A_21 = tpu.memref_squeeze %dma_start3A_20 : memref<1x8x125xi32, #tpu.memory_space<vmem>> -> memref<8x125xi32, #tpu.memory_space<vmem>>
    %dma_start3A_22 = arith.constant 0 : i32
    %dma_start3A_23 = tpu.memref_slice %arg3[%add3A_11, %dma_start3A_22] : memref<5120x125xi32, #tpu.memory_space<hbm>> -> memref<8x125xi32, #tpu.memory_space<hbm>>
    tpu.enqueue_dma source(%dma_start3A_23 : memref<8x125xi32, #tpu.memory_space<hbm>>) target(%dma_start3A_21 : memref<8x125xi32, #tpu.memory_space<vmem>>) target_semaphore(%arg14 : memref<!tpu.dma_semaphore, #tpu.memory_space<semaphore_mem>>)
    %add3A_24 = arith.constant 0 : i32
    %add3A_25 = arith.addi %add3A_9, %add3A_24 : i32
    %dma_start3A_26 = arith.constant 0 : i32
    %dma_start3A_27 = arith.constant 0 : i32
    %dma_start3A_28 = arith.constant 0 : i32
    %dma_start3A_29 = tpu.memref_slice %arg8[%dma_start3A_26, %dma_start3A_27, %dma_start3A_28] : memref<2x8x125xi32, #tpu.memory_space<vmem>> -> memref<1x8x125xi32, #tpu.memory_space<vmem>>
    %dma_start3A_30 = tpu.memref_squeeze %dma_start3A_29 : memref<1x8x125xi32, #tpu.memory_space<vmem>> -> memref<8x125xi32, #tpu.memory_space<vmem>>
    %dma_start3A_31 = arith.constant 0 : i32
    %dma_start3A_32 = tpu.memref_slice %arg4[%add3A_25, %dma_start3A_31] : memref<2560x125xi32, #tpu.memory_space<hbm>> -> memref<8x125xi32, #tpu.memory_space<hbm>>
    %dma_start3A_33 = arith.constant 0 : i32
    %dma_start3A_34 = arith.constant 0 : i32
    %dma_start3A_35 = tpu.memref_slice %arg8[%dma_start3A_26, %dma_start3A_33, %dma_start3A_34] : memref<2x8x125xi32, #tpu.memory_space<vmem>> -> memref<1x8x125xi32, #tpu.memory_space<vmem>>
    %dma_start3A_36 = tpu.memref_squeeze %dma_start3A_35 : memref<1x8x125xi32, #tpu.memory_space<vmem>> -> memref<8x125xi32, #tpu.memory_space<vmem>>
    %dma_start3A_37 = arith.constant 0 : i32
    %dma_start3A_38 = tpu.memref_slice %arg4[%add3A_25, %dma_start3A_37] : memref<2560x125xi32, #tpu.memory_space<hbm>> -> memref<8x125xi32, #tpu.memory_space<hbm>>
    tpu.enqueue_dma source(%dma_start3A_38 : memref<8x125xi32, #tpu.memory_space<hbm>>) target(%dma_start3A_36 : memref<8x125xi32, #tpu.memory_space<vmem>>) target_semaphore(%arg14 : memref<!tpu.dma_semaphore, #tpu.memory_space<semaphore_mem>>)
    %add3A_39 = arith.constant 0 : i32
    %add3A_40 = arith.addi %add3A, %add3A_39 : i32
    %dma_wait3A = arith.constant 0 : i32
    %dma_wait3A_41 = arith.constant 0 : i32
    %dma_wait3A_42 = arith.constant 0 : i32
    %dma_wait3A_43 = tpu.memref_slice %arg7[%dma_wait3A, %dma_wait3A_41, %dma_wait3A_42] : memref<2x8x125xi32, #tpu.memory_space<vmem>> -> memref<1x8x125xi32, #tpu.memory_space<vmem>>
    %dma_wait3A_44 = tpu.memref_squeeze %dma_wait3A_43 : memref<1x8x125xi32, #tpu.memory_space<vmem>> -> memref<8x125xi32, #tpu.memory_space<vmem>>
    %dma_wait3A_45 = arith.constant 0 : i32
    %dma_wait3A_46 = tpu.memref_slice %arg3[%add3A_40, %dma_wait3A_45] : memref<5120x125xi32, #tpu.memory_space<hbm>> -> memref<8x125xi32, #tpu.memory_space<hbm>>
    %dma_wait3A_47 = arith.constant 0 : i32
    %dma_wait3A_48 = arith.constant 0 : i32
    %dma_wait3A_49 = tpu.memref_slice %arg7[%dma_wait3A, %dma_wait3A_47, %dma_wait3A_48] : memref<2x8x125xi32, #tpu.memory_space<vmem>> -> memref<1x8x125xi32, #tpu.memory_space<vmem>>
    %dma_wait3A_50 = tpu.memref_squeeze %dma_wait3A_49 : memref<1x8x125xi32, #tpu.memory_space<vmem>> -> memref<8x125xi32, #tpu.memory_space<vmem>>
    %dma_wait3A_51 = arith.constant 0 : i32
    %dma_wait3A_52 = tpu.memref_slice %arg3[%add3A_40, %dma_wait3A_51] : memref<5120x125xi32, #tpu.memory_space<hbm>> -> memref<8x125xi32, #tpu.memory_space<hbm>>
    tpu.wait_dma2 semaphore(%arg14 : memref<!tpu.dma_semaphore, #tpu.memory_space<semaphore_mem>>) src(%dma_wait3A_52 : memref<8x125xi32, #tpu.memory_space<hbm>>) dst(%dma_wait3A_50 : memref<8x125xi32, #tpu.memory_space<vmem>>)
    %add3A_53 = arith.constant 0 : i32
    %add3A_54 = arith.addi %add3A_9, %add3A_53 : i32
    %dma_wait3A_55 = arith.constant 0 : i32
    %dma_wait3A_56 = arith.constant 0 : i32
    %dma_wait3A_57 = arith.constant 0 : i32
    %dma_wait3A_58 = tpu.memref_slice %arg8[%dma_wait3A_55, %dma_wait3A_56, %dma_wait3A_57] : memref<2x8x125xi32, #tpu.memory_space<vmem>> -> memref<1x8x125xi32, #tpu.memory_space<vmem>>
    %dma_wait3A_59 = tpu.memref_squeeze %dma_wait3A_58 : memref<1x8x125xi32, #tpu.memory_space<vmem>> -> memref<8x125xi32, #tpu.memory_space<vmem>>
    %dma_wait3A_60 = arith.constant 0 : i32
    %dma_wait3A_61 = tpu.memref_slice %arg4[%add3A_54, %dma_wait3A_60] : memref<2560x125xi32, #tpu.memory_space<hbm>> -> memref<8x125xi32, #tpu.memory_space<hbm>>
    %dma_wait3A_62 = arith.constant 0 : i32
    %dma_wait3A_63 = arith.constant 0 : i32
    %dma_wait3A_64 = tpu.memref_slice %arg8[%dma_wait3A_55, %dma_wait3A_62, %dma_wait3A_63] : memref<2x8x125xi32, #tpu.memory_space<vmem>> -> memref<1x8x125xi32, #tpu.memory_space<vmem>>
    %dma_wait3A_65 = tpu.memref_squeeze %dma_wait3A_64 : memref<1x8x125xi32, #tpu.memory_space<vmem>> -> memref<8x125xi32, #tpu.memory_space<vmem>>
    %dma_wait3A_66 = arith.constant 0 : i32
    %dma_wait3A_67 = tpu.memref_slice %arg4[%add3A_54, %dma_wait3A_66] : memref<2560x125xi32, #tpu.memory_space<hbm>> -> memref<8x125xi32, #tpu.memory_space<hbm>>
    tpu.wait_dma2 semaphore(%arg14 : memref<!tpu.dma_semaphore, #tpu.memory_space<semaphore_mem>>) src(%dma_wait3A_67 : memref<8x125xi32, #tpu.memory_space<hbm>>) dst(%dma_wait3A_65 : memref<8x125xi32, #tpu.memory_space<vmem>>)
    %dma_start3A_68 = arith.constant 0 : i32
    %dma_start3A_69 = arith.constant 0 : i32
    %dma_start3A_70 = arith.constant 0 : i32
    %dma_start3A_71 = arith.constant 0 : i32
    %dma_start3A_72 = tpu.memref_slice %arg7[%dma_start3A_68, %dma_start3A_70, %dma_start3A_71] : memref<2x8x125xi32, #tpu.memory_space<vmem>> -> memref<1x8x125xi32, #tpu.memory_space<vmem>>
    %dma_start3A_73 = tpu.memref_squeeze %dma_start3A_72 : memref<1x8x125xi32, #tpu.memory_space<vmem>> -> memref<8x125xi32, #tpu.memory_space<vmem>>
    %dma_start3A_74 = arith.constant 0 : i32
    %dma_start3A_75 = tpu.memref_slice %dma_start3A_73[%dma_start3A_69, %dma_start3A_74] : memref<8x125xi32, #tpu.memory_space<vmem>> -> memref<1x125xi32, #tpu.memory_space<vmem>>
    %dma_start3A_76 = tpu.memref_squeeze %dma_start3A_75 : memref<1x125xi32, #tpu.memory_space<vmem>> -> memref<125xi32, #tpu.memory_space<vmem>>
    %dma_start3A_77 = arith.constant 0 : i32
    %dma_start3A_78 = arith.constant 0 : i32
    %dma_start3A_79 = tpu.memref_slice %arg2[%dma_start3A_77, %dma_start3A_78] : memref<10000x128xf32, #tpu.memory_space<hbm>> -> memref<10000x128xf32, #tpu.memory_space<hbm>>
    tpu.enqueue_indirect_dma source(%dma_start3A_79 : memref<10000x128xf32, #tpu.memory_space<hbm>>) target(%arg9 : memref<125x128xf32, #tpu.memory_space<vmem>>) offsets(%dma_start3A_76 : memref<125xi32, #tpu.memory_space<vmem>>) semaphore(%arg12 : memref<!tpu.dma_semaphore, #tpu.memory_space<semaphore_mem>>)
    %dma_start3A_80 = arith.constant 0 : i32
    %dma_start3A_81 = arith.constant 1 : i32
    %dma_start3A_82 = arith.constant 0 : i32
    %dma_start3A_83 = arith.constant 0 : i32
    %dma_start3A_84 = tpu.memref_slice %arg7[%dma_start3A_80, %dma_start3A_82, %dma_start3A_83] : memref<2x8x125xi32, #tpu.memory_space<vmem>> -> memref<1x8x125xi32, #tpu.memory_space<vmem>>
    %dma_start3A_85 = tpu.memref_squeeze %dma_start3A_84 : memref<1x8x125xi32, #tpu.memory_space<vmem>> -> memref<8x125xi32, #tpu.memory_space<vmem>>
    %dma_start3A_86 = arith.constant 0 : i32
    %dma_start3A_87 = tpu.memref_slice %dma_start3A_85[%dma_start3A_81, %dma_start3A_86] : memref<8x125xi32, #tpu.memory_space<vmem>> -> memref<1x125xi32, #tpu.memory_space<vmem>>
    %dma_start3A_88 = tpu.memref_squeeze %dma_start3A_87 : memref<1x125xi32, #tpu.memory_space<vmem>> -> memref<125xi32, #tpu.memory_space<vmem>>
    %dma_start3A_89 = arith.constant 0 : i32
    %dma_start3A_90 = arith.constant 0 : i32
    %dma_start3A_91 = tpu.memref_slice %arg2[%dma_start3A_89, %dma_start3A_90] : memref<10000x128xf32, #tpu.memory_space<hbm>> -> memref<10000x128xf32, #tpu.memory_space<hbm>>
    tpu.enqueue_indirect_dma source(%dma_start3A_91 : memref<10000x128xf32, #tpu.memory_space<hbm>>) target(%arg10 : memref<125x128xf32, #tpu.memory_space<vmem>>) offsets(%dma_start3A_88 : memref<125xi32, #tpu.memory_space<vmem>>) semaphore(%arg13 : memref<!tpu.dma_semaphore, #tpu.memory_space<semaphore_mem>>)
    "tpu.region"() ({
      %run_scoped3A = tpu.sem_alloc : memref<!tpu.dma_semaphore, #tpu.memory_space<semaphore_mem>>
      %dma_start3A_107 = arith.constant 0 : i32
      %dma_start3A_108 = tpu.memref_slice %arg11[%mul3A_0, %dma_start3A_107] : memref<10000x128xf32, #tpu.memory_space<vmem_shared>> -> memref<624x128xf32, #tpu.memory_space<vmem_shared>>
      %dma_start3A_109 = arith.constant 0 : i32
      %dma_start3A_110 = tpu.memref_slice %arg5[%mul3A_0, %dma_start3A_109] : memref<10000x128xf32, #tpu.memory_space<hbm>> -> memref<624x128xf32, #tpu.memory_space<hbm>>
      tpu.enqueue_dma source(%dma_start3A_110 : memref<624x128xf32, #tpu.memory_space<hbm>>) target(%dma_start3A_108 : memref<624x128xf32, #tpu.memory_space<vmem_shared>>) target_semaphore(%run_scoped3A : memref<!tpu.dma_semaphore, #tpu.memory_space<semaphore_mem>>)
      %dma_wait3A_111 = arith.constant 0 : i32
      %dma_wait3A_112 = tpu.memref_slice %arg11[%mul3A_0, %dma_wait3A_111] : memref<10000x128xf32, #tpu.memory_space<vmem_shared>> -> memref<624x128xf32, #tpu.memory_space<vmem_shared>>
      %dma_wait3A_113 = arith.constant 0 : i32
      %dma_wait3A_114 = tpu.memref_slice %arg5[%mul3A_0, %dma_wait3A_113] : memref<10000x128xf32, #tpu.memory_space<hbm>> -> memref<624x128xf32, #tpu.memory_space<hbm>>
      tpu.wait_dma2 semaphore(%run_scoped3A : memref<!tpu.dma_semaphore, #tpu.memory_space<semaphore_mem>>) src(%dma_wait3A_114 : memref<624x128xf32, #tpu.memory_space<hbm>>) dst(%dma_wait3A_112 : memref<624x128xf32, #tpu.memory_space<vmem_shared>>)
      tpu.yield
    }) : () -> ()
    %eq3A = arith.constant 15 : i32
    %eq3A_92 = arith.cmpi eq, %arg1, %eq3A : i32
    %convert_element_type3A = arith.extui %eq3A_92 : i1 to i32
    %cond3A = arith.constant 0 : i32
    %cond3A_93 = arith.cmpi ne, %convert_element_type3A, %cond3A : i32
    scf.if %cond3A_93 {
      "tpu.region"() ({
        %run_scoped3A = tpu.sem_alloc : memref<!tpu.dma_semaphore, #tpu.memory_space<semaphore_mem>>
        %dma_start3A_107 = arith.constant 9984 : i32
        %dma_start3A_108 = arith.constant 0 : i32
        %dma_start3A_109 = tpu.memref_slice %arg11[%dma_start3A_107, %dma_start3A_108] : memref<10000x128xf32, #tpu.memory_space<vmem_shared>> -> memref<16x128xf32, #tpu.memory_space<vmem_shared>>
        %dma_start3A_110 = arith.constant 9984 : i32
        %dma_start3A_111 = arith.constant 0 : i32
        %dma_start3A_112 = tpu.memref_slice %arg5[%dma_start3A_110, %dma_start3A_111] : memref<10000x128xf32, #tpu.memory_space<hbm>> -> memref<16x128xf32, #tpu.memory_space<hbm>>
        tpu.enqueue_dma source(%dma_start3A_112 : memref<16x128xf32, #tpu.memory_space<hbm>>) target(%dma_start3A_109 : memref<16x128xf32, #tpu.memory_space<vmem_shared>>) target_semaphore(%run_scoped3A : memref<!tpu.dma_semaphore, #tpu.memory_space<semaphore_mem>>)
        %dma_wait3A_113 = arith.constant 9984 : i32
        %dma_wait3A_114 = arith.constant 0 : i32
        %dma_wait3A_115 = tpu.memref_slice %arg11[%dma_wait3A_113, %dma_wait3A_114] : memref<10000x128xf32, #tpu.memory_space<vmem_shared>> -> memref<16x128xf32, #tpu.memory_space<vmem_shared>>
        %dma_wait3A_116 = arith.constant 9984 : i32
        %dma_wait3A_117 = arith.constant 0 : i32
        %dma_wait3A_118 = tpu.memref_slice %arg5[%dma_wait3A_116, %dma_wait3A_117] : memref<10000x128xf32, #tpu.memory_space<hbm>> -> memref<16x128xf32, #tpu.memory_space<hbm>>
        tpu.wait_dma2 semaphore(%run_scoped3A : memref<!tpu.dma_semaphore, #tpu.memory_space<semaphore_mem>>) src(%dma_wait3A_118 : memref<16x128xf32, #tpu.memory_space<hbm>>) dst(%dma_wait3A_115 : memref<16x128xf32, #tpu.memory_space<vmem_shared>>)
        tpu.yield
      }) : () -> ()
    } else {
    }
    %barrier3A = arith.constant 0 : index
    tpu.barrier barrier_id(%barrier3A)
    %scan3A = arith.constant 0 : i32
    %scan3A_94 = arith.constant 5 : i32
    %scan3A_95 = arith.addi %scan3A, %scan3A_94 : i32
    %scan3A_96 = arith.constant 1 : i32
    scf.for %scan3A_107 = %scan3A to %scan3A_95 step %scan3A_96  : i32 {
      %mul3A_108 = arith.constant 1 : i32
      %mul3A_109 = arith.muli %scan3A_107, %mul3A_108 : i32
      %add3A_110 = arith.constant 0 : i32
      %add3A_111 = arith.addi %add3A_110, %mul3A_109 : i32
      %mul3A_112 = arith.constant 2 : i32
      %mul3A_113 = arith.muli %mul3A_112, %add3A_111 : i32
      %add3A_114 = arith.constant 1 : i32
      %add3A_115 = arith.addi %mul3A_113, %add3A_114 : i32
      %lt3A = arith.constant 10 : i32
      %lt3A_116 = arith.cmpi slt, %add3A_115, %lt3A : i32
      %convert_element_type3A_117 = arith.extui %lt3A_116 : i1 to i32
      %cond3A_118 = arith.constant 0 : i32
      %cond3A_119 = arith.cmpi ne, %convert_element_type3A_117, %cond3A_118 : i32
      scf.if %cond3A_119 {
        %add3A_526 = arith.constant 1 : i32
        %add3A_527 = arith.addi %mul3A_113, %add3A_526 : i32
        %mul3A_528 = arith.constant 8 : i32
        %mul3A_529 = arith.muli %add3A_527, %mul3A_528 : i32
        %add3A_530 = arith.addi %add3A, %mul3A_529 : i32
        %dma_start3A_531 = arith.constant 1 : i32
        %dma_start3A_532 = arith.constant 0 : i32
        %dma_start3A_533 = arith.constant 0 : i32
        %dma_start3A_534 = tpu.memref_slice %arg7[%dma_start3A_531, %dma_start3A_532, %dma_start3A_533] : memref<2x8x125xi32, #tpu.memory_space<vmem>> -> memref<1x8x125xi32, #tpu.memory_space<vmem>>
        %dma_start3A_535 = tpu.memref_squeeze %dma_start3A_534 : memref<1x8x125xi32, #tpu.memory_space<vmem>> -> memref<8x125xi32, #tpu.memory_space<vmem>>
        %dma_start3A_536 = arith.constant 0 : i32
        %dma_start3A_537 = tpu.memref_slice %arg3[%add3A_530, %dma_start3A_536] : memref<5120x125xi32, #tpu.memory_space<hbm>> -> memref<8x125xi32, #tpu.memory_space<hbm>>
        %dma_start3A_538 = arith.constant 0 : i32
        %dma_start3A_539 = arith.constant 0 : i32
        %dma_start3A_540 = tpu.memref_slice %arg7[%dma_start3A_531, %dma_start3A_538, %dma_start3A_539] : memref<2x8x125xi32, #tpu.memory_space<vmem>> -> memref<1x8x125xi32, #tpu.memory_space<vmem>>
        %dma_start3A_541 = tpu.memref_squeeze %dma_start3A_540 : memref<1x8x125xi32, #tpu.memory_space<vmem>> -> memref<8x125xi32, #tpu.memory_space<vmem>>
        %dma_start3A_542 = arith.constant 0 : i32
        %dma_start3A_543 = tpu.memref_slice %arg3[%add3A_530, %dma_start3A_542] : memref<5120x125xi32, #tpu.memory_space<hbm>> -> memref<8x125xi32, #tpu.memory_space<hbm>>
        tpu.enqueue_dma source(%dma_start3A_543 : memref<8x125xi32, #tpu.memory_space<hbm>>) target(%dma_start3A_541 : memref<8x125xi32, #tpu.memory_space<vmem>>) target_semaphore(%arg15 : memref<!tpu.dma_semaphore, #tpu.memory_space<semaphore_mem>>)
        %mul3A_544 = arith.constant 8 : i32
        %mul3A_545 = arith.muli %add3A_527, %mul3A_544 : i32
        %add3A_546 = arith.addi %add3A_9, %mul3A_545 : i32
        %dma_start3A_547 = arith.constant 1 : i32
        %dma_start3A_548 = arith.constant 0 : i32
        %dma_start3A_549 = arith.constant 0 : i32
        %dma_start3A_550 = tpu.memref_slice %arg8[%dma_start3A_547, %dma_start3A_548, %dma_start3A_549] : memref<2x8x125xi32, #tpu.memory_space<vmem>> -> memref<1x8x125xi32, #tpu.memory_space<vmem>>
        %dma_start3A_551 = tpu.memref_squeeze %dma_start3A_550 : memref<1x8x125xi32, #tpu.memory_space<vmem>> -> memref<8x125xi32, #tpu.memory_space<vmem>>
        %dma_start3A_552 = arith.constant 0 : i32
        %dma_start3A_553 = tpu.memref_slice %arg4[%add3A_546, %dma_start3A_552] : memref<2560x125xi32, #tpu.memory_space<hbm>> -> memref<8x125xi32, #tpu.memory_space<hbm>>
        %dma_start3A_554 = arith.constant 0 : i32
        %dma_start3A_555 = arith.constant 0 : i32
        %dma_start3A_556 = tpu.memref_slice %arg8[%dma_start3A_547, %dma_start3A_554, %dma_start3A_555] : memref<2x8x125xi32, #tpu.memory_space<vmem>> -> memref<1x8x125xi32, #tpu.memory_space<vmem>>
        %dma_start3A_557 = tpu.memref_squeeze %dma_start3A_556 : memref<1x8x125xi32, #tpu.memory_space<vmem>> -> memref<8x125xi32, #tpu.memory_space<vmem>>
        %dma_start3A_558 = arith.constant 0 : i32
        %dma_start3A_559 = tpu.memref_slice %arg4[%add3A_546, %dma_start3A_558] : memref<2560x125xi32, #tpu.memory_space<hbm>> -> memref<8x125xi32, #tpu.memory_space<hbm>>
        tpu.enqueue_dma source(%dma_start3A_559 : memref<8x125xi32, #tpu.memory_space<hbm>>) target(%dma_start3A_557 : memref<8x125xi32, #tpu.memory_space<vmem>>) target_semaphore(%arg15 : memref<!tpu.dma_semaphore, #tpu.memory_space<semaphore_mem>>)
      } else {
      }
      %dma_wait3A_120 = arith.constant 0 : i32
      %dma_wait3A_121 = arith.constant 0 : i32
      %dma_wait3A_122 = arith.constant 0 : i32
      %dma_wait3A_123 = arith.constant 0 : i32
      %dma_wait3A_124 = tpu.memref_slice %arg7[%dma_wait3A_120, %dma_wait3A_122, %dma_wait3A_123] : memref<2x8x125xi32, #tpu.memory_space<vmem>> -> memref<1x8x125xi32, #tpu.memory_space<vmem>>
      %dma_wait3A_125 = tpu.memref_squeeze %dma_wait3A_124 : memref<1x8x125xi32, #tpu.memory_space<vmem>> -> memref<8x125xi32, #tpu.memory_space<vmem>>
      %dma_wait3A_126 = arith.constant 0 : i32
      %dma_wait3A_127 = tpu.memref_slice %dma_wait3A_125[%dma_wait3A_121, %dma_wait3A_126] : memref<8x125xi32, #tpu.memory_space<vmem>> -> memref<1x125xi32, #tpu.memory_space<vmem>>
      %dma_wait3A_128 = tpu.memref_squeeze %dma_wait3A_127 : memref<1x125xi32, #tpu.memory_space<vmem>> -> memref<125xi32, #tpu.memory_space<vmem>>
      %dma_wait3A_129 = arith.constant 0 : i32
      %dma_wait3A_130 = arith.constant 0 : i32
      %dma_wait3A_131 = tpu.memref_slice %arg2[%dma_wait3A_129, %dma_wait3A_130] : memref<10000x128xf32, #tpu.memory_space<hbm>> -> memref<10000x128xf32, #tpu.memory_space<hbm>>
      tpu.wait_indirect_dma semaphore(%arg12 : memref<!tpu.dma_semaphore, #tpu.memory_space<semaphore_mem>>) src(%dma_wait3A_131 : memref<10000x128xf32, #tpu.memory_space<hbm>>) dst(%arg9 : memref<125x128xf32, #tpu.memory_space<vmem>>)
      %run_scoped3A = arith.constant 0 : i32
      %run_scoped3A_132 = arith.constant 0 : i32
      "tpu.region"() ({
        %run_scoped3A_526 = tpu.sem_alloc : memref<!tpu.dma_semaphore, #tpu.memory_space<semaphore_mem>>
        %dma_start3A_527 = arith.constant 0 : i32
        %dma_start3A_528 = arith.constant 0 : i32
        %dma_start3A_529 = tpu.memref_slice %arg8[%run_scoped3A, %dma_start3A_527, %dma_start3A_528] : memref<2x8x125xi32, #tpu.memory_space<vmem>> -> memref<1x8x125xi32, #tpu.memory_space<vmem>>
        %dma_start3A_530 = tpu.memref_squeeze %dma_start3A_529 : memref<1x8x125xi32, #tpu.memory_space<vmem>> -> memref<8x125xi32, #tpu.memory_space<vmem>>
        %dma_start3A_531 = arith.constant 0 : i32
        %dma_start3A_532 = tpu.memref_slice %dma_start3A_530[%run_scoped3A_132, %dma_start3A_531] : memref<8x125xi32, #tpu.memory_space<vmem>> -> memref<1x125xi32, #tpu.memory_space<vmem>>
        %dma_start3A_533 = tpu.memref_squeeze %dma_start3A_532 : memref<1x125xi32, #tpu.memory_space<vmem>> -> memref<125xi32, #tpu.memory_space<vmem>>
        %dma_start3A_534 = arith.constant 0 : i32
        %dma_start3A_535 = arith.constant 0 : i32
        %dma_start3A_536 = tpu.memref_slice %arg11[%dma_start3A_534, %dma_start3A_535] : memref<10000x128xf32, #tpu.memory_space<vmem_shared>> -> memref<10000x128xf32, #tpu.memory_space<vmem_shared>>
        tpu.enqueue_indirect_dma source(%arg9 : memref<125x128xf32, #tpu.memory_space<vmem>>) target(%dma_start3A_536 : memref<10000x128xf32, #tpu.memory_space<vmem_shared>>) offsets(%dma_start3A_533 : memref<125xi32, #tpu.memory_space<vmem>>) semaphore(%run_scoped3A_526 : memref<!tpu.dma_semaphore, #tpu.memory_space<semaphore_mem>>) {add = true}
        %dma_wait3A_537 = arith.constant 0 : i32
        %dma_wait3A_538 = arith.constant 0 : i32
        %dma_wait3A_539 = tpu.memref_slice %arg8[%run_scoped3A, %dma_wait3A_537, %dma_wait3A_538] : memref<2x8x125xi32, #tpu.memory_space<vmem>> -> memref<1x8x125xi32, #tpu.memory_space<vmem>>
        %dma_wait3A_540 = tpu.memref_squeeze %dma_wait3A_539 : memref<1x8x125xi32, #tpu.memory_space<vmem>> -> memref<8x125xi32, #tpu.memory_space<vmem>>
        %dma_wait3A_541 = arith.constant 0 : i32
        %dma_wait3A_542 = tpu.memref_slice %dma_wait3A_540[%run_scoped3A_132, %dma_wait3A_541] : memref<8x125xi32, #tpu.memory_space<vmem>> -> memref<1x125xi32, #tpu.memory_space<vmem>>
        %dma_wait3A_543 = tpu.memref_squeeze %dma_wait3A_542 : memref<1x125xi32, #tpu.memory_space<vmem>> -> memref<125xi32, #tpu.memory_space<vmem>>
        %dma_wait3A_544 = arith.constant 0 : i32
        %dma_wait3A_545 = arith.constant 0 : i32
        %dma_wait3A_546 = tpu.memref_slice %arg11[%dma_wait3A_544, %dma_wait3A_545] : memref<10000x128xf32, #tpu.memory_space<vmem_shared>> -> memref<10000x128xf32, #tpu.memory_space<vmem_shared>>
        tpu.wait_indirect_dma semaphore(%run_scoped3A_526 : memref<!tpu.dma_semaphore, #tpu.memory_space<semaphore_mem>>) src(%arg9 : memref<125x128xf32, #tpu.memory_space<vmem>>) dst(%dma_wait3A_546 : memref<10000x128xf32, #tpu.memory_space<vmem_shared>>)
        tpu.yield
      }) : () -> ()
      %dma_start3A_133 = arith.constant 0 : i32
      %dma_start3A_134 = arith.constant 2 : i32
      %dma_start3A_135 = arith.constant 0 : i32
      %dma_start3A_136 = arith.constant 0 : i32
      %dma_start3A_137 = tpu.memref_slice %arg7[%dma_start3A_133, %dma_start3A_135, %dma_start3A_136] : memref<2x8x125xi32, #tpu.memory_space<vmem>> -> memref<1x8x125xi32, #tpu.memory_space<vmem>>
      %dma_start3A_138 = tpu.memref_squeeze %dma_start3A_137 : memref<1x8x125xi32, #tpu.memory_space<vmem>> -> memref<8x125xi32, #tpu.memory_space<vmem>>
      %dma_start3A_139 = arith.constant 0 : i32
      %dma_start3A_140 = tpu.memref_slice %dma_start3A_138[%dma_start3A_134, %dma_start3A_139] : memref<8x125xi32, #tpu.memory_space<vmem>> -> memref<1x125xi32, #tpu.memory_space<vmem>>
      %dma_start3A_141 = tpu.memref_squeeze %dma_start3A_140 : memref<1x125xi32, #tpu.memory_space<vmem>> -> memref<125xi32, #tpu.memory_space<vmem>>
      %dma_start3A_142 = arith.constant 0 : i32
      %dma_start3A_143 = arith.constant 0 : i32
      %dma_start3A_144 = tpu.memref_slice %arg2[%dma_start3A_142, %dma_start3A_143] : memref<10000x128xf32, #tpu.memory_space<hbm>> -> memref<10000x128xf32, #tpu.memory_space<hbm>>
      tpu.enqueue_indirect_dma source(%dma_start3A_144 : memref<10000x128xf32, #tpu.memory_space<hbm>>) target(%arg9 : memref<125x128xf32, #tpu.memory_space<vmem>>) offsets(%dma_start3A_141 : memref<125xi32, #tpu.memory_space<vmem>>) semaphore(%arg12 : memref<!tpu.dma_semaphore, #tpu.memory_space<semaphore_mem>>)
      %dma_wait3A_145 = arith.constant 0 : i32
      %dma_wait3A_146 = arith.constant 1 : i32
      %dma_wait3A_147 = arith.constant 0 : i32
      %dma_wait3A_148 = arith.constant 0 : i32
      %dma_wait3A_149 = tpu.memref_slice %arg7[%dma_wait3A_145, %dma_wait3A_147, %dma_wait3A_148] : memref<2x8x125xi32, #tpu.memory_space<vmem>> -> memref<1x8x125xi32, #tpu.memory_space<vmem>>
      %dma_wait3A_150 = tpu.memref_squeeze %dma_wait3A_149 : memref<1x8x125xi32, #tpu.memory_space<vmem>> -> memref<8x125xi32, #tpu.memory_space<vmem>>
      %dma_wait3A_151 = arith.constant 0 : i32
      %dma_wait3A_152 = tpu.memref_slice %dma_wait3A_150[%dma_wait3A_146, %dma_wait3A_151] : memref<8x125xi32, #tpu.memory_space<vmem>> -> memref<1x125xi32, #tpu.memory_space<vmem>>
      %dma_wait3A_153 = tpu.memref_squeeze %dma_wait3A_152 : memref<1x125xi32, #tpu.memory_space<vmem>> -> memref<125xi32, #tpu.memory_space<vmem>>
      %dma_wait3A_154 = arith.constant 0 : i32
      %dma_wait3A_155 = arith.constant 0 : i32
      %dma_wait3A_156 = tpu.memref_slice %arg2[%dma_wait3A_154, %dma_wait3A_155] : memref<10000x128xf32, #tpu.memory_space<hbm>> -> memref<10000x128xf32, #tpu.memory_space<hbm>>
      tpu.wait_indirect_dma semaphore(%arg13 : memref<!tpu.dma_semaphore, #tpu.memory_space<semaphore_mem>>) src(%dma_wait3A_156 : memref<10000x128xf32, #tpu.memory_space<hbm>>) dst(%arg10 : memref<125x128xf32, #tpu.memory_space<vmem>>)
      %run_scoped3A_157 = arith.constant 0 : i32
      %run_scoped3A_158 = arith.constant 1 : i32
      "tpu.region"() ({
        %run_scoped3A_526 = tpu.sem_alloc : memref<!tpu.dma_semaphore, #tpu.memory_space<semaphore_mem>>
        %dma_start3A_527 = arith.constant 0 : i32
        %dma_start3A_528 = arith.constant 0 : i32
        %dma_start3A_529 = tpu.memref_slice %arg8[%run_scoped3A_157, %dma_start3A_527, %dma_start3A_528] : memref<2x8x125xi32, #tpu.memory_space<vmem>> -> memref<1x8x125xi32, #tpu.memory_space<vmem>>
        %dma_start3A_530 = tpu.memref_squeeze %dma_start3A_529 : memref<1x8x125xi32, #tpu.memory_space<vmem>> -> memref<8x125xi32, #tpu.memory_space<vmem>>
        %dma_start3A_531 = arith.constant 0 : i32
        %dma_start3A_532 = tpu.memref_slice %dma_start3A_530[%run_scoped3A_158, %dma_start3A_531] : memref<8x125xi32, #tpu.memory_space<vmem>> -> memref<1x125xi32, #tpu.memory_space<vmem>>
        %dma_start3A_533 = tpu.memref_squeeze %dma_start3A_532 : memref<1x125xi32, #tpu.memory_space<vmem>> -> memref<125xi32, #tpu.memory_space<vmem>>
        %dma_start3A_534 = arith.constant 0 : i32
        %dma_start3A_535 = arith.constant 0 : i32
        %dma_start3A_536 = tpu.memref_slice %arg11[%dma_start3A_534, %dma_start3A_535] : memref<10000x128xf32, #tpu.memory_space<vmem_shared>> -> memref<10000x128xf32, #tpu.memory_space<vmem_shared>>
        tpu.enqueue_indirect_dma source(%arg10 : memref<125x128xf32, #tpu.memory_space<vmem>>) target(%dma_start3A_536 : memref<10000x128xf32, #tpu.memory_space<vmem_shared>>) offsets(%dma_start3A_533 : memref<125xi32, #tpu.memory_space<vmem>>) semaphore(%run_scoped3A_526 : memref<!tpu.dma_semaphore, #tpu.memory_space<semaphore_mem>>) {add = true}
        %dma_wait3A_537 = arith.constant 0 : i32
        %dma_wait3A_538 = arith.constant 0 : i32
        %dma_wait3A_539 = tpu.memref_slice %arg8[%run_scoped3A_157, %dma_wait3A_537, %dma_wait3A_538] : memref<2x8x125xi32, #tpu.memory_space<vmem>> -> memref<1x8x125xi32, #tpu.memory_space<vmem>>
        %dma_wait3A_540 = tpu.memref_squeeze %dma_wait3A_539 : memref<1x8x125xi32, #tpu.memory_space<vmem>> -> memref<8x125xi32, #tpu.memory_space<vmem>>
        %dma_wait3A_541 = arith.constant 0 : i32
        %dma_wait3A_542 = tpu.memref_slice %dma_wait3A_540[%run_scoped3A_158, %dma_wait3A_541] : memref<8x125xi32, #tpu.memory_space<vmem>> -> memref<1x125xi32, #tpu.memory_space<vmem>>
        %dma_wait3A_543 = tpu.memref_squeeze %dma_wait3A_542 : memref<1x125xi32, #tpu.memory_space<vmem>> -> memref<125xi32, #tpu.memory_space<vmem>>
        %dma_wait3A_544 = arith.constant 0 : i32
        %dma_wait3A_545 = arith.constant 0 : i32
        %dma_wait3A_546 = tpu.memref_slice %arg11[%dma_wait3A_544, %dma_wait3A_545] : memref<10000x128xf32, #tpu.memory_space<vmem_shared>> -> memref<10000x128xf32, #tpu.memory_space<vmem_shared>>
        tpu.wait_indirect_dma semaphore(%run_scoped3A_526 : memref<!tpu.dma_semaphore, #tpu.memory_space<semaphore_mem>>) src(%arg10 : memref<125x128xf32, #tpu.memory_space<vmem>>) dst(%dma_wait3A_546 : memref<10000x128xf32, #tpu.memory_space<vmem_shared>>)
        tpu.yield
      }) : () -> ()
      %dma_start3A_159 = arith.constant 0 : i32
      %dma_start3A_160 = arith.constant 3 : i32
      %dma_start3A_161 = arith.constant 0 : i32
      %dma_start3A_162 = arith.constant 0 : i32
      %dma_start3A_163 = tpu.memref_slice %arg7[%dma_start3A_159, %dma_start3A_161, %dma_start3A_162] : memref<2x8x125xi32, #tpu.memory_space<vmem>> -> memref<1x8x125xi32, #tpu.memory_space<vmem>>
      %dma_start3A_164 = tpu.memref_squeeze %dma_start3A_163 : memref<1x8x125xi32, #tpu.memory_space<vmem>> -> memref<8x125xi32, #tpu.memory_space<vmem>>
      %dma_start3A_165 = arith.constant 0 : i32
      %dma_start3A_166 = tpu.memref_slice %dma_start3A_164[%dma_start3A_160, %dma_start3A_165] : memref<8x125xi32, #tpu.memory_space<vmem>> -> memref<1x125xi32, #tpu.memory_space<vmem>>
      %dma_start3A_167 = tpu.memref_squeeze %dma_start3A_166 : memref<1x125xi32, #tpu.memory_space<vmem>> -> memref<125xi32, #tpu.memory_space<vmem>>
      %dma_start3A_168 = arith.constant 0 : i32
      %dma_start3A_169 = arith.constant 0 : i32
      %dma_start3A_170 = tpu.memref_slice %arg2[%dma_start3A_168, %dma_start3A_169] : memref<10000x128xf32, #tpu.memory_space<hbm>> -> memref<10000x128xf32, #tpu.memory_space<hbm>>
      tpu.enqueue_indirect_dma source(%dma_start3A_170 : memref<10000x128xf32, #tpu.memory_space<hbm>>) target(%arg10 : memref<125x128xf32, #tpu.memory_space<vmem>>) offsets(%dma_start3A_167 : memref<125xi32, #tpu.memory_space<vmem>>) semaphore(%arg13 : memref<!tpu.dma_semaphore, #tpu.memory_space<semaphore_mem>>)
      %dma_wait3A_171 = arith.constant 0 : i32
      %dma_wait3A_172 = arith.constant 2 : i32
      %dma_wait3A_173 = arith.constant 0 : i32
      %dma_wait3A_174 = arith.constant 0 : i32
      %dma_wait3A_175 = tpu.memref_slice %arg7[%dma_wait3A_171, %dma_wait3A_173, %dma_wait3A_174] : memref<2x8x125xi32, #tpu.memory_space<vmem>> -> memref<1x8x125xi32, #tpu.memory_space<vmem>>
      %dma_wait3A_176 = tpu.memref_squeeze %dma_wait3A_175 : memref<1x8x125xi32, #tpu.memory_space<vmem>> -> memref<8x125xi32, #tpu.memory_space<vmem>>
      %dma_wait3A_177 = arith.constant 0 : i32
      %dma_wait3A_178 = tpu.memref_slice %dma_wait3A_176[%dma_wait3A_172, %dma_wait3A_177] : memref<8x125xi32, #tpu.memory_space<vmem>> -> memref<1x125xi32, #tpu.memory_space<vmem>>
      %dma_wait3A_179 = tpu.memref_squeeze %dma_wait3A_178 : memref<1x125xi32, #tpu.memory_space<vmem>> -> memref<125xi32, #tpu.memory_space<vmem>>
      %dma_wait3A_180 = arith.constant 0 : i32
      %dma_wait3A_181 = arith.constant 0 : i32
      %dma_wait3A_182 = tpu.memref_slice %arg2[%dma_wait3A_180, %dma_wait3A_181] : memref<10000x128xf32, #tpu.memory_space<hbm>> -> memref<10000x128xf32, #tpu.memory_space<hbm>>
      tpu.wait_indirect_dma semaphore(%arg12 : memref<!tpu.dma_semaphore, #tpu.memory_space<semaphore_mem>>) src(%dma_wait3A_182 : memref<10000x128xf32, #tpu.memory_space<hbm>>) dst(%arg9 : memref<125x128xf32, #tpu.memory_space<vmem>>)
      %run_scoped3A_183 = arith.constant 0 : i32
      %run_scoped3A_184 = arith.constant 2 : i32
      "tpu.region"() ({
        %run_scoped3A_526 = tpu.sem_alloc : memref<!tpu.dma_semaphore, #tpu.memory_space<semaphore_mem>>
        %dma_start3A_527 = arith.constant 0 : i32
        %dma_start3A_528 = arith.constant 0 : i32
        %dma_start3A_529 = tpu.memref_slice %arg8[%run_scoped3A_183, %dma_start3A_527, %dma_start3A_528] : memref<2x8x125xi32, #tpu.memory_space<vmem>> -> memref<1x8x125xi32, #tpu.memory_space<vmem>>
        %dma_start3A_530 = tpu.memref_squeeze %dma_start3A_529 : memref<1x8x125xi32, #tpu.memory_space<vmem>> -> memref<8x125xi32, #tpu.memory_space<vmem>>
        %dma_start3A_531 = arith.constant 0 : i32
        %dma_start3A_532 = tpu.memref_slice %dma_start3A_530[%run_scoped3A_184, %dma_start3A_531] : memref<8x125xi32, #tpu.memory_space<vmem>> -> memref<1x125xi32, #tpu.memory_space<vmem>>
        %dma_start3A_533 = tpu.memref_squeeze %dma_start3A_532 : memref<1x125xi32, #tpu.memory_space<vmem>> -> memref<125xi32, #tpu.memory_space<vmem>>
        %dma_start3A_534 = arith.constant 0 : i32
        %dma_start3A_535 = arith.constant 0 : i32
        %dma_start3A_536 = tpu.memref_slice %arg11[%dma_start3A_534, %dma_start3A_535] : memref<10000x128xf32, #tpu.memory_space<vmem_shared>> -> memref<10000x128xf32, #tpu.memory_space<vmem_shared>>
        tpu.enqueue_indirect_dma source(%arg9 : memref<125x128xf32, #tpu.memory_space<vmem>>) target(%dma_start3A_536 : memref<10000x128xf32, #tpu.memory_space<vmem_shared>>) offsets(%dma_start3A_533 : memref<125xi32, #tpu.memory_space<vmem>>) semaphore(%run_scoped3A_526 : memref<!tpu.dma_semaphore, #tpu.memory_space<semaphore_mem>>) {add = true}
        %dma_wait3A_537 = arith.constant 0 : i32
        %dma_wait3A_538 = arith.constant 0 : i32
        %dma_wait3A_539 = tpu.memref_slice %arg8[%run_scoped3A_183, %dma_wait3A_537, %dma_wait3A_538] : memref<2x8x125xi32, #tpu.memory_space<vmem>> -> memref<1x8x125xi32, #tpu.memory_space<vmem>>
        %dma_wait3A_540 = tpu.memref_squeeze %dma_wait3A_539 : memref<1x8x125xi32, #tpu.memory_space<vmem>> -> memref<8x125xi32, #tpu.memory_space<vmem>>
        %dma_wait3A_541 = arith.constant 0 : i32
        %dma_wait3A_542 = tpu.memref_slice %dma_wait3A_540[%run_scoped3A_184, %dma_wait3A_541] : memref<8x125xi32, #tpu.memory_space<vmem>> -> memref<1x125xi32, #tpu.memory_space<vmem>>
        %dma_wait3A_543 = tpu.memref_squeeze %dma_wait3A_542 : memref<1x125xi32, #tpu.memory_space<vmem>> -> memref<125xi32, #tpu.memory_space<vmem>>
        %dma_wait3A_544 = arith.constant 0 : i32
        %dma_wait3A_545 = arith.constant 0 : i32
        %dma_wait3A_546 = tpu.memref_slice %arg11[%dma_wait3A_544, %dma_wait3A_545] : memref<10000x128xf32, #tpu.memory_space<vmem_shared>> -> memref<10000x128xf32, #tpu.memory_space<vmem_shared>>
        tpu.wait_indirect_dma semaphore(%run_scoped3A_526 : memref<!tpu.dma_semaphore, #tpu.memory_space<semaphore_mem>>) src(%arg9 : memref<125x128xf32, #tpu.memory_space<vmem>>) dst(%dma_wait3A_546 : memref<10000x128xf32, #tpu.memory_space<vmem_shared>>)
        tpu.yield
      }) : () -> ()
      %dma_start3A_185 = arith.constant 0 : i32
      %dma_start3A_186 = arith.constant 4 : i32
      %dma_start3A_187 = arith.constant 0 : i32
      %dma_start3A_188 = arith.constant 0 : i32
      %dma_start3A_189 = tpu.memref_slice %arg7[%dma_start3A_185, %dma_start3A_187, %dma_start3A_188] : memref<2x8x125xi32, #tpu.memory_space<vmem>> -> memref<1x8x125xi32, #tpu.memory_space<vmem>>
      %dma_start3A_190 = tpu.memref_squeeze %dma_start3A_189 : memref<1x8x125xi32, #tpu.memory_space<vmem>> -> memref<8x125xi32, #tpu.memory_space<vmem>>
      %dma_start3A_191 = arith.constant 0 : i32
      %dma_start3A_192 = tpu.memref_slice %dma_start3A_190[%dma_start3A_186, %dma_start3A_191] : memref<8x125xi32, #tpu.memory_space<vmem>> -> memref<1x125xi32, #tpu.memory_space<vmem>>
      %dma_start3A_193 = tpu.memref_squeeze %dma_start3A_192 : memref<1x125xi32, #tpu.memory_space<vmem>> -> memref<125xi32, #tpu.memory_space<vmem>>
      %dma_start3A_194 = arith.constant 0 : i32
      %dma_start3A_195 = arith.constant 0 : i32
      %dma_start3A_196 = tpu.memref_slice %arg2[%dma_start3A_194, %dma_start3A_195] : memref<10000x128xf32, #tpu.memory_space<hbm>> -> memref<10000x128xf32, #tpu.memory_space<hbm>>
      tpu.enqueue_indirect_dma source(%dma_start3A_196 : memref<10000x128xf32, #tpu.memory_space<hbm>>) target(%arg9 : memref<125x128xf32, #tpu.memory_space<vmem>>) offsets(%dma_start3A_193 : memref<125xi32, #tpu.memory_space<vmem>>) semaphore(%arg12 : memref<!tpu.dma_semaphore, #tpu.memory_space<semaphore_mem>>)
      %dma_wait3A_197 = arith.constant 0 : i32
      %dma_wait3A_198 = arith.constant 3 : i32
      %dma_wait3A_199 = arith.constant 0 : i32
      %dma_wait3A_200 = arith.constant 0 : i32
      %dma_wait3A_201 = tpu.memref_slice %arg7[%dma_wait3A_197, %dma_wait3A_199, %dma_wait3A_200] : memref<2x8x125xi32, #tpu.memory_space<vmem>> -> memref<1x8x125xi32, #tpu.memory_space<vmem>>
      %dma_wait3A_202 = tpu.memref_squeeze %dma_wait3A_201 : memref<1x8x125xi32, #tpu.memory_space<vmem>> -> memref<8x125xi32, #tpu.memory_space<vmem>>
      %dma_wait3A_203 = arith.constant 0 : i32
      %dma_wait3A_204 = tpu.memref_slice %dma_wait3A_202[%dma_wait3A_198, %dma_wait3A_203] : memref<8x125xi32, #tpu.memory_space<vmem>> -> memref<1x125xi32, #tpu.memory_space<vmem>>
      %dma_wait3A_205 = tpu.memref_squeeze %dma_wait3A_204 : memref<1x125xi32, #tpu.memory_space<vmem>> -> memref<125xi32, #tpu.memory_space<vmem>>
      %dma_wait3A_206 = arith.constant 0 : i32
      %dma_wait3A_207 = arith.constant 0 : i32
      %dma_wait3A_208 = tpu.memref_slice %arg2[%dma_wait3A_206, %dma_wait3A_207] : memref<10000x128xf32, #tpu.memory_space<hbm>> -> memref<10000x128xf32, #tpu.memory_space<hbm>>
      tpu.wait_indirect_dma semaphore(%arg13 : memref<!tpu.dma_semaphore, #tpu.memory_space<semaphore_mem>>) src(%dma_wait3A_208 : memref<10000x128xf32, #tpu.memory_space<hbm>>) dst(%arg10 : memref<125x128xf32, #tpu.memory_space<vmem>>)
      %run_scoped3A_209 = arith.constant 0 : i32
      %run_scoped3A_210 = arith.constant 3 : i32
      "tpu.region"() ({
        %run_scoped3A_526 = tpu.sem_alloc : memref<!tpu.dma_semaphore, #tpu.memory_space<semaphore_mem>>
        %dma_start3A_527 = arith.constant 0 : i32
        %dma_start3A_528 = arith.constant 0 : i32
        %dma_start3A_529 = tpu.memref_slice %arg8[%run_scoped3A_209, %dma_start3A_527, %dma_start3A_528] : memref<2x8x125xi32, #tpu.memory_space<vmem>> -> memref<1x8x125xi32, #tpu.memory_space<vmem>>
        %dma_start3A_530 = tpu.memref_squeeze %dma_start3A_529 : memref<1x8x125xi32, #tpu.memory_space<vmem>> -> memref<8x125xi32, #tpu.memory_space<vmem>>
        %dma_start3A_531 = arith.constant 0 : i32
        %dma_start3A_532 = tpu.memref_slice %dma_start3A_530[%run_scoped3A_210, %dma_start3A_531] : memref<8x125xi32, #tpu.memory_space<vmem>> -> memref<1x125xi32, #tpu.memory_space<vmem>>
        %dma_start3A_533 = tpu.memref_squeeze %dma_start3A_532 : memref<1x125xi32, #tpu.memory_space<vmem>> -> memref<125xi32, #tpu.memory_space<vmem>>
        %dma_start3A_534 = arith.constant 0 : i32
        %dma_start3A_535 = arith.constant 0 : i32
        %dma_start3A_536 = tpu.memref_slice %arg11[%dma_start3A_534, %dma_start3A_535] : memref<10000x128xf32, #tpu.memory_space<vmem_shared>> -> memref<10000x128xf32, #tpu.memory_space<vmem_shared>>
        tpu.enqueue_indirect_dma source(%arg10 : memref<125x128xf32, #tpu.memory_space<vmem>>) target(%dma_start3A_536 : memref<10000x128xf32, #tpu.memory_space<vmem_shared>>) offsets(%dma_start3A_533 : memref<125xi32, #tpu.memory_space<vmem>>) semaphore(%run_scoped3A_526 : memref<!tpu.dma_semaphore, #tpu.memory_space<semaphore_mem>>) {add = true}
        %dma_wait3A_537 = arith.constant 0 : i32
        %dma_wait3A_538 = arith.constant 0 : i32
        %dma_wait3A_539 = tpu.memref_slice %arg8[%run_scoped3A_209, %dma_wait3A_537, %dma_wait3A_538] : memref<2x8x125xi32, #tpu.memory_space<vmem>> -> memref<1x8x125xi32, #tpu.memory_space<vmem>>
        %dma_wait3A_540 = tpu.memref_squeeze %dma_wait3A_539 : memref<1x8x125xi32, #tpu.memory_space<vmem>> -> memref<8x125xi32, #tpu.memory_space<vmem>>
        %dma_wait3A_541 = arith.constant 0 : i32
        %dma_wait3A_542 = tpu.memref_slice %dma_wait3A_540[%run_scoped3A_210, %dma_wait3A_541] : memref<8x125xi32, #tpu.memory_space<vmem>> -> memref<1x125xi32, #tpu.memory_space<vmem>>
        %dma_wait3A_543 = tpu.memref_squeeze %dma_wait3A_542 : memref<1x125xi32, #tpu.memory_space<vmem>> -> memref<125xi32, #tpu.memory_space<vmem>>
        %dma_wait3A_544 = arith.constant 0 : i32
        %dma_wait3A_545 = arith.constant 0 : i32
        %dma_wait3A_546 = tpu.memref_slice %arg11[%dma_wait3A_544, %dma_wait3A_545] : memref<10000x128xf32, #tpu.memory_space<vmem_shared>> -> memref<10000x128xf32, #tpu.memory_space<vmem_shared>>
        tpu.wait_indirect_dma semaphore(%run_scoped3A_526 : memref<!tpu.dma_semaphore, #tpu.memory_space<semaphore_mem>>) src(%arg10 : memref<125x128xf32, #tpu.memory_space<vmem>>) dst(%dma_wait3A_546 : memref<10000x128xf32, #tpu.memory_space<vmem_shared>>)
        tpu.yield
      }) : () -> ()
      %dma_start3A_211 = arith.constant 0 : i32
      %dma_start3A_212 = arith.constant 5 : i32
      %dma_start3A_213 = arith.constant 0 : i32
      %dma_start3A_214 = arith.constant 0 : i32
      %dma_start3A_215 = tpu.memref_slice %arg7[%dma_start3A_211, %dma_start3A_213, %dma_start3A_214] : memref<2x8x125xi32, #tpu.memory_space<vmem>> -> memref<1x8x125xi32, #tpu.memory_space<vmem>>
      %dma_start3A_216 = tpu.memref_squeeze %dma_start3A_215 : memref<1x8x125xi32, #tpu.memory_space<vmem>> -> memref<8x125xi32, #tpu.memory_space<vmem>>
      %dma_start3A_217 = arith.constant 0 : i32
      %dma_start3A_218 = tpu.memref_slice %dma_start3A_216[%dma_start3A_212, %dma_start3A_217] : memref<8x125xi32, #tpu.memory_space<vmem>> -> memref<1x125xi32, #tpu.memory_space<vmem>>
      %dma_start3A_219 = tpu.memref_squeeze %dma_start3A_218 : memref<1x125xi32, #tpu.memory_space<vmem>> -> memref<125xi32, #tpu.memory_space<vmem>>
      %dma_start3A_220 = arith.constant 0 : i32
      %dma_start3A_221 = arith.constant 0 : i32
      %dma_start3A_222 = tpu.memref_slice %arg2[%dma_start3A_220, %dma_start3A_221] : memref<10000x128xf32, #tpu.memory_space<hbm>> -> memref<10000x128xf32, #tpu.memory_space<hbm>>
      tpu.enqueue_indirect_dma source(%dma_start3A_222 : memref<10000x128xf32, #tpu.memory_space<hbm>>) target(%arg10 : memref<125x128xf32, #tpu.memory_space<vmem>>) offsets(%dma_start3A_219 : memref<125xi32, #tpu.memory_space<vmem>>) semaphore(%arg13 : memref<!tpu.dma_semaphore, #tpu.memory_space<semaphore_mem>>)
      %dma_wait3A_223 = arith.constant 0 : i32
      %dma_wait3A_224 = arith.constant 4 : i32
      %dma_wait3A_225 = arith.constant 0 : i32
      %dma_wait3A_226 = arith.constant 0 : i32
      %dma_wait3A_227 = tpu.memref_slice %arg7[%dma_wait3A_223, %dma_wait3A_225, %dma_wait3A_226] : memref<2x8x125xi32, #tpu.memory_space<vmem>> -> memref<1x8x125xi32, #tpu.memory_space<vmem>>
      %dma_wait3A_228 = tpu.memref_squeeze %dma_wait3A_227 : memref<1x8x125xi32, #tpu.memory_space<vmem>> -> memref<8x125xi32, #tpu.memory_space<vmem>>
      %dma_wait3A_229 = arith.constant 0 : i32
      %dma_wait3A_230 = tpu.memref_slice %dma_wait3A_228[%dma_wait3A_224, %dma_wait3A_229] : memref<8x125xi32, #tpu.memory_space<vmem>> -> memref<1x125xi32, #tpu.memory_space<vmem>>
      %dma_wait3A_231 = tpu.memref_squeeze %dma_wait3A_230 : memref<1x125xi32, #tpu.memory_space<vmem>> -> memref<125xi32, #tpu.memory_space<vmem>>
      %dma_wait3A_232 = arith.constant 0 : i32
      %dma_wait3A_233 = arith.constant 0 : i32
      %dma_wait3A_234 = tpu.memref_slice %arg2[%dma_wait3A_232, %dma_wait3A_233] : memref<10000x128xf32, #tpu.memory_space<hbm>> -> memref<10000x128xf32, #tpu.memory_space<hbm>>
      tpu.wait_indirect_dma semaphore(%arg12 : memref<!tpu.dma_semaphore, #tpu.memory_space<semaphore_mem>>) src(%dma_wait3A_234 : memref<10000x128xf32, #tpu.memory_space<hbm>>) dst(%arg9 : memref<125x128xf32, #tpu.memory_space<vmem>>)
      %run_scoped3A_235 = arith.constant 0 : i32
      %run_scoped3A_236 = arith.constant 4 : i32
      "tpu.region"() ({
        %run_scoped3A_526 = tpu.sem_alloc : memref<!tpu.dma_semaphore, #tpu.memory_space<semaphore_mem>>
        %dma_start3A_527 = arith.constant 0 : i32
        %dma_start3A_528 = arith.constant 0 : i32
        %dma_start3A_529 = tpu.memref_slice %arg8[%run_scoped3A_235, %dma_start3A_527, %dma_start3A_528] : memref<2x8x125xi32, #tpu.memory_space<vmem>> -> memref<1x8x125xi32, #tpu.memory_space<vmem>>
        %dma_start3A_530 = tpu.memref_squeeze %dma_start3A_529 : memref<1x8x125xi32, #tpu.memory_space<vmem>> -> memref<8x125xi32, #tpu.memory_space<vmem>>
        %dma_start3A_531 = arith.constant 0 : i32
        %dma_start3A_532 = tpu.memref_slice %dma_start3A_530[%run_scoped3A_236, %dma_start3A_531] : memref<8x125xi32, #tpu.memory_space<vmem>> -> memref<1x125xi32, #tpu.memory_space<vmem>>
        %dma_start3A_533 = tpu.memref_squeeze %dma_start3A_532 : memref<1x125xi32, #tpu.memory_space<vmem>> -> memref<125xi32, #tpu.memory_space<vmem>>
        %dma_start3A_534 = arith.constant 0 : i32
        %dma_start3A_535 = arith.constant 0 : i32
        %dma_start3A_536 = tpu.memref_slice %arg11[%dma_start3A_534, %dma_start3A_535] : memref<10000x128xf32, #tpu.memory_space<vmem_shared>> -> memref<10000x128xf32, #tpu.memory_space<vmem_shared>>
        tpu.enqueue_indirect_dma source(%arg9 : memref<125x128xf32, #tpu.memory_space<vmem>>) target(%dma_start3A_536 : memref<10000x128xf32, #tpu.memory_space<vmem_shared>>) offsets(%dma_start3A_533 : memref<125xi32, #tpu.memory_space<vmem>>) semaphore(%run_scoped3A_526 : memref<!tpu.dma_semaphore, #tpu.memory_space<semaphore_mem>>) {add = true}
        %dma_wait3A_537 = arith.constant 0 : i32
        %dma_wait3A_538 = arith.constant 0 : i32
        %dma_wait3A_539 = tpu.memref_slice %arg8[%run_scoped3A_235, %dma_wait3A_537, %dma_wait3A_538] : memref<2x8x125xi32, #tpu.memory_space<vmem>> -> memref<1x8x125xi32, #tpu.memory_space<vmem>>
        %dma_wait3A_540 = tpu.memref_squeeze %dma_wait3A_539 : memref<1x8x125xi32, #tpu.memory_space<vmem>> -> memref<8x125xi32, #tpu.memory_space<vmem>>
        %dma_wait3A_541 = arith.constant 0 : i32
        %dma_wait3A_542 = tpu.memref_slice %dma_wait3A_540[%run_scoped3A_236, %dma_wait3A_541] : memref<8x125xi32, #tpu.memory_space<vmem>> -> memref<1x125xi32, #tpu.memory_space<vmem>>
        %dma_wait3A_543 = tpu.memref_squeeze %dma_wait3A_542 : memref<1x125xi32, #tpu.memory_space<vmem>> -> memref<125xi32, #tpu.memory_space<vmem>>
        %dma_wait3A_544 = arith.constant 0 : i32
        %dma_wait3A_545 = arith.constant 0 : i32
        %dma_wait3A_546 = tpu.memref_slice %arg11[%dma_wait3A_544, %dma_wait3A_545] : memref<10000x128xf32, #tpu.memory_space<vmem_shared>> -> memref<10000x128xf32, #tpu.memory_space<vmem_shared>>
        tpu.wait_indirect_dma semaphore(%run_scoped3A_526 : memref<!tpu.dma_semaphore, #tpu.memory_space<semaphore_mem>>) src(%arg9 : memref<125x128xf32, #tpu.memory_space<vmem>>) dst(%dma_wait3A_546 : memref<10000x128xf32, #tpu.memory_space<vmem_shared>>)
        tpu.yield
      }) : () -> ()
      %dma_start3A_237 = arith.constant 0 : i32
      %dma_start3A_238 = arith.constant 6 : i32
      %dma_start3A_239 = arith.constant 0 : i32
      %dma_start3A_240 = arith.constant 0 : i32
      %dma_start3A_241 = tpu.memref_slice %arg7[%dma_start3A_237, %dma_start3A_239, %dma_start3A_240] : memref<2x8x125xi32, #tpu.memory_space<vmem>> -> memref<1x8x125xi32, #tpu.memory_space<vmem>>
      %dma_start3A_242 = tpu.memref_squeeze %dma_start3A_241 : memref<1x8x125xi32, #tpu.memory_space<vmem>> -> memref<8x125xi32, #tpu.memory_space<vmem>>
      %dma_start3A_243 = arith.constant 0 : i32
      %dma_start3A_244 = tpu.memref_slice %dma_start3A_242[%dma_start3A_238, %dma_start3A_243] : memref<8x125xi32, #tpu.memory_space<vmem>> -> memref<1x125xi32, #tpu.memory_space<vmem>>
      %dma_start3A_245 = tpu.memref_squeeze %dma_start3A_244 : memref<1x125xi32, #tpu.memory_space<vmem>> -> memref<125xi32, #tpu.memory_space<vmem>>
      %dma_start3A_246 = arith.constant 0 : i32
      %dma_start3A_247 = arith.constant 0 : i32
      %dma_start3A_248 = tpu.memref_slice %arg2[%dma_start3A_246, %dma_start3A_247] : memref<10000x128xf32, #tpu.memory_space<hbm>> -> memref<10000x128xf32, #tpu.memory_space<hbm>>
      tpu.enqueue_indirect_dma source(%dma_start3A_248 : memref<10000x128xf32, #tpu.memory_space<hbm>>) target(%arg9 : memref<125x128xf32, #tpu.memory_space<vmem>>) offsets(%dma_start3A_245 : memref<125xi32, #tpu.memory_space<vmem>>) semaphore(%arg12 : memref<!tpu.dma_semaphore, #tpu.memory_space<semaphore_mem>>)
      %dma_wait3A_249 = arith.constant 0 : i32
      %dma_wait3A_250 = arith.constant 5 : i32
      %dma_wait3A_251 = arith.constant 0 : i32
      %dma_wait3A_252 = arith.constant 0 : i32
      %dma_wait3A_253 = tpu.memref_slice %arg7[%dma_wait3A_249, %dma_wait3A_251, %dma_wait3A_252] : memref<2x8x125xi32, #tpu.memory_space<vmem>> -> memref<1x8x125xi32, #tpu.memory_space<vmem>>
      %dma_wait3A_254 = tpu.memref_squeeze %dma_wait3A_253 : memref<1x8x125xi32, #tpu.memory_space<vmem>> -> memref<8x125xi32, #tpu.memory_space<vmem>>
      %dma_wait3A_255 = arith.constant 0 : i32
      %dma_wait3A_256 = tpu.memref_slice %dma_wait3A_254[%dma_wait3A_250, %dma_wait3A_255] : memref<8x125xi32, #tpu.memory_space<vmem>> -> memref<1x125xi32, #tpu.memory_space<vmem>>
      %dma_wait3A_257 = tpu.memref_squeeze %dma_wait3A_256 : memref<1x125xi32, #tpu.memory_space<vmem>> -> memref<125xi32, #tpu.memory_space<vmem>>
      %dma_wait3A_258 = arith.constant 0 : i32
      %dma_wait3A_259 = arith.constant 0 : i32
      %dma_wait3A_260 = tpu.memref_slice %arg2[%dma_wait3A_258, %dma_wait3A_259] : memref<10000x128xf32, #tpu.memory_space<hbm>> -> memref<10000x128xf32, #tpu.memory_space<hbm>>
      tpu.wait_indirect_dma semaphore(%arg13 : memref<!tpu.dma_semaphore, #tpu.memory_space<semaphore_mem>>) src(%dma_wait3A_260 : memref<10000x128xf32, #tpu.memory_space<hbm>>) dst(%arg10 : memref<125x128xf32, #tpu.memory_space<vmem>>)
      %run_scoped3A_261 = arith.constant 0 : i32
      %run_scoped3A_262 = arith.constant 5 : i32
      "tpu.region"() ({
        %run_scoped3A_526 = tpu.sem_alloc : memref<!tpu.dma_semaphore, #tpu.memory_space<semaphore_mem>>
        %dma_start3A_527 = arith.constant 0 : i32
        %dma_start3A_528 = arith.constant 0 : i32
        %dma_start3A_529 = tpu.memref_slice %arg8[%run_scoped3A_261, %dma_start3A_527, %dma_start3A_528] : memref<2x8x125xi32, #tpu.memory_space<vmem>> -> memref<1x8x125xi32, #tpu.memory_space<vmem>>
        %dma_start3A_530 = tpu.memref_squeeze %dma_start3A_529 : memref<1x8x125xi32, #tpu.memory_space<vmem>> -> memref<8x125xi32, #tpu.memory_space<vmem>>
        %dma_start3A_531 = arith.constant 0 : i32
        %dma_start3A_532 = tpu.memref_slice %dma_start3A_530[%run_scoped3A_262, %dma_start3A_531] : memref<8x125xi32, #tpu.memory_space<vmem>> -> memref<1x125xi32, #tpu.memory_space<vmem>>
        %dma_start3A_533 = tpu.memref_squeeze %dma_start3A_532 : memref<1x125xi32, #tpu.memory_space<vmem>> -> memref<125xi32, #tpu.memory_space<vmem>>
        %dma_start3A_534 = arith.constant 0 : i32
        %dma_start3A_535 = arith.constant 0 : i32
        %dma_start3A_536 = tpu.memref_slice %arg11[%dma_start3A_534, %dma_start3A_535] : memref<10000x128xf32, #tpu.memory_space<vmem_shared>> -> memref<10000x128xf32, #tpu.memory_space<vmem_shared>>
        tpu.enqueue_indirect_dma source(%arg10 : memref<125x128xf32, #tpu.memory_space<vmem>>) target(%dma_start3A_536 : memref<10000x128xf32, #tpu.memory_space<vmem_shared>>) offsets(%dma_start3A_533 : memref<125xi32, #tpu.memory_space<vmem>>) semaphore(%run_scoped3A_526 : memref<!tpu.dma_semaphore, #tpu.memory_space<semaphore_mem>>) {add = true}
        %dma_wait3A_537 = arith.constant 0 : i32
        %dma_wait3A_538 = arith.constant 0 : i32
        %dma_wait3A_539 = tpu.memref_slice %arg8[%run_scoped3A_261, %dma_wait3A_537, %dma_wait3A_538] : memref<2x8x125xi32, #tpu.memory_space<vmem>> -> memref<1x8x125xi32, #tpu.memory_space<vmem>>
        %dma_wait3A_540 = tpu.memref_squeeze %dma_wait3A_539 : memref<1x8x125xi32, #tpu.memory_space<vmem>> -> memref<8x125xi32, #tpu.memory_space<vmem>>
        %dma_wait3A_541 = arith.constant 0 : i32
        %dma_wait3A_542 = tpu.memref_slice %dma_wait3A_540[%run_scoped3A_262, %dma_wait3A_541] : memref<8x125xi32, #tpu.memory_space<vmem>> -> memref<1x125xi32, #tpu.memory_space<vmem>>
        %dma_wait3A_543 = tpu.memref_squeeze %dma_wait3A_542 : memref<1x125xi32, #tpu.memory_space<vmem>> -> memref<125xi32, #tpu.memory_space<vmem>>
        %dma_wait3A_544 = arith.constant 0 : i32
        %dma_wait3A_545 = arith.constant 0 : i32
        %dma_wait3A_546 = tpu.memref_slice %arg11[%dma_wait3A_544, %dma_wait3A_545] : memref<10000x128xf32, #tpu.memory_space<vmem_shared>> -> memref<10000x128xf32, #tpu.memory_space<vmem_shared>>
        tpu.wait_indirect_dma semaphore(%run_scoped3A_526 : memref<!tpu.dma_semaphore, #tpu.memory_space<semaphore_mem>>) src(%arg10 : memref<125x128xf32, #tpu.memory_space<vmem>>) dst(%dma_wait3A_546 : memref<10000x128xf32, #tpu.memory_space<vmem_shared>>)
        tpu.yield
      }) : () -> ()
      %dma_start3A_263 = arith.constant 0 : i32
      %dma_start3A_264 = arith.constant 7 : i32
      %dma_start3A_265 = arith.constant 0 : i32
      %dma_start3A_266 = arith.constant 0 : i32
      %dma_start3A_267 = tpu.memref_slice %arg7[%dma_start3A_263, %dma_start3A_265, %dma_start3A_266] : memref<2x8x125xi32, #tpu.memory_space<vmem>> -> memref<1x8x125xi32, #tpu.memory_space<vmem>>
      %dma_start3A_268 = tpu.memref_squeeze %dma_start3A_267 : memref<1x8x125xi32, #tpu.memory_space<vmem>> -> memref<8x125xi32, #tpu.memory_space<vmem>>
      %dma_start3A_269 = arith.constant 0 : i32
      %dma_start3A_270 = tpu.memref_slice %dma_start3A_268[%dma_start3A_264, %dma_start3A_269] : memref<8x125xi32, #tpu.memory_space<vmem>> -> memref<1x125xi32, #tpu.memory_space<vmem>>
      %dma_start3A_271 = tpu.memref_squeeze %dma_start3A_270 : memref<1x125xi32, #tpu.memory_space<vmem>> -> memref<125xi32, #tpu.memory_space<vmem>>
      %dma_start3A_272 = arith.constant 0 : i32
      %dma_start3A_273 = arith.constant 0 : i32
      %dma_start3A_274 = tpu.memref_slice %arg2[%dma_start3A_272, %dma_start3A_273] : memref<10000x128xf32, #tpu.memory_space<hbm>> -> memref<10000x128xf32, #tpu.memory_space<hbm>>
      tpu.enqueue_indirect_dma source(%dma_start3A_274 : memref<10000x128xf32, #tpu.memory_space<hbm>>) target(%arg10 : memref<125x128xf32, #tpu.memory_space<vmem>>) offsets(%dma_start3A_271 : memref<125xi32, #tpu.memory_space<vmem>>) semaphore(%arg13 : memref<!tpu.dma_semaphore, #tpu.memory_space<semaphore_mem>>)
      %dma_wait3A_275 = arith.constant 0 : i32
      %dma_wait3A_276 = arith.constant 6 : i32
      %dma_wait3A_277 = arith.constant 0 : i32
      %dma_wait3A_278 = arith.constant 0 : i32
      %dma_wait3A_279 = tpu.memref_slice %arg7[%dma_wait3A_275, %dma_wait3A_277, %dma_wait3A_278] : memref<2x8x125xi32, #tpu.memory_space<vmem>> -> memref<1x8x125xi32, #tpu.memory_space<vmem>>
      %dma_wait3A_280 = tpu.memref_squeeze %dma_wait3A_279 : memref<1x8x125xi32, #tpu.memory_space<vmem>> -> memref<8x125xi32, #tpu.memory_space<vmem>>
      %dma_wait3A_281 = arith.constant 0 : i32
      %dma_wait3A_282 = tpu.memref_slice %dma_wait3A_280[%dma_wait3A_276, %dma_wait3A_281] : memref<8x125xi32, #tpu.memory_space<vmem>> -> memref<1x125xi32, #tpu.memory_space<vmem>>
      %dma_wait3A_283 = tpu.memref_squeeze %dma_wait3A_282 : memref<1x125xi32, #tpu.memory_space<vmem>> -> memref<125xi32, #tpu.memory_space<vmem>>
      %dma_wait3A_284 = arith.constant 0 : i32
      %dma_wait3A_285 = arith.constant 0 : i32
      %dma_wait3A_286 = tpu.memref_slice %arg2[%dma_wait3A_284, %dma_wait3A_285] : memref<10000x128xf32, #tpu.memory_space<hbm>> -> memref<10000x128xf32, #tpu.memory_space<hbm>>
      tpu.wait_indirect_dma semaphore(%arg12 : memref<!tpu.dma_semaphore, #tpu.memory_space<semaphore_mem>>) src(%dma_wait3A_286 : memref<10000x128xf32, #tpu.memory_space<hbm>>) dst(%arg9 : memref<125x128xf32, #tpu.memory_space<vmem>>)
      %run_scoped3A_287 = arith.constant 0 : i32
      %run_scoped3A_288 = arith.constant 6 : i32
      "tpu.region"() ({
        %run_scoped3A_526 = tpu.sem_alloc : memref<!tpu.dma_semaphore, #tpu.memory_space<semaphore_mem>>
        %dma_start3A_527 = arith.constant 0 : i32
        %dma_start3A_528 = arith.constant 0 : i32
        %dma_start3A_529 = tpu.memref_slice %arg8[%run_scoped3A_287, %dma_start3A_527, %dma_start3A_528] : memref<2x8x125xi32, #tpu.memory_space<vmem>> -> memref<1x8x125xi32, #tpu.memory_space<vmem>>
        %dma_start3A_530 = tpu.memref_squeeze %dma_start3A_529 : memref<1x8x125xi32, #tpu.memory_space<vmem>> -> memref<8x125xi32, #tpu.memory_space<vmem>>
        %dma_start3A_531 = arith.constant 0 : i32
        %dma_start3A_532 = tpu.memref_slice %dma_start3A_530[%run_scoped3A_288, %dma_start3A_531] : memref<8x125xi32, #tpu.memory_space<vmem>> -> memref<1x125xi32, #tpu.memory_space<vmem>>
        %dma_start3A_533 = tpu.memref_squeeze %dma_start3A_532 : memref<1x125xi32, #tpu.memory_space<vmem>> -> memref<125xi32, #tpu.memory_space<vmem>>
        %dma_start3A_534 = arith.constant 0 : i32
        %dma_start3A_535 = arith.constant 0 : i32
        %dma_start3A_536 = tpu.memref_slice %arg11[%dma_start3A_534, %dma_start3A_535] : memref<10000x128xf32, #tpu.memory_space<vmem_shared>> -> memref<10000x128xf32, #tpu.memory_space<vmem_shared>>
        tpu.enqueue_indirect_dma source(%arg9 : memref<125x128xf32, #tpu.memory_space<vmem>>) target(%dma_start3A_536 : memref<10000x128xf32, #tpu.memory_space<vmem_shared>>) offsets(%dma_start3A_533 : memref<125xi32, #tpu.memory_space<vmem>>) semaphore(%run_scoped3A_526 : memref<!tpu.dma_semaphore, #tpu.memory_space<semaphore_mem>>) {add = true}
        %dma_wait3A_537 = arith.constant 0 : i32
        %dma_wait3A_538 = arith.constant 0 : i32
        %dma_wait3A_539 = tpu.memref_slice %arg8[%run_scoped3A_287, %dma_wait3A_537, %dma_wait3A_538] : memref<2x8x125xi32, #tpu.memory_space<vmem>> -> memref<1x8x125xi32, #tpu.memory_space<vmem>>
        %dma_wait3A_540 = tpu.memref_squeeze %dma_wait3A_539 : memref<1x8x125xi32, #tpu.memory_space<vmem>> -> memref<8x125xi32, #tpu.memory_space<vmem>>
        %dma_wait3A_541 = arith.constant 0 : i32
        %dma_wait3A_542 = tpu.memref_slice %dma_wait3A_540[%run_scoped3A_288, %dma_wait3A_541] : memref<8x125xi32, #tpu.memory_space<vmem>> -> memref<1x125xi32, #tpu.memory_space<vmem>>
        %dma_wait3A_543 = tpu.memref_squeeze %dma_wait3A_542 : memref<1x125xi32, #tpu.memory_space<vmem>> -> memref<125xi32, #tpu.memory_space<vmem>>
        %dma_wait3A_544 = arith.constant 0 : i32
        %dma_wait3A_545 = arith.constant 0 : i32
        %dma_wait3A_546 = tpu.memref_slice %arg11[%dma_wait3A_544, %dma_wait3A_545] : memref<10000x128xf32, #tpu.memory_space<vmem_shared>> -> memref<10000x128xf32, #tpu.memory_space<vmem_shared>>
        tpu.wait_indirect_dma semaphore(%run_scoped3A_526 : memref<!tpu.dma_semaphore, #tpu.memory_space<semaphore_mem>>) src(%arg9 : memref<125x128xf32, #tpu.memory_space<vmem>>) dst(%dma_wait3A_546 : memref<10000x128xf32, #tpu.memory_space<vmem_shared>>)
        tpu.yield
      }) : () -> ()
      %add3A_289 = arith.constant 1 : i32
      %add3A_290 = arith.addi %mul3A_113, %add3A_289 : i32
      %lt3A_291 = arith.constant 10 : i32
      %lt3A_292 = arith.cmpi slt, %add3A_290, %lt3A_291 : i32
      %convert_element_type3A_293 = arith.extui %lt3A_292 : i1 to i32
      %cond3A_294 = arith.constant 0 : i32
      %cond3A_295 = arith.cmpi ne, %convert_element_type3A_293, %cond3A_294 : i32
      scf.if %cond3A_295 {
        %add3A_526 = arith.constant 1 : i32
        %add3A_527 = arith.addi %mul3A_113, %add3A_526 : i32
        %mul3A_528 = arith.constant 8 : i32
        %mul3A_529 = arith.muli %add3A_527, %mul3A_528 : i32
        %add3A_530 = arith.addi %add3A, %mul3A_529 : i32
        %dma_wait3A_531 = arith.constant 1 : i32
        %dma_wait3A_532 = arith.constant 0 : i32
        %dma_wait3A_533 = arith.constant 0 : i32
        %dma_wait3A_534 = tpu.memref_slice %arg7[%dma_wait3A_531, %dma_wait3A_532, %dma_wait3A_533] : memref<2x8x125xi32, #tpu.memory_space<vmem>> -> memref<1x8x125xi32, #tpu.memory_space<vmem>>
        %dma_wait3A_535 = tpu.memref_squeeze %dma_wait3A_534 : memref<1x8x125xi32, #tpu.memory_space<vmem>> -> memref<8x125xi32, #tpu.memory_space<vmem>>
        %dma_wait3A_536 = arith.constant 0 : i32
        %dma_wait3A_537 = tpu.memref_slice %arg3[%add3A_530, %dma_wait3A_536] : memref<5120x125xi32, #tpu.memory_space<hbm>> -> memref<8x125xi32, #tpu.memory_space<hbm>>
        %dma_wait3A_538 = arith.constant 0 : i32
        %dma_wait3A_539 = arith.constant 0 : i32
        %dma_wait3A_540 = tpu.memref_slice %arg7[%dma_wait3A_531, %dma_wait3A_538, %dma_wait3A_539] : memref<2x8x125xi32, #tpu.memory_space<vmem>> -> memref<1x8x125xi32, #tpu.memory_space<vmem>>
        %dma_wait3A_541 = tpu.memref_squeeze %dma_wait3A_540 : memref<1x8x125xi32, #tpu.memory_space<vmem>> -> memref<8x125xi32, #tpu.memory_space<vmem>>
        %dma_wait3A_542 = arith.constant 0 : i32
        %dma_wait3A_543 = tpu.memref_slice %arg3[%add3A_530, %dma_wait3A_542] : memref<5120x125xi32, #tpu.memory_space<hbm>> -> memref<8x125xi32, #tpu.memory_space<hbm>>
        tpu.wait_dma2 semaphore(%arg15 : memref<!tpu.dma_semaphore, #tpu.memory_space<semaphore_mem>>) src(%dma_wait3A_543 : memref<8x125xi32, #tpu.memory_space<hbm>>) dst(%dma_wait3A_541 : memref<8x125xi32, #tpu.memory_space<vmem>>)
        %mul3A_544 = arith.constant 8 : i32
        %mul3A_545 = arith.muli %add3A_527, %mul3A_544 : i32
        %add3A_546 = arith.addi %add3A_9, %mul3A_545 : i32
        %dma_wait3A_547 = arith.constant 1 : i32
        %dma_wait3A_548 = arith.constant 0 : i32
        %dma_wait3A_549 = arith.constant 0 : i32
        %dma_wait3A_550 = tpu.memref_slice %arg8[%dma_wait3A_547, %dma_wait3A_548, %dma_wait3A_549] : memref<2x8x125xi32, #tpu.memory_space<vmem>> -> memref<1x8x125xi32, #tpu.memory_space<vmem>>
        %dma_wait3A_551 = tpu.memref_squeeze %dma_wait3A_550 : memref<1x8x125xi32, #tpu.memory_space<vmem>> -> memref<8x125xi32, #tpu.memory_space<vmem>>
        %dma_wait3A_552 = arith.constant 0 : i32
        %dma_wait3A_553 = tpu.memref_slice %arg4[%add3A_546, %dma_wait3A_552] : memref<2560x125xi32, #tpu.memory_space<hbm>> -> memref<8x125xi32, #tpu.memory_space<hbm>>
        %dma_wait3A_554 = arith.constant 0 : i32
        %dma_wait3A_555 = arith.constant 0 : i32
        %dma_wait3A_556 = tpu.memref_slice %arg8[%dma_wait3A_547, %dma_wait3A_554, %dma_wait3A_555] : memref<2x8x125xi32, #tpu.memory_space<vmem>> -> memref<1x8x125xi32, #tpu.memory_space<vmem>>
        %dma_wait3A_557 = tpu.memref_squeeze %dma_wait3A_556 : memref<1x8x125xi32, #tpu.memory_space<vmem>> -> memref<8x125xi32, #tpu.memory_space<vmem>>
        %dma_wait3A_558 = arith.constant 0 : i32
        %dma_wait3A_559 = tpu.memref_slice %arg4[%add3A_546, %dma_wait3A_558] : memref<2560x125xi32, #tpu.memory_space<hbm>> -> memref<8x125xi32, #tpu.memory_space<hbm>>
        tpu.wait_dma2 semaphore(%arg15 : memref<!tpu.dma_semaphore, #tpu.memory_space<semaphore_mem>>) src(%dma_wait3A_559 : memref<8x125xi32, #tpu.memory_space<hbm>>) dst(%dma_wait3A_557 : memref<8x125xi32, #tpu.memory_space<vmem>>)
        %dma_start3A_560 = arith.constant 1 : i32
        %dma_start3A_561 = arith.constant 0 : i32
        %dma_start3A_562 = arith.constant 0 : i32
        %dma_start3A_563 = arith.constant 0 : i32
        %dma_start3A_564 = tpu.memref_slice %arg7[%dma_start3A_560, %dma_start3A_562, %dma_start3A_563] : memref<2x8x125xi32, #tpu.memory_space<vmem>> -> memref<1x8x125xi32, #tpu.memory_space<vmem>>
        %dma_start3A_565 = tpu.memref_squeeze %dma_start3A_564 : memref<1x8x125xi32, #tpu.memory_space<vmem>> -> memref<8x125xi32, #tpu.memory_space<vmem>>
        %dma_start3A_566 = arith.constant 0 : i32
        %dma_start3A_567 = tpu.memref_slice %dma_start3A_565[%dma_start3A_561, %dma_start3A_566] : memref<8x125xi32, #tpu.memory_space<vmem>> -> memref<1x125xi32, #tpu.memory_space<vmem>>
        %dma_start3A_568 = tpu.memref_squeeze %dma_start3A_567 : memref<1x125xi32, #tpu.memory_space<vmem>> -> memref<125xi32, #tpu.memory_space<vmem>>
        %dma_start3A_569 = arith.constant 0 : i32
        %dma_start3A_570 = arith.constant 0 : i32
        %dma_start3A_571 = tpu.memref_slice %arg2[%dma_start3A_569, %dma_start3A_570] : memref<10000x128xf32, #tpu.memory_space<hbm>> -> memref<10000x128xf32, #tpu.memory_space<hbm>>
        tpu.enqueue_indirect_dma source(%dma_start3A_571 : memref<10000x128xf32, #tpu.memory_space<hbm>>) target(%arg9 : memref<125x128xf32, #tpu.memory_space<vmem>>) offsets(%dma_start3A_568 : memref<125xi32, #tpu.memory_space<vmem>>) semaphore(%arg12 : memref<!tpu.dma_semaphore, #tpu.memory_space<semaphore_mem>>)
      } else {
      }
      %dma_wait3A_296 = arith.constant 0 : i32
      %dma_wait3A_297 = arith.constant 7 : i32
      %dma_wait3A_298 = arith.constant 0 : i32
      %dma_wait3A_299 = arith.constant 0 : i32
      %dma_wait3A_300 = tpu.memref_slice %arg7[%dma_wait3A_296, %dma_wait3A_298, %dma_wait3A_299] : memref<2x8x125xi32, #tpu.memory_space<vmem>> -> memref<1x8x125xi32, #tpu.memory_space<vmem>>
      %dma_wait3A_301 = tpu.memref_squeeze %dma_wait3A_300 : memref<1x8x125xi32, #tpu.memory_space<vmem>> -> memref<8x125xi32, #tpu.memory_space<vmem>>
      %dma_wait3A_302 = arith.constant 0 : i32
      %dma_wait3A_303 = tpu.memref_slice %dma_wait3A_301[%dma_wait3A_297, %dma_wait3A_302] : memref<8x125xi32, #tpu.memory_space<vmem>> -> memref<1x125xi32, #tpu.memory_space<vmem>>
      %dma_wait3A_304 = tpu.memref_squeeze %dma_wait3A_303 : memref<1x125xi32, #tpu.memory_space<vmem>> -> memref<125xi32, #tpu.memory_space<vmem>>
      %dma_wait3A_305 = arith.constant 0 : i32
      %dma_wait3A_306 = arith.constant 0 : i32
      %dma_wait3A_307 = tpu.memref_slice %arg2[%dma_wait3A_305, %dma_wait3A_306] : memref<10000x128xf32, #tpu.memory_space<hbm>> -> memref<10000x128xf32, #tpu.memory_space<hbm>>
      tpu.wait_indirect_dma semaphore(%arg13 : memref<!tpu.dma_semaphore, #tpu.memory_space<semaphore_mem>>) src(%dma_wait3A_307 : memref<10000x128xf32, #tpu.memory_space<hbm>>) dst(%arg10 : memref<125x128xf32, #tpu.memory_space<vmem>>)
      %run_scoped3A_308 = arith.constant 0 : i32
      %run_scoped3A_309 = arith.constant 7 : i32
      "tpu.region"() ({
        %run_scoped3A_526 = tpu.sem_alloc : memref<!tpu.dma_semaphore, #tpu.memory_space<semaphore_mem>>
        %dma_start3A_527 = arith.constant 0 : i32
        %dma_start3A_528 = arith.constant 0 : i32
        %dma_start3A_529 = tpu.memref_slice %arg8[%run_scoped3A_308, %dma_start3A_527, %dma_start3A_528] : memref<2x8x125xi32, #tpu.memory_space<vmem>> -> memref<1x8x125xi32, #tpu.memory_space<vmem>>
        %dma_start3A_530 = tpu.memref_squeeze %dma_start3A_529 : memref<1x8x125xi32, #tpu.memory_space<vmem>> -> memref<8x125xi32, #tpu.memory_space<vmem>>
        %dma_start3A_531 = arith.constant 0 : i32
        %dma_start3A_532 = tpu.memref_slice %dma_start3A_530[%run_scoped3A_309, %dma_start3A_531] : memref<8x125xi32, #tpu.memory_space<vmem>> -> memref<1x125xi32, #tpu.memory_space<vmem>>
        %dma_start3A_533 = tpu.memref_squeeze %dma_start3A_532 : memref<1x125xi32, #tpu.memory_space<vmem>> -> memref<125xi32, #tpu.memory_space<vmem>>
        %dma_start3A_534 = arith.constant 0 : i32
        %dma_start3A_535 = arith.constant 0 : i32
        %dma_start3A_536 = tpu.memref_slice %arg11[%dma_start3A_534, %dma_start3A_535] : memref<10000x128xf32, #tpu.memory_space<vmem_shared>> -> memref<10000x128xf32, #tpu.memory_space<vmem_shared>>
        tpu.enqueue_indirect_dma source(%arg10 : memref<125x128xf32, #tpu.memory_space<vmem>>) target(%dma_start3A_536 : memref<10000x128xf32, #tpu.memory_space<vmem_shared>>) offsets(%dma_start3A_533 : memref<125xi32, #tpu.memory_space<vmem>>) semaphore(%run_scoped3A_526 : memref<!tpu.dma_semaphore, #tpu.memory_space<semaphore_mem>>) {add = true}
        %dma_wait3A_537 = arith.constant 0 : i32
        %dma_wait3A_538 = arith.constant 0 : i32
        %dma_wait3A_539 = tpu.memref_slice %arg8[%run_scoped3A_308, %dma_wait3A_537, %dma_wait3A_538] : memref<2x8x125xi32, #tpu.memory_space<vmem>> -> memref<1x8x125xi32, #tpu.memory_space<vmem>>
        %dma_wait3A_540 = tpu.memref_squeeze %dma_wait3A_539 : memref<1x8x125xi32, #tpu.memory_space<vmem>> -> memref<8x125xi32, #tpu.memory_space<vmem>>
        %dma_wait3A_541 = arith.constant 0 : i32
        %dma_wait3A_542 = tpu.memref_slice %dma_wait3A_540[%run_scoped3A_309, %dma_wait3A_541] : memref<8x125xi32, #tpu.memory_space<vmem>> -> memref<1x125xi32, #tpu.memory_space<vmem>>
        %dma_wait3A_543 = tpu.memref_squeeze %dma_wait3A_542 : memref<1x125xi32, #tpu.memory_space<vmem>> -> memref<125xi32, #tpu.memory_space<vmem>>
        %dma_wait3A_544 = arith.constant 0 : i32
        %dma_wait3A_545 = arith.constant 0 : i32
        %dma_wait3A_546 = tpu.memref_slice %arg11[%dma_wait3A_544, %dma_wait3A_545] : memref<10000x128xf32, #tpu.memory_space<vmem_shared>> -> memref<10000x128xf32, #tpu.memory_space<vmem_shared>>
        tpu.wait_indirect_dma semaphore(%run_scoped3A_526 : memref<!tpu.dma_semaphore, #tpu.memory_space<semaphore_mem>>) src(%arg10 : memref<125x128xf32, #tpu.memory_space<vmem>>) dst(%dma_wait3A_546 : memref<10000x128xf32, #tpu.memory_space<vmem_shared>>)
        tpu.yield
      }) : () -> ()
      %add3A_310 = arith.constant 1 : i32
      %add3A_311 = arith.addi %mul3A_113, %add3A_310 : i32
      %lt3A_312 = arith.constant 10 : i32
      %lt3A_313 = arith.cmpi slt, %add3A_311, %lt3A_312 : i32
      %convert_element_type3A_314 = arith.extui %lt3A_313 : i1 to i32
      %cond3A_315 = arith.constant 0 : i32
      %cond3A_316 = arith.cmpi ne, %convert_element_type3A_314, %cond3A_315 : i32
      scf.if %cond3A_316 {
        %dma_start3A_526 = arith.constant 1 : i32
        %dma_start3A_527 = arith.constant 1 : i32
        %dma_start3A_528 = arith.constant 0 : i32
        %dma_start3A_529 = arith.constant 0 : i32
        %dma_start3A_530 = tpu.memref_slice %arg7[%dma_start3A_526, %dma_start3A_528, %dma_start3A_529] : memref<2x8x125xi32, #tpu.memory_space<vmem>> -> memref<1x8x125xi32, #tpu.memory_space<vmem>>
        %dma_start3A_531 = tpu.memref_squeeze %dma_start3A_530 : memref<1x8x125xi32, #tpu.memory_space<vmem>> -> memref<8x125xi32, #tpu.memory_space<vmem>>
        %dma_start3A_532 = arith.constant 0 : i32
        %dma_start3A_533 = tpu.memref_slice %dma_start3A_531[%dma_start3A_527, %dma_start3A_532] : memref<8x125xi32, #tpu.memory_space<vmem>> -> memref<1x125xi32, #tpu.memory_space<vmem>>
        %dma_start3A_534 = tpu.memref_squeeze %dma_start3A_533 : memref<1x125xi32, #tpu.memory_space<vmem>> -> memref<125xi32, #tpu.memory_space<vmem>>
        %dma_start3A_535 = arith.constant 0 : i32
        %dma_start3A_536 = arith.constant 0 : i32
        %dma_start3A_537 = tpu.memref_slice %arg2[%dma_start3A_535, %dma_start3A_536] : memref<10000x128xf32, #tpu.memory_space<hbm>> -> memref<10000x128xf32, #tpu.memory_space<hbm>>
        tpu.enqueue_indirect_dma source(%dma_start3A_537 : memref<10000x128xf32, #tpu.memory_space<hbm>>) target(%arg10 : memref<125x128xf32, #tpu.memory_space<vmem>>) offsets(%dma_start3A_534 : memref<125xi32, #tpu.memory_space<vmem>>) semaphore(%arg13 : memref<!tpu.dma_semaphore, #tpu.memory_space<semaphore_mem>>)
      } else {
      }
      %mul3A_317 = arith.constant 2 : i32
      %mul3A_318 = arith.muli %mul3A_317, %add3A_111 : i32
      %add3A_319 = arith.constant 1 : i32
      %add3A_320 = arith.addi %mul3A_318, %add3A_319 : i32
      %add3A_321 = arith.constant 1 : i32
      %add3A_322 = arith.addi %add3A_320, %add3A_321 : i32
      %lt3A_323 = arith.constant 10 : i32
      %lt3A_324 = arith.cmpi slt, %add3A_322, %lt3A_323 : i32
      %convert_element_type3A_325 = arith.extui %lt3A_324 : i1 to i32
      %cond3A_326 = arith.constant 0 : i32
      %cond3A_327 = arith.cmpi ne, %convert_element_type3A_325, %cond3A_326 : i32
      scf.if %cond3A_327 {
        %add3A_526 = arith.constant 1 : i32
        %add3A_527 = arith.addi %add3A_320, %add3A_526 : i32
        %mul3A_528 = arith.constant 8 : i32
        %mul3A_529 = arith.muli %add3A_527, %mul3A_528 : i32
        %add3A_530 = arith.addi %add3A, %mul3A_529 : i32
        %dma_start3A_531 = arith.constant 0 : i32
        %dma_start3A_532 = arith.constant 0 : i32
        %dma_start3A_533 = arith.constant 0 : i32
        %dma_start3A_534 = tpu.memref_slice %arg7[%dma_start3A_531, %dma_start3A_532, %dma_start3A_533] : memref<2x8x125xi32, #tpu.memory_space<vmem>> -> memref<1x8x125xi32, #tpu.memory_space<vmem>>
        %dma_start3A_535 = tpu.memref_squeeze %dma_start3A_534 : memref<1x8x125xi32, #tpu.memory_space<vmem>> -> memref<8x125xi32, #tpu.memory_space<vmem>>
        %dma_start3A_536 = arith.constant 0 : i32
        %dma_start3A_537 = tpu.memref_slice %arg3[%add3A_530, %dma_start3A_536] : memref<5120x125xi32, #tpu.memory_space<hbm>> -> memref<8x125xi32, #tpu.memory_space<hbm>>
        %dma_start3A_538 = arith.constant 0 : i32
        %dma_start3A_539 = arith.constant 0 : i32
        %dma_start3A_540 = tpu.memref_slice %arg7[%dma_start3A_531, %dma_start3A_538, %dma_start3A_539] : memref<2x8x125xi32, #tpu.memory_space<vmem>> -> memref<1x8x125xi32, #tpu.memory_space<vmem>>
        %dma_start3A_541 = tpu.memref_squeeze %dma_start3A_540 : memref<1x8x125xi32, #tpu.memory_space<vmem>> -> memref<8x125xi32, #tpu.memory_space<vmem>>
        %dma_start3A_542 = arith.constant 0 : i32
        %dma_start3A_543 = tpu.memref_slice %arg3[%add3A_530, %dma_start3A_542] : memref<5120x125xi32, #tpu.memory_space<hbm>> -> memref<8x125xi32, #tpu.memory_space<hbm>>
        tpu.enqueue_dma source(%dma_start3A_543 : memref<8x125xi32, #tpu.memory_space<hbm>>) target(%dma_start3A_541 : memref<8x125xi32, #tpu.memory_space<vmem>>) target_semaphore(%arg14 : memref<!tpu.dma_semaphore, #tpu.memory_space<semaphore_mem>>)
        %mul3A_544 = arith.constant 8 : i32
        %mul3A_545 = arith.muli %add3A_527, %mul3A_544 : i32
        %add3A_546 = arith.addi %add3A_9, %mul3A_545 : i32
        %dma_start3A_547 = arith.constant 0 : i32
        %dma_start3A_548 = arith.constant 0 : i32
        %dma_start3A_549 = arith.constant 0 : i32
        %dma_start3A_550 = tpu.memref_slice %arg8[%dma_start3A_547, %dma_start3A_548, %dma_start3A_549] : memref<2x8x125xi32, #tpu.memory_space<vmem>> -> memref<1x8x125xi32, #tpu.memory_space<vmem>>
        %dma_start3A_551 = tpu.memref_squeeze %dma_start3A_550 : memref<1x8x125xi32, #tpu.memory_space<vmem>> -> memref<8x125xi32, #tpu.memory_space<vmem>>
        %dma_start3A_552 = arith.constant 0 : i32
        %dma_start3A_553 = tpu.memref_slice %arg4[%add3A_546, %dma_start3A_552] : memref<2560x125xi32, #tpu.memory_space<hbm>> -> memref<8x125xi32, #tpu.memory_space<hbm>>
        %dma_start3A_554 = arith.constant 0 : i32
        %dma_start3A_555 = arith.constant 0 : i32
        %dma_start3A_556 = tpu.memref_slice %arg8[%dma_start3A_547, %dma_start3A_554, %dma_start3A_555] : memref<2x8x125xi32, #tpu.memory_space<vmem>> -> memref<1x8x125xi32, #tpu.memory_space<vmem>>
        %dma_start3A_557 = tpu.memref_squeeze %dma_start3A_556 : memref<1x8x125xi32, #tpu.memory_space<vmem>> -> memref<8x125xi32, #tpu.memory_space<vmem>>
        %dma_start3A_558 = arith.constant 0 : i32
        %dma_start3A_559 = tpu.memref_slice %arg4[%add3A_546, %dma_start3A_558] : memref<2560x125xi32, #tpu.memory_space<hbm>> -> memref<8x125xi32, #tpu.memory_space<hbm>>
        tpu.enqueue_dma source(%dma_start3A_559 : memref<8x125xi32, #tpu.memory_space<hbm>>) target(%dma_start3A_557 : memref<8x125xi32, #tpu.memory_space<vmem>>) target_semaphore(%arg14 : memref<!tpu.dma_semaphore, #tpu.memory_space<semaphore_mem>>)
      } else {
      }
      %dma_wait3A_328 = arith.constant 1 : i32
      %dma_wait3A_329 = arith.constant 0 : i32
      %dma_wait3A_330 = arith.constant 0 : i32
      %dma_wait3A_331 = arith.constant 0 : i32
      %dma_wait3A_332 = tpu.memref_slice %arg7[%dma_wait3A_328, %dma_wait3A_330, %dma_wait3A_331] : memref<2x8x125xi32, #tpu.memory_space<vmem>> -> memref<1x8x125xi32, #tpu.memory_space<vmem>>
      %dma_wait3A_333 = tpu.memref_squeeze %dma_wait3A_332 : memref<1x8x125xi32, #tpu.memory_space<vmem>> -> memref<8x125xi32, #tpu.memory_space<vmem>>
      %dma_wait3A_334 = arith.constant 0 : i32
      %dma_wait3A_335 = tpu.memref_slice %dma_wait3A_333[%dma_wait3A_329, %dma_wait3A_334] : memref<8x125xi32, #tpu.memory_space<vmem>> -> memref<1x125xi32, #tpu.memory_space<vmem>>
      %dma_wait3A_336 = tpu.memref_squeeze %dma_wait3A_335 : memref<1x125xi32, #tpu.memory_space<vmem>> -> memref<125xi32, #tpu.memory_space<vmem>>
      %dma_wait3A_337 = arith.constant 0 : i32
      %dma_wait3A_338 = arith.constant 0 : i32
      %dma_wait3A_339 = tpu.memref_slice %arg2[%dma_wait3A_337, %dma_wait3A_338] : memref<10000x128xf32, #tpu.memory_space<hbm>> -> memref<10000x128xf32, #tpu.memory_space<hbm>>
      tpu.wait_indirect_dma semaphore(%arg12 : memref<!tpu.dma_semaphore, #tpu.memory_space<semaphore_mem>>) src(%dma_wait3A_339 : memref<10000x128xf32, #tpu.memory_space<hbm>>) dst(%arg9 : memref<125x128xf32, #tpu.memory_space<vmem>>)
      %run_scoped3A_340 = arith.constant 1 : i32
      %run_scoped3A_341 = arith.constant 0 : i32
      "tpu.region"() ({
        %run_scoped3A_526 = tpu.sem_alloc : memref<!tpu.dma_semaphore, #tpu.memory_space<semaphore_mem>>
        %dma_start3A_527 = arith.constant 0 : i32
        %dma_start3A_528 = arith.constant 0 : i32
        %dma_start3A_529 = tpu.memref_slice %arg8[%run_scoped3A_340, %dma_start3A_527, %dma_start3A_528] : memref<2x8x125xi32, #tpu.memory_space<vmem>> -> memref<1x8x125xi32, #tpu.memory_space<vmem>>
        %dma_start3A_530 = tpu.memref_squeeze %dma_start3A_529 : memref<1x8x125xi32, #tpu.memory_space<vmem>> -> memref<8x125xi32, #tpu.memory_space<vmem>>
        %dma_start3A_531 = arith.constant 0 : i32
        %dma_start3A_532 = tpu.memref_slice %dma_start3A_530[%run_scoped3A_341, %dma_start3A_531] : memref<8x125xi32, #tpu.memory_space<vmem>> -> memref<1x125xi32, #tpu.memory_space<vmem>>
        %dma_start3A_533 = tpu.memref_squeeze %dma_start3A_532 : memref<1x125xi32, #tpu.memory_space<vmem>> -> memref<125xi32, #tpu.memory_space<vmem>>
        %dma_start3A_534 = arith.constant 0 : i32
        %dma_start3A_535 = arith.constant 0 : i32
        %dma_start3A_536 = tpu.memref_slice %arg11[%dma_start3A_534, %dma_start3A_535] : memref<10000x128xf32, #tpu.memory_space<vmem_shared>> -> memref<10000x128xf32, #tpu.memory_space<vmem_shared>>
        tpu.enqueue_indirect_dma source(%arg9 : memref<125x128xf32, #tpu.memory_space<vmem>>) target(%dma_start3A_536 : memref<10000x128xf32, #tpu.memory_space<vmem_shared>>) offsets(%dma_start3A_533 : memref<125xi32, #tpu.memory_space<vmem>>) semaphore(%run_scoped3A_526 : memref<!tpu.dma_semaphore, #tpu.memory_space<semaphore_mem>>) {add = true}
        %dma_wait3A_537 = arith.constant 0 : i32
        %dma_wait3A_538 = arith.constant 0 : i32
        %dma_wait3A_539 = tpu.memref_slice %arg8[%run_scoped3A_340, %dma_wait3A_537, %dma_wait3A_538] : memref<2x8x125xi32, #tpu.memory_space<vmem>> -> memref<1x8x125xi32, #tpu.memory_space<vmem>>
        %dma_wait3A_540 = tpu.memref_squeeze %dma_wait3A_539 : memref<1x8x125xi32, #tpu.memory_space<vmem>> -> memref<8x125xi32, #tpu.memory_space<vmem>>
        %dma_wait3A_541 = arith.constant 0 : i32
        %dma_wait3A_542 = tpu.memref_slice %dma_wait3A_540[%run_scoped3A_341, %dma_wait3A_541] : memref<8x125xi32, #tpu.memory_space<vmem>> -> memref<1x125xi32, #tpu.memory_space<vmem>>
        %dma_wait3A_543 = tpu.memref_squeeze %dma_wait3A_542 : memref<1x125xi32, #tpu.memory_space<vmem>> -> memref<125xi32, #tpu.memory_space<vmem>>
        %dma_wait3A_544 = arith.constant 0 : i32
        %dma_wait3A_545 = arith.constant 0 : i32
        %dma_wait3A_546 = tpu.memref_slice %arg11[%dma_wait3A_544, %dma_wait3A_545] : memref<10000x128xf32, #tpu.memory_space<vmem_shared>> -> memref<10000x128xf32, #tpu.memory_space<vmem_shared>>
        tpu.wait_indirect_dma semaphore(%run_scoped3A_526 : memref<!tpu.dma_semaphore, #tpu.memory_space<semaphore_mem>>) src(%arg9 : memref<125x128xf32, #tpu.memory_space<vmem>>) dst(%dma_wait3A_546 : memref<10000x128xf32, #tpu.memory_space<vmem_shared>>)
        tpu.yield
      }) : () -> ()
      %dma_start3A_342 = arith.constant 1 : i32
      %dma_start3A_343 = arith.constant 2 : i32
      %dma_start3A_344 = arith.constant 0 : i32
      %dma_start3A_345 = arith.constant 0 : i32
      %dma_start3A_346 = tpu.memref_slice %arg7[%dma_start3A_342, %dma_start3A_344, %dma_start3A_345] : memref<2x8x125xi32, #tpu.memory_space<vmem>> -> memref<1x8x125xi32, #tpu.memory_space<vmem>>
      %dma_start3A_347 = tpu.memref_squeeze %dma_start3A_346 : memref<1x8x125xi32, #tpu.memory_space<vmem>> -> memref<8x125xi32, #tpu.memory_space<vmem>>
      %dma_start3A_348 = arith.constant 0 : i32
      %dma_start3A_349 = tpu.memref_slice %dma_start3A_347[%dma_start3A_343, %dma_start3A_348] : memref<8x125xi32, #tpu.memory_space<vmem>> -> memref<1x125xi32, #tpu.memory_space<vmem>>
      %dma_start3A_350 = tpu.memref_squeeze %dma_start3A_349 : memref<1x125xi32, #tpu.memory_space<vmem>> -> memref<125xi32, #tpu.memory_space<vmem>>
      %dma_start3A_351 = arith.constant 0 : i32
      %dma_start3A_352 = arith.constant 0 : i32
      %dma_start3A_353 = tpu.memref_slice %arg2[%dma_start3A_351, %dma_start3A_352] : memref<10000x128xf32, #tpu.memory_space<hbm>> -> memref<10000x128xf32, #tpu.memory_space<hbm>>
      tpu.enqueue_indirect_dma source(%dma_start3A_353 : memref<10000x128xf32, #tpu.memory_space<hbm>>) target(%arg9 : memref<125x128xf32, #tpu.memory_space<vmem>>) offsets(%dma_start3A_350 : memref<125xi32, #tpu.memory_space<vmem>>) semaphore(%arg12 : memref<!tpu.dma_semaphore, #tpu.memory_space<semaphore_mem>>)
      %dma_wait3A_354 = arith.constant 1 : i32
      %dma_wait3A_355 = arith.constant 1 : i32
      %dma_wait3A_356 = arith.constant 0 : i32
      %dma_wait3A_357 = arith.constant 0 : i32
      %dma_wait3A_358 = tpu.memref_slice %arg7[%dma_wait3A_354, %dma_wait3A_356, %dma_wait3A_357] : memref<2x8x125xi32, #tpu.memory_space<vmem>> -> memref<1x8x125xi32, #tpu.memory_space<vmem>>
      %dma_wait3A_359 = tpu.memref_squeeze %dma_wait3A_358 : memref<1x8x125xi32, #tpu.memory_space<vmem>> -> memref<8x125xi32, #tpu.memory_space<vmem>>
      %dma_wait3A_360 = arith.constant 0 : i32
      %dma_wait3A_361 = tpu.memref_slice %dma_wait3A_359[%dma_wait3A_355, %dma_wait3A_360] : memref<8x125xi32, #tpu.memory_space<vmem>> -> memref<1x125xi32, #tpu.memory_space<vmem>>
      %dma_wait3A_362 = tpu.memref_squeeze %dma_wait3A_361 : memref<1x125xi32, #tpu.memory_space<vmem>> -> memref<125xi32, #tpu.memory_space<vmem>>
      %dma_wait3A_363 = arith.constant 0 : i32
      %dma_wait3A_364 = arith.constant 0 : i32
      %dma_wait3A_365 = tpu.memref_slice %arg2[%dma_wait3A_363, %dma_wait3A_364] : memref<10000x128xf32, #tpu.memory_space<hbm>> -> memref<10000x128xf32, #tpu.memory_space<hbm>>
      tpu.wait_indirect_dma semaphore(%arg13 : memref<!tpu.dma_semaphore, #tpu.memory_space<semaphore_mem>>) src(%dma_wait3A_365 : memref<10000x128xf32, #tpu.memory_space<hbm>>) dst(%arg10 : memref<125x128xf32, #tpu.memory_space<vmem>>)
      %run_scoped3A_366 = arith.constant 1 : i32
      %run_scoped3A_367 = arith.constant 1 : i32
      "tpu.region"() ({
        %run_scoped3A_526 = tpu.sem_alloc : memref<!tpu.dma_semaphore, #tpu.memory_space<semaphore_mem>>
        %dma_start3A_527 = arith.constant 0 : i32
        %dma_start3A_528 = arith.constant 0 : i32
        %dma_start3A_529 = tpu.memref_slice %arg8[%run_scoped3A_366, %dma_start3A_527, %dma_start3A_528] : memref<2x8x125xi32, #tpu.memory_space<vmem>> -> memref<1x8x125xi32, #tpu.memory_space<vmem>>
        %dma_start3A_530 = tpu.memref_squeeze %dma_start3A_529 : memref<1x8x125xi32, #tpu.memory_space<vmem>> -> memref<8x125xi32, #tpu.memory_space<vmem>>
        %dma_start3A_531 = arith.constant 0 : i32
        %dma_start3A_532 = tpu.memref_slice %dma_start3A_530[%run_scoped3A_367, %dma_start3A_531] : memref<8x125xi32, #tpu.memory_space<vmem>> -> memref<1x125xi32, #tpu.memory_space<vmem>>
        %dma_start3A_533 = tpu.memref_squeeze %dma_start3A_532 : memref<1x125xi32, #tpu.memory_space<vmem>> -> memref<125xi32, #tpu.memory_space<vmem>>
        %dma_start3A_534 = arith.constant 0 : i32
        %dma_start3A_535 = arith.constant 0 : i32
        %dma_start3A_536 = tpu.memref_slice %arg11[%dma_start3A_534, %dma_start3A_535] : memref<10000x128xf32, #tpu.memory_space<vmem_shared>> -> memref<10000x128xf32, #tpu.memory_space<vmem_shared>>
        tpu.enqueue_indirect_dma source(%arg10 : memref<125x128xf32, #tpu.memory_space<vmem>>) target(%dma_start3A_536 : memref<10000x128xf32, #tpu.memory_space<vmem_shared>>) offsets(%dma_start3A_533 : memref<125xi32, #tpu.memory_space<vmem>>) semaphore(%run_scoped3A_526 : memref<!tpu.dma_semaphore, #tpu.memory_space<semaphore_mem>>) {add = true}
        %dma_wait3A_537 = arith.constant 0 : i32
        %dma_wait3A_538 = arith.constant 0 : i32
        %dma_wait3A_539 = tpu.memref_slice %arg8[%run_scoped3A_366, %dma_wait3A_537, %dma_wait3A_538] : memref<2x8x125xi32, #tpu.memory_space<vmem>> -> memref<1x8x125xi32, #tpu.memory_space<vmem>>
        %dma_wait3A_540 = tpu.memref_squeeze %dma_wait3A_539 : memref<1x8x125xi32, #tpu.memory_space<vmem>> -> memref<8x125xi32, #tpu.memory_space<vmem>>
        %dma_wait3A_541 = arith.constant 0 : i32
        %dma_wait3A_542 = tpu.memref_slice %dma_wait3A_540[%run_scoped3A_367, %dma_wait3A_541] : memref<8x125xi32, #tpu.memory_space<vmem>> -> memref<1x125xi32, #tpu.memory_space<vmem>>
        %dma_wait3A_543 = tpu.memref_squeeze %dma_wait3A_542 : memref<1x125xi32, #tpu.memory_space<vmem>> -> memref<125xi32, #tpu.memory_space<vmem>>
        %dma_wait3A_544 = arith.constant 0 : i32
        %dma_wait3A_545 = arith.constant 0 : i32
        %dma_wait3A_546 = tpu.memref_slice %arg11[%dma_wait3A_544, %dma_wait3A_545] : memref<10000x128xf32, #tpu.memory_space<vmem_shared>> -> memref<10000x128xf32, #tpu.memory_space<vmem_shared>>
        tpu.wait_indirect_dma semaphore(%run_scoped3A_526 : memref<!tpu.dma_semaphore, #tpu.memory_space<semaphore_mem>>) src(%arg10 : memref<125x128xf32, #tpu.memory_space<vmem>>) dst(%dma_wait3A_546 : memref<10000x128xf32, #tpu.memory_space<vmem_shared>>)
        tpu.yield
      }) : () -> ()
      %dma_start3A_368 = arith.constant 1 : i32
      %dma_start3A_369 = arith.constant 3 : i32
      %dma_start3A_370 = arith.constant 0 : i32
      %dma_start3A_371 = arith.constant 0 : i32
      %dma_start3A_372 = tpu.memref_slice %arg7[%dma_start3A_368, %dma_start3A_370, %dma_start3A_371] : memref<2x8x125xi32, #tpu.memory_space<vmem>> -> memref<1x8x125xi32, #tpu.memory_space<vmem>>
      %dma_start3A_373 = tpu.memref_squeeze %dma_start3A_372 : memref<1x8x125xi32, #tpu.memory_space<vmem>> -> memref<8x125xi32, #tpu.memory_space<vmem>>
      %dma_start3A_374 = arith.constant 0 : i32
      %dma_start3A_375 = tpu.memref_slice %dma_start3A_373[%dma_start3A_369, %dma_start3A_374] : memref<8x125xi32, #tpu.memory_space<vmem>> -> memref<1x125xi32, #tpu.memory_space<vmem>>
      %dma_start3A_376 = tpu.memref_squeeze %dma_start3A_375 : memref<1x125xi32, #tpu.memory_space<vmem>> -> memref<125xi32, #tpu.memory_space<vmem>>
      %dma_start3A_377 = arith.constant 0 : i32
      %dma_start3A_378 = arith.constant 0 : i32
      %dma_start3A_379 = tpu.memref_slice %arg2[%dma_start3A_377, %dma_start3A_378] : memref<10000x128xf32, #tpu.memory_space<hbm>> -> memref<10000x128xf32, #tpu.memory_space<hbm>>
      tpu.enqueue_indirect_dma source(%dma_start3A_379 : memref<10000x128xf32, #tpu.memory_space<hbm>>) target(%arg10 : memref<125x128xf32, #tpu.memory_space<vmem>>) offsets(%dma_start3A_376 : memref<125xi32, #tpu.memory_space<vmem>>) semaphore(%arg13 : memref<!tpu.dma_semaphore, #tpu.memory_space<semaphore_mem>>)
      %dma_wait3A_380 = arith.constant 1 : i32
      %dma_wait3A_381 = arith.constant 2 : i32
      %dma_wait3A_382 = arith.constant 0 : i32
      %dma_wait3A_383 = arith.constant 0 : i32
      %dma_wait3A_384 = tpu.memref_slice %arg7[%dma_wait3A_380, %dma_wait3A_382, %dma_wait3A_383] : memref<2x8x125xi32, #tpu.memory_space<vmem>> -> memref<1x8x125xi32, #tpu.memory_space<vmem>>
      %dma_wait3A_385 = tpu.memref_squeeze %dma_wait3A_384 : memref<1x8x125xi32, #tpu.memory_space<vmem>> -> memref<8x125xi32, #tpu.memory_space<vmem>>
      %dma_wait3A_386 = arith.constant 0 : i32
      %dma_wait3A_387 = tpu.memref_slice %dma_wait3A_385[%dma_wait3A_381, %dma_wait3A_386] : memref<8x125xi32, #tpu.memory_space<vmem>> -> memref<1x125xi32, #tpu.memory_space<vmem>>
      %dma_wait3A_388 = tpu.memref_squeeze %dma_wait3A_387 : memref<1x125xi32, #tpu.memory_space<vmem>> -> memref<125xi32, #tpu.memory_space<vmem>>
      %dma_wait3A_389 = arith.constant 0 : i32
      %dma_wait3A_390 = arith.constant 0 : i32
      %dma_wait3A_391 = tpu.memref_slice %arg2[%dma_wait3A_389, %dma_wait3A_390] : memref<10000x128xf32, #tpu.memory_space<hbm>> -> memref<10000x128xf32, #tpu.memory_space<hbm>>
      tpu.wait_indirect_dma semaphore(%arg12 : memref<!tpu.dma_semaphore, #tpu.memory_space<semaphore_mem>>) src(%dma_wait3A_391 : memref<10000x128xf32, #tpu.memory_space<hbm>>) dst(%arg9 : memref<125x128xf32, #tpu.memory_space<vmem>>)
      %run_scoped3A_392 = arith.constant 1 : i32
      %run_scoped3A_393 = arith.constant 2 : i32
      "tpu.region"() ({
        %run_scoped3A_526 = tpu.sem_alloc : memref<!tpu.dma_semaphore, #tpu.memory_space<semaphore_mem>>
        %dma_start3A_527 = arith.constant 0 : i32
        %dma_start3A_528 = arith.constant 0 : i32
        %dma_start3A_529 = tpu.memref_slice %arg8[%run_scoped3A_392, %dma_start3A_527, %dma_start3A_528] : memref<2x8x125xi32, #tpu.memory_space<vmem>> -> memref<1x8x125xi32, #tpu.memory_space<vmem>>
        %dma_start3A_530 = tpu.memref_squeeze %dma_start3A_529 : memref<1x8x125xi32, #tpu.memory_space<vmem>> -> memref<8x125xi32, #tpu.memory_space<vmem>>
        %dma_start3A_531 = arith.constant 0 : i32
        %dma_start3A_532 = tpu.memref_slice %dma_start3A_530[%run_scoped3A_393, %dma_start3A_531] : memref<8x125xi32, #tpu.memory_space<vmem>> -> memref<1x125xi32, #tpu.memory_space<vmem>>
        %dma_start3A_533 = tpu.memref_squeeze %dma_start3A_532 : memref<1x125xi32, #tpu.memory_space<vmem>> -> memref<125xi32, #tpu.memory_space<vmem>>
        %dma_start3A_534 = arith.constant 0 : i32
        %dma_start3A_535 = arith.constant 0 : i32
        %dma_start3A_536 = tpu.memref_slice %arg11[%dma_start3A_534, %dma_start3A_535] : memref<10000x128xf32, #tpu.memory_space<vmem_shared>> -> memref<10000x128xf32, #tpu.memory_space<vmem_shared>>
        tpu.enqueue_indirect_dma source(%arg9 : memref<125x128xf32, #tpu.memory_space<vmem>>) target(%dma_start3A_536 : memref<10000x128xf32, #tpu.memory_space<vmem_shared>>) offsets(%dma_start3A_533 : memref<125xi32, #tpu.memory_space<vmem>>) semaphore(%run_scoped3A_526 : memref<!tpu.dma_semaphore, #tpu.memory_space<semaphore_mem>>) {add = true}
        %dma_wait3A_537 = arith.constant 0 : i32
        %dma_wait3A_538 = arith.constant 0 : i32
        %dma_wait3A_539 = tpu.memref_slice %arg8[%run_scoped3A_392, %dma_wait3A_537, %dma_wait3A_538] : memref<2x8x125xi32, #tpu.memory_space<vmem>> -> memref<1x8x125xi32, #tpu.memory_space<vmem>>
        %dma_wait3A_540 = tpu.memref_squeeze %dma_wait3A_539 : memref<1x8x125xi32, #tpu.memory_space<vmem>> -> memref<8x125xi32, #tpu.memory_space<vmem>>
        %dma_wait3A_541 = arith.constant 0 : i32
        %dma_wait3A_542 = tpu.memref_slice %dma_wait3A_540[%run_scoped3A_393, %dma_wait3A_541] : memref<8x125xi32, #tpu.memory_space<vmem>> -> memref<1x125xi32, #tpu.memory_space<vmem>>
        %dma_wait3A_543 = tpu.memref_squeeze %dma_wait3A_542 : memref<1x125xi32, #tpu.memory_space<vmem>> -> memref<125xi32, #tpu.memory_space<vmem>>
        %dma_wait3A_544 = arith.constant 0 : i32
        %dma_wait3A_545 = arith.constant 0 : i32
        %dma_wait3A_546 = tpu.memref_slice %arg11[%dma_wait3A_544, %dma_wait3A_545] : memref<10000x128xf32, #tpu.memory_space<vmem_shared>> -> memref<10000x128xf32, #tpu.memory_space<vmem_shared>>
        tpu.wait_indirect_dma semaphore(%run_scoped3A_526 : memref<!tpu.dma_semaphore, #tpu.memory_space<semaphore_mem>>) src(%arg9 : memref<125x128xf32, #tpu.memory_space<vmem>>) dst(%dma_wait3A_546 : memref<10000x128xf32, #tpu.memory_space<vmem_shared>>)
        tpu.yield
      }) : () -> ()
      %dma_start3A_394 = arith.constant 1 : i32
      %dma_start3A_395 = arith.constant 4 : i32
      %dma_start3A_396 = arith.constant 0 : i32
      %dma_start3A_397 = arith.constant 0 : i32
      %dma_start3A_398 = tpu.memref_slice %arg7[%dma_start3A_394, %dma_start3A_396, %dma_start3A_397] : memref<2x8x125xi32, #tpu.memory_space<vmem>> -> memref<1x8x125xi32, #tpu.memory_space<vmem>>
      %dma_start3A_399 = tpu.memref_squeeze %dma_start3A_398 : memref<1x8x125xi32, #tpu.memory_space<vmem>> -> memref<8x125xi32, #tpu.memory_space<vmem>>
      %dma_start3A_400 = arith.constant 0 : i32
      %dma_start3A_401 = tpu.memref_slice %dma_start3A_399[%dma_start3A_395, %dma_start3A_400] : memref<8x125xi32, #tpu.memory_space<vmem>> -> memref<1x125xi32, #tpu.memory_space<vmem>>
      %dma_start3A_402 = tpu.memref_squeeze %dma_start3A_401 : memref<1x125xi32, #tpu.memory_space<vmem>> -> memref<125xi32, #tpu.memory_space<vmem>>
      %dma_start3A_403 = arith.constant 0 : i32
      %dma_start3A_404 = arith.constant 0 : i32
      %dma_start3A_405 = tpu.memref_slice %arg2[%dma_start3A_403, %dma_start3A_404] : memref<10000x128xf32, #tpu.memory_space<hbm>> -> memref<10000x128xf32, #tpu.memory_space<hbm>>
      tpu.enqueue_indirect_dma source(%dma_start3A_405 : memref<10000x128xf32, #tpu.memory_space<hbm>>) target(%arg9 : memref<125x128xf32, #tpu.memory_space<vmem>>) offsets(%dma_start3A_402 : memref<125xi32, #tpu.memory_space<vmem>>) semaphore(%arg12 : memref<!tpu.dma_semaphore, #tpu.memory_space<semaphore_mem>>)
      %dma_wait3A_406 = arith.constant 1 : i32
      %dma_wait3A_407 = arith.constant 3 : i32
      %dma_wait3A_408 = arith.constant 0 : i32
      %dma_wait3A_409 = arith.constant 0 : i32
      %dma_wait3A_410 = tpu.memref_slice %arg7[%dma_wait3A_406, %dma_wait3A_408, %dma_wait3A_409] : memref<2x8x125xi32, #tpu.memory_space<vmem>> -> memref<1x8x125xi32, #tpu.memory_space<vmem>>
      %dma_wait3A_411 = tpu.memref_squeeze %dma_wait3A_410 : memref<1x8x125xi32, #tpu.memory_space<vmem>> -> memref<8x125xi32, #tpu.memory_space<vmem>>
      %dma_wait3A_412 = arith.constant 0 : i32
      %dma_wait3A_413 = tpu.memref_slice %dma_wait3A_411[%dma_wait3A_407, %dma_wait3A_412] : memref<8x125xi32, #tpu.memory_space<vmem>> -> memref<1x125xi32, #tpu.memory_space<vmem>>
      %dma_wait3A_414 = tpu.memref_squeeze %dma_wait3A_413 : memref<1x125xi32, #tpu.memory_space<vmem>> -> memref<125xi32, #tpu.memory_space<vmem>>
      %dma_wait3A_415 = arith.constant 0 : i32
      %dma_wait3A_416 = arith.constant 0 : i32
      %dma_wait3A_417 = tpu.memref_slice %arg2[%dma_wait3A_415, %dma_wait3A_416] : memref<10000x128xf32, #tpu.memory_space<hbm>> -> memref<10000x128xf32, #tpu.memory_space<hbm>>
      tpu.wait_indirect_dma semaphore(%arg13 : memref<!tpu.dma_semaphore, #tpu.memory_space<semaphore_mem>>) src(%dma_wait3A_417 : memref<10000x128xf32, #tpu.memory_space<hbm>>) dst(%arg10 : memref<125x128xf32, #tpu.memory_space<vmem>>)
      %run_scoped3A_418 = arith.constant 1 : i32
      %run_scoped3A_419 = arith.constant 3 : i32
      "tpu.region"() ({
        %run_scoped3A_526 = tpu.sem_alloc : memref<!tpu.dma_semaphore, #tpu.memory_space<semaphore_mem>>
        %dma_start3A_527 = arith.constant 0 : i32
        %dma_start3A_528 = arith.constant 0 : i32
        %dma_start3A_529 = tpu.memref_slice %arg8[%run_scoped3A_418, %dma_start3A_527, %dma_start3A_528] : memref<2x8x125xi32, #tpu.memory_space<vmem>> -> memref<1x8x125xi32, #tpu.memory_space<vmem>>
        %dma_start3A_530 = tpu.memref_squeeze %dma_start3A_529 : memref<1x8x125xi32, #tpu.memory_space<vmem>> -> memref<8x125xi32, #tpu.memory_space<vmem>>
        %dma_start3A_531 = arith.constant 0 : i32
        %dma_start3A_532 = tpu.memref_slice %dma_start3A_530[%run_scoped3A_419, %dma_start3A_531] : memref<8x125xi32, #tpu.memory_space<vmem>> -> memref<1x125xi32, #tpu.memory_space<vmem>>
        %dma_start3A_533 = tpu.memref_squeeze %dma_start3A_532 : memref<1x125xi32, #tpu.memory_space<vmem>> -> memref<125xi32, #tpu.memory_space<vmem>>
        %dma_start3A_534 = arith.constant 0 : i32
        %dma_start3A_535 = arith.constant 0 : i32
        %dma_start3A_536 = tpu.memref_slice %arg11[%dma_start3A_534, %dma_start3A_535] : memref<10000x128xf32, #tpu.memory_space<vmem_shared>> -> memref<10000x128xf32, #tpu.memory_space<vmem_shared>>
        tpu.enqueue_indirect_dma source(%arg10 : memref<125x128xf32, #tpu.memory_space<vmem>>) target(%dma_start3A_536 : memref<10000x128xf32, #tpu.memory_space<vmem_shared>>) offsets(%dma_start3A_533 : memref<125xi32, #tpu.memory_space<vmem>>) semaphore(%run_scoped3A_526 : memref<!tpu.dma_semaphore, #tpu.memory_space<semaphore_mem>>) {add = true}
        %dma_wait3A_537 = arith.constant 0 : i32
        %dma_wait3A_538 = arith.constant 0 : i32
        %dma_wait3A_539 = tpu.memref_slice %arg8[%run_scoped3A_418, %dma_wait3A_537, %dma_wait3A_538] : memref<2x8x125xi32, #tpu.memory_space<vmem>> -> memref<1x8x125xi32, #tpu.memory_space<vmem>>
        %dma_wait3A_540 = tpu.memref_squeeze %dma_wait3A_539 : memref<1x8x125xi32, #tpu.memory_space<vmem>> -> memref<8x125xi32, #tpu.memory_space<vmem>>
        %dma_wait3A_541 = arith.constant 0 : i32
        %dma_wait3A_542 = tpu.memref_slice %dma_wait3A_540[%run_scoped3A_419, %dma_wait3A_541] : memref<8x125xi32, #tpu.memory_space<vmem>> -> memref<1x125xi32, #tpu.memory_space<vmem>>
        %dma_wait3A_543 = tpu.memref_squeeze %dma_wait3A_542 : memref<1x125xi32, #tpu.memory_space<vmem>> -> memref<125xi32, #tpu.memory_space<vmem>>
        %dma_wait3A_544 = arith.constant 0 : i32
        %dma_wait3A_545 = arith.constant 0 : i32
        %dma_wait3A_546 = tpu.memref_slice %arg11[%dma_wait3A_544, %dma_wait3A_545] : memref<10000x128xf32, #tpu.memory_space<vmem_shared>> -> memref<10000x128xf32, #tpu.memory_space<vmem_shared>>
        tpu.wait_indirect_dma semaphore(%run_scoped3A_526 : memref<!tpu.dma_semaphore, #tpu.memory_space<semaphore_mem>>) src(%arg10 : memref<125x128xf32, #tpu.memory_space<vmem>>) dst(%dma_wait3A_546 : memref<10000x128xf32, #tpu.memory_space<vmem_shared>>)
        tpu.yield
      }) : () -> ()
      %dma_start3A_420 = arith.constant 1 : i32
      %dma_start3A_421 = arith.constant 5 : i32
      %dma_start3A_422 = arith.constant 0 : i32
      %dma_start3A_423 = arith.constant 0 : i32
      %dma_start3A_424 = tpu.memref_slice %arg7[%dma_start3A_420, %dma_start3A_422, %dma_start3A_423] : memref<2x8x125xi32, #tpu.memory_space<vmem>> -> memref<1x8x125xi32, #tpu.memory_space<vmem>>
      %dma_start3A_425 = tpu.memref_squeeze %dma_start3A_424 : memref<1x8x125xi32, #tpu.memory_space<vmem>> -> memref<8x125xi32, #tpu.memory_space<vmem>>
      %dma_start3A_426 = arith.constant 0 : i32
      %dma_start3A_427 = tpu.memref_slice %dma_start3A_425[%dma_start3A_421, %dma_start3A_426] : memref<8x125xi32, #tpu.memory_space<vmem>> -> memref<1x125xi32, #tpu.memory_space<vmem>>
      %dma_start3A_428 = tpu.memref_squeeze %dma_start3A_427 : memref<1x125xi32, #tpu.memory_space<vmem>> -> memref<125xi32, #tpu.memory_space<vmem>>
      %dma_start3A_429 = arith.constant 0 : i32
      %dma_start3A_430 = arith.constant 0 : i32
      %dma_start3A_431 = tpu.memref_slice %arg2[%dma_start3A_429, %dma_start3A_430] : memref<10000x128xf32, #tpu.memory_space<hbm>> -> memref<10000x128xf32, #tpu.memory_space<hbm>>
      tpu.enqueue_indirect_dma source(%dma_start3A_431 : memref<10000x128xf32, #tpu.memory_space<hbm>>) target(%arg10 : memref<125x128xf32, #tpu.memory_space<vmem>>) offsets(%dma_start3A_428 : memref<125xi32, #tpu.memory_space<vmem>>) semaphore(%arg13 : memref<!tpu.dma_semaphore, #tpu.memory_space<semaphore_mem>>)
      %dma_wait3A_432 = arith.constant 1 : i32
      %dma_wait3A_433 = arith.constant 4 : i32
      %dma_wait3A_434 = arith.constant 0 : i32
      %dma_wait3A_435 = arith.constant 0 : i32
      %dma_wait3A_436 = tpu.memref_slice %arg7[%dma_wait3A_432, %dma_wait3A_434, %dma_wait3A_435] : memref<2x8x125xi32, #tpu.memory_space<vmem>> -> memref<1x8x125xi32, #tpu.memory_space<vmem>>
      %dma_wait3A_437 = tpu.memref_squeeze %dma_wait3A_436 : memref<1x8x125xi32, #tpu.memory_space<vmem>> -> memref<8x125xi32, #tpu.memory_space<vmem>>
      %dma_wait3A_438 = arith.constant 0 : i32
      %dma_wait3A_439 = tpu.memref_slice %dma_wait3A_437[%dma_wait3A_433, %dma_wait3A_438] : memref<8x125xi32, #tpu.memory_space<vmem>> -> memref<1x125xi32, #tpu.memory_space<vmem>>
      %dma_wait3A_440 = tpu.memref_squeeze %dma_wait3A_439 : memref<1x125xi32, #tpu.memory_space<vmem>> -> memref<125xi32, #tpu.memory_space<vmem>>
      %dma_wait3A_441 = arith.constant 0 : i32
      %dma_wait3A_442 = arith.constant 0 : i32
      %dma_wait3A_443 = tpu.memref_slice %arg2[%dma_wait3A_441, %dma_wait3A_442] : memref<10000x128xf32, #tpu.memory_space<hbm>> -> memref<10000x128xf32, #tpu.memory_space<hbm>>
      tpu.wait_indirect_dma semaphore(%arg12 : memref<!tpu.dma_semaphore, #tpu.memory_space<semaphore_mem>>) src(%dma_wait3A_443 : memref<10000x128xf32, #tpu.memory_space<hbm>>) dst(%arg9 : memref<125x128xf32, #tpu.memory_space<vmem>>)
      %run_scoped3A_444 = arith.constant 1 : i32
      %run_scoped3A_445 = arith.constant 4 : i32
      "tpu.region"() ({
        %run_scoped3A_526 = tpu.sem_alloc : memref<!tpu.dma_semaphore, #tpu.memory_space<semaphore_mem>>
        %dma_start3A_527 = arith.constant 0 : i32
        %dma_start3A_528 = arith.constant 0 : i32
        %dma_start3A_529 = tpu.memref_slice %arg8[%run_scoped3A_444, %dma_start3A_527, %dma_start3A_528] : memref<2x8x125xi32, #tpu.memory_space<vmem>> -> memref<1x8x125xi32, #tpu.memory_space<vmem>>
        %dma_start3A_530 = tpu.memref_squeeze %dma_start3A_529 : memref<1x8x125xi32, #tpu.memory_space<vmem>> -> memref<8x125xi32, #tpu.memory_space<vmem>>
        %dma_start3A_531 = arith.constant 0 : i32
        %dma_start3A_532 = tpu.memref_slice %dma_start3A_530[%run_scoped3A_445, %dma_start3A_531] : memref<8x125xi32, #tpu.memory_space<vmem>> -> memref<1x125xi32, #tpu.memory_space<vmem>>
        %dma_start3A_533 = tpu.memref_squeeze %dma_start3A_532 : memref<1x125xi32, #tpu.memory_space<vmem>> -> memref<125xi32, #tpu.memory_space<vmem>>
        %dma_start3A_534 = arith.constant 0 : i32
        %dma_start3A_535 = arith.constant 0 : i32
        %dma_start3A_536 = tpu.memref_slice %arg11[%dma_start3A_534, %dma_start3A_535] : memref<10000x128xf32, #tpu.memory_space<vmem_shared>> -> memref<10000x128xf32, #tpu.memory_space<vmem_shared>>
        tpu.enqueue_indirect_dma source(%arg9 : memref<125x128xf32, #tpu.memory_space<vmem>>) target(%dma_start3A_536 : memref<10000x128xf32, #tpu.memory_space<vmem_shared>>) offsets(%dma_start3A_533 : memref<125xi32, #tpu.memory_space<vmem>>) semaphore(%run_scoped3A_526 : memref<!tpu.dma_semaphore, #tpu.memory_space<semaphore_mem>>) {add = true}
        %dma_wait3A_537 = arith.constant 0 : i32
        %dma_wait3A_538 = arith.constant 0 : i32
        %dma_wait3A_539 = tpu.memref_slice %arg8[%run_scoped3A_444, %dma_wait3A_537, %dma_wait3A_538] : memref<2x8x125xi32, #tpu.memory_space<vmem>> -> memref<1x8x125xi32, #tpu.memory_space<vmem>>
        %dma_wait3A_540 = tpu.memref_squeeze %dma_wait3A_539 : memref<1x8x125xi32, #tpu.memory_space<vmem>> -> memref<8x125xi32, #tpu.memory_space<vmem>>
        %dma_wait3A_541 = arith.constant 0 : i32
        %dma_wait3A_542 = tpu.memref_slice %dma_wait3A_540[%run_scoped3A_445, %dma_wait3A_541] : memref<8x125xi32, #tpu.memory_space<vmem>> -> memref<1x125xi32, #tpu.memory_space<vmem>>
        %dma_wait3A_543 = tpu.memref_squeeze %dma_wait3A_542 : memref<1x125xi32, #tpu.memory_space<vmem>> -> memref<125xi32, #tpu.memory_space<vmem>>
        %dma_wait3A_544 = arith.constant 0 : i32
        %dma_wait3A_545 = arith.constant 0 : i32
        %dma_wait3A_546 = tpu.memref_slice %arg11[%dma_wait3A_544, %dma_wait3A_545] : memref<10000x128xf32, #tpu.memory_space<vmem_shared>> -> memref<10000x128xf32, #tpu.memory_space<vmem_shared>>
        tpu.wait_indirect_dma semaphore(%run_scoped3A_526 : memref<!tpu.dma_semaphore, #tpu.memory_space<semaphore_mem>>) src(%arg9 : memref<125x128xf32, #tpu.memory_space<vmem>>) dst(%dma_wait3A_546 : memref<10000x128xf32, #tpu.memory_space<vmem_shared>>)
        tpu.yield
      }) : () -> ()
      %dma_start3A_446 = arith.constant 1 : i32
      %dma_start3A_447 = arith.constant 6 : i32
      %dma_start3A_448 = arith.constant 0 : i32
      %dma_start3A_449 = arith.constant 0 : i32
      %dma_start3A_450 = tpu.memref_slice %arg7[%dma_start3A_446, %dma_start3A_448, %dma_start3A_449] : memref<2x8x125xi32, #tpu.memory_space<vmem>> -> memref<1x8x125xi32, #tpu.memory_space<vmem>>
      %dma_start3A_451 = tpu.memref_squeeze %dma_start3A_450 : memref<1x8x125xi32, #tpu.memory_space<vmem>> -> memref<8x125xi32, #tpu.memory_space<vmem>>
      %dma_start3A_452 = arith.constant 0 : i32
      %dma_start3A_453 = tpu.memref_slice %dma_start3A_451[%dma_start3A_447, %dma_start3A_452] : memref<8x125xi32, #tpu.memory_space<vmem>> -> memref<1x125xi32, #tpu.memory_space<vmem>>
      %dma_start3A_454 = tpu.memref_squeeze %dma_start3A_453 : memref<1x125xi32, #tpu.memory_space<vmem>> -> memref<125xi32, #tpu.memory_space<vmem>>
      %dma_start3A_455 = arith.constant 0 : i32
      %dma_start3A_456 = arith.constant 0 : i32
      %dma_start3A_457 = tpu.memref_slice %arg2[%dma_start3A_455, %dma_start3A_456] : memref<10000x128xf32, #tpu.memory_space<hbm>> -> memref<10000x128xf32, #tpu.memory_space<hbm>>
      tpu.enqueue_indirect_dma source(%dma_start3A_457 : memref<10000x128xf32, #tpu.memory_space<hbm>>) target(%arg9 : memref<125x128xf32, #tpu.memory_space<vmem>>) offsets(%dma_start3A_454 : memref<125xi32, #tpu.memory_space<vmem>>) semaphore(%arg12 : memref<!tpu.dma_semaphore, #tpu.memory_space<semaphore_mem>>)
      %dma_wait3A_458 = arith.constant 1 : i32
      %dma_wait3A_459 = arith.constant 5 : i32
      %dma_wait3A_460 = arith.constant 0 : i32
      %dma_wait3A_461 = arith.constant 0 : i32
      %dma_wait3A_462 = tpu.memref_slice %arg7[%dma_wait3A_458, %dma_wait3A_460, %dma_wait3A_461] : memref<2x8x125xi32, #tpu.memory_space<vmem>> -> memref<1x8x125xi32, #tpu.memory_space<vmem>>
      %dma_wait3A_463 = tpu.memref_squeeze %dma_wait3A_462 : memref<1x8x125xi32, #tpu.memory_space<vmem>> -> memref<8x125xi32, #tpu.memory_space<vmem>>
      %dma_wait3A_464 = arith.constant 0 : i32
      %dma_wait3A_465 = tpu.memref_slice %dma_wait3A_463[%dma_wait3A_459, %dma_wait3A_464] : memref<8x125xi32, #tpu.memory_space<vmem>> -> memref<1x125xi32, #tpu.memory_space<vmem>>
      %dma_wait3A_466 = tpu.memref_squeeze %dma_wait3A_465 : memref<1x125xi32, #tpu.memory_space<vmem>> -> memref<125xi32, #tpu.memory_space<vmem>>
      %dma_wait3A_467 = arith.constant 0 : i32
      %dma_wait3A_468 = arith.constant 0 : i32
      %dma_wait3A_469 = tpu.memref_slice %arg2[%dma_wait3A_467, %dma_wait3A_468] : memref<10000x128xf32, #tpu.memory_space<hbm>> -> memref<10000x128xf32, #tpu.memory_space<hbm>>
      tpu.wait_indirect_dma semaphore(%arg13 : memref<!tpu.dma_semaphore, #tpu.memory_space<semaphore_mem>>) src(%dma_wait3A_469 : memref<10000x128xf32, #tpu.memory_space<hbm>>) dst(%arg10 : memref<125x128xf32, #tpu.memory_space<vmem>>)
      %run_scoped3A_470 = arith.constant 1 : i32
      %run_scoped3A_471 = arith.constant 5 : i32
      "tpu.region"() ({
        %run_scoped3A_526 = tpu.sem_alloc : memref<!tpu.dma_semaphore, #tpu.memory_space<semaphore_mem>>
        %dma_start3A_527 = arith.constant 0 : i32
        %dma_start3A_528 = arith.constant 0 : i32
        %dma_start3A_529 = tpu.memref_slice %arg8[%run_scoped3A_470, %dma_start3A_527, %dma_start3A_528] : memref<2x8x125xi32, #tpu.memory_space<vmem>> -> memref<1x8x125xi32, #tpu.memory_space<vmem>>
        %dma_start3A_530 = tpu.memref_squeeze %dma_start3A_529 : memref<1x8x125xi32, #tpu.memory_space<vmem>> -> memref<8x125xi32, #tpu.memory_space<vmem>>
        %dma_start3A_531 = arith.constant 0 : i32
        %dma_start3A_532 = tpu.memref_slice %dma_start3A_530[%run_scoped3A_471, %dma_start3A_531] : memref<8x125xi32, #tpu.memory_space<vmem>> -> memref<1x125xi32, #tpu.memory_space<vmem>>
        %dma_start3A_533 = tpu.memref_squeeze %dma_start3A_532 : memref<1x125xi32, #tpu.memory_space<vmem>> -> memref<125xi32, #tpu.memory_space<vmem>>
        %dma_start3A_534 = arith.constant 0 : i32
        %dma_start3A_535 = arith.constant 0 : i32
        %dma_start3A_536 = tpu.memref_slice %arg11[%dma_start3A_534, %dma_start3A_535] : memref<10000x128xf32, #tpu.memory_space<vmem_shared>> -> memref<10000x128xf32, #tpu.memory_space<vmem_shared>>
        tpu.enqueue_indirect_dma source(%arg10 : memref<125x128xf32, #tpu.memory_space<vmem>>) target(%dma_start3A_536 : memref<10000x128xf32, #tpu.memory_space<vmem_shared>>) offsets(%dma_start3A_533 : memref<125xi32, #tpu.memory_space<vmem>>) semaphore(%run_scoped3A_526 : memref<!tpu.dma_semaphore, #tpu.memory_space<semaphore_mem>>) {add = true}
        %dma_wait3A_537 = arith.constant 0 : i32
        %dma_wait3A_538 = arith.constant 0 : i32
        %dma_wait3A_539 = tpu.memref_slice %arg8[%run_scoped3A_470, %dma_wait3A_537, %dma_wait3A_538] : memref<2x8x125xi32, #tpu.memory_space<vmem>> -> memref<1x8x125xi32, #tpu.memory_space<vmem>>
        %dma_wait3A_540 = tpu.memref_squeeze %dma_wait3A_539 : memref<1x8x125xi32, #tpu.memory_space<vmem>> -> memref<8x125xi32, #tpu.memory_space<vmem>>
        %dma_wait3A_541 = arith.constant 0 : i32
        %dma_wait3A_542 = tpu.memref_slice %dma_wait3A_540[%run_scoped3A_471, %dma_wait3A_541] : memref<8x125xi32, #tpu.memory_space<vmem>> -> memref<1x125xi32, #tpu.memory_space<vmem>>
        %dma_wait3A_543 = tpu.memref_squeeze %dma_wait3A_542 : memref<1x125xi32, #tpu.memory_space<vmem>> -> memref<125xi32, #tpu.memory_space<vmem>>
        %dma_wait3A_544 = arith.constant 0 : i32
        %dma_wait3A_545 = arith.constant 0 : i32
        %dma_wait3A_546 = tpu.memref_slice %arg11[%dma_wait3A_544, %dma_wait3A_545] : memref<10000x128xf32, #tpu.memory_space<vmem_shared>> -> memref<10000x128xf32, #tpu.memory_space<vmem_shared>>
        tpu.wait_indirect_dma semaphore(%run_scoped3A_526 : memref<!tpu.dma_semaphore, #tpu.memory_space<semaphore_mem>>) src(%arg10 : memref<125x128xf32, #tpu.memory_space<vmem>>) dst(%dma_wait3A_546 : memref<10000x128xf32, #tpu.memory_space<vmem_shared>>)
        tpu.yield
      }) : () -> ()
      %dma_start3A_472 = arith.constant 1 : i32
      %dma_start3A_473 = arith.constant 7 : i32
      %dma_start3A_474 = arith.constant 0 : i32
      %dma_start3A_475 = arith.constant 0 : i32
      %dma_start3A_476 = tpu.memref_slice %arg7[%dma_start3A_472, %dma_start3A_474, %dma_start3A_475] : memref<2x8x125xi32, #tpu.memory_space<vmem>> -> memref<1x8x125xi32, #tpu.memory_space<vmem>>
      %dma_start3A_477 = tpu.memref_squeeze %dma_start3A_476 : memref<1x8x125xi32, #tpu.memory_space<vmem>> -> memref<8x125xi32, #tpu.memory_space<vmem>>
      %dma_start3A_478 = arith.constant 0 : i32
      %dma_start3A_479 = tpu.memref_slice %dma_start3A_477[%dma_start3A_473, %dma_start3A_478] : memref<8x125xi32, #tpu.memory_space<vmem>> -> memref<1x125xi32, #tpu.memory_space<vmem>>
      %dma_start3A_480 = tpu.memref_squeeze %dma_start3A_479 : memref<1x125xi32, #tpu.memory_space<vmem>> -> memref<125xi32, #tpu.memory_space<vmem>>
      %dma_start3A_481 = arith.constant 0 : i32
      %dma_start3A_482 = arith.constant 0 : i32
      %dma_start3A_483 = tpu.memref_slice %arg2[%dma_start3A_481, %dma_start3A_482] : memref<10000x128xf32, #tpu.memory_space<hbm>> -> memref<10000x128xf32, #tpu.memory_space<hbm>>
      tpu.enqueue_indirect_dma source(%dma_start3A_483 : memref<10000x128xf32, #tpu.memory_space<hbm>>) target(%arg10 : memref<125x128xf32, #tpu.memory_space<vmem>>) offsets(%dma_start3A_480 : memref<125xi32, #tpu.memory_space<vmem>>) semaphore(%arg13 : memref<!tpu.dma_semaphore, #tpu.memory_space<semaphore_mem>>)
      %dma_wait3A_484 = arith.constant 1 : i32
      %dma_wait3A_485 = arith.constant 6 : i32
      %dma_wait3A_486 = arith.constant 0 : i32
      %dma_wait3A_487 = arith.constant 0 : i32
      %dma_wait3A_488 = tpu.memref_slice %arg7[%dma_wait3A_484, %dma_wait3A_486, %dma_wait3A_487] : memref<2x8x125xi32, #tpu.memory_space<vmem>> -> memref<1x8x125xi32, #tpu.memory_space<vmem>>
      %dma_wait3A_489 = tpu.memref_squeeze %dma_wait3A_488 : memref<1x8x125xi32, #tpu.memory_space<vmem>> -> memref<8x125xi32, #tpu.memory_space<vmem>>
      %dma_wait3A_490 = arith.constant 0 : i32
      %dma_wait3A_491 = tpu.memref_slice %dma_wait3A_489[%dma_wait3A_485, %dma_wait3A_490] : memref<8x125xi32, #tpu.memory_space<vmem>> -> memref<1x125xi32, #tpu.memory_space<vmem>>
      %dma_wait3A_492 = tpu.memref_squeeze %dma_wait3A_491 : memref<1x125xi32, #tpu.memory_space<vmem>> -> memref<125xi32, #tpu.memory_space<vmem>>
      %dma_wait3A_493 = arith.constant 0 : i32
      %dma_wait3A_494 = arith.constant 0 : i32
      %dma_wait3A_495 = tpu.memref_slice %arg2[%dma_wait3A_493, %dma_wait3A_494] : memref<10000x128xf32, #tpu.memory_space<hbm>> -> memref<10000x128xf32, #tpu.memory_space<hbm>>
      tpu.wait_indirect_dma semaphore(%arg12 : memref<!tpu.dma_semaphore, #tpu.memory_space<semaphore_mem>>) src(%dma_wait3A_495 : memref<10000x128xf32, #tpu.memory_space<hbm>>) dst(%arg9 : memref<125x128xf32, #tpu.memory_space<vmem>>)
      %run_scoped3A_496 = arith.constant 1 : i32
      %run_scoped3A_497 = arith.constant 6 : i32
      "tpu.region"() ({
        %run_scoped3A_526 = tpu.sem_alloc : memref<!tpu.dma_semaphore, #tpu.memory_space<semaphore_mem>>
        %dma_start3A_527 = arith.constant 0 : i32
        %dma_start3A_528 = arith.constant 0 : i32
        %dma_start3A_529 = tpu.memref_slice %arg8[%run_scoped3A_496, %dma_start3A_527, %dma_start3A_528] : memref<2x8x125xi32, #tpu.memory_space<vmem>> -> memref<1x8x125xi32, #tpu.memory_space<vmem>>
        %dma_start3A_530 = tpu.memref_squeeze %dma_start3A_529 : memref<1x8x125xi32, #tpu.memory_space<vmem>> -> memref<8x125xi32, #tpu.memory_space<vmem>>
        %dma_start3A_531 = arith.constant 0 : i32
        %dma_start3A_532 = tpu.memref_slice %dma_start3A_530[%run_scoped3A_497, %dma_start3A_531] : memref<8x125xi32, #tpu.memory_space<vmem>> -> memref<1x125xi32, #tpu.memory_space<vmem>>
        %dma_start3A_533 = tpu.memref_squeeze %dma_start3A_532 : memref<1x125xi32, #tpu.memory_space<vmem>> -> memref<125xi32, #tpu.memory_space<vmem>>
        %dma_start3A_534 = arith.constant 0 : i32
        %dma_start3A_535 = arith.constant 0 : i32
        %dma_start3A_536 = tpu.memref_slice %arg11[%dma_start3A_534, %dma_start3A_535] : memref<10000x128xf32, #tpu.memory_space<vmem_shared>> -> memref<10000x128xf32, #tpu.memory_space<vmem_shared>>
        tpu.enqueue_indirect_dma source(%arg9 : memref<125x128xf32, #tpu.memory_space<vmem>>) target(%dma_start3A_536 : memref<10000x128xf32, #tpu.memory_space<vmem_shared>>) offsets(%dma_start3A_533 : memref<125xi32, #tpu.memory_space<vmem>>) semaphore(%run_scoped3A_526 : memref<!tpu.dma_semaphore, #tpu.memory_space<semaphore_mem>>) {add = true}
        %dma_wait3A_537 = arith.constant 0 : i32
        %dma_wait3A_538 = arith.constant 0 : i32
        %dma_wait3A_539 = tpu.memref_slice %arg8[%run_scoped3A_496, %dma_wait3A_537, %dma_wait3A_538] : memref<2x8x125xi32, #tpu.memory_space<vmem>> -> memref<1x8x125xi32, #tpu.memory_space<vmem>>
        %dma_wait3A_540 = tpu.memref_squeeze %dma_wait3A_539 : memref<1x8x125xi32, #tpu.memory_space<vmem>> -> memref<8x125xi32, #tpu.memory_space<vmem>>
        %dma_wait3A_541 = arith.constant 0 : i32
        %dma_wait3A_542 = tpu.memref_slice %dma_wait3A_540[%run_scoped3A_497, %dma_wait3A_541] : memref<8x125xi32, #tpu.memory_space<vmem>> -> memref<1x125xi32, #tpu.memory_space<vmem>>
        %dma_wait3A_543 = tpu.memref_squeeze %dma_wait3A_542 : memref<1x125xi32, #tpu.memory_space<vmem>> -> memref<125xi32, #tpu.memory_space<vmem>>
        %dma_wait3A_544 = arith.constant 0 : i32
        %dma_wait3A_545 = arith.constant 0 : i32
        %dma_wait3A_546 = tpu.memref_slice %arg11[%dma_wait3A_544, %dma_wait3A_545] : memref<10000x128xf32, #tpu.memory_space<vmem_shared>> -> memref<10000x128xf32, #tpu.memory_space<vmem_shared>>
        tpu.wait_indirect_dma semaphore(%run_scoped3A_526 : memref<!tpu.dma_semaphore, #tpu.memory_space<semaphore_mem>>) src(%arg9 : memref<125x128xf32, #tpu.memory_space<vmem>>) dst(%dma_wait3A_546 : memref<10000x128xf32, #tpu.memory_space<vmem_shared>>)
        tpu.yield
      }) : () -> ()
      %add3A_498 = arith.constant 1 : i32
      %add3A_499 = arith.addi %add3A_320, %add3A_498 : i32
      %lt3A_500 = arith.constant 10 : i32
      %lt3A_501 = arith.cmpi slt, %add3A_499, %lt3A_500 : i32
      %convert_element_type3A_502 = arith.extui %lt3A_501 : i1 to i32
      %cond3A_503 = arith.constant 0 : i32
      %cond3A_504 = arith.cmpi ne, %convert_element_type3A_502, %cond3A_503 : i32
      scf.if %cond3A_504 {
        %add3A_526 = arith.constant 1 : i32
        %add3A_527 = arith.addi %add3A_320, %add3A_526 : i32
        %mul3A_528 = arith.constant 8 : i32
        %mul3A_529 = arith.muli %add3A_527, %mul3A_528 : i32
        %add3A_530 = arith.addi %add3A, %mul3A_529 : i32
        %dma_wait3A_531 = arith.constant 0 : i32
        %dma_wait3A_532 = arith.constant 0 : i32
        %dma_wait3A_533 = arith.constant 0 : i32
        %dma_wait3A_534 = tpu.memref_slice %arg7[%dma_wait3A_531, %dma_wait3A_532, %dma_wait3A_533] : memref<2x8x125xi32, #tpu.memory_space<vmem>> -> memref<1x8x125xi32, #tpu.memory_space<vmem>>
        %dma_wait3A_535 = tpu.memref_squeeze %dma_wait3A_534 : memref<1x8x125xi32, #tpu.memory_space<vmem>> -> memref<8x125xi32, #tpu.memory_space<vmem>>
        %dma_wait3A_536 = arith.constant 0 : i32
        %dma_wait3A_537 = tpu.memref_slice %arg3[%add3A_530, %dma_wait3A_536] : memref<5120x125xi32, #tpu.memory_space<hbm>> -> memref<8x125xi32, #tpu.memory_space<hbm>>
        %dma_wait3A_538 = arith.constant 0 : i32
        %dma_wait3A_539 = arith.constant 0 : i32
        %dma_wait3A_540 = tpu.memref_slice %arg7[%dma_wait3A_531, %dma_wait3A_538, %dma_wait3A_539] : memref<2x8x125xi32, #tpu.memory_space<vmem>> -> memref<1x8x125xi32, #tpu.memory_space<vmem>>
        %dma_wait3A_541 = tpu.memref_squeeze %dma_wait3A_540 : memref<1x8x125xi32, #tpu.memory_space<vmem>> -> memref<8x125xi32, #tpu.memory_space<vmem>>
        %dma_wait3A_542 = arith.constant 0 : i32
        %dma_wait3A_543 = tpu.memref_slice %arg3[%add3A_530, %dma_wait3A_542] : memref<5120x125xi32, #tpu.memory_space<hbm>> -> memref<8x125xi32, #tpu.memory_space<hbm>>
        tpu.wait_dma2 semaphore(%arg14 : memref<!tpu.dma_semaphore, #tpu.memory_space<semaphore_mem>>) src(%dma_wait3A_543 : memref<8x125xi32, #tpu.memory_space<hbm>>) dst(%dma_wait3A_541 : memref<8x125xi32, #tpu.memory_space<vmem>>)
        %mul3A_544 = arith.constant 8 : i32
        %mul3A_545 = arith.muli %add3A_527, %mul3A_544 : i32
        %add3A_546 = arith.addi %add3A_9, %mul3A_545 : i32
        %dma_wait3A_547 = arith.constant 0 : i32
        %dma_wait3A_548 = arith.constant 0 : i32
        %dma_wait3A_549 = arith.constant 0 : i32
        %dma_wait3A_550 = tpu.memref_slice %arg8[%dma_wait3A_547, %dma_wait3A_548, %dma_wait3A_549] : memref<2x8x125xi32, #tpu.memory_space<vmem>> -> memref<1x8x125xi32, #tpu.memory_space<vmem>>
        %dma_wait3A_551 = tpu.memref_squeeze %dma_wait3A_550 : memref<1x8x125xi32, #tpu.memory_space<vmem>> -> memref<8x125xi32, #tpu.memory_space<vmem>>
        %dma_wait3A_552 = arith.constant 0 : i32
        %dma_wait3A_553 = tpu.memref_slice %arg4[%add3A_546, %dma_wait3A_552] : memref<2560x125xi32, #tpu.memory_space<hbm>> -> memref<8x125xi32, #tpu.memory_space<hbm>>
        %dma_wait3A_554 = arith.constant 0 : i32
        %dma_wait3A_555 = arith.constant 0 : i32
        %dma_wait3A_556 = tpu.memref_slice %arg8[%dma_wait3A_547, %dma_wait3A_554, %dma_wait3A_555] : memref<2x8x125xi32, #tpu.memory_space<vmem>> -> memref<1x8x125xi32, #tpu.memory_space<vmem>>
        %dma_wait3A_557 = tpu.memref_squeeze %dma_wait3A_556 : memref<1x8x125xi32, #tpu.memory_space<vmem>> -> memref<8x125xi32, #tpu.memory_space<vmem>>
        %dma_wait3A_558 = arith.constant 0 : i32
        %dma_wait3A_559 = tpu.memref_slice %arg4[%add3A_546, %dma_wait3A_558] : memref<2560x125xi32, #tpu.memory_space<hbm>> -> memref<8x125xi32, #tpu.memory_space<hbm>>
        tpu.wait_dma2 semaphore(%arg14 : memref<!tpu.dma_semaphore, #tpu.memory_space<semaphore_mem>>) src(%dma_wait3A_559 : memref<8x125xi32, #tpu.memory_space<hbm>>) dst(%dma_wait3A_557 : memref<8x125xi32, #tpu.memory_space<vmem>>)
        %dma_start3A_560 = arith.constant 0 : i32
        %dma_start3A_561 = arith.constant 0 : i32
        %dma_start3A_562 = arith.constant 0 : i32
        %dma_start3A_563 = arith.constant 0 : i32
        %dma_start3A_564 = tpu.memref_slice %arg7[%dma_start3A_560, %dma_start3A_562, %dma_start3A_563] : memref<2x8x125xi32, #tpu.memory_space<vmem>> -> memref<1x8x125xi32, #tpu.memory_space<vmem>>
        %dma_start3A_565 = tpu.memref_squeeze %dma_start3A_564 : memref<1x8x125xi32, #tpu.memory_space<vmem>> -> memref<8x125xi32, #tpu.memory_space<vmem>>
        %dma_start3A_566 = arith.constant 0 : i32
        %dma_start3A_567 = tpu.memref_slice %dma_start3A_565[%dma_start3A_561, %dma_start3A_566] : memref<8x125xi32, #tpu.memory_space<vmem>> -> memref<1x125xi32, #tpu.memory_space<vmem>>
        %dma_start3A_568 = tpu.memref_squeeze %dma_start3A_567 : memref<1x125xi32, #tpu.memory_space<vmem>> -> memref<125xi32, #tpu.memory_space<vmem>>
        %dma_start3A_569 = arith.constant 0 : i32
        %dma_start3A_570 = arith.constant 0 : i32
        %dma_start3A_571 = tpu.memref_slice %arg2[%dma_start3A_569, %dma_start3A_570] : memref<10000x128xf32, #tpu.memory_space<hbm>> -> memref<10000x128xf32, #tpu.memory_space<hbm>>
        tpu.enqueue_indirect_dma source(%dma_start3A_571 : memref<10000x128xf32, #tpu.memory_space<hbm>>) target(%arg9 : memref<125x128xf32, #tpu.memory_space<vmem>>) offsets(%dma_start3A_568 : memref<125xi32, #tpu.memory_space<vmem>>) semaphore(%arg12 : memref<!tpu.dma_semaphore, #tpu.memory_space<semaphore_mem>>)
      } else {
      }
      %dma_wait3A_505 = arith.constant 1 : i32
      %dma_wait3A_506 = arith.constant 7 : i32
      %dma_wait3A_507 = arith.constant 0 : i32
      %dma_wait3A_508 = arith.constant 0 : i32
      %dma_wait3A_509 = tpu.memref_slice %arg7[%dma_wait3A_505, %dma_wait3A_507, %dma_wait3A_508] : memref<2x8x125xi32, #tpu.memory_space<vmem>> -> memref<1x8x125xi32, #tpu.memory_space<vmem>>
      %dma_wait3A_510 = tpu.memref_squeeze %dma_wait3A_509 : memref<1x8x125xi32, #tpu.memory_space<vmem>> -> memref<8x125xi32, #tpu.memory_space<vmem>>
      %dma_wait3A_511 = arith.constant 0 : i32
      %dma_wait3A_512 = tpu.memref_slice %dma_wait3A_510[%dma_wait3A_506, %dma_wait3A_511] : memref<8x125xi32, #tpu.memory_space<vmem>> -> memref<1x125xi32, #tpu.memory_space<vmem>>
      %dma_wait3A_513 = tpu.memref_squeeze %dma_wait3A_512 : memref<1x125xi32, #tpu.memory_space<vmem>> -> memref<125xi32, #tpu.memory_space<vmem>>
      %dma_wait3A_514 = arith.constant 0 : i32
      %dma_wait3A_515 = arith.constant 0 : i32
      %dma_wait3A_516 = tpu.memref_slice %arg2[%dma_wait3A_514, %dma_wait3A_515] : memref<10000x128xf32, #tpu.memory_space<hbm>> -> memref<10000x128xf32, #tpu.memory_space<hbm>>
      tpu.wait_indirect_dma semaphore(%arg13 : memref<!tpu.dma_semaphore, #tpu.memory_space<semaphore_mem>>) src(%dma_wait3A_516 : memref<10000x128xf32, #tpu.memory_space<hbm>>) dst(%arg10 : memref<125x128xf32, #tpu.memory_space<vmem>>)
      %run_scoped3A_517 = arith.constant 1 : i32
      %run_scoped3A_518 = arith.constant 7 : i32
      "tpu.region"() ({
        %run_scoped3A_526 = tpu.sem_alloc : memref<!tpu.dma_semaphore, #tpu.memory_space<semaphore_mem>>
        %dma_start3A_527 = arith.constant 0 : i32
        %dma_start3A_528 = arith.constant 0 : i32
        %dma_start3A_529 = tpu.memref_slice %arg8[%run_scoped3A_517, %dma_start3A_527, %dma_start3A_528] : memref<2x8x125xi32, #tpu.memory_space<vmem>> -> memref<1x8x125xi32, #tpu.memory_space<vmem>>
        %dma_start3A_530 = tpu.memref_squeeze %dma_start3A_529 : memref<1x8x125xi32, #tpu.memory_space<vmem>> -> memref<8x125xi32, #tpu.memory_space<vmem>>
        %dma_start3A_531 = arith.constant 0 : i32
        %dma_start3A_532 = tpu.memref_slice %dma_start3A_530[%run_scoped3A_518, %dma_start3A_531] : memref<8x125xi32, #tpu.memory_space<vmem>> -> memref<1x125xi32, #tpu.memory_space<vmem>>
        %dma_start3A_533 = tpu.memref_squeeze %dma_start3A_532 : memref<1x125xi32, #tpu.memory_space<vmem>> -> memref<125xi32, #tpu.memory_space<vmem>>
        %dma_start3A_534 = arith.constant 0 : i32
        %dma_start3A_535 = arith.constant 0 : i32
        %dma_start3A_536 = tpu.memref_slice %arg11[%dma_start3A_534, %dma_start3A_535] : memref<10000x128xf32, #tpu.memory_space<vmem_shared>> -> memref<10000x128xf32, #tpu.memory_space<vmem_shared>>
        tpu.enqueue_indirect_dma source(%arg10 : memref<125x128xf32, #tpu.memory_space<vmem>>) target(%dma_start3A_536 : memref<10000x128xf32, #tpu.memory_space<vmem_shared>>) offsets(%dma_start3A_533 : memref<125xi32, #tpu.memory_space<vmem>>) semaphore(%run_scoped3A_526 : memref<!tpu.dma_semaphore, #tpu.memory_space<semaphore_mem>>) {add = true}
        %dma_wait3A_537 = arith.constant 0 : i32
        %dma_wait3A_538 = arith.constant 0 : i32
        %dma_wait3A_539 = tpu.memref_slice %arg8[%run_scoped3A_517, %dma_wait3A_537, %dma_wait3A_538] : memref<2x8x125xi32, #tpu.memory_space<vmem>> -> memref<1x8x125xi32, #tpu.memory_space<vmem>>
        %dma_wait3A_540 = tpu.memref_squeeze %dma_wait3A_539 : memref<1x8x125xi32, #tpu.memory_space<vmem>> -> memref<8x125xi32, #tpu.memory_space<vmem>>
        %dma_wait3A_541 = arith.constant 0 : i32
        %dma_wait3A_542 = tpu.memref_slice %dma_wait3A_540[%run_scoped3A_518, %dma_wait3A_541] : memref<8x125xi32, #tpu.memory_space<vmem>> -> memref<1x125xi32, #tpu.memory_space<vmem>>
        %dma_wait3A_543 = tpu.memref_squeeze %dma_wait3A_542 : memref<1x125xi32, #tpu.memory_space<vmem>> -> memref<125xi32, #tpu.memory_space<vmem>>
        %dma_wait3A_544 = arith.constant 0 : i32
        %dma_wait3A_545 = arith.constant 0 : i32
        %dma_wait3A_546 = tpu.memref_slice %arg11[%dma_wait3A_544, %dma_wait3A_545] : memref<10000x128xf32, #tpu.memory_space<vmem_shared>> -> memref<10000x128xf32, #tpu.memory_space<vmem_shared>>
        tpu.wait_indirect_dma semaphore(%run_scoped3A_526 : memref<!tpu.dma_semaphore, #tpu.memory_space<semaphore_mem>>) src(%arg10 : memref<125x128xf32, #tpu.memory_space<vmem>>) dst(%dma_wait3A_546 : memref<10000x128xf32, #tpu.memory_space<vmem_shared>>)
        tpu.yield
      }) : () -> ()
      %add3A_519 = arith.constant 1 : i32
      %add3A_520 = arith.addi %add3A_320, %add3A_519 : i32
      %lt3A_521 = arith.constant 10 : i32
      %lt3A_522 = arith.cmpi slt, %add3A_520, %lt3A_521 : i32
      %convert_element_type3A_523 = arith.extui %lt3A_522 : i1 to i32
      %cond3A_524 = arith.constant 0 : i32
      %cond3A_525 = arith.cmpi ne, %convert_element_type3A_523, %cond3A_524 : i32
      scf.if %cond3A_525 {
        %dma_start3A_526 = arith.constant 0 : i32
        %dma_start3A_527 = arith.constant 1 : i32
        %dma_start3A_528 = arith.constant 0 : i32
        %dma_start3A_529 = arith.constant 0 : i32
        %dma_start3A_530 = tpu.memref_slice %arg7[%dma_start3A_526, %dma_start3A_528, %dma_start3A_529] : memref<2x8x125xi32, #tpu.memory_space<vmem>> -> memref<1x8x125xi32, #tpu.memory_space<vmem>>
        %dma_start3A_531 = tpu.memref_squeeze %dma_start3A_530 : memref<1x8x125xi32, #tpu.memory_space<vmem>> -> memref<8x125xi32, #tpu.memory_space<vmem>>
        %dma_start3A_532 = arith.constant 0 : i32
        %dma_start3A_533 = tpu.memref_slice %dma_start3A_531[%dma_start3A_527, %dma_start3A_532] : memref<8x125xi32, #tpu.memory_space<vmem>> -> memref<1x125xi32, #tpu.memory_space<vmem>>
        %dma_start3A_534 = tpu.memref_squeeze %dma_start3A_533 : memref<1x125xi32, #tpu.memory_space<vmem>> -> memref<125xi32, #tpu.memory_space<vmem>>
        %dma_start3A_535 = arith.constant 0 : i32
        %dma_start3A_536 = arith.constant 0 : i32
        %dma_start3A_537 = tpu.memref_slice %arg2[%dma_start3A_535, %dma_start3A_536] : memref<10000x128xf32, #tpu.memory_space<hbm>> -> memref<10000x128xf32, #tpu.memory_space<hbm>>
        tpu.enqueue_indirect_dma source(%dma_start3A_537 : memref<10000x128xf32, #tpu.memory_space<hbm>>) target(%arg10 : memref<125x128xf32, #tpu.memory_space<vmem>>) offsets(%dma_start3A_534 : memref<125xi32, #tpu.memory_space<vmem>>) semaphore(%arg13 : memref<!tpu.dma_semaphore, #tpu.memory_space<semaphore_mem>>)
      } else {
      }
    }
    %scan3A_97 = arith.constant 5 : i32
    %barrier3A_98 = arith.constant 0 : index
    tpu.barrier barrier_id(%barrier3A_98)
    %mul3A_99 = arith.constant 10000 : i32
    %mul3A_100 = arith.muli %arg0, %mul3A_99 : i32
    %add3A_101 = arith.addi %mul3A_100, %mul3A_0 : i32
    "tpu.region"() ({
      %run_scoped3A = tpu.sem_alloc : memref<!tpu.dma_semaphore, #tpu.memory_space<semaphore_mem>>
      %dma_start3A_107 = arith.constant 0 : i32
      %dma_start3A_108 = tpu.memref_slice %arg6[%add3A_101, %dma_start3A_107] : memref<20000x128xf32, #tpu.memory_space<hbm>> -> memref<624x128xf32, #tpu.memory_space<hbm>>
      %dma_start3A_109 = arith.constant 0 : i32
      %dma_start3A_110 = tpu.memref_slice %arg11[%mul3A_0, %dma_start3A_109] : memref<10000x128xf32, #tpu.memory_space<vmem_shared>> -> memref<624x128xf32, #tpu.memory_space<vmem_shared>>
      tpu.enqueue_dma source(%dma_start3A_110 : memref<624x128xf32, #tpu.memory_space<vmem_shared>>) target(%dma_start3A_108 : memref<624x128xf32, #tpu.memory_space<hbm>>) target_semaphore(%run_scoped3A : memref<!tpu.dma_semaphore, #tpu.memory_space<semaphore_mem>>)
      %dma_wait3A_111 = arith.constant 0 : i32
      %dma_wait3A_112 = tpu.memref_slice %arg6[%add3A_101, %dma_wait3A_111] : memref<20000x128xf32, #tpu.memory_space<hbm>> -> memref<624x128xf32, #tpu.memory_space<hbm>>
      %dma_wait3A_113 = arith.constant 0 : i32
      %dma_wait3A_114 = tpu.memref_slice %arg11[%mul3A_0, %dma_wait3A_113] : memref<10000x128xf32, #tpu.memory_space<vmem_shared>> -> memref<624x128xf32, #tpu.memory_space<vmem_shared>>
      tpu.wait_dma2 semaphore(%run_scoped3A : memref<!tpu.dma_semaphore, #tpu.memory_space<semaphore_mem>>) src(%dma_wait3A_114 : memref<624x128xf32, #tpu.memory_space<vmem_shared>>) dst(%dma_wait3A_112 : memref<624x128xf32, #tpu.memory_space<hbm>>)
      tpu.yield
    }) : () -> ()
    %eq3A_102 = arith.constant 15 : i32
    %eq3A_103 = arith.cmpi eq, %arg1, %eq3A_102 : i32
    %convert_element_type3A_104 = arith.extui %eq3A_103 : i1 to i32
    %cond3A_105 = arith.constant 0 : i32
    %cond3A_106 = arith.cmpi ne, %convert_element_type3A_104, %cond3A_105 : i32
    scf.if %cond3A_106 {
      %mul3A_107 = arith.constant 10000 : i32
      %mul3A_108 = arith.muli %arg0, %mul3A_107 : i32
      %add3A_109 = arith.constant 9984 : i32
      %add3A_110 = arith.addi %mul3A_108, %add3A_109 : i32
      "tpu.region"() ({
        %run_scoped3A = tpu.sem_alloc : memref<!tpu.dma_semaphore, #tpu.memory_space<semaphore_mem>>
        %dma_start3A_111 = arith.constant 0 : i32
        %dma_start3A_112 = tpu.memref_slice %arg6[%add3A_110, %dma_start3A_111] : memref<20000x128xf32, #tpu.memory_space<hbm>> -> memref<16x128xf32, #tpu.memory_space<hbm>>
        %dma_start3A_113 = arith.constant 9984 : i32
        %dma_start3A_114 = arith.constant 0 : i32
        %dma_start3A_115 = tpu.memref_slice %arg11[%dma_start3A_113, %dma_start3A_114] : memref<10000x128xf32, #tpu.memory_space<vmem_shared>> -> memref<16x128xf32, #tpu.memory_space<vmem_shared>>
        tpu.enqueue_dma source(%dma_start3A_115 : memref<16x128xf32, #tpu.memory_space<vmem_shared>>) target(%dma_start3A_112 : memref<16x128xf32, #tpu.memory_space<hbm>>) target_semaphore(%run_scoped3A : memref<!tpu.dma_semaphore, #tpu.memory_space<semaphore_mem>>)
        %dma_wait3A_116 = arith.constant 0 : i32
        %dma_wait3A_117 = tpu.memref_slice %arg6[%add3A_110, %dma_wait3A_116] : memref<20000x128xf32, #tpu.memory_space<hbm>> -> memref<16x128xf32, #tpu.memory_space<hbm>>
        %dma_wait3A_118 = arith.constant 9984 : i32
        %dma_wait3A_119 = arith.constant 0 : i32
        %dma_wait3A_120 = tpu.memref_slice %arg11[%dma_wait3A_118, %dma_wait3A_119] : memref<10000x128xf32, #tpu.memory_space<vmem_shared>> -> memref<16x128xf32, #tpu.memory_space<vmem_shared>>
        tpu.wait_dma2 semaphore(%run_scoped3A : memref<!tpu.dma_semaphore, #tpu.memory_space<semaphore_mem>>) src(%dma_wait3A_120 : memref<16x128xf32, #tpu.memory_space<vmem_shared>>) dst(%dma_wait3A_117 : memref<16x128xf32, #tpu.memory_space<hbm>>)
        tpu.yield
      }) : () -> ()
    } else {
    }
    return
  }
}

#map = affine_map<(d0, d1) -> (0, 0)>
module attributes {stable_mosaic.version = 14 : i64} {
  func.func @seg(%arg0: i32, %arg1: i32, %arg2: memref<20000x128xf32, #tpu.memory_space<hbm>>, %arg3: memref<5120x125xi32, #tpu.memory_space<hbm>>, %arg4: memref<2560x125xi32, #tpu.memory_space<hbm>>, %arg5: memref<10000x128xf32, #tpu.memory_space<hbm>>, %arg6: memref<20000x128xf32, #tpu.memory_space<hbm>>, %arg7: memref<2x8x125xi32, #tpu.memory_space<vmem>>, %arg8: memref<2x8x125xi32, #tpu.memory_space<vmem>>, %arg9: memref<125x128xf32, #tpu.memory_space<vmem>>, %arg10: memref<125x128xf32, #tpu.memory_space<vmem>>, %arg11: memref<10000x128xf32, #tpu.memory_space<vmem_shared>>, %arg12: memref<!tpu.dma_semaphore, #tpu.memory_space<semaphore_mem>>, %arg13: memref<!tpu.dma_semaphore, #tpu.memory_space<semaphore_mem>>, %arg14: memref<!tpu.dma_semaphore, #tpu.memory_space<semaphore_mem>>, %arg15: memref<!tpu.dma_semaphore, #tpu.memory_space<semaphore_mem>>) attributes {dimension_semantics = [#tpu.dimension_semantics<core_parallel>, #tpu.dimension_semantics<subcore_parallel>], iteration_bounds = array<i64: 2, 16>, scalar_prefetch = 0 : i64, scratch_operands = 9 : i64, tpu.core_type = #tpu.core_type<sc_vector_subcore>, window_params = [{transform_indices = #map}, {transform_indices = #map}, {transform_indices = #map}, {transform_indices = #map}, {transform_indices = #map}]} {
    %mul3A = arith.constant 624 : i32
    %mul3A_0 = arith.muli %arg1, %mul3A : i32
    %mul3A_1 = arith.constant 2560 : i32
    %mul3A_2 = arith.muli %arg0, %mul3A_1 : i32
    %mul3A_3 = arith.constant 160 : i32
    %mul3A_4 = arith.muli %arg1, %mul3A_3 : i32
    %add3A = arith.addi %mul3A_2, %mul3A_4 : i32
    %mul3A_5 = arith.constant 160 : i32
    %mul3A_6 = arith.muli %arg1, %mul3A_5 : i32
    %add3A_7 = arith.constant 0 : i32
    %add3A_8 = arith.addi %add3A, %add3A_7 : i32
    %dma_start3A = arith.constant 0 : i32
    %dma_start3A_9 = arith.constant 0 : i32
    %dma_start3A_10 = arith.constant 0 : i32
    %dma_start3A_11 = tpu.memref_slice %arg7[%dma_start3A, %dma_start3A_9, %dma_start3A_10] : memref<2x8x125xi32, #tpu.memory_space<vmem>> -> memref<1x8x125xi32, #tpu.memory_space<vmem>>
    %dma_start3A_12 = tpu.memref_squeeze %dma_start3A_11 : memref<1x8x125xi32, #tpu.memory_space<vmem>> -> memref<8x125xi32, #tpu.memory_space<vmem>>
    %dma_start3A_13 = arith.constant 0 : i32
    %dma_start3A_14 = tpu.memref_slice %arg3[%add3A_8, %dma_start3A_13] : memref<5120x125xi32, #tpu.memory_space<hbm>> -> memref<8x125xi32, #tpu.memory_space<hbm>>
    %dma_start3A_15 = arith.constant 0 : i32
    %dma_start3A_16 = arith.constant 0 : i32
    %dma_start3A_17 = tpu.memref_slice %arg7[%dma_start3A, %dma_start3A_15, %dma_start3A_16] : memref<2x8x125xi32, #tpu.memory_space<vmem>> -> memref<1x8x125xi32, #tpu.memory_space<vmem>>
    %dma_start3A_18 = tpu.memref_squeeze %dma_start3A_17 : memref<1x8x125xi32, #tpu.memory_space<vmem>> -> memref<8x125xi32, #tpu.memory_space<vmem>>
    %dma_start3A_19 = arith.constant 0 : i32
    %dma_start3A_20 = tpu.memref_slice %arg3[%add3A_8, %dma_start3A_19] : memref<5120x125xi32, #tpu.memory_space<hbm>> -> memref<8x125xi32, #tpu.memory_space<hbm>>
    tpu.enqueue_dma source(%dma_start3A_20 : memref<8x125xi32, #tpu.memory_space<hbm>>) target(%dma_start3A_18 : memref<8x125xi32, #tpu.memory_space<vmem>>) target_semaphore(%arg14 : memref<!tpu.dma_semaphore, #tpu.memory_space<semaphore_mem>>)
    %add3A_21 = arith.constant 0 : i32
    %add3A_22 = arith.addi %mul3A_6, %add3A_21 : i32
    %dma_start3A_23 = arith.constant 0 : i32
    %dma_start3A_24 = arith.constant 0 : i32
    %dma_start3A_25 = arith.constant 0 : i32
    %dma_start3A_26 = tpu.memref_slice %arg8[%dma_start3A_23, %dma_start3A_24, %dma_start3A_25] : memref<2x8x125xi32, #tpu.memory_space<vmem>> -> memref<1x8x125xi32, #tpu.memory_space<vmem>>
    %dma_start3A_27 = tpu.memref_squeeze %dma_start3A_26 : memref<1x8x125xi32, #tpu.memory_space<vmem>> -> memref<8x125xi32, #tpu.memory_space<vmem>>
    %dma_start3A_28 = arith.constant 0 : i32
    %dma_start3A_29 = tpu.memref_slice %arg4[%add3A_22, %dma_start3A_28] : memref<2560x125xi32, #tpu.memory_space<hbm>> -> memref<8x125xi32, #tpu.memory_space<hbm>>
    %dma_start3A_30 = arith.constant 0 : i32
    %dma_start3A_31 = arith.constant 0 : i32
    %dma_start3A_32 = tpu.memref_slice %arg8[%dma_start3A_23, %dma_start3A_30, %dma_start3A_31] : memref<2x8x125xi32, #tpu.memory_space<vmem>> -> memref<1x8x125xi32, #tpu.memory_space<vmem>>
    %dma_start3A_33 = tpu.memref_squeeze %dma_start3A_32 : memref<1x8x125xi32, #tpu.memory_space<vmem>> -> memref<8x125xi32, #tpu.memory_space<vmem>>
    %dma_start3A_34 = arith.constant 0 : i32
    %dma_start3A_35 = tpu.memref_slice %arg4[%add3A_22, %dma_start3A_34] : memref<2560x125xi32, #tpu.memory_space<hbm>> -> memref<8x125xi32, #tpu.memory_space<hbm>>
    tpu.enqueue_dma source(%dma_start3A_35 : memref<8x125xi32, #tpu.memory_space<hbm>>) target(%dma_start3A_33 : memref<8x125xi32, #tpu.memory_space<vmem>>) target_semaphore(%arg14 : memref<!tpu.dma_semaphore, #tpu.memory_space<semaphore_mem>>)
    %add3A_36 = arith.constant 0 : i32
    %add3A_37 = arith.addi %add3A, %add3A_36 : i32
    %dma_wait3A = arith.constant 0 : i32
    %dma_wait3A_38 = arith.constant 0 : i32
    %dma_wait3A_39 = arith.constant 0 : i32
    %dma_wait3A_40 = tpu.memref_slice %arg7[%dma_wait3A, %dma_wait3A_38, %dma_wait3A_39] : memref<2x8x125xi32, #tpu.memory_space<vmem>> -> memref<1x8x125xi32, #tpu.memory_space<vmem>>
    %dma_wait3A_41 = tpu.memref_squeeze %dma_wait3A_40 : memref<1x8x125xi32, #tpu.memory_space<vmem>> -> memref<8x125xi32, #tpu.memory_space<vmem>>
    %dma_wait3A_42 = arith.constant 0 : i32
    %dma_wait3A_43 = tpu.memref_slice %arg3[%add3A_37, %dma_wait3A_42] : memref<5120x125xi32, #tpu.memory_space<hbm>> -> memref<8x125xi32, #tpu.memory_space<hbm>>
    %dma_wait3A_44 = arith.constant 0 : i32
    %dma_wait3A_45 = arith.constant 0 : i32
    %dma_wait3A_46 = tpu.memref_slice %arg7[%dma_wait3A, %dma_wait3A_44, %dma_wait3A_45] : memref<2x8x125xi32, #tpu.memory_space<vmem>> -> memref<1x8x125xi32, #tpu.memory_space<vmem>>
    %dma_wait3A_47 = tpu.memref_squeeze %dma_wait3A_46 : memref<1x8x125xi32, #tpu.memory_space<vmem>> -> memref<8x125xi32, #tpu.memory_space<vmem>>
    %dma_wait3A_48 = arith.constant 0 : i32
    %dma_wait3A_49 = tpu.memref_slice %arg3[%add3A_37, %dma_wait3A_48] : memref<5120x125xi32, #tpu.memory_space<hbm>> -> memref<8x125xi32, #tpu.memory_space<hbm>>
    tpu.wait_dma2 semaphore(%arg14 : memref<!tpu.dma_semaphore, #tpu.memory_space<semaphore_mem>>) src(%dma_wait3A_49 : memref<8x125xi32, #tpu.memory_space<hbm>>) dst(%dma_wait3A_47 : memref<8x125xi32, #tpu.memory_space<vmem>>)
    %add3A_50 = arith.constant 0 : i32
    %add3A_51 = arith.addi %mul3A_6, %add3A_50 : i32
    %dma_wait3A_52 = arith.constant 0 : i32
    %dma_wait3A_53 = arith.constant 0 : i32
    %dma_wait3A_54 = arith.constant 0 : i32
    %dma_wait3A_55 = tpu.memref_slice %arg8[%dma_wait3A_52, %dma_wait3A_53, %dma_wait3A_54] : memref<2x8x125xi32, #tpu.memory_space<vmem>> -> memref<1x8x125xi32, #tpu.memory_space<vmem>>
    %dma_wait3A_56 = tpu.memref_squeeze %dma_wait3A_55 : memref<1x8x125xi32, #tpu.memory_space<vmem>> -> memref<8x125xi32, #tpu.memory_space<vmem>>
    %dma_wait3A_57 = arith.constant 0 : i32
    %dma_wait3A_58 = tpu.memref_slice %arg4[%add3A_51, %dma_wait3A_57] : memref<2560x125xi32, #tpu.memory_space<hbm>> -> memref<8x125xi32, #tpu.memory_space<hbm>>
    %dma_wait3A_59 = arith.constant 0 : i32
    %dma_wait3A_60 = arith.constant 0 : i32
    %dma_wait3A_61 = tpu.memref_slice %arg8[%dma_wait3A_52, %dma_wait3A_59, %dma_wait3A_60] : memref<2x8x125xi32, #tpu.memory_space<vmem>> -> memref<1x8x125xi32, #tpu.memory_space<vmem>>
    %dma_wait3A_62 = tpu.memref_squeeze %dma_wait3A_61 : memref<1x8x125xi32, #tpu.memory_space<vmem>> -> memref<8x125xi32, #tpu.memory_space<vmem>>
    %dma_wait3A_63 = arith.constant 0 : i32
    %dma_wait3A_64 = tpu.memref_slice %arg4[%add3A_51, %dma_wait3A_63] : memref<2560x125xi32, #tpu.memory_space<hbm>> -> memref<8x125xi32, #tpu.memory_space<hbm>>
    tpu.wait_dma2 semaphore(%arg14 : memref<!tpu.dma_semaphore, #tpu.memory_space<semaphore_mem>>) src(%dma_wait3A_64 : memref<8x125xi32, #tpu.memory_space<hbm>>) dst(%dma_wait3A_62 : memref<8x125xi32, #tpu.memory_space<vmem>>)
    %dma_start3A_65 = arith.constant 0 : i32
    %dma_start3A_66 = arith.constant 0 : i32
    %dma_start3A_67 = arith.constant 0 : i32
    %dma_start3A_68 = arith.constant 0 : i32
    %dma_start3A_69 = tpu.memref_slice %arg7[%dma_start3A_65, %dma_start3A_67, %dma_start3A_68] : memref<2x8x125xi32, #tpu.memory_space<vmem>> -> memref<1x8x125xi32, #tpu.memory_space<vmem>>
    %dma_start3A_70 = tpu.memref_squeeze %dma_start3A_69 : memref<1x8x125xi32, #tpu.memory_space<vmem>> -> memref<8x125xi32, #tpu.memory_space<vmem>>
    %dma_start3A_71 = arith.constant 0 : i32
    %dma_start3A_72 = tpu.memref_slice %dma_start3A_70[%dma_start3A_66, %dma_start3A_71] : memref<8x125xi32, #tpu.memory_space<vmem>> -> memref<1x125xi32, #tpu.memory_space<vmem>>
    %dma_start3A_73 = tpu.memref_squeeze %dma_start3A_72 : memref<1x125xi32, #tpu.memory_space<vmem>> -> memref<125xi32, #tpu.memory_space<vmem>>
    %dma_start3A_74 = arith.constant 0 : i32
    %dma_start3A_75 = arith.constant 0 : i32
    %dma_start3A_76 = tpu.memref_slice %arg2[%dma_start3A_74, %dma_start3A_75] : memref<20000x128xf32, #tpu.memory_space<hbm>> -> memref<20000x128xf32, #tpu.memory_space<hbm>>
    tpu.enqueue_indirect_dma source(%dma_start3A_76 : memref<20000x128xf32, #tpu.memory_space<hbm>>) target(%arg9 : memref<125x128xf32, #tpu.memory_space<vmem>>) offsets(%dma_start3A_73 : memref<125xi32, #tpu.memory_space<vmem>>) semaphore(%arg12 : memref<!tpu.dma_semaphore, #tpu.memory_space<semaphore_mem>>)
    %dma_start3A_77 = arith.constant 0 : i32
    %dma_start3A_78 = arith.constant 1 : i32
    %dma_start3A_79 = arith.constant 0 : i32
    %dma_start3A_80 = arith.constant 0 : i32
    %dma_start3A_81 = tpu.memref_slice %arg7[%dma_start3A_77, %dma_start3A_79, %dma_start3A_80] : memref<2x8x125xi32, #tpu.memory_space<vmem>> -> memref<1x8x125xi32, #tpu.memory_space<vmem>>
    %dma_start3A_82 = tpu.memref_squeeze %dma_start3A_81 : memref<1x8x125xi32, #tpu.memory_space<vmem>> -> memref<8x125xi32, #tpu.memory_space<vmem>>
    %dma_start3A_83 = arith.constant 0 : i32
    %dma_start3A_84 = tpu.memref_slice %dma_start3A_82[%dma_start3A_78, %dma_start3A_83] : memref<8x125xi32, #tpu.memory_space<vmem>> -> memref<1x125xi32, #tpu.memory_space<vmem>>
    %dma_start3A_85 = tpu.memref_squeeze %dma_start3A_84 : memref<1x125xi32, #tpu.memory_space<vmem>> -> memref<125xi32, #tpu.memory_space<vmem>>
    %dma_start3A_86 = arith.constant 0 : i32
    %dma_start3A_87 = arith.constant 0 : i32
    %dma_start3A_88 = tpu.memref_slice %arg2[%dma_start3A_86, %dma_start3A_87] : memref<20000x128xf32, #tpu.memory_space<hbm>> -> memref<20000x128xf32, #tpu.memory_space<hbm>>
    tpu.enqueue_indirect_dma source(%dma_start3A_88 : memref<20000x128xf32, #tpu.memory_space<hbm>>) target(%arg10 : memref<125x128xf32, #tpu.memory_space<vmem>>) offsets(%dma_start3A_85 : memref<125xi32, #tpu.memory_space<vmem>>) semaphore(%arg13 : memref<!tpu.dma_semaphore, #tpu.memory_space<semaphore_mem>>)
    "tpu.region"() ({
      %run_scoped3A = tpu.sem_alloc : memref<!tpu.dma_semaphore, #tpu.memory_space<semaphore_mem>>
      %dma_start3A_104 = arith.constant 0 : i32
      %dma_start3A_105 = tpu.memref_slice %arg11[%mul3A_0, %dma_start3A_104] : memref<10000x128xf32, #tpu.memory_space<vmem_shared>> -> memref<624x128xf32, #tpu.memory_space<vmem_shared>>
      %dma_start3A_106 = arith.constant 0 : i32
      %dma_start3A_107 = tpu.memref_slice %arg5[%mul3A_0, %dma_start3A_106] : memref<10000x128xf32, #tpu.memory_space<hbm>> -> memref<624x128xf32, #tpu.memory_space<hbm>>
      tpu.enqueue_dma source(%dma_start3A_107 : memref<624x128xf32, #tpu.memory_space<hbm>>) target(%dma_start3A_105 : memref<624x128xf32, #tpu.memory_space<vmem_shared>>) target_semaphore(%run_scoped3A : memref<!tpu.dma_semaphore, #tpu.memory_space<semaphore_mem>>)
      %dma_wait3A_108 = arith.constant 0 : i32
      %dma_wait3A_109 = tpu.memref_slice %arg11[%mul3A_0, %dma_wait3A_108] : memref<10000x128xf32, #tpu.memory_space<vmem_shared>> -> memref<624x128xf32, #tpu.memory_space<vmem_shared>>
      %dma_wait3A_110 = arith.constant 0 : i32
      %dma_wait3A_111 = tpu.memref_slice %arg5[%mul3A_0, %dma_wait3A_110] : memref<10000x128xf32, #tpu.memory_space<hbm>> -> memref<624x128xf32, #tpu.memory_space<hbm>>
      tpu.wait_dma2 semaphore(%run_scoped3A : memref<!tpu.dma_semaphore, #tpu.memory_space<semaphore_mem>>) src(%dma_wait3A_111 : memref<624x128xf32, #tpu.memory_space<hbm>>) dst(%dma_wait3A_109 : memref<624x128xf32, #tpu.memory_space<vmem_shared>>)
      tpu.yield
    }) : () -> ()
    %eq3A = arith.constant 15 : i32
    %eq3A_89 = arith.cmpi eq, %arg1, %eq3A : i32
    %convert_element_type3A = arith.extui %eq3A_89 : i1 to i32
    %cond3A = arith.constant 0 : i32
    %cond3A_90 = arith.cmpi ne, %convert_element_type3A, %cond3A : i32
    scf.if %cond3A_90 {
      "tpu.region"() ({
        %run_scoped3A = tpu.sem_alloc : memref<!tpu.dma_semaphore, #tpu.memory_space<semaphore_mem>>
        %dma_start3A_104 = arith.constant 9984 : i32
        %dma_start3A_105 = arith.constant 0 : i32
        %dma_start3A_106 = tpu.memref_slice %arg11[%dma_start3A_104, %dma_start3A_105] : memref<10000x128xf32, #tpu.memory_space<vmem_shared>> -> memref<16x128xf32, #tpu.memory_space<vmem_shared>>
        %dma_start3A_107 = arith.constant 9984 : i32
        %dma_start3A_108 = arith.constant 0 : i32
        %dma_start3A_109 = tpu.memref_slice %arg5[%dma_start3A_107, %dma_start3A_108] : memref<10000x128xf32, #tpu.memory_space<hbm>> -> memref<16x128xf32, #tpu.memory_space<hbm>>
        tpu.enqueue_dma source(%dma_start3A_109 : memref<16x128xf32, #tpu.memory_space<hbm>>) target(%dma_start3A_106 : memref<16x128xf32, #tpu.memory_space<vmem_shared>>) target_semaphore(%run_scoped3A : memref<!tpu.dma_semaphore, #tpu.memory_space<semaphore_mem>>)
        %dma_wait3A_110 = arith.constant 9984 : i32
        %dma_wait3A_111 = arith.constant 0 : i32
        %dma_wait3A_112 = tpu.memref_slice %arg11[%dma_wait3A_110, %dma_wait3A_111] : memref<10000x128xf32, #tpu.memory_space<vmem_shared>> -> memref<16x128xf32, #tpu.memory_space<vmem_shared>>
        %dma_wait3A_113 = arith.constant 9984 : i32
        %dma_wait3A_114 = arith.constant 0 : i32
        %dma_wait3A_115 = tpu.memref_slice %arg5[%dma_wait3A_113, %dma_wait3A_114] : memref<10000x128xf32, #tpu.memory_space<hbm>> -> memref<16x128xf32, #tpu.memory_space<hbm>>
        tpu.wait_dma2 semaphore(%run_scoped3A : memref<!tpu.dma_semaphore, #tpu.memory_space<semaphore_mem>>) src(%dma_wait3A_115 : memref<16x128xf32, #tpu.memory_space<hbm>>) dst(%dma_wait3A_112 : memref<16x128xf32, #tpu.memory_space<vmem_shared>>)
        tpu.yield
      }) : () -> ()
    } else {
    }
    %barrier3A = arith.constant 0 : index
    tpu.barrier barrier_id(%barrier3A)
    %scan3A = arith.constant 0 : i32
    %scan3A_91 = arith.constant 10 : i32
    %scan3A_92 = arith.addi %scan3A, %scan3A_91 : i32
    %scan3A_93 = arith.constant 1 : i32
    scf.for %scan3A_104 = %scan3A to %scan3A_92 step %scan3A_93  : i32 {
      %mul3A_105 = arith.constant 1 : i32
      %mul3A_106 = arith.muli %scan3A_104, %mul3A_105 : i32
      %add3A_107 = arith.constant 0 : i32
      %add3A_108 = arith.addi %add3A_107, %mul3A_106 : i32
      %mul3A_109 = arith.constant 2 : i32
      %mul3A_110 = arith.muli %mul3A_109, %add3A_108 : i32
      %add3A_111 = arith.constant 1 : i32
      %add3A_112 = arith.addi %mul3A_110, %add3A_111 : i32
      %lt3A = arith.constant 20 : i32
      %lt3A_113 = arith.cmpi slt, %add3A_112, %lt3A : i32
      %convert_element_type3A_114 = arith.extui %lt3A_113 : i1 to i32
      %cond3A_115 = arith.constant 0 : i32
      %cond3A_116 = arith.cmpi ne, %convert_element_type3A_114, %cond3A_115 : i32
      scf.if %cond3A_116 {
        %add3A_523 = arith.constant 1 : i32
        %add3A_524 = arith.addi %mul3A_110, %add3A_523 : i32
        %mul3A_525 = arith.constant 8 : i32
        %mul3A_526 = arith.muli %add3A_524, %mul3A_525 : i32
        %add3A_527 = arith.addi %add3A, %mul3A_526 : i32
        %dma_start3A_528 = arith.constant 1 : i32
        %dma_start3A_529 = arith.constant 0 : i32
        %dma_start3A_530 = arith.constant 0 : i32
        %dma_start3A_531 = tpu.memref_slice %arg7[%dma_start3A_528, %dma_start3A_529, %dma_start3A_530] : memref<2x8x125xi32, #tpu.memory_space<vmem>> -> memref<1x8x125xi32, #tpu.memory_space<vmem>>
        %dma_start3A_532 = tpu.memref_squeeze %dma_start3A_531 : memref<1x8x125xi32, #tpu.memory_space<vmem>> -> memref<8x125xi32, #tpu.memory_space<vmem>>
        %dma_start3A_533 = arith.constant 0 : i32
        %dma_start3A_534 = tpu.memref_slice %arg3[%add3A_527, %dma_start3A_533] : memref<5120x125xi32, #tpu.memory_space<hbm>> -> memref<8x125xi32, #tpu.memory_space<hbm>>
        %dma_start3A_535 = arith.constant 0 : i32
        %dma_start3A_536 = arith.constant 0 : i32
        %dma_start3A_537 = tpu.memref_slice %arg7[%dma_start3A_528, %dma_start3A_535, %dma_start3A_536] : memref<2x8x125xi32, #tpu.memory_space<vmem>> -> memref<1x8x125xi32, #tpu.memory_space<vmem>>
        %dma_start3A_538 = tpu.memref_squeeze %dma_start3A_537 : memref<1x8x125xi32, #tpu.memory_space<vmem>> -> memref<8x125xi32, #tpu.memory_space<vmem>>
        %dma_start3A_539 = arith.constant 0 : i32
        %dma_start3A_540 = tpu.memref_slice %arg3[%add3A_527, %dma_start3A_539] : memref<5120x125xi32, #tpu.memory_space<hbm>> -> memref<8x125xi32, #tpu.memory_space<hbm>>
        tpu.enqueue_dma source(%dma_start3A_540 : memref<8x125xi32, #tpu.memory_space<hbm>>) target(%dma_start3A_538 : memref<8x125xi32, #tpu.memory_space<vmem>>) target_semaphore(%arg15 : memref<!tpu.dma_semaphore, #tpu.memory_space<semaphore_mem>>)
        %mul3A_541 = arith.constant 8 : i32
        %mul3A_542 = arith.muli %add3A_524, %mul3A_541 : i32
        %add3A_543 = arith.addi %mul3A_6, %mul3A_542 : i32
        %dma_start3A_544 = arith.constant 1 : i32
        %dma_start3A_545 = arith.constant 0 : i32
        %dma_start3A_546 = arith.constant 0 : i32
        %dma_start3A_547 = tpu.memref_slice %arg8[%dma_start3A_544, %dma_start3A_545, %dma_start3A_546] : memref<2x8x125xi32, #tpu.memory_space<vmem>> -> memref<1x8x125xi32, #tpu.memory_space<vmem>>
        %dma_start3A_548 = tpu.memref_squeeze %dma_start3A_547 : memref<1x8x125xi32, #tpu.memory_space<vmem>> -> memref<8x125xi32, #tpu.memory_space<vmem>>
        %dma_start3A_549 = arith.constant 0 : i32
        %dma_start3A_550 = tpu.memref_slice %arg4[%add3A_543, %dma_start3A_549] : memref<2560x125xi32, #tpu.memory_space<hbm>> -> memref<8x125xi32, #tpu.memory_space<hbm>>
        %dma_start3A_551 = arith.constant 0 : i32
        %dma_start3A_552 = arith.constant 0 : i32
        %dma_start3A_553 = tpu.memref_slice %arg8[%dma_start3A_544, %dma_start3A_551, %dma_start3A_552] : memref<2x8x125xi32, #tpu.memory_space<vmem>> -> memref<1x8x125xi32, #tpu.memory_space<vmem>>
        %dma_start3A_554 = tpu.memref_squeeze %dma_start3A_553 : memref<1x8x125xi32, #tpu.memory_space<vmem>> -> memref<8x125xi32, #tpu.memory_space<vmem>>
        %dma_start3A_555 = arith.constant 0 : i32
        %dma_start3A_556 = tpu.memref_slice %arg4[%add3A_543, %dma_start3A_555] : memref<2560x125xi32, #tpu.memory_space<hbm>> -> memref<8x125xi32, #tpu.memory_space<hbm>>
        tpu.enqueue_dma source(%dma_start3A_556 : memref<8x125xi32, #tpu.memory_space<hbm>>) target(%dma_start3A_554 : memref<8x125xi32, #tpu.memory_space<vmem>>) target_semaphore(%arg15 : memref<!tpu.dma_semaphore, #tpu.memory_space<semaphore_mem>>)
      } else {
      }
      %dma_wait3A_117 = arith.constant 0 : i32
      %dma_wait3A_118 = arith.constant 0 : i32
      %dma_wait3A_119 = arith.constant 0 : i32
      %dma_wait3A_120 = arith.constant 0 : i32
      %dma_wait3A_121 = tpu.memref_slice %arg7[%dma_wait3A_117, %dma_wait3A_119, %dma_wait3A_120] : memref<2x8x125xi32, #tpu.memory_space<vmem>> -> memref<1x8x125xi32, #tpu.memory_space<vmem>>
      %dma_wait3A_122 = tpu.memref_squeeze %dma_wait3A_121 : memref<1x8x125xi32, #tpu.memory_space<vmem>> -> memref<8x125xi32, #tpu.memory_space<vmem>>
      %dma_wait3A_123 = arith.constant 0 : i32
      %dma_wait3A_124 = tpu.memref_slice %dma_wait3A_122[%dma_wait3A_118, %dma_wait3A_123] : memref<8x125xi32, #tpu.memory_space<vmem>> -> memref<1x125xi32, #tpu.memory_space<vmem>>
      %dma_wait3A_125 = tpu.memref_squeeze %dma_wait3A_124 : memref<1x125xi32, #tpu.memory_space<vmem>> -> memref<125xi32, #tpu.memory_space<vmem>>
      %dma_wait3A_126 = arith.constant 0 : i32
      %dma_wait3A_127 = arith.constant 0 : i32
      %dma_wait3A_128 = tpu.memref_slice %arg2[%dma_wait3A_126, %dma_wait3A_127] : memref<20000x128xf32, #tpu.memory_space<hbm>> -> memref<20000x128xf32, #tpu.memory_space<hbm>>
      tpu.wait_indirect_dma semaphore(%arg12 : memref<!tpu.dma_semaphore, #tpu.memory_space<semaphore_mem>>) src(%dma_wait3A_128 : memref<20000x128xf32, #tpu.memory_space<hbm>>) dst(%arg9 : memref<125x128xf32, #tpu.memory_space<vmem>>)
      %run_scoped3A = arith.constant 0 : i32
      %run_scoped3A_129 = arith.constant 0 : i32
      "tpu.region"() ({
        %run_scoped3A_523 = tpu.sem_alloc : memref<!tpu.dma_semaphore, #tpu.memory_space<semaphore_mem>>
        %dma_start3A_524 = arith.constant 0 : i32
        %dma_start3A_525 = arith.constant 0 : i32
        %dma_start3A_526 = tpu.memref_slice %arg8[%run_scoped3A, %dma_start3A_524, %dma_start3A_525] : memref<2x8x125xi32, #tpu.memory_space<vmem>> -> memref<1x8x125xi32, #tpu.memory_space<vmem>>
        %dma_start3A_527 = tpu.memref_squeeze %dma_start3A_526 : memref<1x8x125xi32, #tpu.memory_space<vmem>> -> memref<8x125xi32, #tpu.memory_space<vmem>>
        %dma_start3A_528 = arith.constant 0 : i32
        %dma_start3A_529 = tpu.memref_slice %dma_start3A_527[%run_scoped3A_129, %dma_start3A_528] : memref<8x125xi32, #tpu.memory_space<vmem>> -> memref<1x125xi32, #tpu.memory_space<vmem>>
        %dma_start3A_530 = tpu.memref_squeeze %dma_start3A_529 : memref<1x125xi32, #tpu.memory_space<vmem>> -> memref<125xi32, #tpu.memory_space<vmem>>
        %dma_start3A_531 = arith.constant 0 : i32
        %dma_start3A_532 = arith.constant 0 : i32
        %dma_start3A_533 = tpu.memref_slice %arg11[%dma_start3A_531, %dma_start3A_532] : memref<10000x128xf32, #tpu.memory_space<vmem_shared>> -> memref<10000x128xf32, #tpu.memory_space<vmem_shared>>
        tpu.enqueue_indirect_dma source(%arg9 : memref<125x128xf32, #tpu.memory_space<vmem>>) target(%dma_start3A_533 : memref<10000x128xf32, #tpu.memory_space<vmem_shared>>) offsets(%dma_start3A_530 : memref<125xi32, #tpu.memory_space<vmem>>) semaphore(%run_scoped3A_523 : memref<!tpu.dma_semaphore, #tpu.memory_space<semaphore_mem>>) {add = true}
        %dma_wait3A_534 = arith.constant 0 : i32
        %dma_wait3A_535 = arith.constant 0 : i32
        %dma_wait3A_536 = tpu.memref_slice %arg8[%run_scoped3A, %dma_wait3A_534, %dma_wait3A_535] : memref<2x8x125xi32, #tpu.memory_space<vmem>> -> memref<1x8x125xi32, #tpu.memory_space<vmem>>
        %dma_wait3A_537 = tpu.memref_squeeze %dma_wait3A_536 : memref<1x8x125xi32, #tpu.memory_space<vmem>> -> memref<8x125xi32, #tpu.memory_space<vmem>>
        %dma_wait3A_538 = arith.constant 0 : i32
        %dma_wait3A_539 = tpu.memref_slice %dma_wait3A_537[%run_scoped3A_129, %dma_wait3A_538] : memref<8x125xi32, #tpu.memory_space<vmem>> -> memref<1x125xi32, #tpu.memory_space<vmem>>
        %dma_wait3A_540 = tpu.memref_squeeze %dma_wait3A_539 : memref<1x125xi32, #tpu.memory_space<vmem>> -> memref<125xi32, #tpu.memory_space<vmem>>
        %dma_wait3A_541 = arith.constant 0 : i32
        %dma_wait3A_542 = arith.constant 0 : i32
        %dma_wait3A_543 = tpu.memref_slice %arg11[%dma_wait3A_541, %dma_wait3A_542] : memref<10000x128xf32, #tpu.memory_space<vmem_shared>> -> memref<10000x128xf32, #tpu.memory_space<vmem_shared>>
        tpu.wait_indirect_dma semaphore(%run_scoped3A_523 : memref<!tpu.dma_semaphore, #tpu.memory_space<semaphore_mem>>) src(%arg9 : memref<125x128xf32, #tpu.memory_space<vmem>>) dst(%dma_wait3A_543 : memref<10000x128xf32, #tpu.memory_space<vmem_shared>>)
        tpu.yield
      }) : () -> ()
      %dma_start3A_130 = arith.constant 0 : i32
      %dma_start3A_131 = arith.constant 2 : i32
      %dma_start3A_132 = arith.constant 0 : i32
      %dma_start3A_133 = arith.constant 0 : i32
      %dma_start3A_134 = tpu.memref_slice %arg7[%dma_start3A_130, %dma_start3A_132, %dma_start3A_133] : memref<2x8x125xi32, #tpu.memory_space<vmem>> -> memref<1x8x125xi32, #tpu.memory_space<vmem>>
      %dma_start3A_135 = tpu.memref_squeeze %dma_start3A_134 : memref<1x8x125xi32, #tpu.memory_space<vmem>> -> memref<8x125xi32, #tpu.memory_space<vmem>>
      %dma_start3A_136 = arith.constant 0 : i32
      %dma_start3A_137 = tpu.memref_slice %dma_start3A_135[%dma_start3A_131, %dma_start3A_136] : memref<8x125xi32, #tpu.memory_space<vmem>> -> memref<1x125xi32, #tpu.memory_space<vmem>>
      %dma_start3A_138 = tpu.memref_squeeze %dma_start3A_137 : memref<1x125xi32, #tpu.memory_space<vmem>> -> memref<125xi32, #tpu.memory_space<vmem>>
      %dma_start3A_139 = arith.constant 0 : i32
      %dma_start3A_140 = arith.constant 0 : i32
      %dma_start3A_141 = tpu.memref_slice %arg2[%dma_start3A_139, %dma_start3A_140] : memref<20000x128xf32, #tpu.memory_space<hbm>> -> memref<20000x128xf32, #tpu.memory_space<hbm>>
      tpu.enqueue_indirect_dma source(%dma_start3A_141 : memref<20000x128xf32, #tpu.memory_space<hbm>>) target(%arg9 : memref<125x128xf32, #tpu.memory_space<vmem>>) offsets(%dma_start3A_138 : memref<125xi32, #tpu.memory_space<vmem>>) semaphore(%arg12 : memref<!tpu.dma_semaphore, #tpu.memory_space<semaphore_mem>>)
      %dma_wait3A_142 = arith.constant 0 : i32
      %dma_wait3A_143 = arith.constant 1 : i32
      %dma_wait3A_144 = arith.constant 0 : i32
      %dma_wait3A_145 = arith.constant 0 : i32
      %dma_wait3A_146 = tpu.memref_slice %arg7[%dma_wait3A_142, %dma_wait3A_144, %dma_wait3A_145] : memref<2x8x125xi32, #tpu.memory_space<vmem>> -> memref<1x8x125xi32, #tpu.memory_space<vmem>>
      %dma_wait3A_147 = tpu.memref_squeeze %dma_wait3A_146 : memref<1x8x125xi32, #tpu.memory_space<vmem>> -> memref<8x125xi32, #tpu.memory_space<vmem>>
      %dma_wait3A_148 = arith.constant 0 : i32
      %dma_wait3A_149 = tpu.memref_slice %dma_wait3A_147[%dma_wait3A_143, %dma_wait3A_148] : memref<8x125xi32, #tpu.memory_space<vmem>> -> memref<1x125xi32, #tpu.memory_space<vmem>>
      %dma_wait3A_150 = tpu.memref_squeeze %dma_wait3A_149 : memref<1x125xi32, #tpu.memory_space<vmem>> -> memref<125xi32, #tpu.memory_space<vmem>>
      %dma_wait3A_151 = arith.constant 0 : i32
      %dma_wait3A_152 = arith.constant 0 : i32
      %dma_wait3A_153 = tpu.memref_slice %arg2[%dma_wait3A_151, %dma_wait3A_152] : memref<20000x128xf32, #tpu.memory_space<hbm>> -> memref<20000x128xf32, #tpu.memory_space<hbm>>
      tpu.wait_indirect_dma semaphore(%arg13 : memref<!tpu.dma_semaphore, #tpu.memory_space<semaphore_mem>>) src(%dma_wait3A_153 : memref<20000x128xf32, #tpu.memory_space<hbm>>) dst(%arg10 : memref<125x128xf32, #tpu.memory_space<vmem>>)
      %run_scoped3A_154 = arith.constant 0 : i32
      %run_scoped3A_155 = arith.constant 1 : i32
      "tpu.region"() ({
        %run_scoped3A_523 = tpu.sem_alloc : memref<!tpu.dma_semaphore, #tpu.memory_space<semaphore_mem>>
        %dma_start3A_524 = arith.constant 0 : i32
        %dma_start3A_525 = arith.constant 0 : i32
        %dma_start3A_526 = tpu.memref_slice %arg8[%run_scoped3A_154, %dma_start3A_524, %dma_start3A_525] : memref<2x8x125xi32, #tpu.memory_space<vmem>> -> memref<1x8x125xi32, #tpu.memory_space<vmem>>
        %dma_start3A_527 = tpu.memref_squeeze %dma_start3A_526 : memref<1x8x125xi32, #tpu.memory_space<vmem>> -> memref<8x125xi32, #tpu.memory_space<vmem>>
        %dma_start3A_528 = arith.constant 0 : i32
        %dma_start3A_529 = tpu.memref_slice %dma_start3A_527[%run_scoped3A_155, %dma_start3A_528] : memref<8x125xi32, #tpu.memory_space<vmem>> -> memref<1x125xi32, #tpu.memory_space<vmem>>
        %dma_start3A_530 = tpu.memref_squeeze %dma_start3A_529 : memref<1x125xi32, #tpu.memory_space<vmem>> -> memref<125xi32, #tpu.memory_space<vmem>>
        %dma_start3A_531 = arith.constant 0 : i32
        %dma_start3A_532 = arith.constant 0 : i32
        %dma_start3A_533 = tpu.memref_slice %arg11[%dma_start3A_531, %dma_start3A_532] : memref<10000x128xf32, #tpu.memory_space<vmem_shared>> -> memref<10000x128xf32, #tpu.memory_space<vmem_shared>>
        tpu.enqueue_indirect_dma source(%arg10 : memref<125x128xf32, #tpu.memory_space<vmem>>) target(%dma_start3A_533 : memref<10000x128xf32, #tpu.memory_space<vmem_shared>>) offsets(%dma_start3A_530 : memref<125xi32, #tpu.memory_space<vmem>>) semaphore(%run_scoped3A_523 : memref<!tpu.dma_semaphore, #tpu.memory_space<semaphore_mem>>) {add = true}
        %dma_wait3A_534 = arith.constant 0 : i32
        %dma_wait3A_535 = arith.constant 0 : i32
        %dma_wait3A_536 = tpu.memref_slice %arg8[%run_scoped3A_154, %dma_wait3A_534, %dma_wait3A_535] : memref<2x8x125xi32, #tpu.memory_space<vmem>> -> memref<1x8x125xi32, #tpu.memory_space<vmem>>
        %dma_wait3A_537 = tpu.memref_squeeze %dma_wait3A_536 : memref<1x8x125xi32, #tpu.memory_space<vmem>> -> memref<8x125xi32, #tpu.memory_space<vmem>>
        %dma_wait3A_538 = arith.constant 0 : i32
        %dma_wait3A_539 = tpu.memref_slice %dma_wait3A_537[%run_scoped3A_155, %dma_wait3A_538] : memref<8x125xi32, #tpu.memory_space<vmem>> -> memref<1x125xi32, #tpu.memory_space<vmem>>
        %dma_wait3A_540 = tpu.memref_squeeze %dma_wait3A_539 : memref<1x125xi32, #tpu.memory_space<vmem>> -> memref<125xi32, #tpu.memory_space<vmem>>
        %dma_wait3A_541 = arith.constant 0 : i32
        %dma_wait3A_542 = arith.constant 0 : i32
        %dma_wait3A_543 = tpu.memref_slice %arg11[%dma_wait3A_541, %dma_wait3A_542] : memref<10000x128xf32, #tpu.memory_space<vmem_shared>> -> memref<10000x128xf32, #tpu.memory_space<vmem_shared>>
        tpu.wait_indirect_dma semaphore(%run_scoped3A_523 : memref<!tpu.dma_semaphore, #tpu.memory_space<semaphore_mem>>) src(%arg10 : memref<125x128xf32, #tpu.memory_space<vmem>>) dst(%dma_wait3A_543 : memref<10000x128xf32, #tpu.memory_space<vmem_shared>>)
        tpu.yield
      }) : () -> ()
      %dma_start3A_156 = arith.constant 0 : i32
      %dma_start3A_157 = arith.constant 3 : i32
      %dma_start3A_158 = arith.constant 0 : i32
      %dma_start3A_159 = arith.constant 0 : i32
      %dma_start3A_160 = tpu.memref_slice %arg7[%dma_start3A_156, %dma_start3A_158, %dma_start3A_159] : memref<2x8x125xi32, #tpu.memory_space<vmem>> -> memref<1x8x125xi32, #tpu.memory_space<vmem>>
      %dma_start3A_161 = tpu.memref_squeeze %dma_start3A_160 : memref<1x8x125xi32, #tpu.memory_space<vmem>> -> memref<8x125xi32, #tpu.memory_space<vmem>>
      %dma_start3A_162 = arith.constant 0 : i32
      %dma_start3A_163 = tpu.memref_slice %dma_start3A_161[%dma_start3A_157, %dma_start3A_162] : memref<8x125xi32, #tpu.memory_space<vmem>> -> memref<1x125xi32, #tpu.memory_space<vmem>>
      %dma_start3A_164 = tpu.memref_squeeze %dma_start3A_163 : memref<1x125xi32, #tpu.memory_space<vmem>> -> memref<125xi32, #tpu.memory_space<vmem>>
      %dma_start3A_165 = arith.constant 0 : i32
      %dma_start3A_166 = arith.constant 0 : i32
      %dma_start3A_167 = tpu.memref_slice %arg2[%dma_start3A_165, %dma_start3A_166] : memref<20000x128xf32, #tpu.memory_space<hbm>> -> memref<20000x128xf32, #tpu.memory_space<hbm>>
      tpu.enqueue_indirect_dma source(%dma_start3A_167 : memref<20000x128xf32, #tpu.memory_space<hbm>>) target(%arg10 : memref<125x128xf32, #tpu.memory_space<vmem>>) offsets(%dma_start3A_164 : memref<125xi32, #tpu.memory_space<vmem>>) semaphore(%arg13 : memref<!tpu.dma_semaphore, #tpu.memory_space<semaphore_mem>>)
      %dma_wait3A_168 = arith.constant 0 : i32
      %dma_wait3A_169 = arith.constant 2 : i32
      %dma_wait3A_170 = arith.constant 0 : i32
      %dma_wait3A_171 = arith.constant 0 : i32
      %dma_wait3A_172 = tpu.memref_slice %arg7[%dma_wait3A_168, %dma_wait3A_170, %dma_wait3A_171] : memref<2x8x125xi32, #tpu.memory_space<vmem>> -> memref<1x8x125xi32, #tpu.memory_space<vmem>>
      %dma_wait3A_173 = tpu.memref_squeeze %dma_wait3A_172 : memref<1x8x125xi32, #tpu.memory_space<vmem>> -> memref<8x125xi32, #tpu.memory_space<vmem>>
      %dma_wait3A_174 = arith.constant 0 : i32
      %dma_wait3A_175 = tpu.memref_slice %dma_wait3A_173[%dma_wait3A_169, %dma_wait3A_174] : memref<8x125xi32, #tpu.memory_space<vmem>> -> memref<1x125xi32, #tpu.memory_space<vmem>>
      %dma_wait3A_176 = tpu.memref_squeeze %dma_wait3A_175 : memref<1x125xi32, #tpu.memory_space<vmem>> -> memref<125xi32, #tpu.memory_space<vmem>>
      %dma_wait3A_177 = arith.constant 0 : i32
      %dma_wait3A_178 = arith.constant 0 : i32
      %dma_wait3A_179 = tpu.memref_slice %arg2[%dma_wait3A_177, %dma_wait3A_178] : memref<20000x128xf32, #tpu.memory_space<hbm>> -> memref<20000x128xf32, #tpu.memory_space<hbm>>
      tpu.wait_indirect_dma semaphore(%arg12 : memref<!tpu.dma_semaphore, #tpu.memory_space<semaphore_mem>>) src(%dma_wait3A_179 : memref<20000x128xf32, #tpu.memory_space<hbm>>) dst(%arg9 : memref<125x128xf32, #tpu.memory_space<vmem>>)
      %run_scoped3A_180 = arith.constant 0 : i32
      %run_scoped3A_181 = arith.constant 2 : i32
      "tpu.region"() ({
        %run_scoped3A_523 = tpu.sem_alloc : memref<!tpu.dma_semaphore, #tpu.memory_space<semaphore_mem>>
        %dma_start3A_524 = arith.constant 0 : i32
        %dma_start3A_525 = arith.constant 0 : i32
        %dma_start3A_526 = tpu.memref_slice %arg8[%run_scoped3A_180, %dma_start3A_524, %dma_start3A_525] : memref<2x8x125xi32, #tpu.memory_space<vmem>> -> memref<1x8x125xi32, #tpu.memory_space<vmem>>
        %dma_start3A_527 = tpu.memref_squeeze %dma_start3A_526 : memref<1x8x125xi32, #tpu.memory_space<vmem>> -> memref<8x125xi32, #tpu.memory_space<vmem>>
        %dma_start3A_528 = arith.constant 0 : i32
        %dma_start3A_529 = tpu.memref_slice %dma_start3A_527[%run_scoped3A_181, %dma_start3A_528] : memref<8x125xi32, #tpu.memory_space<vmem>> -> memref<1x125xi32, #tpu.memory_space<vmem>>
        %dma_start3A_530 = tpu.memref_squeeze %dma_start3A_529 : memref<1x125xi32, #tpu.memory_space<vmem>> -> memref<125xi32, #tpu.memory_space<vmem>>
        %dma_start3A_531 = arith.constant 0 : i32
        %dma_start3A_532 = arith.constant 0 : i32
        %dma_start3A_533 = tpu.memref_slice %arg11[%dma_start3A_531, %dma_start3A_532] : memref<10000x128xf32, #tpu.memory_space<vmem_shared>> -> memref<10000x128xf32, #tpu.memory_space<vmem_shared>>
        tpu.enqueue_indirect_dma source(%arg9 : memref<125x128xf32, #tpu.memory_space<vmem>>) target(%dma_start3A_533 : memref<10000x128xf32, #tpu.memory_space<vmem_shared>>) offsets(%dma_start3A_530 : memref<125xi32, #tpu.memory_space<vmem>>) semaphore(%run_scoped3A_523 : memref<!tpu.dma_semaphore, #tpu.memory_space<semaphore_mem>>) {add = true}
        %dma_wait3A_534 = arith.constant 0 : i32
        %dma_wait3A_535 = arith.constant 0 : i32
        %dma_wait3A_536 = tpu.memref_slice %arg8[%run_scoped3A_180, %dma_wait3A_534, %dma_wait3A_535] : memref<2x8x125xi32, #tpu.memory_space<vmem>> -> memref<1x8x125xi32, #tpu.memory_space<vmem>>
        %dma_wait3A_537 = tpu.memref_squeeze %dma_wait3A_536 : memref<1x8x125xi32, #tpu.memory_space<vmem>> -> memref<8x125xi32, #tpu.memory_space<vmem>>
        %dma_wait3A_538 = arith.constant 0 : i32
        %dma_wait3A_539 = tpu.memref_slice %dma_wait3A_537[%run_scoped3A_181, %dma_wait3A_538] : memref<8x125xi32, #tpu.memory_space<vmem>> -> memref<1x125xi32, #tpu.memory_space<vmem>>
        %dma_wait3A_540 = tpu.memref_squeeze %dma_wait3A_539 : memref<1x125xi32, #tpu.memory_space<vmem>> -> memref<125xi32, #tpu.memory_space<vmem>>
        %dma_wait3A_541 = arith.constant 0 : i32
        %dma_wait3A_542 = arith.constant 0 : i32
        %dma_wait3A_543 = tpu.memref_slice %arg11[%dma_wait3A_541, %dma_wait3A_542] : memref<10000x128xf32, #tpu.memory_space<vmem_shared>> -> memref<10000x128xf32, #tpu.memory_space<vmem_shared>>
        tpu.wait_indirect_dma semaphore(%run_scoped3A_523 : memref<!tpu.dma_semaphore, #tpu.memory_space<semaphore_mem>>) src(%arg9 : memref<125x128xf32, #tpu.memory_space<vmem>>) dst(%dma_wait3A_543 : memref<10000x128xf32, #tpu.memory_space<vmem_shared>>)
        tpu.yield
      }) : () -> ()
      %dma_start3A_182 = arith.constant 0 : i32
      %dma_start3A_183 = arith.constant 4 : i32
      %dma_start3A_184 = arith.constant 0 : i32
      %dma_start3A_185 = arith.constant 0 : i32
      %dma_start3A_186 = tpu.memref_slice %arg7[%dma_start3A_182, %dma_start3A_184, %dma_start3A_185] : memref<2x8x125xi32, #tpu.memory_space<vmem>> -> memref<1x8x125xi32, #tpu.memory_space<vmem>>
      %dma_start3A_187 = tpu.memref_squeeze %dma_start3A_186 : memref<1x8x125xi32, #tpu.memory_space<vmem>> -> memref<8x125xi32, #tpu.memory_space<vmem>>
      %dma_start3A_188 = arith.constant 0 : i32
      %dma_start3A_189 = tpu.memref_slice %dma_start3A_187[%dma_start3A_183, %dma_start3A_188] : memref<8x125xi32, #tpu.memory_space<vmem>> -> memref<1x125xi32, #tpu.memory_space<vmem>>
      %dma_start3A_190 = tpu.memref_squeeze %dma_start3A_189 : memref<1x125xi32, #tpu.memory_space<vmem>> -> memref<125xi32, #tpu.memory_space<vmem>>
      %dma_start3A_191 = arith.constant 0 : i32
      %dma_start3A_192 = arith.constant 0 : i32
      %dma_start3A_193 = tpu.memref_slice %arg2[%dma_start3A_191, %dma_start3A_192] : memref<20000x128xf32, #tpu.memory_space<hbm>> -> memref<20000x128xf32, #tpu.memory_space<hbm>>
      tpu.enqueue_indirect_dma source(%dma_start3A_193 : memref<20000x128xf32, #tpu.memory_space<hbm>>) target(%arg9 : memref<125x128xf32, #tpu.memory_space<vmem>>) offsets(%dma_start3A_190 : memref<125xi32, #tpu.memory_space<vmem>>) semaphore(%arg12 : memref<!tpu.dma_semaphore, #tpu.memory_space<semaphore_mem>>)
      %dma_wait3A_194 = arith.constant 0 : i32
      %dma_wait3A_195 = arith.constant 3 : i32
      %dma_wait3A_196 = arith.constant 0 : i32
      %dma_wait3A_197 = arith.constant 0 : i32
      %dma_wait3A_198 = tpu.memref_slice %arg7[%dma_wait3A_194, %dma_wait3A_196, %dma_wait3A_197] : memref<2x8x125xi32, #tpu.memory_space<vmem>> -> memref<1x8x125xi32, #tpu.memory_space<vmem>>
      %dma_wait3A_199 = tpu.memref_squeeze %dma_wait3A_198 : memref<1x8x125xi32, #tpu.memory_space<vmem>> -> memref<8x125xi32, #tpu.memory_space<vmem>>
      %dma_wait3A_200 = arith.constant 0 : i32
      %dma_wait3A_201 = tpu.memref_slice %dma_wait3A_199[%dma_wait3A_195, %dma_wait3A_200] : memref<8x125xi32, #tpu.memory_space<vmem>> -> memref<1x125xi32, #tpu.memory_space<vmem>>
      %dma_wait3A_202 = tpu.memref_squeeze %dma_wait3A_201 : memref<1x125xi32, #tpu.memory_space<vmem>> -> memref<125xi32, #tpu.memory_space<vmem>>
      %dma_wait3A_203 = arith.constant 0 : i32
      %dma_wait3A_204 = arith.constant 0 : i32
      %dma_wait3A_205 = tpu.memref_slice %arg2[%dma_wait3A_203, %dma_wait3A_204] : memref<20000x128xf32, #tpu.memory_space<hbm>> -> memref<20000x128xf32, #tpu.memory_space<hbm>>
      tpu.wait_indirect_dma semaphore(%arg13 : memref<!tpu.dma_semaphore, #tpu.memory_space<semaphore_mem>>) src(%dma_wait3A_205 : memref<20000x128xf32, #tpu.memory_space<hbm>>) dst(%arg10 : memref<125x128xf32, #tpu.memory_space<vmem>>)
      %run_scoped3A_206 = arith.constant 0 : i32
      %run_scoped3A_207 = arith.constant 3 : i32
      "tpu.region"() ({
        %run_scoped3A_523 = tpu.sem_alloc : memref<!tpu.dma_semaphore, #tpu.memory_space<semaphore_mem>>
        %dma_start3A_524 = arith.constant 0 : i32
        %dma_start3A_525 = arith.constant 0 : i32
        %dma_start3A_526 = tpu.memref_slice %arg8[%run_scoped3A_206, %dma_start3A_524, %dma_start3A_525] : memref<2x8x125xi32, #tpu.memory_space<vmem>> -> memref<1x8x125xi32, #tpu.memory_space<vmem>>
        %dma_start3A_527 = tpu.memref_squeeze %dma_start3A_526 : memref<1x8x125xi32, #tpu.memory_space<vmem>> -> memref<8x125xi32, #tpu.memory_space<vmem>>
        %dma_start3A_528 = arith.constant 0 : i32
        %dma_start3A_529 = tpu.memref_slice %dma_start3A_527[%run_scoped3A_207, %dma_start3A_528] : memref<8x125xi32, #tpu.memory_space<vmem>> -> memref<1x125xi32, #tpu.memory_space<vmem>>
        %dma_start3A_530 = tpu.memref_squeeze %dma_start3A_529 : memref<1x125xi32, #tpu.memory_space<vmem>> -> memref<125xi32, #tpu.memory_space<vmem>>
        %dma_start3A_531 = arith.constant 0 : i32
        %dma_start3A_532 = arith.constant 0 : i32
        %dma_start3A_533 = tpu.memref_slice %arg11[%dma_start3A_531, %dma_start3A_532] : memref<10000x128xf32, #tpu.memory_space<vmem_shared>> -> memref<10000x128xf32, #tpu.memory_space<vmem_shared>>
        tpu.enqueue_indirect_dma source(%arg10 : memref<125x128xf32, #tpu.memory_space<vmem>>) target(%dma_start3A_533 : memref<10000x128xf32, #tpu.memory_space<vmem_shared>>) offsets(%dma_start3A_530 : memref<125xi32, #tpu.memory_space<vmem>>) semaphore(%run_scoped3A_523 : memref<!tpu.dma_semaphore, #tpu.memory_space<semaphore_mem>>) {add = true}
        %dma_wait3A_534 = arith.constant 0 : i32
        %dma_wait3A_535 = arith.constant 0 : i32
        %dma_wait3A_536 = tpu.memref_slice %arg8[%run_scoped3A_206, %dma_wait3A_534, %dma_wait3A_535] : memref<2x8x125xi32, #tpu.memory_space<vmem>> -> memref<1x8x125xi32, #tpu.memory_space<vmem>>
        %dma_wait3A_537 = tpu.memref_squeeze %dma_wait3A_536 : memref<1x8x125xi32, #tpu.memory_space<vmem>> -> memref<8x125xi32, #tpu.memory_space<vmem>>
        %dma_wait3A_538 = arith.constant 0 : i32
        %dma_wait3A_539 = tpu.memref_slice %dma_wait3A_537[%run_scoped3A_207, %dma_wait3A_538] : memref<8x125xi32, #tpu.memory_space<vmem>> -> memref<1x125xi32, #tpu.memory_space<vmem>>
        %dma_wait3A_540 = tpu.memref_squeeze %dma_wait3A_539 : memref<1x125xi32, #tpu.memory_space<vmem>> -> memref<125xi32, #tpu.memory_space<vmem>>
        %dma_wait3A_541 = arith.constant 0 : i32
        %dma_wait3A_542 = arith.constant 0 : i32
        %dma_wait3A_543 = tpu.memref_slice %arg11[%dma_wait3A_541, %dma_wait3A_542] : memref<10000x128xf32, #tpu.memory_space<vmem_shared>> -> memref<10000x128xf32, #tpu.memory_space<vmem_shared>>
        tpu.wait_indirect_dma semaphore(%run_scoped3A_523 : memref<!tpu.dma_semaphore, #tpu.memory_space<semaphore_mem>>) src(%arg10 : memref<125x128xf32, #tpu.memory_space<vmem>>) dst(%dma_wait3A_543 : memref<10000x128xf32, #tpu.memory_space<vmem_shared>>)
        tpu.yield
      }) : () -> ()
      %dma_start3A_208 = arith.constant 0 : i32
      %dma_start3A_209 = arith.constant 5 : i32
      %dma_start3A_210 = arith.constant 0 : i32
      %dma_start3A_211 = arith.constant 0 : i32
      %dma_start3A_212 = tpu.memref_slice %arg7[%dma_start3A_208, %dma_start3A_210, %dma_start3A_211] : memref<2x8x125xi32, #tpu.memory_space<vmem>> -> memref<1x8x125xi32, #tpu.memory_space<vmem>>
      %dma_start3A_213 = tpu.memref_squeeze %dma_start3A_212 : memref<1x8x125xi32, #tpu.memory_space<vmem>> -> memref<8x125xi32, #tpu.memory_space<vmem>>
      %dma_start3A_214 = arith.constant 0 : i32
      %dma_start3A_215 = tpu.memref_slice %dma_start3A_213[%dma_start3A_209, %dma_start3A_214] : memref<8x125xi32, #tpu.memory_space<vmem>> -> memref<1x125xi32, #tpu.memory_space<vmem>>
      %dma_start3A_216 = tpu.memref_squeeze %dma_start3A_215 : memref<1x125xi32, #tpu.memory_space<vmem>> -> memref<125xi32, #tpu.memory_space<vmem>>
      %dma_start3A_217 = arith.constant 0 : i32
      %dma_start3A_218 = arith.constant 0 : i32
      %dma_start3A_219 = tpu.memref_slice %arg2[%dma_start3A_217, %dma_start3A_218] : memref<20000x128xf32, #tpu.memory_space<hbm>> -> memref<20000x128xf32, #tpu.memory_space<hbm>>
      tpu.enqueue_indirect_dma source(%dma_start3A_219 : memref<20000x128xf32, #tpu.memory_space<hbm>>) target(%arg10 : memref<125x128xf32, #tpu.memory_space<vmem>>) offsets(%dma_start3A_216 : memref<125xi32, #tpu.memory_space<vmem>>) semaphore(%arg13 : memref<!tpu.dma_semaphore, #tpu.memory_space<semaphore_mem>>)
      %dma_wait3A_220 = arith.constant 0 : i32
      %dma_wait3A_221 = arith.constant 4 : i32
      %dma_wait3A_222 = arith.constant 0 : i32
      %dma_wait3A_223 = arith.constant 0 : i32
      %dma_wait3A_224 = tpu.memref_slice %arg7[%dma_wait3A_220, %dma_wait3A_222, %dma_wait3A_223] : memref<2x8x125xi32, #tpu.memory_space<vmem>> -> memref<1x8x125xi32, #tpu.memory_space<vmem>>
      %dma_wait3A_225 = tpu.memref_squeeze %dma_wait3A_224 : memref<1x8x125xi32, #tpu.memory_space<vmem>> -> memref<8x125xi32, #tpu.memory_space<vmem>>
      %dma_wait3A_226 = arith.constant 0 : i32
      %dma_wait3A_227 = tpu.memref_slice %dma_wait3A_225[%dma_wait3A_221, %dma_wait3A_226] : memref<8x125xi32, #tpu.memory_space<vmem>> -> memref<1x125xi32, #tpu.memory_space<vmem>>
      %dma_wait3A_228 = tpu.memref_squeeze %dma_wait3A_227 : memref<1x125xi32, #tpu.memory_space<vmem>> -> memref<125xi32, #tpu.memory_space<vmem>>
      %dma_wait3A_229 = arith.constant 0 : i32
      %dma_wait3A_230 = arith.constant 0 : i32
      %dma_wait3A_231 = tpu.memref_slice %arg2[%dma_wait3A_229, %dma_wait3A_230] : memref<20000x128xf32, #tpu.memory_space<hbm>> -> memref<20000x128xf32, #tpu.memory_space<hbm>>
      tpu.wait_indirect_dma semaphore(%arg12 : memref<!tpu.dma_semaphore, #tpu.memory_space<semaphore_mem>>) src(%dma_wait3A_231 : memref<20000x128xf32, #tpu.memory_space<hbm>>) dst(%arg9 : memref<125x128xf32, #tpu.memory_space<vmem>>)
      %run_scoped3A_232 = arith.constant 0 : i32
      %run_scoped3A_233 = arith.constant 4 : i32
      "tpu.region"() ({
        %run_scoped3A_523 = tpu.sem_alloc : memref<!tpu.dma_semaphore, #tpu.memory_space<semaphore_mem>>
        %dma_start3A_524 = arith.constant 0 : i32
        %dma_start3A_525 = arith.constant 0 : i32
        %dma_start3A_526 = tpu.memref_slice %arg8[%run_scoped3A_232, %dma_start3A_524, %dma_start3A_525] : memref<2x8x125xi32, #tpu.memory_space<vmem>> -> memref<1x8x125xi32, #tpu.memory_space<vmem>>
        %dma_start3A_527 = tpu.memref_squeeze %dma_start3A_526 : memref<1x8x125xi32, #tpu.memory_space<vmem>> -> memref<8x125xi32, #tpu.memory_space<vmem>>
        %dma_start3A_528 = arith.constant 0 : i32
        %dma_start3A_529 = tpu.memref_slice %dma_start3A_527[%run_scoped3A_233, %dma_start3A_528] : memref<8x125xi32, #tpu.memory_space<vmem>> -> memref<1x125xi32, #tpu.memory_space<vmem>>
        %dma_start3A_530 = tpu.memref_squeeze %dma_start3A_529 : memref<1x125xi32, #tpu.memory_space<vmem>> -> memref<125xi32, #tpu.memory_space<vmem>>
        %dma_start3A_531 = arith.constant 0 : i32
        %dma_start3A_532 = arith.constant 0 : i32
        %dma_start3A_533 = tpu.memref_slice %arg11[%dma_start3A_531, %dma_start3A_532] : memref<10000x128xf32, #tpu.memory_space<vmem_shared>> -> memref<10000x128xf32, #tpu.memory_space<vmem_shared>>
        tpu.enqueue_indirect_dma source(%arg9 : memref<125x128xf32, #tpu.memory_space<vmem>>) target(%dma_start3A_533 : memref<10000x128xf32, #tpu.memory_space<vmem_shared>>) offsets(%dma_start3A_530 : memref<125xi32, #tpu.memory_space<vmem>>) semaphore(%run_scoped3A_523 : memref<!tpu.dma_semaphore, #tpu.memory_space<semaphore_mem>>) {add = true}
        %dma_wait3A_534 = arith.constant 0 : i32
        %dma_wait3A_535 = arith.constant 0 : i32
        %dma_wait3A_536 = tpu.memref_slice %arg8[%run_scoped3A_232, %dma_wait3A_534, %dma_wait3A_535] : memref<2x8x125xi32, #tpu.memory_space<vmem>> -> memref<1x8x125xi32, #tpu.memory_space<vmem>>
        %dma_wait3A_537 = tpu.memref_squeeze %dma_wait3A_536 : memref<1x8x125xi32, #tpu.memory_space<vmem>> -> memref<8x125xi32, #tpu.memory_space<vmem>>
        %dma_wait3A_538 = arith.constant 0 : i32
        %dma_wait3A_539 = tpu.memref_slice %dma_wait3A_537[%run_scoped3A_233, %dma_wait3A_538] : memref<8x125xi32, #tpu.memory_space<vmem>> -> memref<1x125xi32, #tpu.memory_space<vmem>>
        %dma_wait3A_540 = tpu.memref_squeeze %dma_wait3A_539 : memref<1x125xi32, #tpu.memory_space<vmem>> -> memref<125xi32, #tpu.memory_space<vmem>>
        %dma_wait3A_541 = arith.constant 0 : i32
        %dma_wait3A_542 = arith.constant 0 : i32
        %dma_wait3A_543 = tpu.memref_slice %arg11[%dma_wait3A_541, %dma_wait3A_542] : memref<10000x128xf32, #tpu.memory_space<vmem_shared>> -> memref<10000x128xf32, #tpu.memory_space<vmem_shared>>
        tpu.wait_indirect_dma semaphore(%run_scoped3A_523 : memref<!tpu.dma_semaphore, #tpu.memory_space<semaphore_mem>>) src(%arg9 : memref<125x128xf32, #tpu.memory_space<vmem>>) dst(%dma_wait3A_543 : memref<10000x128xf32, #tpu.memory_space<vmem_shared>>)
        tpu.yield
      }) : () -> ()
      %dma_start3A_234 = arith.constant 0 : i32
      %dma_start3A_235 = arith.constant 6 : i32
      %dma_start3A_236 = arith.constant 0 : i32
      %dma_start3A_237 = arith.constant 0 : i32
      %dma_start3A_238 = tpu.memref_slice %arg7[%dma_start3A_234, %dma_start3A_236, %dma_start3A_237] : memref<2x8x125xi32, #tpu.memory_space<vmem>> -> memref<1x8x125xi32, #tpu.memory_space<vmem>>
      %dma_start3A_239 = tpu.memref_squeeze %dma_start3A_238 : memref<1x8x125xi32, #tpu.memory_space<vmem>> -> memref<8x125xi32, #tpu.memory_space<vmem>>
      %dma_start3A_240 = arith.constant 0 : i32
      %dma_start3A_241 = tpu.memref_slice %dma_start3A_239[%dma_start3A_235, %dma_start3A_240] : memref<8x125xi32, #tpu.memory_space<vmem>> -> memref<1x125xi32, #tpu.memory_space<vmem>>
      %dma_start3A_242 = tpu.memref_squeeze %dma_start3A_241 : memref<1x125xi32, #tpu.memory_space<vmem>> -> memref<125xi32, #tpu.memory_space<vmem>>
      %dma_start3A_243 = arith.constant 0 : i32
      %dma_start3A_244 = arith.constant 0 : i32
      %dma_start3A_245 = tpu.memref_slice %arg2[%dma_start3A_243, %dma_start3A_244] : memref<20000x128xf32, #tpu.memory_space<hbm>> -> memref<20000x128xf32, #tpu.memory_space<hbm>>
      tpu.enqueue_indirect_dma source(%dma_start3A_245 : memref<20000x128xf32, #tpu.memory_space<hbm>>) target(%arg9 : memref<125x128xf32, #tpu.memory_space<vmem>>) offsets(%dma_start3A_242 : memref<125xi32, #tpu.memory_space<vmem>>) semaphore(%arg12 : memref<!tpu.dma_semaphore, #tpu.memory_space<semaphore_mem>>)
      %dma_wait3A_246 = arith.constant 0 : i32
      %dma_wait3A_247 = arith.constant 5 : i32
      %dma_wait3A_248 = arith.constant 0 : i32
      %dma_wait3A_249 = arith.constant 0 : i32
      %dma_wait3A_250 = tpu.memref_slice %arg7[%dma_wait3A_246, %dma_wait3A_248, %dma_wait3A_249] : memref<2x8x125xi32, #tpu.memory_space<vmem>> -> memref<1x8x125xi32, #tpu.memory_space<vmem>>
      %dma_wait3A_251 = tpu.memref_squeeze %dma_wait3A_250 : memref<1x8x125xi32, #tpu.memory_space<vmem>> -> memref<8x125xi32, #tpu.memory_space<vmem>>
      %dma_wait3A_252 = arith.constant 0 : i32
      %dma_wait3A_253 = tpu.memref_slice %dma_wait3A_251[%dma_wait3A_247, %dma_wait3A_252] : memref<8x125xi32, #tpu.memory_space<vmem>> -> memref<1x125xi32, #tpu.memory_space<vmem>>
      %dma_wait3A_254 = tpu.memref_squeeze %dma_wait3A_253 : memref<1x125xi32, #tpu.memory_space<vmem>> -> memref<125xi32, #tpu.memory_space<vmem>>
      %dma_wait3A_255 = arith.constant 0 : i32
      %dma_wait3A_256 = arith.constant 0 : i32
      %dma_wait3A_257 = tpu.memref_slice %arg2[%dma_wait3A_255, %dma_wait3A_256] : memref<20000x128xf32, #tpu.memory_space<hbm>> -> memref<20000x128xf32, #tpu.memory_space<hbm>>
      tpu.wait_indirect_dma semaphore(%arg13 : memref<!tpu.dma_semaphore, #tpu.memory_space<semaphore_mem>>) src(%dma_wait3A_257 : memref<20000x128xf32, #tpu.memory_space<hbm>>) dst(%arg10 : memref<125x128xf32, #tpu.memory_space<vmem>>)
      %run_scoped3A_258 = arith.constant 0 : i32
      %run_scoped3A_259 = arith.constant 5 : i32
      "tpu.region"() ({
        %run_scoped3A_523 = tpu.sem_alloc : memref<!tpu.dma_semaphore, #tpu.memory_space<semaphore_mem>>
        %dma_start3A_524 = arith.constant 0 : i32
        %dma_start3A_525 = arith.constant 0 : i32
        %dma_start3A_526 = tpu.memref_slice %arg8[%run_scoped3A_258, %dma_start3A_524, %dma_start3A_525] : memref<2x8x125xi32, #tpu.memory_space<vmem>> -> memref<1x8x125xi32, #tpu.memory_space<vmem>>
        %dma_start3A_527 = tpu.memref_squeeze %dma_start3A_526 : memref<1x8x125xi32, #tpu.memory_space<vmem>> -> memref<8x125xi32, #tpu.memory_space<vmem>>
        %dma_start3A_528 = arith.constant 0 : i32
        %dma_start3A_529 = tpu.memref_slice %dma_start3A_527[%run_scoped3A_259, %dma_start3A_528] : memref<8x125xi32, #tpu.memory_space<vmem>> -> memref<1x125xi32, #tpu.memory_space<vmem>>
        %dma_start3A_530 = tpu.memref_squeeze %dma_start3A_529 : memref<1x125xi32, #tpu.memory_space<vmem>> -> memref<125xi32, #tpu.memory_space<vmem>>
        %dma_start3A_531 = arith.constant 0 : i32
        %dma_start3A_532 = arith.constant 0 : i32
        %dma_start3A_533 = tpu.memref_slice %arg11[%dma_start3A_531, %dma_start3A_532] : memref<10000x128xf32, #tpu.memory_space<vmem_shared>> -> memref<10000x128xf32, #tpu.memory_space<vmem_shared>>
        tpu.enqueue_indirect_dma source(%arg10 : memref<125x128xf32, #tpu.memory_space<vmem>>) target(%dma_start3A_533 : memref<10000x128xf32, #tpu.memory_space<vmem_shared>>) offsets(%dma_start3A_530 : memref<125xi32, #tpu.memory_space<vmem>>) semaphore(%run_scoped3A_523 : memref<!tpu.dma_semaphore, #tpu.memory_space<semaphore_mem>>) {add = true}
        %dma_wait3A_534 = arith.constant 0 : i32
        %dma_wait3A_535 = arith.constant 0 : i32
        %dma_wait3A_536 = tpu.memref_slice %arg8[%run_scoped3A_258, %dma_wait3A_534, %dma_wait3A_535] : memref<2x8x125xi32, #tpu.memory_space<vmem>> -> memref<1x8x125xi32, #tpu.memory_space<vmem>>
        %dma_wait3A_537 = tpu.memref_squeeze %dma_wait3A_536 : memref<1x8x125xi32, #tpu.memory_space<vmem>> -> memref<8x125xi32, #tpu.memory_space<vmem>>
        %dma_wait3A_538 = arith.constant 0 : i32
        %dma_wait3A_539 = tpu.memref_slice %dma_wait3A_537[%run_scoped3A_259, %dma_wait3A_538] : memref<8x125xi32, #tpu.memory_space<vmem>> -> memref<1x125xi32, #tpu.memory_space<vmem>>
        %dma_wait3A_540 = tpu.memref_squeeze %dma_wait3A_539 : memref<1x125xi32, #tpu.memory_space<vmem>> -> memref<125xi32, #tpu.memory_space<vmem>>
        %dma_wait3A_541 = arith.constant 0 : i32
        %dma_wait3A_542 = arith.constant 0 : i32
        %dma_wait3A_543 = tpu.memref_slice %arg11[%dma_wait3A_541, %dma_wait3A_542] : memref<10000x128xf32, #tpu.memory_space<vmem_shared>> -> memref<10000x128xf32, #tpu.memory_space<vmem_shared>>
        tpu.wait_indirect_dma semaphore(%run_scoped3A_523 : memref<!tpu.dma_semaphore, #tpu.memory_space<semaphore_mem>>) src(%arg10 : memref<125x128xf32, #tpu.memory_space<vmem>>) dst(%dma_wait3A_543 : memref<10000x128xf32, #tpu.memory_space<vmem_shared>>)
        tpu.yield
      }) : () -> ()
      %dma_start3A_260 = arith.constant 0 : i32
      %dma_start3A_261 = arith.constant 7 : i32
      %dma_start3A_262 = arith.constant 0 : i32
      %dma_start3A_263 = arith.constant 0 : i32
      %dma_start3A_264 = tpu.memref_slice %arg7[%dma_start3A_260, %dma_start3A_262, %dma_start3A_263] : memref<2x8x125xi32, #tpu.memory_space<vmem>> -> memref<1x8x125xi32, #tpu.memory_space<vmem>>
      %dma_start3A_265 = tpu.memref_squeeze %dma_start3A_264 : memref<1x8x125xi32, #tpu.memory_space<vmem>> -> memref<8x125xi32, #tpu.memory_space<vmem>>
      %dma_start3A_266 = arith.constant 0 : i32
      %dma_start3A_267 = tpu.memref_slice %dma_start3A_265[%dma_start3A_261, %dma_start3A_266] : memref<8x125xi32, #tpu.memory_space<vmem>> -> memref<1x125xi32, #tpu.memory_space<vmem>>
      %dma_start3A_268 = tpu.memref_squeeze %dma_start3A_267 : memref<1x125xi32, #tpu.memory_space<vmem>> -> memref<125xi32, #tpu.memory_space<vmem>>
      %dma_start3A_269 = arith.constant 0 : i32
      %dma_start3A_270 = arith.constant 0 : i32
      %dma_start3A_271 = tpu.memref_slice %arg2[%dma_start3A_269, %dma_start3A_270] : memref<20000x128xf32, #tpu.memory_space<hbm>> -> memref<20000x128xf32, #tpu.memory_space<hbm>>
      tpu.enqueue_indirect_dma source(%dma_start3A_271 : memref<20000x128xf32, #tpu.memory_space<hbm>>) target(%arg10 : memref<125x128xf32, #tpu.memory_space<vmem>>) offsets(%dma_start3A_268 : memref<125xi32, #tpu.memory_space<vmem>>) semaphore(%arg13 : memref<!tpu.dma_semaphore, #tpu.memory_space<semaphore_mem>>)
      %dma_wait3A_272 = arith.constant 0 : i32
      %dma_wait3A_273 = arith.constant 6 : i32
      %dma_wait3A_274 = arith.constant 0 : i32
      %dma_wait3A_275 = arith.constant 0 : i32
      %dma_wait3A_276 = tpu.memref_slice %arg7[%dma_wait3A_272, %dma_wait3A_274, %dma_wait3A_275] : memref<2x8x125xi32, #tpu.memory_space<vmem>> -> memref<1x8x125xi32, #tpu.memory_space<vmem>>
      %dma_wait3A_277 = tpu.memref_squeeze %dma_wait3A_276 : memref<1x8x125xi32, #tpu.memory_space<vmem>> -> memref<8x125xi32, #tpu.memory_space<vmem>>
      %dma_wait3A_278 = arith.constant 0 : i32
      %dma_wait3A_279 = tpu.memref_slice %dma_wait3A_277[%dma_wait3A_273, %dma_wait3A_278] : memref<8x125xi32, #tpu.memory_space<vmem>> -> memref<1x125xi32, #tpu.memory_space<vmem>>
      %dma_wait3A_280 = tpu.memref_squeeze %dma_wait3A_279 : memref<1x125xi32, #tpu.memory_space<vmem>> -> memref<125xi32, #tpu.memory_space<vmem>>
      %dma_wait3A_281 = arith.constant 0 : i32
      %dma_wait3A_282 = arith.constant 0 : i32
      %dma_wait3A_283 = tpu.memref_slice %arg2[%dma_wait3A_281, %dma_wait3A_282] : memref<20000x128xf32, #tpu.memory_space<hbm>> -> memref<20000x128xf32, #tpu.memory_space<hbm>>
      tpu.wait_indirect_dma semaphore(%arg12 : memref<!tpu.dma_semaphore, #tpu.memory_space<semaphore_mem>>) src(%dma_wait3A_283 : memref<20000x128xf32, #tpu.memory_space<hbm>>) dst(%arg9 : memref<125x128xf32, #tpu.memory_space<vmem>>)
      %run_scoped3A_284 = arith.constant 0 : i32
      %run_scoped3A_285 = arith.constant 6 : i32
      "tpu.region"() ({
        %run_scoped3A_523 = tpu.sem_alloc : memref<!tpu.dma_semaphore, #tpu.memory_space<semaphore_mem>>
        %dma_start3A_524 = arith.constant 0 : i32
        %dma_start3A_525 = arith.constant 0 : i32
        %dma_start3A_526 = tpu.memref_slice %arg8[%run_scoped3A_284, %dma_start3A_524, %dma_start3A_525] : memref<2x8x125xi32, #tpu.memory_space<vmem>> -> memref<1x8x125xi32, #tpu.memory_space<vmem>>
        %dma_start3A_527 = tpu.memref_squeeze %dma_start3A_526 : memref<1x8x125xi32, #tpu.memory_space<vmem>> -> memref<8x125xi32, #tpu.memory_space<vmem>>
        %dma_start3A_528 = arith.constant 0 : i32
        %dma_start3A_529 = tpu.memref_slice %dma_start3A_527[%run_scoped3A_285, %dma_start3A_528] : memref<8x125xi32, #tpu.memory_space<vmem>> -> memref<1x125xi32, #tpu.memory_space<vmem>>
        %dma_start3A_530 = tpu.memref_squeeze %dma_start3A_529 : memref<1x125xi32, #tpu.memory_space<vmem>> -> memref<125xi32, #tpu.memory_space<vmem>>
        %dma_start3A_531 = arith.constant 0 : i32
        %dma_start3A_532 = arith.constant 0 : i32
        %dma_start3A_533 = tpu.memref_slice %arg11[%dma_start3A_531, %dma_start3A_532] : memref<10000x128xf32, #tpu.memory_space<vmem_shared>> -> memref<10000x128xf32, #tpu.memory_space<vmem_shared>>
        tpu.enqueue_indirect_dma source(%arg9 : memref<125x128xf32, #tpu.memory_space<vmem>>) target(%dma_start3A_533 : memref<10000x128xf32, #tpu.memory_space<vmem_shared>>) offsets(%dma_start3A_530 : memref<125xi32, #tpu.memory_space<vmem>>) semaphore(%run_scoped3A_523 : memref<!tpu.dma_semaphore, #tpu.memory_space<semaphore_mem>>) {add = true}
        %dma_wait3A_534 = arith.constant 0 : i32
        %dma_wait3A_535 = arith.constant 0 : i32
        %dma_wait3A_536 = tpu.memref_slice %arg8[%run_scoped3A_284, %dma_wait3A_534, %dma_wait3A_535] : memref<2x8x125xi32, #tpu.memory_space<vmem>> -> memref<1x8x125xi32, #tpu.memory_space<vmem>>
        %dma_wait3A_537 = tpu.memref_squeeze %dma_wait3A_536 : memref<1x8x125xi32, #tpu.memory_space<vmem>> -> memref<8x125xi32, #tpu.memory_space<vmem>>
        %dma_wait3A_538 = arith.constant 0 : i32
        %dma_wait3A_539 = tpu.memref_slice %dma_wait3A_537[%run_scoped3A_285, %dma_wait3A_538] : memref<8x125xi32, #tpu.memory_space<vmem>> -> memref<1x125xi32, #tpu.memory_space<vmem>>
        %dma_wait3A_540 = tpu.memref_squeeze %dma_wait3A_539 : memref<1x125xi32, #tpu.memory_space<vmem>> -> memref<125xi32, #tpu.memory_space<vmem>>
        %dma_wait3A_541 = arith.constant 0 : i32
        %dma_wait3A_542 = arith.constant 0 : i32
        %dma_wait3A_543 = tpu.memref_slice %arg11[%dma_wait3A_541, %dma_wait3A_542] : memref<10000x128xf32, #tpu.memory_space<vmem_shared>> -> memref<10000x128xf32, #tpu.memory_space<vmem_shared>>
        tpu.wait_indirect_dma semaphore(%run_scoped3A_523 : memref<!tpu.dma_semaphore, #tpu.memory_space<semaphore_mem>>) src(%arg9 : memref<125x128xf32, #tpu.memory_space<vmem>>) dst(%dma_wait3A_543 : memref<10000x128xf32, #tpu.memory_space<vmem_shared>>)
        tpu.yield
      }) : () -> ()
      %add3A_286 = arith.constant 1 : i32
      %add3A_287 = arith.addi %mul3A_110, %add3A_286 : i32
      %lt3A_288 = arith.constant 20 : i32
      %lt3A_289 = arith.cmpi slt, %add3A_287, %lt3A_288 : i32
      %convert_element_type3A_290 = arith.extui %lt3A_289 : i1 to i32
      %cond3A_291 = arith.constant 0 : i32
      %cond3A_292 = arith.cmpi ne, %convert_element_type3A_290, %cond3A_291 : i32
      scf.if %cond3A_292 {
        %add3A_523 = arith.constant 1 : i32
        %add3A_524 = arith.addi %mul3A_110, %add3A_523 : i32
        %mul3A_525 = arith.constant 8 : i32
        %mul3A_526 = arith.muli %add3A_524, %mul3A_525 : i32
        %add3A_527 = arith.addi %add3A, %mul3A_526 : i32
        %dma_wait3A_528 = arith.constant 1 : i32
        %dma_wait3A_529 = arith.constant 0 : i32
        %dma_wait3A_530 = arith.constant 0 : i32
        %dma_wait3A_531 = tpu.memref_slice %arg7[%dma_wait3A_528, %dma_wait3A_529, %dma_wait3A_530] : memref<2x8x125xi32, #tpu.memory_space<vmem>> -> memref<1x8x125xi32, #tpu.memory_space<vmem>>
        %dma_wait3A_532 = tpu.memref_squeeze %dma_wait3A_531 : memref<1x8x125xi32, #tpu.memory_space<vmem>> -> memref<8x125xi32, #tpu.memory_space<vmem>>
        %dma_wait3A_533 = arith.constant 0 : i32
        %dma_wait3A_534 = tpu.memref_slice %arg3[%add3A_527, %dma_wait3A_533] : memref<5120x125xi32, #tpu.memory_space<hbm>> -> memref<8x125xi32, #tpu.memory_space<hbm>>
        %dma_wait3A_535 = arith.constant 0 : i32
        %dma_wait3A_536 = arith.constant 0 : i32
        %dma_wait3A_537 = tpu.memref_slice %arg7[%dma_wait3A_528, %dma_wait3A_535, %dma_wait3A_536] : memref<2x8x125xi32, #tpu.memory_space<vmem>> -> memref<1x8x125xi32, #tpu.memory_space<vmem>>
        %dma_wait3A_538 = tpu.memref_squeeze %dma_wait3A_537 : memref<1x8x125xi32, #tpu.memory_space<vmem>> -> memref<8x125xi32, #tpu.memory_space<vmem>>
        %dma_wait3A_539 = arith.constant 0 : i32
        %dma_wait3A_540 = tpu.memref_slice %arg3[%add3A_527, %dma_wait3A_539] : memref<5120x125xi32, #tpu.memory_space<hbm>> -> memref<8x125xi32, #tpu.memory_space<hbm>>
        tpu.wait_dma2 semaphore(%arg15 : memref<!tpu.dma_semaphore, #tpu.memory_space<semaphore_mem>>) src(%dma_wait3A_540 : memref<8x125xi32, #tpu.memory_space<hbm>>) dst(%dma_wait3A_538 : memref<8x125xi32, #tpu.memory_space<vmem>>)
        %mul3A_541 = arith.constant 8 : i32
        %mul3A_542 = arith.muli %add3A_524, %mul3A_541 : i32
        %add3A_543 = arith.addi %mul3A_6, %mul3A_542 : i32
        %dma_wait3A_544 = arith.constant 1 : i32
        %dma_wait3A_545 = arith.constant 0 : i32
        %dma_wait3A_546 = arith.constant 0 : i32
        %dma_wait3A_547 = tpu.memref_slice %arg8[%dma_wait3A_544, %dma_wait3A_545, %dma_wait3A_546] : memref<2x8x125xi32, #tpu.memory_space<vmem>> -> memref<1x8x125xi32, #tpu.memory_space<vmem>>
        %dma_wait3A_548 = tpu.memref_squeeze %dma_wait3A_547 : memref<1x8x125xi32, #tpu.memory_space<vmem>> -> memref<8x125xi32, #tpu.memory_space<vmem>>
        %dma_wait3A_549 = arith.constant 0 : i32
        %dma_wait3A_550 = tpu.memref_slice %arg4[%add3A_543, %dma_wait3A_549] : memref<2560x125xi32, #tpu.memory_space<hbm>> -> memref<8x125xi32, #tpu.memory_space<hbm>>
        %dma_wait3A_551 = arith.constant 0 : i32
        %dma_wait3A_552 = arith.constant 0 : i32
        %dma_wait3A_553 = tpu.memref_slice %arg8[%dma_wait3A_544, %dma_wait3A_551, %dma_wait3A_552] : memref<2x8x125xi32, #tpu.memory_space<vmem>> -> memref<1x8x125xi32, #tpu.memory_space<vmem>>
        %dma_wait3A_554 = tpu.memref_squeeze %dma_wait3A_553 : memref<1x8x125xi32, #tpu.memory_space<vmem>> -> memref<8x125xi32, #tpu.memory_space<vmem>>
        %dma_wait3A_555 = arith.constant 0 : i32
        %dma_wait3A_556 = tpu.memref_slice %arg4[%add3A_543, %dma_wait3A_555] : memref<2560x125xi32, #tpu.memory_space<hbm>> -> memref<8x125xi32, #tpu.memory_space<hbm>>
        tpu.wait_dma2 semaphore(%arg15 : memref<!tpu.dma_semaphore, #tpu.memory_space<semaphore_mem>>) src(%dma_wait3A_556 : memref<8x125xi32, #tpu.memory_space<hbm>>) dst(%dma_wait3A_554 : memref<8x125xi32, #tpu.memory_space<vmem>>)
        %dma_start3A_557 = arith.constant 1 : i32
        %dma_start3A_558 = arith.constant 0 : i32
        %dma_start3A_559 = arith.constant 0 : i32
        %dma_start3A_560 = arith.constant 0 : i32
        %dma_start3A_561 = tpu.memref_slice %arg7[%dma_start3A_557, %dma_start3A_559, %dma_start3A_560] : memref<2x8x125xi32, #tpu.memory_space<vmem>> -> memref<1x8x125xi32, #tpu.memory_space<vmem>>
        %dma_start3A_562 = tpu.memref_squeeze %dma_start3A_561 : memref<1x8x125xi32, #tpu.memory_space<vmem>> -> memref<8x125xi32, #tpu.memory_space<vmem>>
        %dma_start3A_563 = arith.constant 0 : i32
        %dma_start3A_564 = tpu.memref_slice %dma_start3A_562[%dma_start3A_558, %dma_start3A_563] : memref<8x125xi32, #tpu.memory_space<vmem>> -> memref<1x125xi32, #tpu.memory_space<vmem>>
        %dma_start3A_565 = tpu.memref_squeeze %dma_start3A_564 : memref<1x125xi32, #tpu.memory_space<vmem>> -> memref<125xi32, #tpu.memory_space<vmem>>
        %dma_start3A_566 = arith.constant 0 : i32
        %dma_start3A_567 = arith.constant 0 : i32
        %dma_start3A_568 = tpu.memref_slice %arg2[%dma_start3A_566, %dma_start3A_567] : memref<20000x128xf32, #tpu.memory_space<hbm>> -> memref<20000x128xf32, #tpu.memory_space<hbm>>
        tpu.enqueue_indirect_dma source(%dma_start3A_568 : memref<20000x128xf32, #tpu.memory_space<hbm>>) target(%arg9 : memref<125x128xf32, #tpu.memory_space<vmem>>) offsets(%dma_start3A_565 : memref<125xi32, #tpu.memory_space<vmem>>) semaphore(%arg12 : memref<!tpu.dma_semaphore, #tpu.memory_space<semaphore_mem>>)
      } else {
      }
      %dma_wait3A_293 = arith.constant 0 : i32
      %dma_wait3A_294 = arith.constant 7 : i32
      %dma_wait3A_295 = arith.constant 0 : i32
      %dma_wait3A_296 = arith.constant 0 : i32
      %dma_wait3A_297 = tpu.memref_slice %arg7[%dma_wait3A_293, %dma_wait3A_295, %dma_wait3A_296] : memref<2x8x125xi32, #tpu.memory_space<vmem>> -> memref<1x8x125xi32, #tpu.memory_space<vmem>>
      %dma_wait3A_298 = tpu.memref_squeeze %dma_wait3A_297 : memref<1x8x125xi32, #tpu.memory_space<vmem>> -> memref<8x125xi32, #tpu.memory_space<vmem>>
      %dma_wait3A_299 = arith.constant 0 : i32
      %dma_wait3A_300 = tpu.memref_slice %dma_wait3A_298[%dma_wait3A_294, %dma_wait3A_299] : memref<8x125xi32, #tpu.memory_space<vmem>> -> memref<1x125xi32, #tpu.memory_space<vmem>>
      %dma_wait3A_301 = tpu.memref_squeeze %dma_wait3A_300 : memref<1x125xi32, #tpu.memory_space<vmem>> -> memref<125xi32, #tpu.memory_space<vmem>>
      %dma_wait3A_302 = arith.constant 0 : i32
      %dma_wait3A_303 = arith.constant 0 : i32
      %dma_wait3A_304 = tpu.memref_slice %arg2[%dma_wait3A_302, %dma_wait3A_303] : memref<20000x128xf32, #tpu.memory_space<hbm>> -> memref<20000x128xf32, #tpu.memory_space<hbm>>
      tpu.wait_indirect_dma semaphore(%arg13 : memref<!tpu.dma_semaphore, #tpu.memory_space<semaphore_mem>>) src(%dma_wait3A_304 : memref<20000x128xf32, #tpu.memory_space<hbm>>) dst(%arg10 : memref<125x128xf32, #tpu.memory_space<vmem>>)
      %run_scoped3A_305 = arith.constant 0 : i32
      %run_scoped3A_306 = arith.constant 7 : i32
      "tpu.region"() ({
        %run_scoped3A_523 = tpu.sem_alloc : memref<!tpu.dma_semaphore, #tpu.memory_space<semaphore_mem>>
        %dma_start3A_524 = arith.constant 0 : i32
        %dma_start3A_525 = arith.constant 0 : i32
        %dma_start3A_526 = tpu.memref_slice %arg8[%run_scoped3A_305, %dma_start3A_524, %dma_start3A_525] : memref<2x8x125xi32, #tpu.memory_space<vmem>> -> memref<1x8x125xi32, #tpu.memory_space<vmem>>
        %dma_start3A_527 = tpu.memref_squeeze %dma_start3A_526 : memref<1x8x125xi32, #tpu.memory_space<vmem>> -> memref<8x125xi32, #tpu.memory_space<vmem>>
        %dma_start3A_528 = arith.constant 0 : i32
        %dma_start3A_529 = tpu.memref_slice %dma_start3A_527[%run_scoped3A_306, %dma_start3A_528] : memref<8x125xi32, #tpu.memory_space<vmem>> -> memref<1x125xi32, #tpu.memory_space<vmem>>
        %dma_start3A_530 = tpu.memref_squeeze %dma_start3A_529 : memref<1x125xi32, #tpu.memory_space<vmem>> -> memref<125xi32, #tpu.memory_space<vmem>>
        %dma_start3A_531 = arith.constant 0 : i32
        %dma_start3A_532 = arith.constant 0 : i32
        %dma_start3A_533 = tpu.memref_slice %arg11[%dma_start3A_531, %dma_start3A_532] : memref<10000x128xf32, #tpu.memory_space<vmem_shared>> -> memref<10000x128xf32, #tpu.memory_space<vmem_shared>>
        tpu.enqueue_indirect_dma source(%arg10 : memref<125x128xf32, #tpu.memory_space<vmem>>) target(%dma_start3A_533 : memref<10000x128xf32, #tpu.memory_space<vmem_shared>>) offsets(%dma_start3A_530 : memref<125xi32, #tpu.memory_space<vmem>>) semaphore(%run_scoped3A_523 : memref<!tpu.dma_semaphore, #tpu.memory_space<semaphore_mem>>) {add = true}
        %dma_wait3A_534 = arith.constant 0 : i32
        %dma_wait3A_535 = arith.constant 0 : i32
        %dma_wait3A_536 = tpu.memref_slice %arg8[%run_scoped3A_305, %dma_wait3A_534, %dma_wait3A_535] : memref<2x8x125xi32, #tpu.memory_space<vmem>> -> memref<1x8x125xi32, #tpu.memory_space<vmem>>
        %dma_wait3A_537 = tpu.memref_squeeze %dma_wait3A_536 : memref<1x8x125xi32, #tpu.memory_space<vmem>> -> memref<8x125xi32, #tpu.memory_space<vmem>>
        %dma_wait3A_538 = arith.constant 0 : i32
        %dma_wait3A_539 = tpu.memref_slice %dma_wait3A_537[%run_scoped3A_306, %dma_wait3A_538] : memref<8x125xi32, #tpu.memory_space<vmem>> -> memref<1x125xi32, #tpu.memory_space<vmem>>
        %dma_wait3A_540 = tpu.memref_squeeze %dma_wait3A_539 : memref<1x125xi32, #tpu.memory_space<vmem>> -> memref<125xi32, #tpu.memory_space<vmem>>
        %dma_wait3A_541 = arith.constant 0 : i32
        %dma_wait3A_542 = arith.constant 0 : i32
        %dma_wait3A_543 = tpu.memref_slice %arg11[%dma_wait3A_541, %dma_wait3A_542] : memref<10000x128xf32, #tpu.memory_space<vmem_shared>> -> memref<10000x128xf32, #tpu.memory_space<vmem_shared>>
        tpu.wait_indirect_dma semaphore(%run_scoped3A_523 : memref<!tpu.dma_semaphore, #tpu.memory_space<semaphore_mem>>) src(%arg10 : memref<125x128xf32, #tpu.memory_space<vmem>>) dst(%dma_wait3A_543 : memref<10000x128xf32, #tpu.memory_space<vmem_shared>>)
        tpu.yield
      }) : () -> ()
      %add3A_307 = arith.constant 1 : i32
      %add3A_308 = arith.addi %mul3A_110, %add3A_307 : i32
      %lt3A_309 = arith.constant 20 : i32
      %lt3A_310 = arith.cmpi slt, %add3A_308, %lt3A_309 : i32
      %convert_element_type3A_311 = arith.extui %lt3A_310 : i1 to i32
      %cond3A_312 = arith.constant 0 : i32
      %cond3A_313 = arith.cmpi ne, %convert_element_type3A_311, %cond3A_312 : i32
      scf.if %cond3A_313 {
        %dma_start3A_523 = arith.constant 1 : i32
        %dma_start3A_524 = arith.constant 1 : i32
        %dma_start3A_525 = arith.constant 0 : i32
        %dma_start3A_526 = arith.constant 0 : i32
        %dma_start3A_527 = tpu.memref_slice %arg7[%dma_start3A_523, %dma_start3A_525, %dma_start3A_526] : memref<2x8x125xi32, #tpu.memory_space<vmem>> -> memref<1x8x125xi32, #tpu.memory_space<vmem>>
        %dma_start3A_528 = tpu.memref_squeeze %dma_start3A_527 : memref<1x8x125xi32, #tpu.memory_space<vmem>> -> memref<8x125xi32, #tpu.memory_space<vmem>>
        %dma_start3A_529 = arith.constant 0 : i32
        %dma_start3A_530 = tpu.memref_slice %dma_start3A_528[%dma_start3A_524, %dma_start3A_529] : memref<8x125xi32, #tpu.memory_space<vmem>> -> memref<1x125xi32, #tpu.memory_space<vmem>>
        %dma_start3A_531 = tpu.memref_squeeze %dma_start3A_530 : memref<1x125xi32, #tpu.memory_space<vmem>> -> memref<125xi32, #tpu.memory_space<vmem>>
        %dma_start3A_532 = arith.constant 0 : i32
        %dma_start3A_533 = arith.constant 0 : i32
        %dma_start3A_534 = tpu.memref_slice %arg2[%dma_start3A_532, %dma_start3A_533] : memref<20000x128xf32, #tpu.memory_space<hbm>> -> memref<20000x128xf32, #tpu.memory_space<hbm>>
        tpu.enqueue_indirect_dma source(%dma_start3A_534 : memref<20000x128xf32, #tpu.memory_space<hbm>>) target(%arg10 : memref<125x128xf32, #tpu.memory_space<vmem>>) offsets(%dma_start3A_531 : memref<125xi32, #tpu.memory_space<vmem>>) semaphore(%arg13 : memref<!tpu.dma_semaphore, #tpu.memory_space<semaphore_mem>>)
      } else {
      }
      %mul3A_314 = arith.constant 2 : i32
      %mul3A_315 = arith.muli %mul3A_314, %add3A_108 : i32
      %add3A_316 = arith.constant 1 : i32
      %add3A_317 = arith.addi %mul3A_315, %add3A_316 : i32
      %add3A_318 = arith.constant 1 : i32
      %add3A_319 = arith.addi %add3A_317, %add3A_318 : i32
      %lt3A_320 = arith.constant 20 : i32
      %lt3A_321 = arith.cmpi slt, %add3A_319, %lt3A_320 : i32
      %convert_element_type3A_322 = arith.extui %lt3A_321 : i1 to i32
      %cond3A_323 = arith.constant 0 : i32
      %cond3A_324 = arith.cmpi ne, %convert_element_type3A_322, %cond3A_323 : i32
      scf.if %cond3A_324 {
        %add3A_523 = arith.constant 1 : i32
        %add3A_524 = arith.addi %add3A_317, %add3A_523 : i32
        %mul3A_525 = arith.constant 8 : i32
        %mul3A_526 = arith.muli %add3A_524, %mul3A_525 : i32
        %add3A_527 = arith.addi %add3A, %mul3A_526 : i32
        %dma_start3A_528 = arith.constant 0 : i32
        %dma_start3A_529 = arith.constant 0 : i32
        %dma_start3A_530 = arith.constant 0 : i32
        %dma_start3A_531 = tpu.memref_slice %arg7[%dma_start3A_528, %dma_start3A_529, %dma_start3A_530] : memref<2x8x125xi32, #tpu.memory_space<vmem>> -> memref<1x8x125xi32, #tpu.memory_space<vmem>>
        %dma_start3A_532 = tpu.memref_squeeze %dma_start3A_531 : memref<1x8x125xi32, #tpu.memory_space<vmem>> -> memref<8x125xi32, #tpu.memory_space<vmem>>
        %dma_start3A_533 = arith.constant 0 : i32
        %dma_start3A_534 = tpu.memref_slice %arg3[%add3A_527, %dma_start3A_533] : memref<5120x125xi32, #tpu.memory_space<hbm>> -> memref<8x125xi32, #tpu.memory_space<hbm>>
        %dma_start3A_535 = arith.constant 0 : i32
        %dma_start3A_536 = arith.constant 0 : i32
        %dma_start3A_537 = tpu.memref_slice %arg7[%dma_start3A_528, %dma_start3A_535, %dma_start3A_536] : memref<2x8x125xi32, #tpu.memory_space<vmem>> -> memref<1x8x125xi32, #tpu.memory_space<vmem>>
        %dma_start3A_538 = tpu.memref_squeeze %dma_start3A_537 : memref<1x8x125xi32, #tpu.memory_space<vmem>> -> memref<8x125xi32, #tpu.memory_space<vmem>>
        %dma_start3A_539 = arith.constant 0 : i32
        %dma_start3A_540 = tpu.memref_slice %arg3[%add3A_527, %dma_start3A_539] : memref<5120x125xi32, #tpu.memory_space<hbm>> -> memref<8x125xi32, #tpu.memory_space<hbm>>
        tpu.enqueue_dma source(%dma_start3A_540 : memref<8x125xi32, #tpu.memory_space<hbm>>) target(%dma_start3A_538 : memref<8x125xi32, #tpu.memory_space<vmem>>) target_semaphore(%arg14 : memref<!tpu.dma_semaphore, #tpu.memory_space<semaphore_mem>>)
        %mul3A_541 = arith.constant 8 : i32
        %mul3A_542 = arith.muli %add3A_524, %mul3A_541 : i32
        %add3A_543 = arith.addi %mul3A_6, %mul3A_542 : i32
        %dma_start3A_544 = arith.constant 0 : i32
        %dma_start3A_545 = arith.constant 0 : i32
        %dma_start3A_546 = arith.constant 0 : i32
        %dma_start3A_547 = tpu.memref_slice %arg8[%dma_start3A_544, %dma_start3A_545, %dma_start3A_546] : memref<2x8x125xi32, #tpu.memory_space<vmem>> -> memref<1x8x125xi32, #tpu.memory_space<vmem>>
        %dma_start3A_548 = tpu.memref_squeeze %dma_start3A_547 : memref<1x8x125xi32, #tpu.memory_space<vmem>> -> memref<8x125xi32, #tpu.memory_space<vmem>>
        %dma_start3A_549 = arith.constant 0 : i32
        %dma_start3A_550 = tpu.memref_slice %arg4[%add3A_543, %dma_start3A_549] : memref<2560x125xi32, #tpu.memory_space<hbm>> -> memref<8x125xi32, #tpu.memory_space<hbm>>
        %dma_start3A_551 = arith.constant 0 : i32
        %dma_start3A_552 = arith.constant 0 : i32
        %dma_start3A_553 = tpu.memref_slice %arg8[%dma_start3A_544, %dma_start3A_551, %dma_start3A_552] : memref<2x8x125xi32, #tpu.memory_space<vmem>> -> memref<1x8x125xi32, #tpu.memory_space<vmem>>
        %dma_start3A_554 = tpu.memref_squeeze %dma_start3A_553 : memref<1x8x125xi32, #tpu.memory_space<vmem>> -> memref<8x125xi32, #tpu.memory_space<vmem>>
        %dma_start3A_555 = arith.constant 0 : i32
        %dma_start3A_556 = tpu.memref_slice %arg4[%add3A_543, %dma_start3A_555] : memref<2560x125xi32, #tpu.memory_space<hbm>> -> memref<8x125xi32, #tpu.memory_space<hbm>>
        tpu.enqueue_dma source(%dma_start3A_556 : memref<8x125xi32, #tpu.memory_space<hbm>>) target(%dma_start3A_554 : memref<8x125xi32, #tpu.memory_space<vmem>>) target_semaphore(%arg14 : memref<!tpu.dma_semaphore, #tpu.memory_space<semaphore_mem>>)
      } else {
      }
      %dma_wait3A_325 = arith.constant 1 : i32
      %dma_wait3A_326 = arith.constant 0 : i32
      %dma_wait3A_327 = arith.constant 0 : i32
      %dma_wait3A_328 = arith.constant 0 : i32
      %dma_wait3A_329 = tpu.memref_slice %arg7[%dma_wait3A_325, %dma_wait3A_327, %dma_wait3A_328] : memref<2x8x125xi32, #tpu.memory_space<vmem>> -> memref<1x8x125xi32, #tpu.memory_space<vmem>>
      %dma_wait3A_330 = tpu.memref_squeeze %dma_wait3A_329 : memref<1x8x125xi32, #tpu.memory_space<vmem>> -> memref<8x125xi32, #tpu.memory_space<vmem>>
      %dma_wait3A_331 = arith.constant 0 : i32
      %dma_wait3A_332 = tpu.memref_slice %dma_wait3A_330[%dma_wait3A_326, %dma_wait3A_331] : memref<8x125xi32, #tpu.memory_space<vmem>> -> memref<1x125xi32, #tpu.memory_space<vmem>>
      %dma_wait3A_333 = tpu.memref_squeeze %dma_wait3A_332 : memref<1x125xi32, #tpu.memory_space<vmem>> -> memref<125xi32, #tpu.memory_space<vmem>>
      %dma_wait3A_334 = arith.constant 0 : i32
      %dma_wait3A_335 = arith.constant 0 : i32
      %dma_wait3A_336 = tpu.memref_slice %arg2[%dma_wait3A_334, %dma_wait3A_335] : memref<20000x128xf32, #tpu.memory_space<hbm>> -> memref<20000x128xf32, #tpu.memory_space<hbm>>
      tpu.wait_indirect_dma semaphore(%arg12 : memref<!tpu.dma_semaphore, #tpu.memory_space<semaphore_mem>>) src(%dma_wait3A_336 : memref<20000x128xf32, #tpu.memory_space<hbm>>) dst(%arg9 : memref<125x128xf32, #tpu.memory_space<vmem>>)
      %run_scoped3A_337 = arith.constant 1 : i32
      %run_scoped3A_338 = arith.constant 0 : i32
      "tpu.region"() ({
        %run_scoped3A_523 = tpu.sem_alloc : memref<!tpu.dma_semaphore, #tpu.memory_space<semaphore_mem>>
        %dma_start3A_524 = arith.constant 0 : i32
        %dma_start3A_525 = arith.constant 0 : i32
        %dma_start3A_526 = tpu.memref_slice %arg8[%run_scoped3A_337, %dma_start3A_524, %dma_start3A_525] : memref<2x8x125xi32, #tpu.memory_space<vmem>> -> memref<1x8x125xi32, #tpu.memory_space<vmem>>
        %dma_start3A_527 = tpu.memref_squeeze %dma_start3A_526 : memref<1x8x125xi32, #tpu.memory_space<vmem>> -> memref<8x125xi32, #tpu.memory_space<vmem>>
        %dma_start3A_528 = arith.constant 0 : i32
        %dma_start3A_529 = tpu.memref_slice %dma_start3A_527[%run_scoped3A_338, %dma_start3A_528] : memref<8x125xi32, #tpu.memory_space<vmem>> -> memref<1x125xi32, #tpu.memory_space<vmem>>
        %dma_start3A_530 = tpu.memref_squeeze %dma_start3A_529 : memref<1x125xi32, #tpu.memory_space<vmem>> -> memref<125xi32, #tpu.memory_space<vmem>>
        %dma_start3A_531 = arith.constant 0 : i32
        %dma_start3A_532 = arith.constant 0 : i32
        %dma_start3A_533 = tpu.memref_slice %arg11[%dma_start3A_531, %dma_start3A_532] : memref<10000x128xf32, #tpu.memory_space<vmem_shared>> -> memref<10000x128xf32, #tpu.memory_space<vmem_shared>>
        tpu.enqueue_indirect_dma source(%arg9 : memref<125x128xf32, #tpu.memory_space<vmem>>) target(%dma_start3A_533 : memref<10000x128xf32, #tpu.memory_space<vmem_shared>>) offsets(%dma_start3A_530 : memref<125xi32, #tpu.memory_space<vmem>>) semaphore(%run_scoped3A_523 : memref<!tpu.dma_semaphore, #tpu.memory_space<semaphore_mem>>) {add = true}
        %dma_wait3A_534 = arith.constant 0 : i32
        %dma_wait3A_535 = arith.constant 0 : i32
        %dma_wait3A_536 = tpu.memref_slice %arg8[%run_scoped3A_337, %dma_wait3A_534, %dma_wait3A_535] : memref<2x8x125xi32, #tpu.memory_space<vmem>> -> memref<1x8x125xi32, #tpu.memory_space<vmem>>
        %dma_wait3A_537 = tpu.memref_squeeze %dma_wait3A_536 : memref<1x8x125xi32, #tpu.memory_space<vmem>> -> memref<8x125xi32, #tpu.memory_space<vmem>>
        %dma_wait3A_538 = arith.constant 0 : i32
        %dma_wait3A_539 = tpu.memref_slice %dma_wait3A_537[%run_scoped3A_338, %dma_wait3A_538] : memref<8x125xi32, #tpu.memory_space<vmem>> -> memref<1x125xi32, #tpu.memory_space<vmem>>
        %dma_wait3A_540 = tpu.memref_squeeze %dma_wait3A_539 : memref<1x125xi32, #tpu.memory_space<vmem>> -> memref<125xi32, #tpu.memory_space<vmem>>
        %dma_wait3A_541 = arith.constant 0 : i32
        %dma_wait3A_542 = arith.constant 0 : i32
        %dma_wait3A_543 = tpu.memref_slice %arg11[%dma_wait3A_541, %dma_wait3A_542] : memref<10000x128xf32, #tpu.memory_space<vmem_shared>> -> memref<10000x128xf32, #tpu.memory_space<vmem_shared>>
        tpu.wait_indirect_dma semaphore(%run_scoped3A_523 : memref<!tpu.dma_semaphore, #tpu.memory_space<semaphore_mem>>) src(%arg9 : memref<125x128xf32, #tpu.memory_space<vmem>>) dst(%dma_wait3A_543 : memref<10000x128xf32, #tpu.memory_space<vmem_shared>>)
        tpu.yield
      }) : () -> ()
      %dma_start3A_339 = arith.constant 1 : i32
      %dma_start3A_340 = arith.constant 2 : i32
      %dma_start3A_341 = arith.constant 0 : i32
      %dma_start3A_342 = arith.constant 0 : i32
      %dma_start3A_343 = tpu.memref_slice %arg7[%dma_start3A_339, %dma_start3A_341, %dma_start3A_342] : memref<2x8x125xi32, #tpu.memory_space<vmem>> -> memref<1x8x125xi32, #tpu.memory_space<vmem>>
      %dma_start3A_344 = tpu.memref_squeeze %dma_start3A_343 : memref<1x8x125xi32, #tpu.memory_space<vmem>> -> memref<8x125xi32, #tpu.memory_space<vmem>>
      %dma_start3A_345 = arith.constant 0 : i32
      %dma_start3A_346 = tpu.memref_slice %dma_start3A_344[%dma_start3A_340, %dma_start3A_345] : memref<8x125xi32, #tpu.memory_space<vmem>> -> memref<1x125xi32, #tpu.memory_space<vmem>>
      %dma_start3A_347 = tpu.memref_squeeze %dma_start3A_346 : memref<1x125xi32, #tpu.memory_space<vmem>> -> memref<125xi32, #tpu.memory_space<vmem>>
      %dma_start3A_348 = arith.constant 0 : i32
      %dma_start3A_349 = arith.constant 0 : i32
      %dma_start3A_350 = tpu.memref_slice %arg2[%dma_start3A_348, %dma_start3A_349] : memref<20000x128xf32, #tpu.memory_space<hbm>> -> memref<20000x128xf32, #tpu.memory_space<hbm>>
      tpu.enqueue_indirect_dma source(%dma_start3A_350 : memref<20000x128xf32, #tpu.memory_space<hbm>>) target(%arg9 : memref<125x128xf32, #tpu.memory_space<vmem>>) offsets(%dma_start3A_347 : memref<125xi32, #tpu.memory_space<vmem>>) semaphore(%arg12 : memref<!tpu.dma_semaphore, #tpu.memory_space<semaphore_mem>>)
      %dma_wait3A_351 = arith.constant 1 : i32
      %dma_wait3A_352 = arith.constant 1 : i32
      %dma_wait3A_353 = arith.constant 0 : i32
      %dma_wait3A_354 = arith.constant 0 : i32
      %dma_wait3A_355 = tpu.memref_slice %arg7[%dma_wait3A_351, %dma_wait3A_353, %dma_wait3A_354] : memref<2x8x125xi32, #tpu.memory_space<vmem>> -> memref<1x8x125xi32, #tpu.memory_space<vmem>>
      %dma_wait3A_356 = tpu.memref_squeeze %dma_wait3A_355 : memref<1x8x125xi32, #tpu.memory_space<vmem>> -> memref<8x125xi32, #tpu.memory_space<vmem>>
      %dma_wait3A_357 = arith.constant 0 : i32
      %dma_wait3A_358 = tpu.memref_slice %dma_wait3A_356[%dma_wait3A_352, %dma_wait3A_357] : memref<8x125xi32, #tpu.memory_space<vmem>> -> memref<1x125xi32, #tpu.memory_space<vmem>>
      %dma_wait3A_359 = tpu.memref_squeeze %dma_wait3A_358 : memref<1x125xi32, #tpu.memory_space<vmem>> -> memref<125xi32, #tpu.memory_space<vmem>>
      %dma_wait3A_360 = arith.constant 0 : i32
      %dma_wait3A_361 = arith.constant 0 : i32
      %dma_wait3A_362 = tpu.memref_slice %arg2[%dma_wait3A_360, %dma_wait3A_361] : memref<20000x128xf32, #tpu.memory_space<hbm>> -> memref<20000x128xf32, #tpu.memory_space<hbm>>
      tpu.wait_indirect_dma semaphore(%arg13 : memref<!tpu.dma_semaphore, #tpu.memory_space<semaphore_mem>>) src(%dma_wait3A_362 : memref<20000x128xf32, #tpu.memory_space<hbm>>) dst(%arg10 : memref<125x128xf32, #tpu.memory_space<vmem>>)
      %run_scoped3A_363 = arith.constant 1 : i32
      %run_scoped3A_364 = arith.constant 1 : i32
      "tpu.region"() ({
        %run_scoped3A_523 = tpu.sem_alloc : memref<!tpu.dma_semaphore, #tpu.memory_space<semaphore_mem>>
        %dma_start3A_524 = arith.constant 0 : i32
        %dma_start3A_525 = arith.constant 0 : i32
        %dma_start3A_526 = tpu.memref_slice %arg8[%run_scoped3A_363, %dma_start3A_524, %dma_start3A_525] : memref<2x8x125xi32, #tpu.memory_space<vmem>> -> memref<1x8x125xi32, #tpu.memory_space<vmem>>
        %dma_start3A_527 = tpu.memref_squeeze %dma_start3A_526 : memref<1x8x125xi32, #tpu.memory_space<vmem>> -> memref<8x125xi32, #tpu.memory_space<vmem>>
        %dma_start3A_528 = arith.constant 0 : i32
        %dma_start3A_529 = tpu.memref_slice %dma_start3A_527[%run_scoped3A_364, %dma_start3A_528] : memref<8x125xi32, #tpu.memory_space<vmem>> -> memref<1x125xi32, #tpu.memory_space<vmem>>
        %dma_start3A_530 = tpu.memref_squeeze %dma_start3A_529 : memref<1x125xi32, #tpu.memory_space<vmem>> -> memref<125xi32, #tpu.memory_space<vmem>>
        %dma_start3A_531 = arith.constant 0 : i32
        %dma_start3A_532 = arith.constant 0 : i32
        %dma_start3A_533 = tpu.memref_slice %arg11[%dma_start3A_531, %dma_start3A_532] : memref<10000x128xf32, #tpu.memory_space<vmem_shared>> -> memref<10000x128xf32, #tpu.memory_space<vmem_shared>>
        tpu.enqueue_indirect_dma source(%arg10 : memref<125x128xf32, #tpu.memory_space<vmem>>) target(%dma_start3A_533 : memref<10000x128xf32, #tpu.memory_space<vmem_shared>>) offsets(%dma_start3A_530 : memref<125xi32, #tpu.memory_space<vmem>>) semaphore(%run_scoped3A_523 : memref<!tpu.dma_semaphore, #tpu.memory_space<semaphore_mem>>) {add = true}
        %dma_wait3A_534 = arith.constant 0 : i32
        %dma_wait3A_535 = arith.constant 0 : i32
        %dma_wait3A_536 = tpu.memref_slice %arg8[%run_scoped3A_363, %dma_wait3A_534, %dma_wait3A_535] : memref<2x8x125xi32, #tpu.memory_space<vmem>> -> memref<1x8x125xi32, #tpu.memory_space<vmem>>
        %dma_wait3A_537 = tpu.memref_squeeze %dma_wait3A_536 : memref<1x8x125xi32, #tpu.memory_space<vmem>> -> memref<8x125xi32, #tpu.memory_space<vmem>>
        %dma_wait3A_538 = arith.constant 0 : i32
        %dma_wait3A_539 = tpu.memref_slice %dma_wait3A_537[%run_scoped3A_364, %dma_wait3A_538] : memref<8x125xi32, #tpu.memory_space<vmem>> -> memref<1x125xi32, #tpu.memory_space<vmem>>
        %dma_wait3A_540 = tpu.memref_squeeze %dma_wait3A_539 : memref<1x125xi32, #tpu.memory_space<vmem>> -> memref<125xi32, #tpu.memory_space<vmem>>
        %dma_wait3A_541 = arith.constant 0 : i32
        %dma_wait3A_542 = arith.constant 0 : i32
        %dma_wait3A_543 = tpu.memref_slice %arg11[%dma_wait3A_541, %dma_wait3A_542] : memref<10000x128xf32, #tpu.memory_space<vmem_shared>> -> memref<10000x128xf32, #tpu.memory_space<vmem_shared>>
        tpu.wait_indirect_dma semaphore(%run_scoped3A_523 : memref<!tpu.dma_semaphore, #tpu.memory_space<semaphore_mem>>) src(%arg10 : memref<125x128xf32, #tpu.memory_space<vmem>>) dst(%dma_wait3A_543 : memref<10000x128xf32, #tpu.memory_space<vmem_shared>>)
        tpu.yield
      }) : () -> ()
      %dma_start3A_365 = arith.constant 1 : i32
      %dma_start3A_366 = arith.constant 3 : i32
      %dma_start3A_367 = arith.constant 0 : i32
      %dma_start3A_368 = arith.constant 0 : i32
      %dma_start3A_369 = tpu.memref_slice %arg7[%dma_start3A_365, %dma_start3A_367, %dma_start3A_368] : memref<2x8x125xi32, #tpu.memory_space<vmem>> -> memref<1x8x125xi32, #tpu.memory_space<vmem>>
      %dma_start3A_370 = tpu.memref_squeeze %dma_start3A_369 : memref<1x8x125xi32, #tpu.memory_space<vmem>> -> memref<8x125xi32, #tpu.memory_space<vmem>>
      %dma_start3A_371 = arith.constant 0 : i32
      %dma_start3A_372 = tpu.memref_slice %dma_start3A_370[%dma_start3A_366, %dma_start3A_371] : memref<8x125xi32, #tpu.memory_space<vmem>> -> memref<1x125xi32, #tpu.memory_space<vmem>>
      %dma_start3A_373 = tpu.memref_squeeze %dma_start3A_372 : memref<1x125xi32, #tpu.memory_space<vmem>> -> memref<125xi32, #tpu.memory_space<vmem>>
      %dma_start3A_374 = arith.constant 0 : i32
      %dma_start3A_375 = arith.constant 0 : i32
      %dma_start3A_376 = tpu.memref_slice %arg2[%dma_start3A_374, %dma_start3A_375] : memref<20000x128xf32, #tpu.memory_space<hbm>> -> memref<20000x128xf32, #tpu.memory_space<hbm>>
      tpu.enqueue_indirect_dma source(%dma_start3A_376 : memref<20000x128xf32, #tpu.memory_space<hbm>>) target(%arg10 : memref<125x128xf32, #tpu.memory_space<vmem>>) offsets(%dma_start3A_373 : memref<125xi32, #tpu.memory_space<vmem>>) semaphore(%arg13 : memref<!tpu.dma_semaphore, #tpu.memory_space<semaphore_mem>>)
      %dma_wait3A_377 = arith.constant 1 : i32
      %dma_wait3A_378 = arith.constant 2 : i32
      %dma_wait3A_379 = arith.constant 0 : i32
      %dma_wait3A_380 = arith.constant 0 : i32
      %dma_wait3A_381 = tpu.memref_slice %arg7[%dma_wait3A_377, %dma_wait3A_379, %dma_wait3A_380] : memref<2x8x125xi32, #tpu.memory_space<vmem>> -> memref<1x8x125xi32, #tpu.memory_space<vmem>>
      %dma_wait3A_382 = tpu.memref_squeeze %dma_wait3A_381 : memref<1x8x125xi32, #tpu.memory_space<vmem>> -> memref<8x125xi32, #tpu.memory_space<vmem>>
      %dma_wait3A_383 = arith.constant 0 : i32
      %dma_wait3A_384 = tpu.memref_slice %dma_wait3A_382[%dma_wait3A_378, %dma_wait3A_383] : memref<8x125xi32, #tpu.memory_space<vmem>> -> memref<1x125xi32, #tpu.memory_space<vmem>>
      %dma_wait3A_385 = tpu.memref_squeeze %dma_wait3A_384 : memref<1x125xi32, #tpu.memory_space<vmem>> -> memref<125xi32, #tpu.memory_space<vmem>>
      %dma_wait3A_386 = arith.constant 0 : i32
      %dma_wait3A_387 = arith.constant 0 : i32
      %dma_wait3A_388 = tpu.memref_slice %arg2[%dma_wait3A_386, %dma_wait3A_387] : memref<20000x128xf32, #tpu.memory_space<hbm>> -> memref<20000x128xf32, #tpu.memory_space<hbm>>
      tpu.wait_indirect_dma semaphore(%arg12 : memref<!tpu.dma_semaphore, #tpu.memory_space<semaphore_mem>>) src(%dma_wait3A_388 : memref<20000x128xf32, #tpu.memory_space<hbm>>) dst(%arg9 : memref<125x128xf32, #tpu.memory_space<vmem>>)
      %run_scoped3A_389 = arith.constant 1 : i32
      %run_scoped3A_390 = arith.constant 2 : i32
      "tpu.region"() ({
        %run_scoped3A_523 = tpu.sem_alloc : memref<!tpu.dma_semaphore, #tpu.memory_space<semaphore_mem>>
        %dma_start3A_524 = arith.constant 0 : i32
        %dma_start3A_525 = arith.constant 0 : i32
        %dma_start3A_526 = tpu.memref_slice %arg8[%run_scoped3A_389, %dma_start3A_524, %dma_start3A_525] : memref<2x8x125xi32, #tpu.memory_space<vmem>> -> memref<1x8x125xi32, #tpu.memory_space<vmem>>
        %dma_start3A_527 = tpu.memref_squeeze %dma_start3A_526 : memref<1x8x125xi32, #tpu.memory_space<vmem>> -> memref<8x125xi32, #tpu.memory_space<vmem>>
        %dma_start3A_528 = arith.constant 0 : i32
        %dma_start3A_529 = tpu.memref_slice %dma_start3A_527[%run_scoped3A_390, %dma_start3A_528] : memref<8x125xi32, #tpu.memory_space<vmem>> -> memref<1x125xi32, #tpu.memory_space<vmem>>
        %dma_start3A_530 = tpu.memref_squeeze %dma_start3A_529 : memref<1x125xi32, #tpu.memory_space<vmem>> -> memref<125xi32, #tpu.memory_space<vmem>>
        %dma_start3A_531 = arith.constant 0 : i32
        %dma_start3A_532 = arith.constant 0 : i32
        %dma_start3A_533 = tpu.memref_slice %arg11[%dma_start3A_531, %dma_start3A_532] : memref<10000x128xf32, #tpu.memory_space<vmem_shared>> -> memref<10000x128xf32, #tpu.memory_space<vmem_shared>>
        tpu.enqueue_indirect_dma source(%arg9 : memref<125x128xf32, #tpu.memory_space<vmem>>) target(%dma_start3A_533 : memref<10000x128xf32, #tpu.memory_space<vmem_shared>>) offsets(%dma_start3A_530 : memref<125xi32, #tpu.memory_space<vmem>>) semaphore(%run_scoped3A_523 : memref<!tpu.dma_semaphore, #tpu.memory_space<semaphore_mem>>) {add = true}
        %dma_wait3A_534 = arith.constant 0 : i32
        %dma_wait3A_535 = arith.constant 0 : i32
        %dma_wait3A_536 = tpu.memref_slice %arg8[%run_scoped3A_389, %dma_wait3A_534, %dma_wait3A_535] : memref<2x8x125xi32, #tpu.memory_space<vmem>> -> memref<1x8x125xi32, #tpu.memory_space<vmem>>
        %dma_wait3A_537 = tpu.memref_squeeze %dma_wait3A_536 : memref<1x8x125xi32, #tpu.memory_space<vmem>> -> memref<8x125xi32, #tpu.memory_space<vmem>>
        %dma_wait3A_538 = arith.constant 0 : i32
        %dma_wait3A_539 = tpu.memref_slice %dma_wait3A_537[%run_scoped3A_390, %dma_wait3A_538] : memref<8x125xi32, #tpu.memory_space<vmem>> -> memref<1x125xi32, #tpu.memory_space<vmem>>
        %dma_wait3A_540 = tpu.memref_squeeze %dma_wait3A_539 : memref<1x125xi32, #tpu.memory_space<vmem>> -> memref<125xi32, #tpu.memory_space<vmem>>
        %dma_wait3A_541 = arith.constant 0 : i32
        %dma_wait3A_542 = arith.constant 0 : i32
        %dma_wait3A_543 = tpu.memref_slice %arg11[%dma_wait3A_541, %dma_wait3A_542] : memref<10000x128xf32, #tpu.memory_space<vmem_shared>> -> memref<10000x128xf32, #tpu.memory_space<vmem_shared>>
        tpu.wait_indirect_dma semaphore(%run_scoped3A_523 : memref<!tpu.dma_semaphore, #tpu.memory_space<semaphore_mem>>) src(%arg9 : memref<125x128xf32, #tpu.memory_space<vmem>>) dst(%dma_wait3A_543 : memref<10000x128xf32, #tpu.memory_space<vmem_shared>>)
        tpu.yield
      }) : () -> ()
      %dma_start3A_391 = arith.constant 1 : i32
      %dma_start3A_392 = arith.constant 4 : i32
      %dma_start3A_393 = arith.constant 0 : i32
      %dma_start3A_394 = arith.constant 0 : i32
      %dma_start3A_395 = tpu.memref_slice %arg7[%dma_start3A_391, %dma_start3A_393, %dma_start3A_394] : memref<2x8x125xi32, #tpu.memory_space<vmem>> -> memref<1x8x125xi32, #tpu.memory_space<vmem>>
      %dma_start3A_396 = tpu.memref_squeeze %dma_start3A_395 : memref<1x8x125xi32, #tpu.memory_space<vmem>> -> memref<8x125xi32, #tpu.memory_space<vmem>>
      %dma_start3A_397 = arith.constant 0 : i32
      %dma_start3A_398 = tpu.memref_slice %dma_start3A_396[%dma_start3A_392, %dma_start3A_397] : memref<8x125xi32, #tpu.memory_space<vmem>> -> memref<1x125xi32, #tpu.memory_space<vmem>>
      %dma_start3A_399 = tpu.memref_squeeze %dma_start3A_398 : memref<1x125xi32, #tpu.memory_space<vmem>> -> memref<125xi32, #tpu.memory_space<vmem>>
      %dma_start3A_400 = arith.constant 0 : i32
      %dma_start3A_401 = arith.constant 0 : i32
      %dma_start3A_402 = tpu.memref_slice %arg2[%dma_start3A_400, %dma_start3A_401] : memref<20000x128xf32, #tpu.memory_space<hbm>> -> memref<20000x128xf32, #tpu.memory_space<hbm>>
      tpu.enqueue_indirect_dma source(%dma_start3A_402 : memref<20000x128xf32, #tpu.memory_space<hbm>>) target(%arg9 : memref<125x128xf32, #tpu.memory_space<vmem>>) offsets(%dma_start3A_399 : memref<125xi32, #tpu.memory_space<vmem>>) semaphore(%arg12 : memref<!tpu.dma_semaphore, #tpu.memory_space<semaphore_mem>>)
      %dma_wait3A_403 = arith.constant 1 : i32
      %dma_wait3A_404 = arith.constant 3 : i32
      %dma_wait3A_405 = arith.constant 0 : i32
      %dma_wait3A_406 = arith.constant 0 : i32
      %dma_wait3A_407 = tpu.memref_slice %arg7[%dma_wait3A_403, %dma_wait3A_405, %dma_wait3A_406] : memref<2x8x125xi32, #tpu.memory_space<vmem>> -> memref<1x8x125xi32, #tpu.memory_space<vmem>>
      %dma_wait3A_408 = tpu.memref_squeeze %dma_wait3A_407 : memref<1x8x125xi32, #tpu.memory_space<vmem>> -> memref<8x125xi32, #tpu.memory_space<vmem>>
      %dma_wait3A_409 = arith.constant 0 : i32
      %dma_wait3A_410 = tpu.memref_slice %dma_wait3A_408[%dma_wait3A_404, %dma_wait3A_409] : memref<8x125xi32, #tpu.memory_space<vmem>> -> memref<1x125xi32, #tpu.memory_space<vmem>>
      %dma_wait3A_411 = tpu.memref_squeeze %dma_wait3A_410 : memref<1x125xi32, #tpu.memory_space<vmem>> -> memref<125xi32, #tpu.memory_space<vmem>>
      %dma_wait3A_412 = arith.constant 0 : i32
      %dma_wait3A_413 = arith.constant 0 : i32
      %dma_wait3A_414 = tpu.memref_slice %arg2[%dma_wait3A_412, %dma_wait3A_413] : memref<20000x128xf32, #tpu.memory_space<hbm>> -> memref<20000x128xf32, #tpu.memory_space<hbm>>
      tpu.wait_indirect_dma semaphore(%arg13 : memref<!tpu.dma_semaphore, #tpu.memory_space<semaphore_mem>>) src(%dma_wait3A_414 : memref<20000x128xf32, #tpu.memory_space<hbm>>) dst(%arg10 : memref<125x128xf32, #tpu.memory_space<vmem>>)
      %run_scoped3A_415 = arith.constant 1 : i32
      %run_scoped3A_416 = arith.constant 3 : i32
      "tpu.region"() ({
        %run_scoped3A_523 = tpu.sem_alloc : memref<!tpu.dma_semaphore, #tpu.memory_space<semaphore_mem>>
        %dma_start3A_524 = arith.constant 0 : i32
        %dma_start3A_525 = arith.constant 0 : i32
        %dma_start3A_526 = tpu.memref_slice %arg8[%run_scoped3A_415, %dma_start3A_524, %dma_start3A_525] : memref<2x8x125xi32, #tpu.memory_space<vmem>> -> memref<1x8x125xi32, #tpu.memory_space<vmem>>
        %dma_start3A_527 = tpu.memref_squeeze %dma_start3A_526 : memref<1x8x125xi32, #tpu.memory_space<vmem>> -> memref<8x125xi32, #tpu.memory_space<vmem>>
        %dma_start3A_528 = arith.constant 0 : i32
        %dma_start3A_529 = tpu.memref_slice %dma_start3A_527[%run_scoped3A_416, %dma_start3A_528] : memref<8x125xi32, #tpu.memory_space<vmem>> -> memref<1x125xi32, #tpu.memory_space<vmem>>
        %dma_start3A_530 = tpu.memref_squeeze %dma_start3A_529 : memref<1x125xi32, #tpu.memory_space<vmem>> -> memref<125xi32, #tpu.memory_space<vmem>>
        %dma_start3A_531 = arith.constant 0 : i32
        %dma_start3A_532 = arith.constant 0 : i32
        %dma_start3A_533 = tpu.memref_slice %arg11[%dma_start3A_531, %dma_start3A_532] : memref<10000x128xf32, #tpu.memory_space<vmem_shared>> -> memref<10000x128xf32, #tpu.memory_space<vmem_shared>>
        tpu.enqueue_indirect_dma source(%arg10 : memref<125x128xf32, #tpu.memory_space<vmem>>) target(%dma_start3A_533 : memref<10000x128xf32, #tpu.memory_space<vmem_shared>>) offsets(%dma_start3A_530 : memref<125xi32, #tpu.memory_space<vmem>>) semaphore(%run_scoped3A_523 : memref<!tpu.dma_semaphore, #tpu.memory_space<semaphore_mem>>) {add = true}
        %dma_wait3A_534 = arith.constant 0 : i32
        %dma_wait3A_535 = arith.constant 0 : i32
        %dma_wait3A_536 = tpu.memref_slice %arg8[%run_scoped3A_415, %dma_wait3A_534, %dma_wait3A_535] : memref<2x8x125xi32, #tpu.memory_space<vmem>> -> memref<1x8x125xi32, #tpu.memory_space<vmem>>
        %dma_wait3A_537 = tpu.memref_squeeze %dma_wait3A_536 : memref<1x8x125xi32, #tpu.memory_space<vmem>> -> memref<8x125xi32, #tpu.memory_space<vmem>>
        %dma_wait3A_538 = arith.constant 0 : i32
        %dma_wait3A_539 = tpu.memref_slice %dma_wait3A_537[%run_scoped3A_416, %dma_wait3A_538] : memref<8x125xi32, #tpu.memory_space<vmem>> -> memref<1x125xi32, #tpu.memory_space<vmem>>
        %dma_wait3A_540 = tpu.memref_squeeze %dma_wait3A_539 : memref<1x125xi32, #tpu.memory_space<vmem>> -> memref<125xi32, #tpu.memory_space<vmem>>
        %dma_wait3A_541 = arith.constant 0 : i32
        %dma_wait3A_542 = arith.constant 0 : i32
        %dma_wait3A_543 = tpu.memref_slice %arg11[%dma_wait3A_541, %dma_wait3A_542] : memref<10000x128xf32, #tpu.memory_space<vmem_shared>> -> memref<10000x128xf32, #tpu.memory_space<vmem_shared>>
        tpu.wait_indirect_dma semaphore(%run_scoped3A_523 : memref<!tpu.dma_semaphore, #tpu.memory_space<semaphore_mem>>) src(%arg10 : memref<125x128xf32, #tpu.memory_space<vmem>>) dst(%dma_wait3A_543 : memref<10000x128xf32, #tpu.memory_space<vmem_shared>>)
        tpu.yield
      }) : () -> ()
      %dma_start3A_417 = arith.constant 1 : i32
      %dma_start3A_418 = arith.constant 5 : i32
      %dma_start3A_419 = arith.constant 0 : i32
      %dma_start3A_420 = arith.constant 0 : i32
      %dma_start3A_421 = tpu.memref_slice %arg7[%dma_start3A_417, %dma_start3A_419, %dma_start3A_420] : memref<2x8x125xi32, #tpu.memory_space<vmem>> -> memref<1x8x125xi32, #tpu.memory_space<vmem>>
      %dma_start3A_422 = tpu.memref_squeeze %dma_start3A_421 : memref<1x8x125xi32, #tpu.memory_space<vmem>> -> memref<8x125xi32, #tpu.memory_space<vmem>>
      %dma_start3A_423 = arith.constant 0 : i32
      %dma_start3A_424 = tpu.memref_slice %dma_start3A_422[%dma_start3A_418, %dma_start3A_423] : memref<8x125xi32, #tpu.memory_space<vmem>> -> memref<1x125xi32, #tpu.memory_space<vmem>>
      %dma_start3A_425 = tpu.memref_squeeze %dma_start3A_424 : memref<1x125xi32, #tpu.memory_space<vmem>> -> memref<125xi32, #tpu.memory_space<vmem>>
      %dma_start3A_426 = arith.constant 0 : i32
      %dma_start3A_427 = arith.constant 0 : i32
      %dma_start3A_428 = tpu.memref_slice %arg2[%dma_start3A_426, %dma_start3A_427] : memref<20000x128xf32, #tpu.memory_space<hbm>> -> memref<20000x128xf32, #tpu.memory_space<hbm>>
      tpu.enqueue_indirect_dma source(%dma_start3A_428 : memref<20000x128xf32, #tpu.memory_space<hbm>>) target(%arg10 : memref<125x128xf32, #tpu.memory_space<vmem>>) offsets(%dma_start3A_425 : memref<125xi32, #tpu.memory_space<vmem>>) semaphore(%arg13 : memref<!tpu.dma_semaphore, #tpu.memory_space<semaphore_mem>>)
      %dma_wait3A_429 = arith.constant 1 : i32
      %dma_wait3A_430 = arith.constant 4 : i32
      %dma_wait3A_431 = arith.constant 0 : i32
      %dma_wait3A_432 = arith.constant 0 : i32
      %dma_wait3A_433 = tpu.memref_slice %arg7[%dma_wait3A_429, %dma_wait3A_431, %dma_wait3A_432] : memref<2x8x125xi32, #tpu.memory_space<vmem>> -> memref<1x8x125xi32, #tpu.memory_space<vmem>>
      %dma_wait3A_434 = tpu.memref_squeeze %dma_wait3A_433 : memref<1x8x125xi32, #tpu.memory_space<vmem>> -> memref<8x125xi32, #tpu.memory_space<vmem>>
      %dma_wait3A_435 = arith.constant 0 : i32
      %dma_wait3A_436 = tpu.memref_slice %dma_wait3A_434[%dma_wait3A_430, %dma_wait3A_435] : memref<8x125xi32, #tpu.memory_space<vmem>> -> memref<1x125xi32, #tpu.memory_space<vmem>>
      %dma_wait3A_437 = tpu.memref_squeeze %dma_wait3A_436 : memref<1x125xi32, #tpu.memory_space<vmem>> -> memref<125xi32, #tpu.memory_space<vmem>>
      %dma_wait3A_438 = arith.constant 0 : i32
      %dma_wait3A_439 = arith.constant 0 : i32
      %dma_wait3A_440 = tpu.memref_slice %arg2[%dma_wait3A_438, %dma_wait3A_439] : memref<20000x128xf32, #tpu.memory_space<hbm>> -> memref<20000x128xf32, #tpu.memory_space<hbm>>
      tpu.wait_indirect_dma semaphore(%arg12 : memref<!tpu.dma_semaphore, #tpu.memory_space<semaphore_mem>>) src(%dma_wait3A_440 : memref<20000x128xf32, #tpu.memory_space<hbm>>) dst(%arg9 : memref<125x128xf32, #tpu.memory_space<vmem>>)
      %run_scoped3A_441 = arith.constant 1 : i32
      %run_scoped3A_442 = arith.constant 4 : i32
      "tpu.region"() ({
        %run_scoped3A_523 = tpu.sem_alloc : memref<!tpu.dma_semaphore, #tpu.memory_space<semaphore_mem>>
        %dma_start3A_524 = arith.constant 0 : i32
        %dma_start3A_525 = arith.constant 0 : i32
        %dma_start3A_526 = tpu.memref_slice %arg8[%run_scoped3A_441, %dma_start3A_524, %dma_start3A_525] : memref<2x8x125xi32, #tpu.memory_space<vmem>> -> memref<1x8x125xi32, #tpu.memory_space<vmem>>
        %dma_start3A_527 = tpu.memref_squeeze %dma_start3A_526 : memref<1x8x125xi32, #tpu.memory_space<vmem>> -> memref<8x125xi32, #tpu.memory_space<vmem>>
        %dma_start3A_528 = arith.constant 0 : i32
        %dma_start3A_529 = tpu.memref_slice %dma_start3A_527[%run_scoped3A_442, %dma_start3A_528] : memref<8x125xi32, #tpu.memory_space<vmem>> -> memref<1x125xi32, #tpu.memory_space<vmem>>
        %dma_start3A_530 = tpu.memref_squeeze %dma_start3A_529 : memref<1x125xi32, #tpu.memory_space<vmem>> -> memref<125xi32, #tpu.memory_space<vmem>>
        %dma_start3A_531 = arith.constant 0 : i32
        %dma_start3A_532 = arith.constant 0 : i32
        %dma_start3A_533 = tpu.memref_slice %arg11[%dma_start3A_531, %dma_start3A_532] : memref<10000x128xf32, #tpu.memory_space<vmem_shared>> -> memref<10000x128xf32, #tpu.memory_space<vmem_shared>>
        tpu.enqueue_indirect_dma source(%arg9 : memref<125x128xf32, #tpu.memory_space<vmem>>) target(%dma_start3A_533 : memref<10000x128xf32, #tpu.memory_space<vmem_shared>>) offsets(%dma_start3A_530 : memref<125xi32, #tpu.memory_space<vmem>>) semaphore(%run_scoped3A_523 : memref<!tpu.dma_semaphore, #tpu.memory_space<semaphore_mem>>) {add = true}
        %dma_wait3A_534 = arith.constant 0 : i32
        %dma_wait3A_535 = arith.constant 0 : i32
        %dma_wait3A_536 = tpu.memref_slice %arg8[%run_scoped3A_441, %dma_wait3A_534, %dma_wait3A_535] : memref<2x8x125xi32, #tpu.memory_space<vmem>> -> memref<1x8x125xi32, #tpu.memory_space<vmem>>
        %dma_wait3A_537 = tpu.memref_squeeze %dma_wait3A_536 : memref<1x8x125xi32, #tpu.memory_space<vmem>> -> memref<8x125xi32, #tpu.memory_space<vmem>>
        %dma_wait3A_538 = arith.constant 0 : i32
        %dma_wait3A_539 = tpu.memref_slice %dma_wait3A_537[%run_scoped3A_442, %dma_wait3A_538] : memref<8x125xi32, #tpu.memory_space<vmem>> -> memref<1x125xi32, #tpu.memory_space<vmem>>
        %dma_wait3A_540 = tpu.memref_squeeze %dma_wait3A_539 : memref<1x125xi32, #tpu.memory_space<vmem>> -> memref<125xi32, #tpu.memory_space<vmem>>
        %dma_wait3A_541 = arith.constant 0 : i32
        %dma_wait3A_542 = arith.constant 0 : i32
        %dma_wait3A_543 = tpu.memref_slice %arg11[%dma_wait3A_541, %dma_wait3A_542] : memref<10000x128xf32, #tpu.memory_space<vmem_shared>> -> memref<10000x128xf32, #tpu.memory_space<vmem_shared>>
        tpu.wait_indirect_dma semaphore(%run_scoped3A_523 : memref<!tpu.dma_semaphore, #tpu.memory_space<semaphore_mem>>) src(%arg9 : memref<125x128xf32, #tpu.memory_space<vmem>>) dst(%dma_wait3A_543 : memref<10000x128xf32, #tpu.memory_space<vmem_shared>>)
        tpu.yield
      }) : () -> ()
      %dma_start3A_443 = arith.constant 1 : i32
      %dma_start3A_444 = arith.constant 6 : i32
      %dma_start3A_445 = arith.constant 0 : i32
      %dma_start3A_446 = arith.constant 0 : i32
      %dma_start3A_447 = tpu.memref_slice %arg7[%dma_start3A_443, %dma_start3A_445, %dma_start3A_446] : memref<2x8x125xi32, #tpu.memory_space<vmem>> -> memref<1x8x125xi32, #tpu.memory_space<vmem>>
      %dma_start3A_448 = tpu.memref_squeeze %dma_start3A_447 : memref<1x8x125xi32, #tpu.memory_space<vmem>> -> memref<8x125xi32, #tpu.memory_space<vmem>>
      %dma_start3A_449 = arith.constant 0 : i32
      %dma_start3A_450 = tpu.memref_slice %dma_start3A_448[%dma_start3A_444, %dma_start3A_449] : memref<8x125xi32, #tpu.memory_space<vmem>> -> memref<1x125xi32, #tpu.memory_space<vmem>>
      %dma_start3A_451 = tpu.memref_squeeze %dma_start3A_450 : memref<1x125xi32, #tpu.memory_space<vmem>> -> memref<125xi32, #tpu.memory_space<vmem>>
      %dma_start3A_452 = arith.constant 0 : i32
      %dma_start3A_453 = arith.constant 0 : i32
      %dma_start3A_454 = tpu.memref_slice %arg2[%dma_start3A_452, %dma_start3A_453] : memref<20000x128xf32, #tpu.memory_space<hbm>> -> memref<20000x128xf32, #tpu.memory_space<hbm>>
      tpu.enqueue_indirect_dma source(%dma_start3A_454 : memref<20000x128xf32, #tpu.memory_space<hbm>>) target(%arg9 : memref<125x128xf32, #tpu.memory_space<vmem>>) offsets(%dma_start3A_451 : memref<125xi32, #tpu.memory_space<vmem>>) semaphore(%arg12 : memref<!tpu.dma_semaphore, #tpu.memory_space<semaphore_mem>>)
      %dma_wait3A_455 = arith.constant 1 : i32
      %dma_wait3A_456 = arith.constant 5 : i32
      %dma_wait3A_457 = arith.constant 0 : i32
      %dma_wait3A_458 = arith.constant 0 : i32
      %dma_wait3A_459 = tpu.memref_slice %arg7[%dma_wait3A_455, %dma_wait3A_457, %dma_wait3A_458] : memref<2x8x125xi32, #tpu.memory_space<vmem>> -> memref<1x8x125xi32, #tpu.memory_space<vmem>>
      %dma_wait3A_460 = tpu.memref_squeeze %dma_wait3A_459 : memref<1x8x125xi32, #tpu.memory_space<vmem>> -> memref<8x125xi32, #tpu.memory_space<vmem>>
      %dma_wait3A_461 = arith.constant 0 : i32
      %dma_wait3A_462 = tpu.memref_slice %dma_wait3A_460[%dma_wait3A_456, %dma_wait3A_461] : memref<8x125xi32, #tpu.memory_space<vmem>> -> memref<1x125xi32, #tpu.memory_space<vmem>>
      %dma_wait3A_463 = tpu.memref_squeeze %dma_wait3A_462 : memref<1x125xi32, #tpu.memory_space<vmem>> -> memref<125xi32, #tpu.memory_space<vmem>>
      %dma_wait3A_464 = arith.constant 0 : i32
      %dma_wait3A_465 = arith.constant 0 : i32
      %dma_wait3A_466 = tpu.memref_slice %arg2[%dma_wait3A_464, %dma_wait3A_465] : memref<20000x128xf32, #tpu.memory_space<hbm>> -> memref<20000x128xf32, #tpu.memory_space<hbm>>
      tpu.wait_indirect_dma semaphore(%arg13 : memref<!tpu.dma_semaphore, #tpu.memory_space<semaphore_mem>>) src(%dma_wait3A_466 : memref<20000x128xf32, #tpu.memory_space<hbm>>) dst(%arg10 : memref<125x128xf32, #tpu.memory_space<vmem>>)
      %run_scoped3A_467 = arith.constant 1 : i32
      %run_scoped3A_468 = arith.constant 5 : i32
      "tpu.region"() ({
        %run_scoped3A_523 = tpu.sem_alloc : memref<!tpu.dma_semaphore, #tpu.memory_space<semaphore_mem>>
        %dma_start3A_524 = arith.constant 0 : i32
        %dma_start3A_525 = arith.constant 0 : i32
        %dma_start3A_526 = tpu.memref_slice %arg8[%run_scoped3A_467, %dma_start3A_524, %dma_start3A_525] : memref<2x8x125xi32, #tpu.memory_space<vmem>> -> memref<1x8x125xi32, #tpu.memory_space<vmem>>
        %dma_start3A_527 = tpu.memref_squeeze %dma_start3A_526 : memref<1x8x125xi32, #tpu.memory_space<vmem>> -> memref<8x125xi32, #tpu.memory_space<vmem>>
        %dma_start3A_528 = arith.constant 0 : i32
        %dma_start3A_529 = tpu.memref_slice %dma_start3A_527[%run_scoped3A_468, %dma_start3A_528] : memref<8x125xi32, #tpu.memory_space<vmem>> -> memref<1x125xi32, #tpu.memory_space<vmem>>
        %dma_start3A_530 = tpu.memref_squeeze %dma_start3A_529 : memref<1x125xi32, #tpu.memory_space<vmem>> -> memref<125xi32, #tpu.memory_space<vmem>>
        %dma_start3A_531 = arith.constant 0 : i32
        %dma_start3A_532 = arith.constant 0 : i32
        %dma_start3A_533 = tpu.memref_slice %arg11[%dma_start3A_531, %dma_start3A_532] : memref<10000x128xf32, #tpu.memory_space<vmem_shared>> -> memref<10000x128xf32, #tpu.memory_space<vmem_shared>>
        tpu.enqueue_indirect_dma source(%arg10 : memref<125x128xf32, #tpu.memory_space<vmem>>) target(%dma_start3A_533 : memref<10000x128xf32, #tpu.memory_space<vmem_shared>>) offsets(%dma_start3A_530 : memref<125xi32, #tpu.memory_space<vmem>>) semaphore(%run_scoped3A_523 : memref<!tpu.dma_semaphore, #tpu.memory_space<semaphore_mem>>) {add = true}
        %dma_wait3A_534 = arith.constant 0 : i32
        %dma_wait3A_535 = arith.constant 0 : i32
        %dma_wait3A_536 = tpu.memref_slice %arg8[%run_scoped3A_467, %dma_wait3A_534, %dma_wait3A_535] : memref<2x8x125xi32, #tpu.memory_space<vmem>> -> memref<1x8x125xi32, #tpu.memory_space<vmem>>
        %dma_wait3A_537 = tpu.memref_squeeze %dma_wait3A_536 : memref<1x8x125xi32, #tpu.memory_space<vmem>> -> memref<8x125xi32, #tpu.memory_space<vmem>>
        %dma_wait3A_538 = arith.constant 0 : i32
        %dma_wait3A_539 = tpu.memref_slice %dma_wait3A_537[%run_scoped3A_468, %dma_wait3A_538] : memref<8x125xi32, #tpu.memory_space<vmem>> -> memref<1x125xi32, #tpu.memory_space<vmem>>
        %dma_wait3A_540 = tpu.memref_squeeze %dma_wait3A_539 : memref<1x125xi32, #tpu.memory_space<vmem>> -> memref<125xi32, #tpu.memory_space<vmem>>
        %dma_wait3A_541 = arith.constant 0 : i32
        %dma_wait3A_542 = arith.constant 0 : i32
        %dma_wait3A_543 = tpu.memref_slice %arg11[%dma_wait3A_541, %dma_wait3A_542] : memref<10000x128xf32, #tpu.memory_space<vmem_shared>> -> memref<10000x128xf32, #tpu.memory_space<vmem_shared>>
        tpu.wait_indirect_dma semaphore(%run_scoped3A_523 : memref<!tpu.dma_semaphore, #tpu.memory_space<semaphore_mem>>) src(%arg10 : memref<125x128xf32, #tpu.memory_space<vmem>>) dst(%dma_wait3A_543 : memref<10000x128xf32, #tpu.memory_space<vmem_shared>>)
        tpu.yield
      }) : () -> ()
      %dma_start3A_469 = arith.constant 1 : i32
      %dma_start3A_470 = arith.constant 7 : i32
      %dma_start3A_471 = arith.constant 0 : i32
      %dma_start3A_472 = arith.constant 0 : i32
      %dma_start3A_473 = tpu.memref_slice %arg7[%dma_start3A_469, %dma_start3A_471, %dma_start3A_472] : memref<2x8x125xi32, #tpu.memory_space<vmem>> -> memref<1x8x125xi32, #tpu.memory_space<vmem>>
      %dma_start3A_474 = tpu.memref_squeeze %dma_start3A_473 : memref<1x8x125xi32, #tpu.memory_space<vmem>> -> memref<8x125xi32, #tpu.memory_space<vmem>>
      %dma_start3A_475 = arith.constant 0 : i32
      %dma_start3A_476 = tpu.memref_slice %dma_start3A_474[%dma_start3A_470, %dma_start3A_475] : memref<8x125xi32, #tpu.memory_space<vmem>> -> memref<1x125xi32, #tpu.memory_space<vmem>>
      %dma_start3A_477 = tpu.memref_squeeze %dma_start3A_476 : memref<1x125xi32, #tpu.memory_space<vmem>> -> memref<125xi32, #tpu.memory_space<vmem>>
      %dma_start3A_478 = arith.constant 0 : i32
      %dma_start3A_479 = arith.constant 0 : i32
      %dma_start3A_480 = tpu.memref_slice %arg2[%dma_start3A_478, %dma_start3A_479] : memref<20000x128xf32, #tpu.memory_space<hbm>> -> memref<20000x128xf32, #tpu.memory_space<hbm>>
      tpu.enqueue_indirect_dma source(%dma_start3A_480 : memref<20000x128xf32, #tpu.memory_space<hbm>>) target(%arg10 : memref<125x128xf32, #tpu.memory_space<vmem>>) offsets(%dma_start3A_477 : memref<125xi32, #tpu.memory_space<vmem>>) semaphore(%arg13 : memref<!tpu.dma_semaphore, #tpu.memory_space<semaphore_mem>>)
      %dma_wait3A_481 = arith.constant 1 : i32
      %dma_wait3A_482 = arith.constant 6 : i32
      %dma_wait3A_483 = arith.constant 0 : i32
      %dma_wait3A_484 = arith.constant 0 : i32
      %dma_wait3A_485 = tpu.memref_slice %arg7[%dma_wait3A_481, %dma_wait3A_483, %dma_wait3A_484] : memref<2x8x125xi32, #tpu.memory_space<vmem>> -> memref<1x8x125xi32, #tpu.memory_space<vmem>>
      %dma_wait3A_486 = tpu.memref_squeeze %dma_wait3A_485 : memref<1x8x125xi32, #tpu.memory_space<vmem>> -> memref<8x125xi32, #tpu.memory_space<vmem>>
      %dma_wait3A_487 = arith.constant 0 : i32
      %dma_wait3A_488 = tpu.memref_slice %dma_wait3A_486[%dma_wait3A_482, %dma_wait3A_487] : memref<8x125xi32, #tpu.memory_space<vmem>> -> memref<1x125xi32, #tpu.memory_space<vmem>>
      %dma_wait3A_489 = tpu.memref_squeeze %dma_wait3A_488 : memref<1x125xi32, #tpu.memory_space<vmem>> -> memref<125xi32, #tpu.memory_space<vmem>>
      %dma_wait3A_490 = arith.constant 0 : i32
      %dma_wait3A_491 = arith.constant 0 : i32
      %dma_wait3A_492 = tpu.memref_slice %arg2[%dma_wait3A_490, %dma_wait3A_491] : memref<20000x128xf32, #tpu.memory_space<hbm>> -> memref<20000x128xf32, #tpu.memory_space<hbm>>
      tpu.wait_indirect_dma semaphore(%arg12 : memref<!tpu.dma_semaphore, #tpu.memory_space<semaphore_mem>>) src(%dma_wait3A_492 : memref<20000x128xf32, #tpu.memory_space<hbm>>) dst(%arg9 : memref<125x128xf32, #tpu.memory_space<vmem>>)
      %run_scoped3A_493 = arith.constant 1 : i32
      %run_scoped3A_494 = arith.constant 6 : i32
      "tpu.region"() ({
        %run_scoped3A_523 = tpu.sem_alloc : memref<!tpu.dma_semaphore, #tpu.memory_space<semaphore_mem>>
        %dma_start3A_524 = arith.constant 0 : i32
        %dma_start3A_525 = arith.constant 0 : i32
        %dma_start3A_526 = tpu.memref_slice %arg8[%run_scoped3A_493, %dma_start3A_524, %dma_start3A_525] : memref<2x8x125xi32, #tpu.memory_space<vmem>> -> memref<1x8x125xi32, #tpu.memory_space<vmem>>
        %dma_start3A_527 = tpu.memref_squeeze %dma_start3A_526 : memref<1x8x125xi32, #tpu.memory_space<vmem>> -> memref<8x125xi32, #tpu.memory_space<vmem>>
        %dma_start3A_528 = arith.constant 0 : i32
        %dma_start3A_529 = tpu.memref_slice %dma_start3A_527[%run_scoped3A_494, %dma_start3A_528] : memref<8x125xi32, #tpu.memory_space<vmem>> -> memref<1x125xi32, #tpu.memory_space<vmem>>
        %dma_start3A_530 = tpu.memref_squeeze %dma_start3A_529 : memref<1x125xi32, #tpu.memory_space<vmem>> -> memref<125xi32, #tpu.memory_space<vmem>>
        %dma_start3A_531 = arith.constant 0 : i32
        %dma_start3A_532 = arith.constant 0 : i32
        %dma_start3A_533 = tpu.memref_slice %arg11[%dma_start3A_531, %dma_start3A_532] : memref<10000x128xf32, #tpu.memory_space<vmem_shared>> -> memref<10000x128xf32, #tpu.memory_space<vmem_shared>>
        tpu.enqueue_indirect_dma source(%arg9 : memref<125x128xf32, #tpu.memory_space<vmem>>) target(%dma_start3A_533 : memref<10000x128xf32, #tpu.memory_space<vmem_shared>>) offsets(%dma_start3A_530 : memref<125xi32, #tpu.memory_space<vmem>>) semaphore(%run_scoped3A_523 : memref<!tpu.dma_semaphore, #tpu.memory_space<semaphore_mem>>) {add = true}
        %dma_wait3A_534 = arith.constant 0 : i32
        %dma_wait3A_535 = arith.constant 0 : i32
        %dma_wait3A_536 = tpu.memref_slice %arg8[%run_scoped3A_493, %dma_wait3A_534, %dma_wait3A_535] : memref<2x8x125xi32, #tpu.memory_space<vmem>> -> memref<1x8x125xi32, #tpu.memory_space<vmem>>
        %dma_wait3A_537 = tpu.memref_squeeze %dma_wait3A_536 : memref<1x8x125xi32, #tpu.memory_space<vmem>> -> memref<8x125xi32, #tpu.memory_space<vmem>>
        %dma_wait3A_538 = arith.constant 0 : i32
        %dma_wait3A_539 = tpu.memref_slice %dma_wait3A_537[%run_scoped3A_494, %dma_wait3A_538] : memref<8x125xi32, #tpu.memory_space<vmem>> -> memref<1x125xi32, #tpu.memory_space<vmem>>
        %dma_wait3A_540 = tpu.memref_squeeze %dma_wait3A_539 : memref<1x125xi32, #tpu.memory_space<vmem>> -> memref<125xi32, #tpu.memory_space<vmem>>
        %dma_wait3A_541 = arith.constant 0 : i32
        %dma_wait3A_542 = arith.constant 0 : i32
        %dma_wait3A_543 = tpu.memref_slice %arg11[%dma_wait3A_541, %dma_wait3A_542] : memref<10000x128xf32, #tpu.memory_space<vmem_shared>> -> memref<10000x128xf32, #tpu.memory_space<vmem_shared>>
        tpu.wait_indirect_dma semaphore(%run_scoped3A_523 : memref<!tpu.dma_semaphore, #tpu.memory_space<semaphore_mem>>) src(%arg9 : memref<125x128xf32, #tpu.memory_space<vmem>>) dst(%dma_wait3A_543 : memref<10000x128xf32, #tpu.memory_space<vmem_shared>>)
        tpu.yield
      }) : () -> ()
      %add3A_495 = arith.constant 1 : i32
      %add3A_496 = arith.addi %add3A_317, %add3A_495 : i32
      %lt3A_497 = arith.constant 20 : i32
      %lt3A_498 = arith.cmpi slt, %add3A_496, %lt3A_497 : i32
      %convert_element_type3A_499 = arith.extui %lt3A_498 : i1 to i32
      %cond3A_500 = arith.constant 0 : i32
      %cond3A_501 = arith.cmpi ne, %convert_element_type3A_499, %cond3A_500 : i32
      scf.if %cond3A_501 {
        %add3A_523 = arith.constant 1 : i32
        %add3A_524 = arith.addi %add3A_317, %add3A_523 : i32
        %mul3A_525 = arith.constant 8 : i32
        %mul3A_526 = arith.muli %add3A_524, %mul3A_525 : i32
        %add3A_527 = arith.addi %add3A, %mul3A_526 : i32
        %dma_wait3A_528 = arith.constant 0 : i32
        %dma_wait3A_529 = arith.constant 0 : i32
        %dma_wait3A_530 = arith.constant 0 : i32
        %dma_wait3A_531 = tpu.memref_slice %arg7[%dma_wait3A_528, %dma_wait3A_529, %dma_wait3A_530] : memref<2x8x125xi32, #tpu.memory_space<vmem>> -> memref<1x8x125xi32, #tpu.memory_space<vmem>>
        %dma_wait3A_532 = tpu.memref_squeeze %dma_wait3A_531 : memref<1x8x125xi32, #tpu.memory_space<vmem>> -> memref<8x125xi32, #tpu.memory_space<vmem>>
        %dma_wait3A_533 = arith.constant 0 : i32
        %dma_wait3A_534 = tpu.memref_slice %arg3[%add3A_527, %dma_wait3A_533] : memref<5120x125xi32, #tpu.memory_space<hbm>> -> memref<8x125xi32, #tpu.memory_space<hbm>>
        %dma_wait3A_535 = arith.constant 0 : i32
        %dma_wait3A_536 = arith.constant 0 : i32
        %dma_wait3A_537 = tpu.memref_slice %arg7[%dma_wait3A_528, %dma_wait3A_535, %dma_wait3A_536] : memref<2x8x125xi32, #tpu.memory_space<vmem>> -> memref<1x8x125xi32, #tpu.memory_space<vmem>>
        %dma_wait3A_538 = tpu.memref_squeeze %dma_wait3A_537 : memref<1x8x125xi32, #tpu.memory_space<vmem>> -> memref<8x125xi32, #tpu.memory_space<vmem>>
        %dma_wait3A_539 = arith.constant 0 : i32
        %dma_wait3A_540 = tpu.memref_slice %arg3[%add3A_527, %dma_wait3A_539] : memref<5120x125xi32, #tpu.memory_space<hbm>> -> memref<8x125xi32, #tpu.memory_space<hbm>>
        tpu.wait_dma2 semaphore(%arg14 : memref<!tpu.dma_semaphore, #tpu.memory_space<semaphore_mem>>) src(%dma_wait3A_540 : memref<8x125xi32, #tpu.memory_space<hbm>>) dst(%dma_wait3A_538 : memref<8x125xi32, #tpu.memory_space<vmem>>)
        %mul3A_541 = arith.constant 8 : i32
        %mul3A_542 = arith.muli %add3A_524, %mul3A_541 : i32
        %add3A_543 = arith.addi %mul3A_6, %mul3A_542 : i32
        %dma_wait3A_544 = arith.constant 0 : i32
        %dma_wait3A_545 = arith.constant 0 : i32
        %dma_wait3A_546 = arith.constant 0 : i32
        %dma_wait3A_547 = tpu.memref_slice %arg8[%dma_wait3A_544, %dma_wait3A_545, %dma_wait3A_546] : memref<2x8x125xi32, #tpu.memory_space<vmem>> -> memref<1x8x125xi32, #tpu.memory_space<vmem>>
        %dma_wait3A_548 = tpu.memref_squeeze %dma_wait3A_547 : memref<1x8x125xi32, #tpu.memory_space<vmem>> -> memref<8x125xi32, #tpu.memory_space<vmem>>
        %dma_wait3A_549 = arith.constant 0 : i32
        %dma_wait3A_550 = tpu.memref_slice %arg4[%add3A_543, %dma_wait3A_549] : memref<2560x125xi32, #tpu.memory_space<hbm>> -> memref<8x125xi32, #tpu.memory_space<hbm>>
        %dma_wait3A_551 = arith.constant 0 : i32
        %dma_wait3A_552 = arith.constant 0 : i32
        %dma_wait3A_553 = tpu.memref_slice %arg8[%dma_wait3A_544, %dma_wait3A_551, %dma_wait3A_552] : memref<2x8x125xi32, #tpu.memory_space<vmem>> -> memref<1x8x125xi32, #tpu.memory_space<vmem>>
        %dma_wait3A_554 = tpu.memref_squeeze %dma_wait3A_553 : memref<1x8x125xi32, #tpu.memory_space<vmem>> -> memref<8x125xi32, #tpu.memory_space<vmem>>
        %dma_wait3A_555 = arith.constant 0 : i32
        %dma_wait3A_556 = tpu.memref_slice %arg4[%add3A_543, %dma_wait3A_555] : memref<2560x125xi32, #tpu.memory_space<hbm>> -> memref<8x125xi32, #tpu.memory_space<hbm>>
        tpu.wait_dma2 semaphore(%arg14 : memref<!tpu.dma_semaphore, #tpu.memory_space<semaphore_mem>>) src(%dma_wait3A_556 : memref<8x125xi32, #tpu.memory_space<hbm>>) dst(%dma_wait3A_554 : memref<8x125xi32, #tpu.memory_space<vmem>>)
        %dma_start3A_557 = arith.constant 0 : i32
        %dma_start3A_558 = arith.constant 0 : i32
        %dma_start3A_559 = arith.constant 0 : i32
        %dma_start3A_560 = arith.constant 0 : i32
        %dma_start3A_561 = tpu.memref_slice %arg7[%dma_start3A_557, %dma_start3A_559, %dma_start3A_560] : memref<2x8x125xi32, #tpu.memory_space<vmem>> -> memref<1x8x125xi32, #tpu.memory_space<vmem>>
        %dma_start3A_562 = tpu.memref_squeeze %dma_start3A_561 : memref<1x8x125xi32, #tpu.memory_space<vmem>> -> memref<8x125xi32, #tpu.memory_space<vmem>>
        %dma_start3A_563 = arith.constant 0 : i32
        %dma_start3A_564 = tpu.memref_slice %dma_start3A_562[%dma_start3A_558, %dma_start3A_563] : memref<8x125xi32, #tpu.memory_space<vmem>> -> memref<1x125xi32, #tpu.memory_space<vmem>>
        %dma_start3A_565 = tpu.memref_squeeze %dma_start3A_564 : memref<1x125xi32, #tpu.memory_space<vmem>> -> memref<125xi32, #tpu.memory_space<vmem>>
        %dma_start3A_566 = arith.constant 0 : i32
        %dma_start3A_567 = arith.constant 0 : i32
        %dma_start3A_568 = tpu.memref_slice %arg2[%dma_start3A_566, %dma_start3A_567] : memref<20000x128xf32, #tpu.memory_space<hbm>> -> memref<20000x128xf32, #tpu.memory_space<hbm>>
        tpu.enqueue_indirect_dma source(%dma_start3A_568 : memref<20000x128xf32, #tpu.memory_space<hbm>>) target(%arg9 : memref<125x128xf32, #tpu.memory_space<vmem>>) offsets(%dma_start3A_565 : memref<125xi32, #tpu.memory_space<vmem>>) semaphore(%arg12 : memref<!tpu.dma_semaphore, #tpu.memory_space<semaphore_mem>>)
      } else {
      }
      %dma_wait3A_502 = arith.constant 1 : i32
      %dma_wait3A_503 = arith.constant 7 : i32
      %dma_wait3A_504 = arith.constant 0 : i32
      %dma_wait3A_505 = arith.constant 0 : i32
      %dma_wait3A_506 = tpu.memref_slice %arg7[%dma_wait3A_502, %dma_wait3A_504, %dma_wait3A_505] : memref<2x8x125xi32, #tpu.memory_space<vmem>> -> memref<1x8x125xi32, #tpu.memory_space<vmem>>
      %dma_wait3A_507 = tpu.memref_squeeze %dma_wait3A_506 : memref<1x8x125xi32, #tpu.memory_space<vmem>> -> memref<8x125xi32, #tpu.memory_space<vmem>>
      %dma_wait3A_508 = arith.constant 0 : i32
      %dma_wait3A_509 = tpu.memref_slice %dma_wait3A_507[%dma_wait3A_503, %dma_wait3A_508] : memref<8x125xi32, #tpu.memory_space<vmem>> -> memref<1x125xi32, #tpu.memory_space<vmem>>
      %dma_wait3A_510 = tpu.memref_squeeze %dma_wait3A_509 : memref<1x125xi32, #tpu.memory_space<vmem>> -> memref<125xi32, #tpu.memory_space<vmem>>
      %dma_wait3A_511 = arith.constant 0 : i32
      %dma_wait3A_512 = arith.constant 0 : i32
      %dma_wait3A_513 = tpu.memref_slice %arg2[%dma_wait3A_511, %dma_wait3A_512] : memref<20000x128xf32, #tpu.memory_space<hbm>> -> memref<20000x128xf32, #tpu.memory_space<hbm>>
      tpu.wait_indirect_dma semaphore(%arg13 : memref<!tpu.dma_semaphore, #tpu.memory_space<semaphore_mem>>) src(%dma_wait3A_513 : memref<20000x128xf32, #tpu.memory_space<hbm>>) dst(%arg10 : memref<125x128xf32, #tpu.memory_space<vmem>>)
      %run_scoped3A_514 = arith.constant 1 : i32
      %run_scoped3A_515 = arith.constant 7 : i32
      "tpu.region"() ({
        %run_scoped3A_523 = tpu.sem_alloc : memref<!tpu.dma_semaphore, #tpu.memory_space<semaphore_mem>>
        %dma_start3A_524 = arith.constant 0 : i32
        %dma_start3A_525 = arith.constant 0 : i32
        %dma_start3A_526 = tpu.memref_slice %arg8[%run_scoped3A_514, %dma_start3A_524, %dma_start3A_525] : memref<2x8x125xi32, #tpu.memory_space<vmem>> -> memref<1x8x125xi32, #tpu.memory_space<vmem>>
        %dma_start3A_527 = tpu.memref_squeeze %dma_start3A_526 : memref<1x8x125xi32, #tpu.memory_space<vmem>> -> memref<8x125xi32, #tpu.memory_space<vmem>>
        %dma_start3A_528 = arith.constant 0 : i32
        %dma_start3A_529 = tpu.memref_slice %dma_start3A_527[%run_scoped3A_515, %dma_start3A_528] : memref<8x125xi32, #tpu.memory_space<vmem>> -> memref<1x125xi32, #tpu.memory_space<vmem>>
        %dma_start3A_530 = tpu.memref_squeeze %dma_start3A_529 : memref<1x125xi32, #tpu.memory_space<vmem>> -> memref<125xi32, #tpu.memory_space<vmem>>
        %dma_start3A_531 = arith.constant 0 : i32
        %dma_start3A_532 = arith.constant 0 : i32
        %dma_start3A_533 = tpu.memref_slice %arg11[%dma_start3A_531, %dma_start3A_532] : memref<10000x128xf32, #tpu.memory_space<vmem_shared>> -> memref<10000x128xf32, #tpu.memory_space<vmem_shared>>
        tpu.enqueue_indirect_dma source(%arg10 : memref<125x128xf32, #tpu.memory_space<vmem>>) target(%dma_start3A_533 : memref<10000x128xf32, #tpu.memory_space<vmem_shared>>) offsets(%dma_start3A_530 : memref<125xi32, #tpu.memory_space<vmem>>) semaphore(%run_scoped3A_523 : memref<!tpu.dma_semaphore, #tpu.memory_space<semaphore_mem>>) {add = true}
        %dma_wait3A_534 = arith.constant 0 : i32
        %dma_wait3A_535 = arith.constant 0 : i32
        %dma_wait3A_536 = tpu.memref_slice %arg8[%run_scoped3A_514, %dma_wait3A_534, %dma_wait3A_535] : memref<2x8x125xi32, #tpu.memory_space<vmem>> -> memref<1x8x125xi32, #tpu.memory_space<vmem>>
        %dma_wait3A_537 = tpu.memref_squeeze %dma_wait3A_536 : memref<1x8x125xi32, #tpu.memory_space<vmem>> -> memref<8x125xi32, #tpu.memory_space<vmem>>
        %dma_wait3A_538 = arith.constant 0 : i32
        %dma_wait3A_539 = tpu.memref_slice %dma_wait3A_537[%run_scoped3A_515, %dma_wait3A_538] : memref<8x125xi32, #tpu.memory_space<vmem>> -> memref<1x125xi32, #tpu.memory_space<vmem>>
        %dma_wait3A_540 = tpu.memref_squeeze %dma_wait3A_539 : memref<1x125xi32, #tpu.memory_space<vmem>> -> memref<125xi32, #tpu.memory_space<vmem>>
        %dma_wait3A_541 = arith.constant 0 : i32
        %dma_wait3A_542 = arith.constant 0 : i32
        %dma_wait3A_543 = tpu.memref_slice %arg11[%dma_wait3A_541, %dma_wait3A_542] : memref<10000x128xf32, #tpu.memory_space<vmem_shared>> -> memref<10000x128xf32, #tpu.memory_space<vmem_shared>>
        tpu.wait_indirect_dma semaphore(%run_scoped3A_523 : memref<!tpu.dma_semaphore, #tpu.memory_space<semaphore_mem>>) src(%arg10 : memref<125x128xf32, #tpu.memory_space<vmem>>) dst(%dma_wait3A_543 : memref<10000x128xf32, #tpu.memory_space<vmem_shared>>)
        tpu.yield
      }) : () -> ()
      %add3A_516 = arith.constant 1 : i32
      %add3A_517 = arith.addi %add3A_317, %add3A_516 : i32
      %lt3A_518 = arith.constant 20 : i32
      %lt3A_519 = arith.cmpi slt, %add3A_517, %lt3A_518 : i32
      %convert_element_type3A_520 = arith.extui %lt3A_519 : i1 to i32
      %cond3A_521 = arith.constant 0 : i32
      %cond3A_522 = arith.cmpi ne, %convert_element_type3A_520, %cond3A_521 : i32
      scf.if %cond3A_522 {
        %dma_start3A_523 = arith.constant 0 : i32
        %dma_start3A_524 = arith.constant 1 : i32
        %dma_start3A_525 = arith.constant 0 : i32
        %dma_start3A_526 = arith.constant 0 : i32
        %dma_start3A_527 = tpu.memref_slice %arg7[%dma_start3A_523, %dma_start3A_525, %dma_start3A_526] : memref<2x8x125xi32, #tpu.memory_space<vmem>> -> memref<1x8x125xi32, #tpu.memory_space<vmem>>
        %dma_start3A_528 = tpu.memref_squeeze %dma_start3A_527 : memref<1x8x125xi32, #tpu.memory_space<vmem>> -> memref<8x125xi32, #tpu.memory_space<vmem>>
        %dma_start3A_529 = arith.constant 0 : i32
        %dma_start3A_530 = tpu.memref_slice %dma_start3A_528[%dma_start3A_524, %dma_start3A_529] : memref<8x125xi32, #tpu.memory_space<vmem>> -> memref<1x125xi32, #tpu.memory_space<vmem>>
        %dma_start3A_531 = tpu.memref_squeeze %dma_start3A_530 : memref<1x125xi32, #tpu.memory_space<vmem>> -> memref<125xi32, #tpu.memory_space<vmem>>
        %dma_start3A_532 = arith.constant 0 : i32
        %dma_start3A_533 = arith.constant 0 : i32
        %dma_start3A_534 = tpu.memref_slice %arg2[%dma_start3A_532, %dma_start3A_533] : memref<20000x128xf32, #tpu.memory_space<hbm>> -> memref<20000x128xf32, #tpu.memory_space<hbm>>
        tpu.enqueue_indirect_dma source(%dma_start3A_534 : memref<20000x128xf32, #tpu.memory_space<hbm>>) target(%arg10 : memref<125x128xf32, #tpu.memory_space<vmem>>) offsets(%dma_start3A_531 : memref<125xi32, #tpu.memory_space<vmem>>) semaphore(%arg13 : memref<!tpu.dma_semaphore, #tpu.memory_space<semaphore_mem>>)
      } else {
      }
    }
    %scan3A_94 = arith.constant 10 : i32
    %barrier3A_95 = arith.constant 0 : index
    tpu.barrier barrier_id(%barrier3A_95)
    %mul3A_96 = arith.constant 10000 : i32
    %mul3A_97 = arith.muli %arg0, %mul3A_96 : i32
    %add3A_98 = arith.addi %mul3A_97, %mul3A_0 : i32
    "tpu.region"() ({
      %run_scoped3A = tpu.sem_alloc : memref<!tpu.dma_semaphore, #tpu.memory_space<semaphore_mem>>
      %dma_start3A_104 = arith.constant 0 : i32
      %dma_start3A_105 = tpu.memref_slice %arg6[%add3A_98, %dma_start3A_104] : memref<20000x128xf32, #tpu.memory_space<hbm>> -> memref<624x128xf32, #tpu.memory_space<hbm>>
      %dma_start3A_106 = arith.constant 0 : i32
      %dma_start3A_107 = tpu.memref_slice %arg11[%mul3A_0, %dma_start3A_106] : memref<10000x128xf32, #tpu.memory_space<vmem_shared>> -> memref<624x128xf32, #tpu.memory_space<vmem_shared>>
      tpu.enqueue_dma source(%dma_start3A_107 : memref<624x128xf32, #tpu.memory_space<vmem_shared>>) target(%dma_start3A_105 : memref<624x128xf32, #tpu.memory_space<hbm>>) target_semaphore(%run_scoped3A : memref<!tpu.dma_semaphore, #tpu.memory_space<semaphore_mem>>)
      %dma_wait3A_108 = arith.constant 0 : i32
      %dma_wait3A_109 = tpu.memref_slice %arg6[%add3A_98, %dma_wait3A_108] : memref<20000x128xf32, #tpu.memory_space<hbm>> -> memref<624x128xf32, #tpu.memory_space<hbm>>
      %dma_wait3A_110 = arith.constant 0 : i32
      %dma_wait3A_111 = tpu.memref_slice %arg11[%mul3A_0, %dma_wait3A_110] : memref<10000x128xf32, #tpu.memory_space<vmem_shared>> -> memref<624x128xf32, #tpu.memory_space<vmem_shared>>
      tpu.wait_dma2 semaphore(%run_scoped3A : memref<!tpu.dma_semaphore, #tpu.memory_space<semaphore_mem>>) src(%dma_wait3A_111 : memref<624x128xf32, #tpu.memory_space<vmem_shared>>) dst(%dma_wait3A_109 : memref<624x128xf32, #tpu.memory_space<hbm>>)
      tpu.yield
    }) : () -> ()
    %eq3A_99 = arith.constant 15 : i32
    %eq3A_100 = arith.cmpi eq, %arg1, %eq3A_99 : i32
    %convert_element_type3A_101 = arith.extui %eq3A_100 : i1 to i32
    %cond3A_102 = arith.constant 0 : i32
    %cond3A_103 = arith.cmpi ne, %convert_element_type3A_101, %cond3A_102 : i32
    scf.if %cond3A_103 {
      %mul3A_104 = arith.constant 10000 : i32
      %mul3A_105 = arith.muli %arg0, %mul3A_104 : i32
      %add3A_106 = arith.constant 9984 : i32
      %add3A_107 = arith.addi %mul3A_105, %add3A_106 : i32
      "tpu.region"() ({
        %run_scoped3A = tpu.sem_alloc : memref<!tpu.dma_semaphore, #tpu.memory_space<semaphore_mem>>
        %dma_start3A_108 = arith.constant 0 : i32
        %dma_start3A_109 = tpu.memref_slice %arg6[%add3A_107, %dma_start3A_108] : memref<20000x128xf32, #tpu.memory_space<hbm>> -> memref<16x128xf32, #tpu.memory_space<hbm>>
        %dma_start3A_110 = arith.constant 9984 : i32
        %dma_start3A_111 = arith.constant 0 : i32
        %dma_start3A_112 = tpu.memref_slice %arg11[%dma_start3A_110, %dma_start3A_111] : memref<10000x128xf32, #tpu.memory_space<vmem_shared>> -> memref<16x128xf32, #tpu.memory_space<vmem_shared>>
        tpu.enqueue_dma source(%dma_start3A_112 : memref<16x128xf32, #tpu.memory_space<vmem_shared>>) target(%dma_start3A_109 : memref<16x128xf32, #tpu.memory_space<hbm>>) target_semaphore(%run_scoped3A : memref<!tpu.dma_semaphore, #tpu.memory_space<semaphore_mem>>)
        %dma_wait3A_113 = arith.constant 0 : i32
        %dma_wait3A_114 = tpu.memref_slice %arg6[%add3A_107, %dma_wait3A_113] : memref<20000x128xf32, #tpu.memory_space<hbm>> -> memref<16x128xf32, #tpu.memory_space<hbm>>
        %dma_wait3A_115 = arith.constant 9984 : i32
        %dma_wait3A_116 = arith.constant 0 : i32
        %dma_wait3A_117 = tpu.memref_slice %arg11[%dma_wait3A_115, %dma_wait3A_116] : memref<10000x128xf32, #tpu.memory_space<vmem_shared>> -> memref<16x128xf32, #tpu.memory_space<vmem_shared>>
        tpu.wait_dma2 semaphore(%run_scoped3A : memref<!tpu.dma_semaphore, #tpu.memory_space<semaphore_mem>>) src(%dma_wait3A_117 : memref<16x128xf32, #tpu.memory_space<vmem_shared>>) dst(%dma_wait3A_114 : memref<16x128xf32, #tpu.memory_space<hbm>>)
        tpu.yield
      }) : () -> ()
    } else {
    }
    return
  }
}

#map = affine_map<(d0, d1) -> (0, 0)>
module attributes {stable_mosaic.version = 14 : i64} {
  func.func @seg(%arg0: i32, %arg1: i32, %arg2: memref<20000x128xf32, #tpu.memory_space<hbm>>, %arg3: memref<5120x125xi32, #tpu.memory_space<hbm>>, %arg4: memref<2560x125xi32, #tpu.memory_space<hbm>>, %arg5: memref<10000x128xf32, #tpu.memory_space<hbm>>, %arg6: memref<20000x128xf32, #tpu.memory_space<hbm>>, %arg7: memref<2x8x125xi32, #tpu.memory_space<vmem>>, %arg8: memref<2x8x125xi32, #tpu.memory_space<vmem>>, %arg9: memref<125x128xf32, #tpu.memory_space<vmem>>, %arg10: memref<125x128xf32, #tpu.memory_space<vmem>>, %arg11: memref<10000x128xf32, #tpu.memory_space<vmem_shared>>, %arg12: memref<!tpu.dma_semaphore, #tpu.memory_space<semaphore_mem>>, %arg13: memref<!tpu.dma_semaphore, #tpu.memory_space<semaphore_mem>>, %arg14: memref<!tpu.dma_semaphore, #tpu.memory_space<semaphore_mem>>, %arg15: memref<!tpu.dma_semaphore, #tpu.memory_space<semaphore_mem>>) attributes {dimension_semantics = [#tpu.dimension_semantics<core_parallel>, #tpu.dimension_semantics<subcore_parallel>], iteration_bounds = array<i64: 2, 16>, scalar_prefetch = 0 : i64, scratch_operands = 9 : i64, tpu.core_type = #tpu.core_type<sc_vector_subcore>, window_params = [{transform_indices = #map}, {transform_indices = #map}, {transform_indices = #map}, {transform_indices = #map}, {transform_indices = #map}]} {
    %mul3A = arith.constant 624 : i32
    %mul3A_0 = arith.muli %arg1, %mul3A : i32
    %mul3A_1 = arith.constant 2560 : i32
    %mul3A_2 = arith.muli %arg0, %mul3A_1 : i32
    %mul3A_3 = arith.constant 160 : i32
    %mul3A_4 = arith.muli %arg1, %mul3A_3 : i32
    %add3A = arith.addi %mul3A_2, %mul3A_4 : i32
    %mul3A_5 = arith.constant 160 : i32
    %mul3A_6 = arith.muli %arg1, %mul3A_5 : i32
    %add3A_7 = arith.constant 0 : i32
    %add3A_8 = arith.addi %add3A, %add3A_7 : i32
    %dma_start3A = arith.constant 0 : i32
    %dma_start3A_9 = arith.constant 0 : i32
    %dma_start3A_10 = arith.constant 0 : i32
    %dma_start3A_11 = tpu.memref_slice %arg7[%dma_start3A, %dma_start3A_9, %dma_start3A_10] : memref<2x8x125xi32, #tpu.memory_space<vmem>> -> memref<1x8x125xi32, #tpu.memory_space<vmem>>
    %dma_start3A_12 = tpu.memref_squeeze %dma_start3A_11 : memref<1x8x125xi32, #tpu.memory_space<vmem>> -> memref<8x125xi32, #tpu.memory_space<vmem>>
    %dma_start3A_13 = arith.constant 0 : i32
    %dma_start3A_14 = tpu.memref_slice %arg3[%add3A_8, %dma_start3A_13] : memref<5120x125xi32, #tpu.memory_space<hbm>> -> memref<8x125xi32, #tpu.memory_space<hbm>>
    %dma_start3A_15 = arith.constant 0 : i32
    %dma_start3A_16 = arith.constant 0 : i32
    %dma_start3A_17 = tpu.memref_slice %arg7[%dma_start3A, %dma_start3A_15, %dma_start3A_16] : memref<2x8x125xi32, #tpu.memory_space<vmem>> -> memref<1x8x125xi32, #tpu.memory_space<vmem>>
    %dma_start3A_18 = tpu.memref_squeeze %dma_start3A_17 : memref<1x8x125xi32, #tpu.memory_space<vmem>> -> memref<8x125xi32, #tpu.memory_space<vmem>>
    %dma_start3A_19 = arith.constant 0 : i32
    %dma_start3A_20 = tpu.memref_slice %arg3[%add3A_8, %dma_start3A_19] : memref<5120x125xi32, #tpu.memory_space<hbm>> -> memref<8x125xi32, #tpu.memory_space<hbm>>
    tpu.enqueue_dma source(%dma_start3A_20 : memref<8x125xi32, #tpu.memory_space<hbm>>) target(%dma_start3A_18 : memref<8x125xi32, #tpu.memory_space<vmem>>) target_semaphore(%arg14 : memref<!tpu.dma_semaphore, #tpu.memory_space<semaphore_mem>>)
    %add3A_21 = arith.constant 0 : i32
    %add3A_22 = arith.addi %mul3A_6, %add3A_21 : i32
    %dma_start3A_23 = arith.constant 0 : i32
    %dma_start3A_24 = arith.constant 0 : i32
    %dma_start3A_25 = arith.constant 0 : i32
    %dma_start3A_26 = tpu.memref_slice %arg8[%dma_start3A_23, %dma_start3A_24, %dma_start3A_25] : memref<2x8x125xi32, #tpu.memory_space<vmem>> -> memref<1x8x125xi32, #tpu.memory_space<vmem>>
    %dma_start3A_27 = tpu.memref_squeeze %dma_start3A_26 : memref<1x8x125xi32, #tpu.memory_space<vmem>> -> memref<8x125xi32, #tpu.memory_space<vmem>>
    %dma_start3A_28 = arith.constant 0 : i32
    %dma_start3A_29 = tpu.memref_slice %arg4[%add3A_22, %dma_start3A_28] : memref<2560x125xi32, #tpu.memory_space<hbm>> -> memref<8x125xi32, #tpu.memory_space<hbm>>
    %dma_start3A_30 = arith.constant 0 : i32
    %dma_start3A_31 = arith.constant 0 : i32
    %dma_start3A_32 = tpu.memref_slice %arg8[%dma_start3A_23, %dma_start3A_30, %dma_start3A_31] : memref<2x8x125xi32, #tpu.memory_space<vmem>> -> memref<1x8x125xi32, #tpu.memory_space<vmem>>
    %dma_start3A_33 = tpu.memref_squeeze %dma_start3A_32 : memref<1x8x125xi32, #tpu.memory_space<vmem>> -> memref<8x125xi32, #tpu.memory_space<vmem>>
    %dma_start3A_34 = arith.constant 0 : i32
    %dma_start3A_35 = tpu.memref_slice %arg4[%add3A_22, %dma_start3A_34] : memref<2560x125xi32, #tpu.memory_space<hbm>> -> memref<8x125xi32, #tpu.memory_space<hbm>>
    tpu.enqueue_dma source(%dma_start3A_35 : memref<8x125xi32, #tpu.memory_space<hbm>>) target(%dma_start3A_33 : memref<8x125xi32, #tpu.memory_space<vmem>>) target_semaphore(%arg14 : memref<!tpu.dma_semaphore, #tpu.memory_space<semaphore_mem>>)
    %add3A_36 = arith.constant 0 : i32
    %add3A_37 = arith.addi %add3A, %add3A_36 : i32
    %dma_wait3A = arith.constant 0 : i32
    %dma_wait3A_38 = arith.constant 0 : i32
    %dma_wait3A_39 = arith.constant 0 : i32
    %dma_wait3A_40 = tpu.memref_slice %arg7[%dma_wait3A, %dma_wait3A_38, %dma_wait3A_39] : memref<2x8x125xi32, #tpu.memory_space<vmem>> -> memref<1x8x125xi32, #tpu.memory_space<vmem>>
    %dma_wait3A_41 = tpu.memref_squeeze %dma_wait3A_40 : memref<1x8x125xi32, #tpu.memory_space<vmem>> -> memref<8x125xi32, #tpu.memory_space<vmem>>
    %dma_wait3A_42 = arith.constant 0 : i32
    %dma_wait3A_43 = tpu.memref_slice %arg3[%add3A_37, %dma_wait3A_42] : memref<5120x125xi32, #tpu.memory_space<hbm>> -> memref<8x125xi32, #tpu.memory_space<hbm>>
    %dma_wait3A_44 = arith.constant 0 : i32
    %dma_wait3A_45 = arith.constant 0 : i32
    %dma_wait3A_46 = tpu.memref_slice %arg7[%dma_wait3A, %dma_wait3A_44, %dma_wait3A_45] : memref<2x8x125xi32, #tpu.memory_space<vmem>> -> memref<1x8x125xi32, #tpu.memory_space<vmem>>
    %dma_wait3A_47 = tpu.memref_squeeze %dma_wait3A_46 : memref<1x8x125xi32, #tpu.memory_space<vmem>> -> memref<8x125xi32, #tpu.memory_space<vmem>>
    %dma_wait3A_48 = arith.constant 0 : i32
    %dma_wait3A_49 = tpu.memref_slice %arg3[%add3A_37, %dma_wait3A_48] : memref<5120x125xi32, #tpu.memory_space<hbm>> -> memref<8x125xi32, #tpu.memory_space<hbm>>
    tpu.wait_dma2 semaphore(%arg14 : memref<!tpu.dma_semaphore, #tpu.memory_space<semaphore_mem>>) src(%dma_wait3A_49 : memref<8x125xi32, #tpu.memory_space<hbm>>) dst(%dma_wait3A_47 : memref<8x125xi32, #tpu.memory_space<vmem>>)
    %add3A_50 = arith.constant 0 : i32
    %add3A_51 = arith.addi %mul3A_6, %add3A_50 : i32
    %dma_wait3A_52 = arith.constant 0 : i32
    %dma_wait3A_53 = arith.constant 0 : i32
    %dma_wait3A_54 = arith.constant 0 : i32
    %dma_wait3A_55 = tpu.memref_slice %arg8[%dma_wait3A_52, %dma_wait3A_53, %dma_wait3A_54] : memref<2x8x125xi32, #tpu.memory_space<vmem>> -> memref<1x8x125xi32, #tpu.memory_space<vmem>>
    %dma_wait3A_56 = tpu.memref_squeeze %dma_wait3A_55 : memref<1x8x125xi32, #tpu.memory_space<vmem>> -> memref<8x125xi32, #tpu.memory_space<vmem>>
    %dma_wait3A_57 = arith.constant 0 : i32
    %dma_wait3A_58 = tpu.memref_slice %arg4[%add3A_51, %dma_wait3A_57] : memref<2560x125xi32, #tpu.memory_space<hbm>> -> memref<8x125xi32, #tpu.memory_space<hbm>>
    %dma_wait3A_59 = arith.constant 0 : i32
    %dma_wait3A_60 = arith.constant 0 : i32
    %dma_wait3A_61 = tpu.memref_slice %arg8[%dma_wait3A_52, %dma_wait3A_59, %dma_wait3A_60] : memref<2x8x125xi32, #tpu.memory_space<vmem>> -> memref<1x8x125xi32, #tpu.memory_space<vmem>>
    %dma_wait3A_62 = tpu.memref_squeeze %dma_wait3A_61 : memref<1x8x125xi32, #tpu.memory_space<vmem>> -> memref<8x125xi32, #tpu.memory_space<vmem>>
    %dma_wait3A_63 = arith.constant 0 : i32
    %dma_wait3A_64 = tpu.memref_slice %arg4[%add3A_51, %dma_wait3A_63] : memref<2560x125xi32, #tpu.memory_space<hbm>> -> memref<8x125xi32, #tpu.memory_space<hbm>>
    tpu.wait_dma2 semaphore(%arg14 : memref<!tpu.dma_semaphore, #tpu.memory_space<semaphore_mem>>) src(%dma_wait3A_64 : memref<8x125xi32, #tpu.memory_space<hbm>>) dst(%dma_wait3A_62 : memref<8x125xi32, #tpu.memory_space<vmem>>)
    %dma_start3A_65 = arith.constant 0 : i32
    %dma_start3A_66 = arith.constant 0 : i32
    %dma_start3A_67 = arith.constant 0 : i32
    %dma_start3A_68 = arith.constant 0 : i32
    %dma_start3A_69 = tpu.memref_slice %arg7[%dma_start3A_65, %dma_start3A_67, %dma_start3A_68] : memref<2x8x125xi32, #tpu.memory_space<vmem>> -> memref<1x8x125xi32, #tpu.memory_space<vmem>>
    %dma_start3A_70 = tpu.memref_squeeze %dma_start3A_69 : memref<1x8x125xi32, #tpu.memory_space<vmem>> -> memref<8x125xi32, #tpu.memory_space<vmem>>
    %dma_start3A_71 = arith.constant 0 : i32
    %dma_start3A_72 = tpu.memref_slice %dma_start3A_70[%dma_start3A_66, %dma_start3A_71] : memref<8x125xi32, #tpu.memory_space<vmem>> -> memref<1x125xi32, #tpu.memory_space<vmem>>
    %dma_start3A_73 = tpu.memref_squeeze %dma_start3A_72 : memref<1x125xi32, #tpu.memory_space<vmem>> -> memref<125xi32, #tpu.memory_space<vmem>>
    %dma_start3A_74 = arith.constant 0 : i32
    %dma_start3A_75 = arith.constant 0 : i32
    %dma_start3A_76 = tpu.memref_slice %arg2[%dma_start3A_74, %dma_start3A_75] : memref<20000x128xf32, #tpu.memory_space<hbm>> -> memref<20000x128xf32, #tpu.memory_space<hbm>>
    tpu.enqueue_indirect_dma source(%dma_start3A_76 : memref<20000x128xf32, #tpu.memory_space<hbm>>) target(%arg9 : memref<125x128xf32, #tpu.memory_space<vmem>>) offsets(%dma_start3A_73 : memref<125xi32, #tpu.memory_space<vmem>>) semaphore(%arg12 : memref<!tpu.dma_semaphore, #tpu.memory_space<semaphore_mem>>)
    %dma_start3A_77 = arith.constant 0 : i32
    %dma_start3A_78 = arith.constant 1 : i32
    %dma_start3A_79 = arith.constant 0 : i32
    %dma_start3A_80 = arith.constant 0 : i32
    %dma_start3A_81 = tpu.memref_slice %arg7[%dma_start3A_77, %dma_start3A_79, %dma_start3A_80] : memref<2x8x125xi32, #tpu.memory_space<vmem>> -> memref<1x8x125xi32, #tpu.memory_space<vmem>>
    %dma_start3A_82 = tpu.memref_squeeze %dma_start3A_81 : memref<1x8x125xi32, #tpu.memory_space<vmem>> -> memref<8x125xi32, #tpu.memory_space<vmem>>
    %dma_start3A_83 = arith.constant 0 : i32
    %dma_start3A_84 = tpu.memref_slice %dma_start3A_82[%dma_start3A_78, %dma_start3A_83] : memref<8x125xi32, #tpu.memory_space<vmem>> -> memref<1x125xi32, #tpu.memory_space<vmem>>
    %dma_start3A_85 = tpu.memref_squeeze %dma_start3A_84 : memref<1x125xi32, #tpu.memory_space<vmem>> -> memref<125xi32, #tpu.memory_space<vmem>>
    %dma_start3A_86 = arith.constant 0 : i32
    %dma_start3A_87 = arith.constant 0 : i32
    %dma_start3A_88 = tpu.memref_slice %arg2[%dma_start3A_86, %dma_start3A_87] : memref<20000x128xf32, #tpu.memory_space<hbm>> -> memref<20000x128xf32, #tpu.memory_space<hbm>>
    tpu.enqueue_indirect_dma source(%dma_start3A_88 : memref<20000x128xf32, #tpu.memory_space<hbm>>) target(%arg10 : memref<125x128xf32, #tpu.memory_space<vmem>>) offsets(%dma_start3A_85 : memref<125xi32, #tpu.memory_space<vmem>>) semaphore(%arg13 : memref<!tpu.dma_semaphore, #tpu.memory_space<semaphore_mem>>)
    "tpu.region"() ({
      %run_scoped3A = tpu.sem_alloc : memref<!tpu.dma_semaphore, #tpu.memory_space<semaphore_mem>>
      %dma_start3A_104 = arith.constant 0 : i32
      %dma_start3A_105 = tpu.memref_slice %arg11[%mul3A_0, %dma_start3A_104] : memref<10000x128xf32, #tpu.memory_space<vmem_shared>> -> memref<624x128xf32, #tpu.memory_space<vmem_shared>>
      %dma_start3A_106 = arith.constant 0 : i32
      %dma_start3A_107 = tpu.memref_slice %arg5[%mul3A_0, %dma_start3A_106] : memref<10000x128xf32, #tpu.memory_space<hbm>> -> memref<624x128xf32, #tpu.memory_space<hbm>>
      tpu.enqueue_dma source(%dma_start3A_107 : memref<624x128xf32, #tpu.memory_space<hbm>>) target(%dma_start3A_105 : memref<624x128xf32, #tpu.memory_space<vmem_shared>>) target_semaphore(%run_scoped3A : memref<!tpu.dma_semaphore, #tpu.memory_space<semaphore_mem>>)
      %dma_wait3A_108 = arith.constant 0 : i32
      %dma_wait3A_109 = tpu.memref_slice %arg11[%mul3A_0, %dma_wait3A_108] : memref<10000x128xf32, #tpu.memory_space<vmem_shared>> -> memref<624x128xf32, #tpu.memory_space<vmem_shared>>
      %dma_wait3A_110 = arith.constant 0 : i32
      %dma_wait3A_111 = tpu.memref_slice %arg5[%mul3A_0, %dma_wait3A_110] : memref<10000x128xf32, #tpu.memory_space<hbm>> -> memref<624x128xf32, #tpu.memory_space<hbm>>
      tpu.wait_dma2 semaphore(%run_scoped3A : memref<!tpu.dma_semaphore, #tpu.memory_space<semaphore_mem>>) src(%dma_wait3A_111 : memref<624x128xf32, #tpu.memory_space<hbm>>) dst(%dma_wait3A_109 : memref<624x128xf32, #tpu.memory_space<vmem_shared>>)
      tpu.yield
    }) : () -> ()
    %eq3A = arith.constant 15 : i32
    %eq3A_89 = arith.cmpi eq, %arg1, %eq3A : i32
    %convert_element_type3A = arith.extui %eq3A_89 : i1 to i32
    %cond3A = arith.constant 0 : i32
    %cond3A_90 = arith.cmpi ne, %convert_element_type3A, %cond3A : i32
    scf.if %cond3A_90 {
      "tpu.region"() ({
        %run_scoped3A = tpu.sem_alloc : memref<!tpu.dma_semaphore, #tpu.memory_space<semaphore_mem>>
        %dma_start3A_104 = arith.constant 9984 : i32
        %dma_start3A_105 = arith.constant 0 : i32
        %dma_start3A_106 = tpu.memref_slice %arg11[%dma_start3A_104, %dma_start3A_105] : memref<10000x128xf32, #tpu.memory_space<vmem_shared>> -> memref<16x128xf32, #tpu.memory_space<vmem_shared>>
        %dma_start3A_107 = arith.constant 9984 : i32
        %dma_start3A_108 = arith.constant 0 : i32
        %dma_start3A_109 = tpu.memref_slice %arg5[%dma_start3A_107, %dma_start3A_108] : memref<10000x128xf32, #tpu.memory_space<hbm>> -> memref<16x128xf32, #tpu.memory_space<hbm>>
        tpu.enqueue_dma source(%dma_start3A_109 : memref<16x128xf32, #tpu.memory_space<hbm>>) target(%dma_start3A_106 : memref<16x128xf32, #tpu.memory_space<vmem_shared>>) target_semaphore(%run_scoped3A : memref<!tpu.dma_semaphore, #tpu.memory_space<semaphore_mem>>)
        %dma_wait3A_110 = arith.constant 9984 : i32
        %dma_wait3A_111 = arith.constant 0 : i32
        %dma_wait3A_112 = tpu.memref_slice %arg11[%dma_wait3A_110, %dma_wait3A_111] : memref<10000x128xf32, #tpu.memory_space<vmem_shared>> -> memref<16x128xf32, #tpu.memory_space<vmem_shared>>
        %dma_wait3A_113 = arith.constant 9984 : i32
        %dma_wait3A_114 = arith.constant 0 : i32
        %dma_wait3A_115 = tpu.memref_slice %arg5[%dma_wait3A_113, %dma_wait3A_114] : memref<10000x128xf32, #tpu.memory_space<hbm>> -> memref<16x128xf32, #tpu.memory_space<hbm>>
        tpu.wait_dma2 semaphore(%run_scoped3A : memref<!tpu.dma_semaphore, #tpu.memory_space<semaphore_mem>>) src(%dma_wait3A_115 : memref<16x128xf32, #tpu.memory_space<hbm>>) dst(%dma_wait3A_112 : memref<16x128xf32, #tpu.memory_space<vmem_shared>>)
        tpu.yield
      }) : () -> ()
    } else {
    }
    %barrier3A = arith.constant 0 : index
    tpu.barrier barrier_id(%barrier3A)
    %scan3A = arith.constant 0 : i32
    %scan3A_91 = arith.constant 10 : i32
    %scan3A_92 = arith.addi %scan3A, %scan3A_91 : i32
    %scan3A_93 = arith.constant 1 : i32
    scf.for %scan3A_104 = %scan3A to %scan3A_92 step %scan3A_93  : i32 {
      %mul3A_105 = arith.constant 1 : i32
      %mul3A_106 = arith.muli %scan3A_104, %mul3A_105 : i32
      %add3A_107 = arith.constant 0 : i32
      %add3A_108 = arith.addi %add3A_107, %mul3A_106 : i32
      %mul3A_109 = arith.constant 2 : i32
      %mul3A_110 = arith.muli %mul3A_109, %add3A_108 : i32
      %add3A_111 = arith.constant 1 : i32
      %add3A_112 = arith.addi %mul3A_110, %add3A_111 : i32
      %lt3A = arith.constant 20 : i32
      %lt3A_113 = arith.cmpi slt, %add3A_112, %lt3A : i32
      %convert_element_type3A_114 = arith.extui %lt3A_113 : i1 to i32
      %cond3A_115 = arith.constant 0 : i32
      %cond3A_116 = arith.cmpi ne, %convert_element_type3A_114, %cond3A_115 : i32
      scf.if %cond3A_116 {
        %add3A_523 = arith.constant 1 : i32
        %add3A_524 = arith.addi %mul3A_110, %add3A_523 : i32
        %mul3A_525 = arith.constant 8 : i32
        %mul3A_526 = arith.muli %add3A_524, %mul3A_525 : i32
        %add3A_527 = arith.addi %add3A, %mul3A_526 : i32
        %dma_start3A_528 = arith.constant 1 : i32
        %dma_start3A_529 = arith.constant 0 : i32
        %dma_start3A_530 = arith.constant 0 : i32
        %dma_start3A_531 = tpu.memref_slice %arg7[%dma_start3A_528, %dma_start3A_529, %dma_start3A_530] : memref<2x8x125xi32, #tpu.memory_space<vmem>> -> memref<1x8x125xi32, #tpu.memory_space<vmem>>
        %dma_start3A_532 = tpu.memref_squeeze %dma_start3A_531 : memref<1x8x125xi32, #tpu.memory_space<vmem>> -> memref<8x125xi32, #tpu.memory_space<vmem>>
        %dma_start3A_533 = arith.constant 0 : i32
        %dma_start3A_534 = tpu.memref_slice %arg3[%add3A_527, %dma_start3A_533] : memref<5120x125xi32, #tpu.memory_space<hbm>> -> memref<8x125xi32, #tpu.memory_space<hbm>>
        %dma_start3A_535 = arith.constant 0 : i32
        %dma_start3A_536 = arith.constant 0 : i32
        %dma_start3A_537 = tpu.memref_slice %arg7[%dma_start3A_528, %dma_start3A_535, %dma_start3A_536] : memref<2x8x125xi32, #tpu.memory_space<vmem>> -> memref<1x8x125xi32, #tpu.memory_space<vmem>>
        %dma_start3A_538 = tpu.memref_squeeze %dma_start3A_537 : memref<1x8x125xi32, #tpu.memory_space<vmem>> -> memref<8x125xi32, #tpu.memory_space<vmem>>
        %dma_start3A_539 = arith.constant 0 : i32
        %dma_start3A_540 = tpu.memref_slice %arg3[%add3A_527, %dma_start3A_539] : memref<5120x125xi32, #tpu.memory_space<hbm>> -> memref<8x125xi32, #tpu.memory_space<hbm>>
        tpu.enqueue_dma source(%dma_start3A_540 : memref<8x125xi32, #tpu.memory_space<hbm>>) target(%dma_start3A_538 : memref<8x125xi32, #tpu.memory_space<vmem>>) target_semaphore(%arg15 : memref<!tpu.dma_semaphore, #tpu.memory_space<semaphore_mem>>)
        %mul3A_541 = arith.constant 8 : i32
        %mul3A_542 = arith.muli %add3A_524, %mul3A_541 : i32
        %add3A_543 = arith.addi %mul3A_6, %mul3A_542 : i32
        %dma_start3A_544 = arith.constant 1 : i32
        %dma_start3A_545 = arith.constant 0 : i32
        %dma_start3A_546 = arith.constant 0 : i32
        %dma_start3A_547 = tpu.memref_slice %arg8[%dma_start3A_544, %dma_start3A_545, %dma_start3A_546] : memref<2x8x125xi32, #tpu.memory_space<vmem>> -> memref<1x8x125xi32, #tpu.memory_space<vmem>>
        %dma_start3A_548 = tpu.memref_squeeze %dma_start3A_547 : memref<1x8x125xi32, #tpu.memory_space<vmem>> -> memref<8x125xi32, #tpu.memory_space<vmem>>
        %dma_start3A_549 = arith.constant 0 : i32
        %dma_start3A_550 = tpu.memref_slice %arg4[%add3A_543, %dma_start3A_549] : memref<2560x125xi32, #tpu.memory_space<hbm>> -> memref<8x125xi32, #tpu.memory_space<hbm>>
        %dma_start3A_551 = arith.constant 0 : i32
        %dma_start3A_552 = arith.constant 0 : i32
        %dma_start3A_553 = tpu.memref_slice %arg8[%dma_start3A_544, %dma_start3A_551, %dma_start3A_552] : memref<2x8x125xi32, #tpu.memory_space<vmem>> -> memref<1x8x125xi32, #tpu.memory_space<vmem>>
        %dma_start3A_554 = tpu.memref_squeeze %dma_start3A_553 : memref<1x8x125xi32, #tpu.memory_space<vmem>> -> memref<8x125xi32, #tpu.memory_space<vmem>>
        %dma_start3A_555 = arith.constant 0 : i32
        %dma_start3A_556 = tpu.memref_slice %arg4[%add3A_543, %dma_start3A_555] : memref<2560x125xi32, #tpu.memory_space<hbm>> -> memref<8x125xi32, #tpu.memory_space<hbm>>
        tpu.enqueue_dma source(%dma_start3A_556 : memref<8x125xi32, #tpu.memory_space<hbm>>) target(%dma_start3A_554 : memref<8x125xi32, #tpu.memory_space<vmem>>) target_semaphore(%arg15 : memref<!tpu.dma_semaphore, #tpu.memory_space<semaphore_mem>>)
      } else {
      }
      %dma_wait3A_117 = arith.constant 0 : i32
      %dma_wait3A_118 = arith.constant 0 : i32
      %dma_wait3A_119 = arith.constant 0 : i32
      %dma_wait3A_120 = arith.constant 0 : i32
      %dma_wait3A_121 = tpu.memref_slice %arg7[%dma_wait3A_117, %dma_wait3A_119, %dma_wait3A_120] : memref<2x8x125xi32, #tpu.memory_space<vmem>> -> memref<1x8x125xi32, #tpu.memory_space<vmem>>
      %dma_wait3A_122 = tpu.memref_squeeze %dma_wait3A_121 : memref<1x8x125xi32, #tpu.memory_space<vmem>> -> memref<8x125xi32, #tpu.memory_space<vmem>>
      %dma_wait3A_123 = arith.constant 0 : i32
      %dma_wait3A_124 = tpu.memref_slice %dma_wait3A_122[%dma_wait3A_118, %dma_wait3A_123] : memref<8x125xi32, #tpu.memory_space<vmem>> -> memref<1x125xi32, #tpu.memory_space<vmem>>
      %dma_wait3A_125 = tpu.memref_squeeze %dma_wait3A_124 : memref<1x125xi32, #tpu.memory_space<vmem>> -> memref<125xi32, #tpu.memory_space<vmem>>
      %dma_wait3A_126 = arith.constant 0 : i32
      %dma_wait3A_127 = arith.constant 0 : i32
      %dma_wait3A_128 = tpu.memref_slice %arg2[%dma_wait3A_126, %dma_wait3A_127] : memref<20000x128xf32, #tpu.memory_space<hbm>> -> memref<20000x128xf32, #tpu.memory_space<hbm>>
      tpu.wait_indirect_dma semaphore(%arg12 : memref<!tpu.dma_semaphore, #tpu.memory_space<semaphore_mem>>) src(%dma_wait3A_128 : memref<20000x128xf32, #tpu.memory_space<hbm>>) dst(%arg9 : memref<125x128xf32, #tpu.memory_space<vmem>>)
      %run_scoped3A = arith.constant 0 : i32
      %run_scoped3A_129 = arith.constant 0 : i32
      "tpu.region"() ({
        %run_scoped3A_523 = tpu.sem_alloc : memref<!tpu.dma_semaphore, #tpu.memory_space<semaphore_mem>>
        %dma_start3A_524 = arith.constant 0 : i32
        %dma_start3A_525 = arith.constant 0 : i32
        %dma_start3A_526 = tpu.memref_slice %arg8[%run_scoped3A, %dma_start3A_524, %dma_start3A_525] : memref<2x8x125xi32, #tpu.memory_space<vmem>> -> memref<1x8x125xi32, #tpu.memory_space<vmem>>
        %dma_start3A_527 = tpu.memref_squeeze %dma_start3A_526 : memref<1x8x125xi32, #tpu.memory_space<vmem>> -> memref<8x125xi32, #tpu.memory_space<vmem>>
        %dma_start3A_528 = arith.constant 0 : i32
        %dma_start3A_529 = tpu.memref_slice %dma_start3A_527[%run_scoped3A_129, %dma_start3A_528] : memref<8x125xi32, #tpu.memory_space<vmem>> -> memref<1x125xi32, #tpu.memory_space<vmem>>
        %dma_start3A_530 = tpu.memref_squeeze %dma_start3A_529 : memref<1x125xi32, #tpu.memory_space<vmem>> -> memref<125xi32, #tpu.memory_space<vmem>>
        %dma_start3A_531 = arith.constant 0 : i32
        %dma_start3A_532 = arith.constant 0 : i32
        %dma_start3A_533 = tpu.memref_slice %arg11[%dma_start3A_531, %dma_start3A_532] : memref<10000x128xf32, #tpu.memory_space<vmem_shared>> -> memref<10000x128xf32, #tpu.memory_space<vmem_shared>>
        tpu.enqueue_indirect_dma source(%arg9 : memref<125x128xf32, #tpu.memory_space<vmem>>) target(%dma_start3A_533 : memref<10000x128xf32, #tpu.memory_space<vmem_shared>>) offsets(%dma_start3A_530 : memref<125xi32, #tpu.memory_space<vmem>>) semaphore(%run_scoped3A_523 : memref<!tpu.dma_semaphore, #tpu.memory_space<semaphore_mem>>) {add = true}
        %dma_wait3A_534 = arith.constant 0 : i32
        %dma_wait3A_535 = arith.constant 0 : i32
        %dma_wait3A_536 = tpu.memref_slice %arg8[%run_scoped3A, %dma_wait3A_534, %dma_wait3A_535] : memref<2x8x125xi32, #tpu.memory_space<vmem>> -> memref<1x8x125xi32, #tpu.memory_space<vmem>>
        %dma_wait3A_537 = tpu.memref_squeeze %dma_wait3A_536 : memref<1x8x125xi32, #tpu.memory_space<vmem>> -> memref<8x125xi32, #tpu.memory_space<vmem>>
        %dma_wait3A_538 = arith.constant 0 : i32
        %dma_wait3A_539 = tpu.memref_slice %dma_wait3A_537[%run_scoped3A_129, %dma_wait3A_538] : memref<8x125xi32, #tpu.memory_space<vmem>> -> memref<1x125xi32, #tpu.memory_space<vmem>>
        %dma_wait3A_540 = tpu.memref_squeeze %dma_wait3A_539 : memref<1x125xi32, #tpu.memory_space<vmem>> -> memref<125xi32, #tpu.memory_space<vmem>>
        %dma_wait3A_541 = arith.constant 0 : i32
        %dma_wait3A_542 = arith.constant 0 : i32
        %dma_wait3A_543 = tpu.memref_slice %arg11[%dma_wait3A_541, %dma_wait3A_542] : memref<10000x128xf32, #tpu.memory_space<vmem_shared>> -> memref<10000x128xf32, #tpu.memory_space<vmem_shared>>
        tpu.wait_indirect_dma semaphore(%run_scoped3A_523 : memref<!tpu.dma_semaphore, #tpu.memory_space<semaphore_mem>>) src(%arg9 : memref<125x128xf32, #tpu.memory_space<vmem>>) dst(%dma_wait3A_543 : memref<10000x128xf32, #tpu.memory_space<vmem_shared>>)
        tpu.yield
      }) : () -> ()
      %dma_start3A_130 = arith.constant 0 : i32
      %dma_start3A_131 = arith.constant 2 : i32
      %dma_start3A_132 = arith.constant 0 : i32
      %dma_start3A_133 = arith.constant 0 : i32
      %dma_start3A_134 = tpu.memref_slice %arg7[%dma_start3A_130, %dma_start3A_132, %dma_start3A_133] : memref<2x8x125xi32, #tpu.memory_space<vmem>> -> memref<1x8x125xi32, #tpu.memory_space<vmem>>
      %dma_start3A_135 = tpu.memref_squeeze %dma_start3A_134 : memref<1x8x125xi32, #tpu.memory_space<vmem>> -> memref<8x125xi32, #tpu.memory_space<vmem>>
      %dma_start3A_136 = arith.constant 0 : i32
      %dma_start3A_137 = tpu.memref_slice %dma_start3A_135[%dma_start3A_131, %dma_start3A_136] : memref<8x125xi32, #tpu.memory_space<vmem>> -> memref<1x125xi32, #tpu.memory_space<vmem>>
      %dma_start3A_138 = tpu.memref_squeeze %dma_start3A_137 : memref<1x125xi32, #tpu.memory_space<vmem>> -> memref<125xi32, #tpu.memory_space<vmem>>
      %dma_start3A_139 = arith.constant 0 : i32
      %dma_start3A_140 = arith.constant 0 : i32
      %dma_start3A_141 = tpu.memref_slice %arg2[%dma_start3A_139, %dma_start3A_140] : memref<20000x128xf32, #tpu.memory_space<hbm>> -> memref<20000x128xf32, #tpu.memory_space<hbm>>
      tpu.enqueue_indirect_dma source(%dma_start3A_141 : memref<20000x128xf32, #tpu.memory_space<hbm>>) target(%arg9 : memref<125x128xf32, #tpu.memory_space<vmem>>) offsets(%dma_start3A_138 : memref<125xi32, #tpu.memory_space<vmem>>) semaphore(%arg12 : memref<!tpu.dma_semaphore, #tpu.memory_space<semaphore_mem>>)
      %dma_wait3A_142 = arith.constant 0 : i32
      %dma_wait3A_143 = arith.constant 1 : i32
      %dma_wait3A_144 = arith.constant 0 : i32
      %dma_wait3A_145 = arith.constant 0 : i32
      %dma_wait3A_146 = tpu.memref_slice %arg7[%dma_wait3A_142, %dma_wait3A_144, %dma_wait3A_145] : memref<2x8x125xi32, #tpu.memory_space<vmem>> -> memref<1x8x125xi32, #tpu.memory_space<vmem>>
      %dma_wait3A_147 = tpu.memref_squeeze %dma_wait3A_146 : memref<1x8x125xi32, #tpu.memory_space<vmem>> -> memref<8x125xi32, #tpu.memory_space<vmem>>
      %dma_wait3A_148 = arith.constant 0 : i32
      %dma_wait3A_149 = tpu.memref_slice %dma_wait3A_147[%dma_wait3A_143, %dma_wait3A_148] : memref<8x125xi32, #tpu.memory_space<vmem>> -> memref<1x125xi32, #tpu.memory_space<vmem>>
      %dma_wait3A_150 = tpu.memref_squeeze %dma_wait3A_149 : memref<1x125xi32, #tpu.memory_space<vmem>> -> memref<125xi32, #tpu.memory_space<vmem>>
      %dma_wait3A_151 = arith.constant 0 : i32
      %dma_wait3A_152 = arith.constant 0 : i32
      %dma_wait3A_153 = tpu.memref_slice %arg2[%dma_wait3A_151, %dma_wait3A_152] : memref<20000x128xf32, #tpu.memory_space<hbm>> -> memref<20000x128xf32, #tpu.memory_space<hbm>>
      tpu.wait_indirect_dma semaphore(%arg13 : memref<!tpu.dma_semaphore, #tpu.memory_space<semaphore_mem>>) src(%dma_wait3A_153 : memref<20000x128xf32, #tpu.memory_space<hbm>>) dst(%arg10 : memref<125x128xf32, #tpu.memory_space<vmem>>)
      %run_scoped3A_154 = arith.constant 0 : i32
      %run_scoped3A_155 = arith.constant 1 : i32
      "tpu.region"() ({
        %run_scoped3A_523 = tpu.sem_alloc : memref<!tpu.dma_semaphore, #tpu.memory_space<semaphore_mem>>
        %dma_start3A_524 = arith.constant 0 : i32
        %dma_start3A_525 = arith.constant 0 : i32
        %dma_start3A_526 = tpu.memref_slice %arg8[%run_scoped3A_154, %dma_start3A_524, %dma_start3A_525] : memref<2x8x125xi32, #tpu.memory_space<vmem>> -> memref<1x8x125xi32, #tpu.memory_space<vmem>>
        %dma_start3A_527 = tpu.memref_squeeze %dma_start3A_526 : memref<1x8x125xi32, #tpu.memory_space<vmem>> -> memref<8x125xi32, #tpu.memory_space<vmem>>
        %dma_start3A_528 = arith.constant 0 : i32
        %dma_start3A_529 = tpu.memref_slice %dma_start3A_527[%run_scoped3A_155, %dma_start3A_528] : memref<8x125xi32, #tpu.memory_space<vmem>> -> memref<1x125xi32, #tpu.memory_space<vmem>>
        %dma_start3A_530 = tpu.memref_squeeze %dma_start3A_529 : memref<1x125xi32, #tpu.memory_space<vmem>> -> memref<125xi32, #tpu.memory_space<vmem>>
        %dma_start3A_531 = arith.constant 0 : i32
        %dma_start3A_532 = arith.constant 0 : i32
        %dma_start3A_533 = tpu.memref_slice %arg11[%dma_start3A_531, %dma_start3A_532] : memref<10000x128xf32, #tpu.memory_space<vmem_shared>> -> memref<10000x128xf32, #tpu.memory_space<vmem_shared>>
        tpu.enqueue_indirect_dma source(%arg10 : memref<125x128xf32, #tpu.memory_space<vmem>>) target(%dma_start3A_533 : memref<10000x128xf32, #tpu.memory_space<vmem_shared>>) offsets(%dma_start3A_530 : memref<125xi32, #tpu.memory_space<vmem>>) semaphore(%run_scoped3A_523 : memref<!tpu.dma_semaphore, #tpu.memory_space<semaphore_mem>>) {add = true}
        %dma_wait3A_534 = arith.constant 0 : i32
        %dma_wait3A_535 = arith.constant 0 : i32
        %dma_wait3A_536 = tpu.memref_slice %arg8[%run_scoped3A_154, %dma_wait3A_534, %dma_wait3A_535] : memref<2x8x125xi32, #tpu.memory_space<vmem>> -> memref<1x8x125xi32, #tpu.memory_space<vmem>>
        %dma_wait3A_537 = tpu.memref_squeeze %dma_wait3A_536 : memref<1x8x125xi32, #tpu.memory_space<vmem>> -> memref<8x125xi32, #tpu.memory_space<vmem>>
        %dma_wait3A_538 = arith.constant 0 : i32
        %dma_wait3A_539 = tpu.memref_slice %dma_wait3A_537[%run_scoped3A_155, %dma_wait3A_538] : memref<8x125xi32, #tpu.memory_space<vmem>> -> memref<1x125xi32, #tpu.memory_space<vmem>>
        %dma_wait3A_540 = tpu.memref_squeeze %dma_wait3A_539 : memref<1x125xi32, #tpu.memory_space<vmem>> -> memref<125xi32, #tpu.memory_space<vmem>>
        %dma_wait3A_541 = arith.constant 0 : i32
        %dma_wait3A_542 = arith.constant 0 : i32
        %dma_wait3A_543 = tpu.memref_slice %arg11[%dma_wait3A_541, %dma_wait3A_542] : memref<10000x128xf32, #tpu.memory_space<vmem_shared>> -> memref<10000x128xf32, #tpu.memory_space<vmem_shared>>
        tpu.wait_indirect_dma semaphore(%run_scoped3A_523 : memref<!tpu.dma_semaphore, #tpu.memory_space<semaphore_mem>>) src(%arg10 : memref<125x128xf32, #tpu.memory_space<vmem>>) dst(%dma_wait3A_543 : memref<10000x128xf32, #tpu.memory_space<vmem_shared>>)
        tpu.yield
      }) : () -> ()
      %dma_start3A_156 = arith.constant 0 : i32
      %dma_start3A_157 = arith.constant 3 : i32
      %dma_start3A_158 = arith.constant 0 : i32
      %dma_start3A_159 = arith.constant 0 : i32
      %dma_start3A_160 = tpu.memref_slice %arg7[%dma_start3A_156, %dma_start3A_158, %dma_start3A_159] : memref<2x8x125xi32, #tpu.memory_space<vmem>> -> memref<1x8x125xi32, #tpu.memory_space<vmem>>
      %dma_start3A_161 = tpu.memref_squeeze %dma_start3A_160 : memref<1x8x125xi32, #tpu.memory_space<vmem>> -> memref<8x125xi32, #tpu.memory_space<vmem>>
      %dma_start3A_162 = arith.constant 0 : i32
      %dma_start3A_163 = tpu.memref_slice %dma_start3A_161[%dma_start3A_157, %dma_start3A_162] : memref<8x125xi32, #tpu.memory_space<vmem>> -> memref<1x125xi32, #tpu.memory_space<vmem>>
      %dma_start3A_164 = tpu.memref_squeeze %dma_start3A_163 : memref<1x125xi32, #tpu.memory_space<vmem>> -> memref<125xi32, #tpu.memory_space<vmem>>
      %dma_start3A_165 = arith.constant 0 : i32
      %dma_start3A_166 = arith.constant 0 : i32
      %dma_start3A_167 = tpu.memref_slice %arg2[%dma_start3A_165, %dma_start3A_166] : memref<20000x128xf32, #tpu.memory_space<hbm>> -> memref<20000x128xf32, #tpu.memory_space<hbm>>
      tpu.enqueue_indirect_dma source(%dma_start3A_167 : memref<20000x128xf32, #tpu.memory_space<hbm>>) target(%arg10 : memref<125x128xf32, #tpu.memory_space<vmem>>) offsets(%dma_start3A_164 : memref<125xi32, #tpu.memory_space<vmem>>) semaphore(%arg13 : memref<!tpu.dma_semaphore, #tpu.memory_space<semaphore_mem>>)
      %dma_wait3A_168 = arith.constant 0 : i32
      %dma_wait3A_169 = arith.constant 2 : i32
      %dma_wait3A_170 = arith.constant 0 : i32
      %dma_wait3A_171 = arith.constant 0 : i32
      %dma_wait3A_172 = tpu.memref_slice %arg7[%dma_wait3A_168, %dma_wait3A_170, %dma_wait3A_171] : memref<2x8x125xi32, #tpu.memory_space<vmem>> -> memref<1x8x125xi32, #tpu.memory_space<vmem>>
      %dma_wait3A_173 = tpu.memref_squeeze %dma_wait3A_172 : memref<1x8x125xi32, #tpu.memory_space<vmem>> -> memref<8x125xi32, #tpu.memory_space<vmem>>
      %dma_wait3A_174 = arith.constant 0 : i32
      %dma_wait3A_175 = tpu.memref_slice %dma_wait3A_173[%dma_wait3A_169, %dma_wait3A_174] : memref<8x125xi32, #tpu.memory_space<vmem>> -> memref<1x125xi32, #tpu.memory_space<vmem>>
      %dma_wait3A_176 = tpu.memref_squeeze %dma_wait3A_175 : memref<1x125xi32, #tpu.memory_space<vmem>> -> memref<125xi32, #tpu.memory_space<vmem>>
      %dma_wait3A_177 = arith.constant 0 : i32
      %dma_wait3A_178 = arith.constant 0 : i32
      %dma_wait3A_179 = tpu.memref_slice %arg2[%dma_wait3A_177, %dma_wait3A_178] : memref<20000x128xf32, #tpu.memory_space<hbm>> -> memref<20000x128xf32, #tpu.memory_space<hbm>>
      tpu.wait_indirect_dma semaphore(%arg12 : memref<!tpu.dma_semaphore, #tpu.memory_space<semaphore_mem>>) src(%dma_wait3A_179 : memref<20000x128xf32, #tpu.memory_space<hbm>>) dst(%arg9 : memref<125x128xf32, #tpu.memory_space<vmem>>)
      %run_scoped3A_180 = arith.constant 0 : i32
      %run_scoped3A_181 = arith.constant 2 : i32
      "tpu.region"() ({
        %run_scoped3A_523 = tpu.sem_alloc : memref<!tpu.dma_semaphore, #tpu.memory_space<semaphore_mem>>
        %dma_start3A_524 = arith.constant 0 : i32
        %dma_start3A_525 = arith.constant 0 : i32
        %dma_start3A_526 = tpu.memref_slice %arg8[%run_scoped3A_180, %dma_start3A_524, %dma_start3A_525] : memref<2x8x125xi32, #tpu.memory_space<vmem>> -> memref<1x8x125xi32, #tpu.memory_space<vmem>>
        %dma_start3A_527 = tpu.memref_squeeze %dma_start3A_526 : memref<1x8x125xi32, #tpu.memory_space<vmem>> -> memref<8x125xi32, #tpu.memory_space<vmem>>
        %dma_start3A_528 = arith.constant 0 : i32
        %dma_start3A_529 = tpu.memref_slice %dma_start3A_527[%run_scoped3A_181, %dma_start3A_528] : memref<8x125xi32, #tpu.memory_space<vmem>> -> memref<1x125xi32, #tpu.memory_space<vmem>>
        %dma_start3A_530 = tpu.memref_squeeze %dma_start3A_529 : memref<1x125xi32, #tpu.memory_space<vmem>> -> memref<125xi32, #tpu.memory_space<vmem>>
        %dma_start3A_531 = arith.constant 0 : i32
        %dma_start3A_532 = arith.constant 0 : i32
        %dma_start3A_533 = tpu.memref_slice %arg11[%dma_start3A_531, %dma_start3A_532] : memref<10000x128xf32, #tpu.memory_space<vmem_shared>> -> memref<10000x128xf32, #tpu.memory_space<vmem_shared>>
        tpu.enqueue_indirect_dma source(%arg9 : memref<125x128xf32, #tpu.memory_space<vmem>>) target(%dma_start3A_533 : memref<10000x128xf32, #tpu.memory_space<vmem_shared>>) offsets(%dma_start3A_530 : memref<125xi32, #tpu.memory_space<vmem>>) semaphore(%run_scoped3A_523 : memref<!tpu.dma_semaphore, #tpu.memory_space<semaphore_mem>>) {add = true}
        %dma_wait3A_534 = arith.constant 0 : i32
        %dma_wait3A_535 = arith.constant 0 : i32
        %dma_wait3A_536 = tpu.memref_slice %arg8[%run_scoped3A_180, %dma_wait3A_534, %dma_wait3A_535] : memref<2x8x125xi32, #tpu.memory_space<vmem>> -> memref<1x8x125xi32, #tpu.memory_space<vmem>>
        %dma_wait3A_537 = tpu.memref_squeeze %dma_wait3A_536 : memref<1x8x125xi32, #tpu.memory_space<vmem>> -> memref<8x125xi32, #tpu.memory_space<vmem>>
        %dma_wait3A_538 = arith.constant 0 : i32
        %dma_wait3A_539 = tpu.memref_slice %dma_wait3A_537[%run_scoped3A_181, %dma_wait3A_538] : memref<8x125xi32, #tpu.memory_space<vmem>> -> memref<1x125xi32, #tpu.memory_space<vmem>>
        %dma_wait3A_540 = tpu.memref_squeeze %dma_wait3A_539 : memref<1x125xi32, #tpu.memory_space<vmem>> -> memref<125xi32, #tpu.memory_space<vmem>>
        %dma_wait3A_541 = arith.constant 0 : i32
        %dma_wait3A_542 = arith.constant 0 : i32
        %dma_wait3A_543 = tpu.memref_slice %arg11[%dma_wait3A_541, %dma_wait3A_542] : memref<10000x128xf32, #tpu.memory_space<vmem_shared>> -> memref<10000x128xf32, #tpu.memory_space<vmem_shared>>
        tpu.wait_indirect_dma semaphore(%run_scoped3A_523 : memref<!tpu.dma_semaphore, #tpu.memory_space<semaphore_mem>>) src(%arg9 : memref<125x128xf32, #tpu.memory_space<vmem>>) dst(%dma_wait3A_543 : memref<10000x128xf32, #tpu.memory_space<vmem_shared>>)
        tpu.yield
      }) : () -> ()
      %dma_start3A_182 = arith.constant 0 : i32
      %dma_start3A_183 = arith.constant 4 : i32
      %dma_start3A_184 = arith.constant 0 : i32
      %dma_start3A_185 = arith.constant 0 : i32
      %dma_start3A_186 = tpu.memref_slice %arg7[%dma_start3A_182, %dma_start3A_184, %dma_start3A_185] : memref<2x8x125xi32, #tpu.memory_space<vmem>> -> memref<1x8x125xi32, #tpu.memory_space<vmem>>
      %dma_start3A_187 = tpu.memref_squeeze %dma_start3A_186 : memref<1x8x125xi32, #tpu.memory_space<vmem>> -> memref<8x125xi32, #tpu.memory_space<vmem>>
      %dma_start3A_188 = arith.constant 0 : i32
      %dma_start3A_189 = tpu.memref_slice %dma_start3A_187[%dma_start3A_183, %dma_start3A_188] : memref<8x125xi32, #tpu.memory_space<vmem>> -> memref<1x125xi32, #tpu.memory_space<vmem>>
      %dma_start3A_190 = tpu.memref_squeeze %dma_start3A_189 : memref<1x125xi32, #tpu.memory_space<vmem>> -> memref<125xi32, #tpu.memory_space<vmem>>
      %dma_start3A_191 = arith.constant 0 : i32
      %dma_start3A_192 = arith.constant 0 : i32
      %dma_start3A_193 = tpu.memref_slice %arg2[%dma_start3A_191, %dma_start3A_192] : memref<20000x128xf32, #tpu.memory_space<hbm>> -> memref<20000x128xf32, #tpu.memory_space<hbm>>
      tpu.enqueue_indirect_dma source(%dma_start3A_193 : memref<20000x128xf32, #tpu.memory_space<hbm>>) target(%arg9 : memref<125x128xf32, #tpu.memory_space<vmem>>) offsets(%dma_start3A_190 : memref<125xi32, #tpu.memory_space<vmem>>) semaphore(%arg12 : memref<!tpu.dma_semaphore, #tpu.memory_space<semaphore_mem>>)
      %dma_wait3A_194 = arith.constant 0 : i32
      %dma_wait3A_195 = arith.constant 3 : i32
      %dma_wait3A_196 = arith.constant 0 : i32
      %dma_wait3A_197 = arith.constant 0 : i32
      %dma_wait3A_198 = tpu.memref_slice %arg7[%dma_wait3A_194, %dma_wait3A_196, %dma_wait3A_197] : memref<2x8x125xi32, #tpu.memory_space<vmem>> -> memref<1x8x125xi32, #tpu.memory_space<vmem>>
      %dma_wait3A_199 = tpu.memref_squeeze %dma_wait3A_198 : memref<1x8x125xi32, #tpu.memory_space<vmem>> -> memref<8x125xi32, #tpu.memory_space<vmem>>
      %dma_wait3A_200 = arith.constant 0 : i32
      %dma_wait3A_201 = tpu.memref_slice %dma_wait3A_199[%dma_wait3A_195, %dma_wait3A_200] : memref<8x125xi32, #tpu.memory_space<vmem>> -> memref<1x125xi32, #tpu.memory_space<vmem>>
      %dma_wait3A_202 = tpu.memref_squeeze %dma_wait3A_201 : memref<1x125xi32, #tpu.memory_space<vmem>> -> memref<125xi32, #tpu.memory_space<vmem>>
      %dma_wait3A_203 = arith.constant 0 : i32
      %dma_wait3A_204 = arith.constant 0 : i32
      %dma_wait3A_205 = tpu.memref_slice %arg2[%dma_wait3A_203, %dma_wait3A_204] : memref<20000x128xf32, #tpu.memory_space<hbm>> -> memref<20000x128xf32, #tpu.memory_space<hbm>>
      tpu.wait_indirect_dma semaphore(%arg13 : memref<!tpu.dma_semaphore, #tpu.memory_space<semaphore_mem>>) src(%dma_wait3A_205 : memref<20000x128xf32, #tpu.memory_space<hbm>>) dst(%arg10 : memref<125x128xf32, #tpu.memory_space<vmem>>)
      %run_scoped3A_206 = arith.constant 0 : i32
      %run_scoped3A_207 = arith.constant 3 : i32
      "tpu.region"() ({
        %run_scoped3A_523 = tpu.sem_alloc : memref<!tpu.dma_semaphore, #tpu.memory_space<semaphore_mem>>
        %dma_start3A_524 = arith.constant 0 : i32
        %dma_start3A_525 = arith.constant 0 : i32
        %dma_start3A_526 = tpu.memref_slice %arg8[%run_scoped3A_206, %dma_start3A_524, %dma_start3A_525] : memref<2x8x125xi32, #tpu.memory_space<vmem>> -> memref<1x8x125xi32, #tpu.memory_space<vmem>>
        %dma_start3A_527 = tpu.memref_squeeze %dma_start3A_526 : memref<1x8x125xi32, #tpu.memory_space<vmem>> -> memref<8x125xi32, #tpu.memory_space<vmem>>
        %dma_start3A_528 = arith.constant 0 : i32
        %dma_start3A_529 = tpu.memref_slice %dma_start3A_527[%run_scoped3A_207, %dma_start3A_528] : memref<8x125xi32, #tpu.memory_space<vmem>> -> memref<1x125xi32, #tpu.memory_space<vmem>>
        %dma_start3A_530 = tpu.memref_squeeze %dma_start3A_529 : memref<1x125xi32, #tpu.memory_space<vmem>> -> memref<125xi32, #tpu.memory_space<vmem>>
        %dma_start3A_531 = arith.constant 0 : i32
        %dma_start3A_532 = arith.constant 0 : i32
        %dma_start3A_533 = tpu.memref_slice %arg11[%dma_start3A_531, %dma_start3A_532] : memref<10000x128xf32, #tpu.memory_space<vmem_shared>> -> memref<10000x128xf32, #tpu.memory_space<vmem_shared>>
        tpu.enqueue_indirect_dma source(%arg10 : memref<125x128xf32, #tpu.memory_space<vmem>>) target(%dma_start3A_533 : memref<10000x128xf32, #tpu.memory_space<vmem_shared>>) offsets(%dma_start3A_530 : memref<125xi32, #tpu.memory_space<vmem>>) semaphore(%run_scoped3A_523 : memref<!tpu.dma_semaphore, #tpu.memory_space<semaphore_mem>>) {add = true}
        %dma_wait3A_534 = arith.constant 0 : i32
        %dma_wait3A_535 = arith.constant 0 : i32
        %dma_wait3A_536 = tpu.memref_slice %arg8[%run_scoped3A_206, %dma_wait3A_534, %dma_wait3A_535] : memref<2x8x125xi32, #tpu.memory_space<vmem>> -> memref<1x8x125xi32, #tpu.memory_space<vmem>>
        %dma_wait3A_537 = tpu.memref_squeeze %dma_wait3A_536 : memref<1x8x125xi32, #tpu.memory_space<vmem>> -> memref<8x125xi32, #tpu.memory_space<vmem>>
        %dma_wait3A_538 = arith.constant 0 : i32
        %dma_wait3A_539 = tpu.memref_slice %dma_wait3A_537[%run_scoped3A_207, %dma_wait3A_538] : memref<8x125xi32, #tpu.memory_space<vmem>> -> memref<1x125xi32, #tpu.memory_space<vmem>>
        %dma_wait3A_540 = tpu.memref_squeeze %dma_wait3A_539 : memref<1x125xi32, #tpu.memory_space<vmem>> -> memref<125xi32, #tpu.memory_space<vmem>>
        %dma_wait3A_541 = arith.constant 0 : i32
        %dma_wait3A_542 = arith.constant 0 : i32
        %dma_wait3A_543 = tpu.memref_slice %arg11[%dma_wait3A_541, %dma_wait3A_542] : memref<10000x128xf32, #tpu.memory_space<vmem_shared>> -> memref<10000x128xf32, #tpu.memory_space<vmem_shared>>
        tpu.wait_indirect_dma semaphore(%run_scoped3A_523 : memref<!tpu.dma_semaphore, #tpu.memory_space<semaphore_mem>>) src(%arg10 : memref<125x128xf32, #tpu.memory_space<vmem>>) dst(%dma_wait3A_543 : memref<10000x128xf32, #tpu.memory_space<vmem_shared>>)
        tpu.yield
      }) : () -> ()
      %dma_start3A_208 = arith.constant 0 : i32
      %dma_start3A_209 = arith.constant 5 : i32
      %dma_start3A_210 = arith.constant 0 : i32
      %dma_start3A_211 = arith.constant 0 : i32
      %dma_start3A_212 = tpu.memref_slice %arg7[%dma_start3A_208, %dma_start3A_210, %dma_start3A_211] : memref<2x8x125xi32, #tpu.memory_space<vmem>> -> memref<1x8x125xi32, #tpu.memory_space<vmem>>
      %dma_start3A_213 = tpu.memref_squeeze %dma_start3A_212 : memref<1x8x125xi32, #tpu.memory_space<vmem>> -> memref<8x125xi32, #tpu.memory_space<vmem>>
      %dma_start3A_214 = arith.constant 0 : i32
      %dma_start3A_215 = tpu.memref_slice %dma_start3A_213[%dma_start3A_209, %dma_start3A_214] : memref<8x125xi32, #tpu.memory_space<vmem>> -> memref<1x125xi32, #tpu.memory_space<vmem>>
      %dma_start3A_216 = tpu.memref_squeeze %dma_start3A_215 : memref<1x125xi32, #tpu.memory_space<vmem>> -> memref<125xi32, #tpu.memory_space<vmem>>
      %dma_start3A_217 = arith.constant 0 : i32
      %dma_start3A_218 = arith.constant 0 : i32
      %dma_start3A_219 = tpu.memref_slice %arg2[%dma_start3A_217, %dma_start3A_218] : memref<20000x128xf32, #tpu.memory_space<hbm>> -> memref<20000x128xf32, #tpu.memory_space<hbm>>
      tpu.enqueue_indirect_dma source(%dma_start3A_219 : memref<20000x128xf32, #tpu.memory_space<hbm>>) target(%arg10 : memref<125x128xf32, #tpu.memory_space<vmem>>) offsets(%dma_start3A_216 : memref<125xi32, #tpu.memory_space<vmem>>) semaphore(%arg13 : memref<!tpu.dma_semaphore, #tpu.memory_space<semaphore_mem>>)
      %dma_wait3A_220 = arith.constant 0 : i32
      %dma_wait3A_221 = arith.constant 4 : i32
      %dma_wait3A_222 = arith.constant 0 : i32
      %dma_wait3A_223 = arith.constant 0 : i32
      %dma_wait3A_224 = tpu.memref_slice %arg7[%dma_wait3A_220, %dma_wait3A_222, %dma_wait3A_223] : memref<2x8x125xi32, #tpu.memory_space<vmem>> -> memref<1x8x125xi32, #tpu.memory_space<vmem>>
      %dma_wait3A_225 = tpu.memref_squeeze %dma_wait3A_224 : memref<1x8x125xi32, #tpu.memory_space<vmem>> -> memref<8x125xi32, #tpu.memory_space<vmem>>
      %dma_wait3A_226 = arith.constant 0 : i32
      %dma_wait3A_227 = tpu.memref_slice %dma_wait3A_225[%dma_wait3A_221, %dma_wait3A_226] : memref<8x125xi32, #tpu.memory_space<vmem>> -> memref<1x125xi32, #tpu.memory_space<vmem>>
      %dma_wait3A_228 = tpu.memref_squeeze %dma_wait3A_227 : memref<1x125xi32, #tpu.memory_space<vmem>> -> memref<125xi32, #tpu.memory_space<vmem>>
      %dma_wait3A_229 = arith.constant 0 : i32
      %dma_wait3A_230 = arith.constant 0 : i32
      %dma_wait3A_231 = tpu.memref_slice %arg2[%dma_wait3A_229, %dma_wait3A_230] : memref<20000x128xf32, #tpu.memory_space<hbm>> -> memref<20000x128xf32, #tpu.memory_space<hbm>>
      tpu.wait_indirect_dma semaphore(%arg12 : memref<!tpu.dma_semaphore, #tpu.memory_space<semaphore_mem>>) src(%dma_wait3A_231 : memref<20000x128xf32, #tpu.memory_space<hbm>>) dst(%arg9 : memref<125x128xf32, #tpu.memory_space<vmem>>)
      %run_scoped3A_232 = arith.constant 0 : i32
      %run_scoped3A_233 = arith.constant 4 : i32
      "tpu.region"() ({
        %run_scoped3A_523 = tpu.sem_alloc : memref<!tpu.dma_semaphore, #tpu.memory_space<semaphore_mem>>
        %dma_start3A_524 = arith.constant 0 : i32
        %dma_start3A_525 = arith.constant 0 : i32
        %dma_start3A_526 = tpu.memref_slice %arg8[%run_scoped3A_232, %dma_start3A_524, %dma_start3A_525] : memref<2x8x125xi32, #tpu.memory_space<vmem>> -> memref<1x8x125xi32, #tpu.memory_space<vmem>>
        %dma_start3A_527 = tpu.memref_squeeze %dma_start3A_526 : memref<1x8x125xi32, #tpu.memory_space<vmem>> -> memref<8x125xi32, #tpu.memory_space<vmem>>
        %dma_start3A_528 = arith.constant 0 : i32
        %dma_start3A_529 = tpu.memref_slice %dma_start3A_527[%run_scoped3A_233, %dma_start3A_528] : memref<8x125xi32, #tpu.memory_space<vmem>> -> memref<1x125xi32, #tpu.memory_space<vmem>>
        %dma_start3A_530 = tpu.memref_squeeze %dma_start3A_529 : memref<1x125xi32, #tpu.memory_space<vmem>> -> memref<125xi32, #tpu.memory_space<vmem>>
        %dma_start3A_531 = arith.constant 0 : i32
        %dma_start3A_532 = arith.constant 0 : i32
        %dma_start3A_533 = tpu.memref_slice %arg11[%dma_start3A_531, %dma_start3A_532] : memref<10000x128xf32, #tpu.memory_space<vmem_shared>> -> memref<10000x128xf32, #tpu.memory_space<vmem_shared>>
        tpu.enqueue_indirect_dma source(%arg9 : memref<125x128xf32, #tpu.memory_space<vmem>>) target(%dma_start3A_533 : memref<10000x128xf32, #tpu.memory_space<vmem_shared>>) offsets(%dma_start3A_530 : memref<125xi32, #tpu.memory_space<vmem>>) semaphore(%run_scoped3A_523 : memref<!tpu.dma_semaphore, #tpu.memory_space<semaphore_mem>>) {add = true}
        %dma_wait3A_534 = arith.constant 0 : i32
        %dma_wait3A_535 = arith.constant 0 : i32
        %dma_wait3A_536 = tpu.memref_slice %arg8[%run_scoped3A_232, %dma_wait3A_534, %dma_wait3A_535] : memref<2x8x125xi32, #tpu.memory_space<vmem>> -> memref<1x8x125xi32, #tpu.memory_space<vmem>>
        %dma_wait3A_537 = tpu.memref_squeeze %dma_wait3A_536 : memref<1x8x125xi32, #tpu.memory_space<vmem>> -> memref<8x125xi32, #tpu.memory_space<vmem>>
        %dma_wait3A_538 = arith.constant 0 : i32
        %dma_wait3A_539 = tpu.memref_slice %dma_wait3A_537[%run_scoped3A_233, %dma_wait3A_538] : memref<8x125xi32, #tpu.memory_space<vmem>> -> memref<1x125xi32, #tpu.memory_space<vmem>>
        %dma_wait3A_540 = tpu.memref_squeeze %dma_wait3A_539 : memref<1x125xi32, #tpu.memory_space<vmem>> -> memref<125xi32, #tpu.memory_space<vmem>>
        %dma_wait3A_541 = arith.constant 0 : i32
        %dma_wait3A_542 = arith.constant 0 : i32
        %dma_wait3A_543 = tpu.memref_slice %arg11[%dma_wait3A_541, %dma_wait3A_542] : memref<10000x128xf32, #tpu.memory_space<vmem_shared>> -> memref<10000x128xf32, #tpu.memory_space<vmem_shared>>
        tpu.wait_indirect_dma semaphore(%run_scoped3A_523 : memref<!tpu.dma_semaphore, #tpu.memory_space<semaphore_mem>>) src(%arg9 : memref<125x128xf32, #tpu.memory_space<vmem>>) dst(%dma_wait3A_543 : memref<10000x128xf32, #tpu.memory_space<vmem_shared>>)
        tpu.yield
      }) : () -> ()
      %dma_start3A_234 = arith.constant 0 : i32
      %dma_start3A_235 = arith.constant 6 : i32
      %dma_start3A_236 = arith.constant 0 : i32
      %dma_start3A_237 = arith.constant 0 : i32
      %dma_start3A_238 = tpu.memref_slice %arg7[%dma_start3A_234, %dma_start3A_236, %dma_start3A_237] : memref<2x8x125xi32, #tpu.memory_space<vmem>> -> memref<1x8x125xi32, #tpu.memory_space<vmem>>
      %dma_start3A_239 = tpu.memref_squeeze %dma_start3A_238 : memref<1x8x125xi32, #tpu.memory_space<vmem>> -> memref<8x125xi32, #tpu.memory_space<vmem>>
      %dma_start3A_240 = arith.constant 0 : i32
      %dma_start3A_241 = tpu.memref_slice %dma_start3A_239[%dma_start3A_235, %dma_start3A_240] : memref<8x125xi32, #tpu.memory_space<vmem>> -> memref<1x125xi32, #tpu.memory_space<vmem>>
      %dma_start3A_242 = tpu.memref_squeeze %dma_start3A_241 : memref<1x125xi32, #tpu.memory_space<vmem>> -> memref<125xi32, #tpu.memory_space<vmem>>
      %dma_start3A_243 = arith.constant 0 : i32
      %dma_start3A_244 = arith.constant 0 : i32
      %dma_start3A_245 = tpu.memref_slice %arg2[%dma_start3A_243, %dma_start3A_244] : memref<20000x128xf32, #tpu.memory_space<hbm>> -> memref<20000x128xf32, #tpu.memory_space<hbm>>
      tpu.enqueue_indirect_dma source(%dma_start3A_245 : memref<20000x128xf32, #tpu.memory_space<hbm>>) target(%arg9 : memref<125x128xf32, #tpu.memory_space<vmem>>) offsets(%dma_start3A_242 : memref<125xi32, #tpu.memory_space<vmem>>) semaphore(%arg12 : memref<!tpu.dma_semaphore, #tpu.memory_space<semaphore_mem>>)
      %dma_wait3A_246 = arith.constant 0 : i32
      %dma_wait3A_247 = arith.constant 5 : i32
      %dma_wait3A_248 = arith.constant 0 : i32
      %dma_wait3A_249 = arith.constant 0 : i32
      %dma_wait3A_250 = tpu.memref_slice %arg7[%dma_wait3A_246, %dma_wait3A_248, %dma_wait3A_249] : memref<2x8x125xi32, #tpu.memory_space<vmem>> -> memref<1x8x125xi32, #tpu.memory_space<vmem>>
      %dma_wait3A_251 = tpu.memref_squeeze %dma_wait3A_250 : memref<1x8x125xi32, #tpu.memory_space<vmem>> -> memref<8x125xi32, #tpu.memory_space<vmem>>
      %dma_wait3A_252 = arith.constant 0 : i32
      %dma_wait3A_253 = tpu.memref_slice %dma_wait3A_251[%dma_wait3A_247, %dma_wait3A_252] : memref<8x125xi32, #tpu.memory_space<vmem>> -> memref<1x125xi32, #tpu.memory_space<vmem>>
      %dma_wait3A_254 = tpu.memref_squeeze %dma_wait3A_253 : memref<1x125xi32, #tpu.memory_space<vmem>> -> memref<125xi32, #tpu.memory_space<vmem>>
      %dma_wait3A_255 = arith.constant 0 : i32
      %dma_wait3A_256 = arith.constant 0 : i32
      %dma_wait3A_257 = tpu.memref_slice %arg2[%dma_wait3A_255, %dma_wait3A_256] : memref<20000x128xf32, #tpu.memory_space<hbm>> -> memref<20000x128xf32, #tpu.memory_space<hbm>>
      tpu.wait_indirect_dma semaphore(%arg13 : memref<!tpu.dma_semaphore, #tpu.memory_space<semaphore_mem>>) src(%dma_wait3A_257 : memref<20000x128xf32, #tpu.memory_space<hbm>>) dst(%arg10 : memref<125x128xf32, #tpu.memory_space<vmem>>)
      %run_scoped3A_258 = arith.constant 0 : i32
      %run_scoped3A_259 = arith.constant 5 : i32
      "tpu.region"() ({
        %run_scoped3A_523 = tpu.sem_alloc : memref<!tpu.dma_semaphore, #tpu.memory_space<semaphore_mem>>
        %dma_start3A_524 = arith.constant 0 : i32
        %dma_start3A_525 = arith.constant 0 : i32
        %dma_start3A_526 = tpu.memref_slice %arg8[%run_scoped3A_258, %dma_start3A_524, %dma_start3A_525] : memref<2x8x125xi32, #tpu.memory_space<vmem>> -> memref<1x8x125xi32, #tpu.memory_space<vmem>>
        %dma_start3A_527 = tpu.memref_squeeze %dma_start3A_526 : memref<1x8x125xi32, #tpu.memory_space<vmem>> -> memref<8x125xi32, #tpu.memory_space<vmem>>
        %dma_start3A_528 = arith.constant 0 : i32
        %dma_start3A_529 = tpu.memref_slice %dma_start3A_527[%run_scoped3A_259, %dma_start3A_528] : memref<8x125xi32, #tpu.memory_space<vmem>> -> memref<1x125xi32, #tpu.memory_space<vmem>>
        %dma_start3A_530 = tpu.memref_squeeze %dma_start3A_529 : memref<1x125xi32, #tpu.memory_space<vmem>> -> memref<125xi32, #tpu.memory_space<vmem>>
        %dma_start3A_531 = arith.constant 0 : i32
        %dma_start3A_532 = arith.constant 0 : i32
        %dma_start3A_533 = tpu.memref_slice %arg11[%dma_start3A_531, %dma_start3A_532] : memref<10000x128xf32, #tpu.memory_space<vmem_shared>> -> memref<10000x128xf32, #tpu.memory_space<vmem_shared>>
        tpu.enqueue_indirect_dma source(%arg10 : memref<125x128xf32, #tpu.memory_space<vmem>>) target(%dma_start3A_533 : memref<10000x128xf32, #tpu.memory_space<vmem_shared>>) offsets(%dma_start3A_530 : memref<125xi32, #tpu.memory_space<vmem>>) semaphore(%run_scoped3A_523 : memref<!tpu.dma_semaphore, #tpu.memory_space<semaphore_mem>>) {add = true}
        %dma_wait3A_534 = arith.constant 0 : i32
        %dma_wait3A_535 = arith.constant 0 : i32
        %dma_wait3A_536 = tpu.memref_slice %arg8[%run_scoped3A_258, %dma_wait3A_534, %dma_wait3A_535] : memref<2x8x125xi32, #tpu.memory_space<vmem>> -> memref<1x8x125xi32, #tpu.memory_space<vmem>>
        %dma_wait3A_537 = tpu.memref_squeeze %dma_wait3A_536 : memref<1x8x125xi32, #tpu.memory_space<vmem>> -> memref<8x125xi32, #tpu.memory_space<vmem>>
        %dma_wait3A_538 = arith.constant 0 : i32
        %dma_wait3A_539 = tpu.memref_slice %dma_wait3A_537[%run_scoped3A_259, %dma_wait3A_538] : memref<8x125xi32, #tpu.memory_space<vmem>> -> memref<1x125xi32, #tpu.memory_space<vmem>>
        %dma_wait3A_540 = tpu.memref_squeeze %dma_wait3A_539 : memref<1x125xi32, #tpu.memory_space<vmem>> -> memref<125xi32, #tpu.memory_space<vmem>>
        %dma_wait3A_541 = arith.constant 0 : i32
        %dma_wait3A_542 = arith.constant 0 : i32
        %dma_wait3A_543 = tpu.memref_slice %arg11[%dma_wait3A_541, %dma_wait3A_542] : memref<10000x128xf32, #tpu.memory_space<vmem_shared>> -> memref<10000x128xf32, #tpu.memory_space<vmem_shared>>
        tpu.wait_indirect_dma semaphore(%run_scoped3A_523 : memref<!tpu.dma_semaphore, #tpu.memory_space<semaphore_mem>>) src(%arg10 : memref<125x128xf32, #tpu.memory_space<vmem>>) dst(%dma_wait3A_543 : memref<10000x128xf32, #tpu.memory_space<vmem_shared>>)
        tpu.yield
      }) : () -> ()
      %dma_start3A_260 = arith.constant 0 : i32
      %dma_start3A_261 = arith.constant 7 : i32
      %dma_start3A_262 = arith.constant 0 : i32
      %dma_start3A_263 = arith.constant 0 : i32
      %dma_start3A_264 = tpu.memref_slice %arg7[%dma_start3A_260, %dma_start3A_262, %dma_start3A_263] : memref<2x8x125xi32, #tpu.memory_space<vmem>> -> memref<1x8x125xi32, #tpu.memory_space<vmem>>
      %dma_start3A_265 = tpu.memref_squeeze %dma_start3A_264 : memref<1x8x125xi32, #tpu.memory_space<vmem>> -> memref<8x125xi32, #tpu.memory_space<vmem>>
      %dma_start3A_266 = arith.constant 0 : i32
      %dma_start3A_267 = tpu.memref_slice %dma_start3A_265[%dma_start3A_261, %dma_start3A_266] : memref<8x125xi32, #tpu.memory_space<vmem>> -> memref<1x125xi32, #tpu.memory_space<vmem>>
      %dma_start3A_268 = tpu.memref_squeeze %dma_start3A_267 : memref<1x125xi32, #tpu.memory_space<vmem>> -> memref<125xi32, #tpu.memory_space<vmem>>
      %dma_start3A_269 = arith.constant 0 : i32
      %dma_start3A_270 = arith.constant 0 : i32
      %dma_start3A_271 = tpu.memref_slice %arg2[%dma_start3A_269, %dma_start3A_270] : memref<20000x128xf32, #tpu.memory_space<hbm>> -> memref<20000x128xf32, #tpu.memory_space<hbm>>
      tpu.enqueue_indirect_dma source(%dma_start3A_271 : memref<20000x128xf32, #tpu.memory_space<hbm>>) target(%arg10 : memref<125x128xf32, #tpu.memory_space<vmem>>) offsets(%dma_start3A_268 : memref<125xi32, #tpu.memory_space<vmem>>) semaphore(%arg13 : memref<!tpu.dma_semaphore, #tpu.memory_space<semaphore_mem>>)
      %dma_wait3A_272 = arith.constant 0 : i32
      %dma_wait3A_273 = arith.constant 6 : i32
      %dma_wait3A_274 = arith.constant 0 : i32
      %dma_wait3A_275 = arith.constant 0 : i32
      %dma_wait3A_276 = tpu.memref_slice %arg7[%dma_wait3A_272, %dma_wait3A_274, %dma_wait3A_275] : memref<2x8x125xi32, #tpu.memory_space<vmem>> -> memref<1x8x125xi32, #tpu.memory_space<vmem>>
      %dma_wait3A_277 = tpu.memref_squeeze %dma_wait3A_276 : memref<1x8x125xi32, #tpu.memory_space<vmem>> -> memref<8x125xi32, #tpu.memory_space<vmem>>
      %dma_wait3A_278 = arith.constant 0 : i32
      %dma_wait3A_279 = tpu.memref_slice %dma_wait3A_277[%dma_wait3A_273, %dma_wait3A_278] : memref<8x125xi32, #tpu.memory_space<vmem>> -> memref<1x125xi32, #tpu.memory_space<vmem>>
      %dma_wait3A_280 = tpu.memref_squeeze %dma_wait3A_279 : memref<1x125xi32, #tpu.memory_space<vmem>> -> memref<125xi32, #tpu.memory_space<vmem>>
      %dma_wait3A_281 = arith.constant 0 : i32
      %dma_wait3A_282 = arith.constant 0 : i32
      %dma_wait3A_283 = tpu.memref_slice %arg2[%dma_wait3A_281, %dma_wait3A_282] : memref<20000x128xf32, #tpu.memory_space<hbm>> -> memref<20000x128xf32, #tpu.memory_space<hbm>>
      tpu.wait_indirect_dma semaphore(%arg12 : memref<!tpu.dma_semaphore, #tpu.memory_space<semaphore_mem>>) src(%dma_wait3A_283 : memref<20000x128xf32, #tpu.memory_space<hbm>>) dst(%arg9 : memref<125x128xf32, #tpu.memory_space<vmem>>)
      %run_scoped3A_284 = arith.constant 0 : i32
      %run_scoped3A_285 = arith.constant 6 : i32
      "tpu.region"() ({
        %run_scoped3A_523 = tpu.sem_alloc : memref<!tpu.dma_semaphore, #tpu.memory_space<semaphore_mem>>
        %dma_start3A_524 = arith.constant 0 : i32
        %dma_start3A_525 = arith.constant 0 : i32
        %dma_start3A_526 = tpu.memref_slice %arg8[%run_scoped3A_284, %dma_start3A_524, %dma_start3A_525] : memref<2x8x125xi32, #tpu.memory_space<vmem>> -> memref<1x8x125xi32, #tpu.memory_space<vmem>>
        %dma_start3A_527 = tpu.memref_squeeze %dma_start3A_526 : memref<1x8x125xi32, #tpu.memory_space<vmem>> -> memref<8x125xi32, #tpu.memory_space<vmem>>
        %dma_start3A_528 = arith.constant 0 : i32
        %dma_start3A_529 = tpu.memref_slice %dma_start3A_527[%run_scoped3A_285, %dma_start3A_528] : memref<8x125xi32, #tpu.memory_space<vmem>> -> memref<1x125xi32, #tpu.memory_space<vmem>>
        %dma_start3A_530 = tpu.memref_squeeze %dma_start3A_529 : memref<1x125xi32, #tpu.memory_space<vmem>> -> memref<125xi32, #tpu.memory_space<vmem>>
        %dma_start3A_531 = arith.constant 0 : i32
        %dma_start3A_532 = arith.constant 0 : i32
        %dma_start3A_533 = tpu.memref_slice %arg11[%dma_start3A_531, %dma_start3A_532] : memref<10000x128xf32, #tpu.memory_space<vmem_shared>> -> memref<10000x128xf32, #tpu.memory_space<vmem_shared>>
        tpu.enqueue_indirect_dma source(%arg9 : memref<125x128xf32, #tpu.memory_space<vmem>>) target(%dma_start3A_533 : memref<10000x128xf32, #tpu.memory_space<vmem_shared>>) offsets(%dma_start3A_530 : memref<125xi32, #tpu.memory_space<vmem>>) semaphore(%run_scoped3A_523 : memref<!tpu.dma_semaphore, #tpu.memory_space<semaphore_mem>>) {add = true}
        %dma_wait3A_534 = arith.constant 0 : i32
        %dma_wait3A_535 = arith.constant 0 : i32
        %dma_wait3A_536 = tpu.memref_slice %arg8[%run_scoped3A_284, %dma_wait3A_534, %dma_wait3A_535] : memref<2x8x125xi32, #tpu.memory_space<vmem>> -> memref<1x8x125xi32, #tpu.memory_space<vmem>>
        %dma_wait3A_537 = tpu.memref_squeeze %dma_wait3A_536 : memref<1x8x125xi32, #tpu.memory_space<vmem>> -> memref<8x125xi32, #tpu.memory_space<vmem>>
        %dma_wait3A_538 = arith.constant 0 : i32
        %dma_wait3A_539 = tpu.memref_slice %dma_wait3A_537[%run_scoped3A_285, %dma_wait3A_538] : memref<8x125xi32, #tpu.memory_space<vmem>> -> memref<1x125xi32, #tpu.memory_space<vmem>>
        %dma_wait3A_540 = tpu.memref_squeeze %dma_wait3A_539 : memref<1x125xi32, #tpu.memory_space<vmem>> -> memref<125xi32, #tpu.memory_space<vmem>>
        %dma_wait3A_541 = arith.constant 0 : i32
        %dma_wait3A_542 = arith.constant 0 : i32
        %dma_wait3A_543 = tpu.memref_slice %arg11[%dma_wait3A_541, %dma_wait3A_542] : memref<10000x128xf32, #tpu.memory_space<vmem_shared>> -> memref<10000x128xf32, #tpu.memory_space<vmem_shared>>
        tpu.wait_indirect_dma semaphore(%run_scoped3A_523 : memref<!tpu.dma_semaphore, #tpu.memory_space<semaphore_mem>>) src(%arg9 : memref<125x128xf32, #tpu.memory_space<vmem>>) dst(%dma_wait3A_543 : memref<10000x128xf32, #tpu.memory_space<vmem_shared>>)
        tpu.yield
      }) : () -> ()
      %add3A_286 = arith.constant 1 : i32
      %add3A_287 = arith.addi %mul3A_110, %add3A_286 : i32
      %lt3A_288 = arith.constant 20 : i32
      %lt3A_289 = arith.cmpi slt, %add3A_287, %lt3A_288 : i32
      %convert_element_type3A_290 = arith.extui %lt3A_289 : i1 to i32
      %cond3A_291 = arith.constant 0 : i32
      %cond3A_292 = arith.cmpi ne, %convert_element_type3A_290, %cond3A_291 : i32
      scf.if %cond3A_292 {
        %add3A_523 = arith.constant 1 : i32
        %add3A_524 = arith.addi %mul3A_110, %add3A_523 : i32
        %mul3A_525 = arith.constant 8 : i32
        %mul3A_526 = arith.muli %add3A_524, %mul3A_525 : i32
        %add3A_527 = arith.addi %add3A, %mul3A_526 : i32
        %dma_wait3A_528 = arith.constant 1 : i32
        %dma_wait3A_529 = arith.constant 0 : i32
        %dma_wait3A_530 = arith.constant 0 : i32
        %dma_wait3A_531 = tpu.memref_slice %arg7[%dma_wait3A_528, %dma_wait3A_529, %dma_wait3A_530] : memref<2x8x125xi32, #tpu.memory_space<vmem>> -> memref<1x8x125xi32, #tpu.memory_space<vmem>>
        %dma_wait3A_532 = tpu.memref_squeeze %dma_wait3A_531 : memref<1x8x125xi32, #tpu.memory_space<vmem>> -> memref<8x125xi32, #tpu.memory_space<vmem>>
        %dma_wait3A_533 = arith.constant 0 : i32
        %dma_wait3A_534 = tpu.memref_slice %arg3[%add3A_527, %dma_wait3A_533] : memref<5120x125xi32, #tpu.memory_space<hbm>> -> memref<8x125xi32, #tpu.memory_space<hbm>>
        %dma_wait3A_535 = arith.constant 0 : i32
        %dma_wait3A_536 = arith.constant 0 : i32
        %dma_wait3A_537 = tpu.memref_slice %arg7[%dma_wait3A_528, %dma_wait3A_535, %dma_wait3A_536] : memref<2x8x125xi32, #tpu.memory_space<vmem>> -> memref<1x8x125xi32, #tpu.memory_space<vmem>>
        %dma_wait3A_538 = tpu.memref_squeeze %dma_wait3A_537 : memref<1x8x125xi32, #tpu.memory_space<vmem>> -> memref<8x125xi32, #tpu.memory_space<vmem>>
        %dma_wait3A_539 = arith.constant 0 : i32
        %dma_wait3A_540 = tpu.memref_slice %arg3[%add3A_527, %dma_wait3A_539] : memref<5120x125xi32, #tpu.memory_space<hbm>> -> memref<8x125xi32, #tpu.memory_space<hbm>>
        tpu.wait_dma2 semaphore(%arg15 : memref<!tpu.dma_semaphore, #tpu.memory_space<semaphore_mem>>) src(%dma_wait3A_540 : memref<8x125xi32, #tpu.memory_space<hbm>>) dst(%dma_wait3A_538 : memref<8x125xi32, #tpu.memory_space<vmem>>)
        %mul3A_541 = arith.constant 8 : i32
        %mul3A_542 = arith.muli %add3A_524, %mul3A_541 : i32
        %add3A_543 = arith.addi %mul3A_6, %mul3A_542 : i32
        %dma_wait3A_544 = arith.constant 1 : i32
        %dma_wait3A_545 = arith.constant 0 : i32
        %dma_wait3A_546 = arith.constant 0 : i32
        %dma_wait3A_547 = tpu.memref_slice %arg8[%dma_wait3A_544, %dma_wait3A_545, %dma_wait3A_546] : memref<2x8x125xi32, #tpu.memory_space<vmem>> -> memref<1x8x125xi32, #tpu.memory_space<vmem>>
        %dma_wait3A_548 = tpu.memref_squeeze %dma_wait3A_547 : memref<1x8x125xi32, #tpu.memory_space<vmem>> -> memref<8x125xi32, #tpu.memory_space<vmem>>
        %dma_wait3A_549 = arith.constant 0 : i32
        %dma_wait3A_550 = tpu.memref_slice %arg4[%add3A_543, %dma_wait3A_549] : memref<2560x125xi32, #tpu.memory_space<hbm>> -> memref<8x125xi32, #tpu.memory_space<hbm>>
        %dma_wait3A_551 = arith.constant 0 : i32
        %dma_wait3A_552 = arith.constant 0 : i32
        %dma_wait3A_553 = tpu.memref_slice %arg8[%dma_wait3A_544, %dma_wait3A_551, %dma_wait3A_552] : memref<2x8x125xi32, #tpu.memory_space<vmem>> -> memref<1x8x125xi32, #tpu.memory_space<vmem>>
        %dma_wait3A_554 = tpu.memref_squeeze %dma_wait3A_553 : memref<1x8x125xi32, #tpu.memory_space<vmem>> -> memref<8x125xi32, #tpu.memory_space<vmem>>
        %dma_wait3A_555 = arith.constant 0 : i32
        %dma_wait3A_556 = tpu.memref_slice %arg4[%add3A_543, %dma_wait3A_555] : memref<2560x125xi32, #tpu.memory_space<hbm>> -> memref<8x125xi32, #tpu.memory_space<hbm>>
        tpu.wait_dma2 semaphore(%arg15 : memref<!tpu.dma_semaphore, #tpu.memory_space<semaphore_mem>>) src(%dma_wait3A_556 : memref<8x125xi32, #tpu.memory_space<hbm>>) dst(%dma_wait3A_554 : memref<8x125xi32, #tpu.memory_space<vmem>>)
        %dma_start3A_557 = arith.constant 1 : i32
        %dma_start3A_558 = arith.constant 0 : i32
        %dma_start3A_559 = arith.constant 0 : i32
        %dma_start3A_560 = arith.constant 0 : i32
        %dma_start3A_561 = tpu.memref_slice %arg7[%dma_start3A_557, %dma_start3A_559, %dma_start3A_560] : memref<2x8x125xi32, #tpu.memory_space<vmem>> -> memref<1x8x125xi32, #tpu.memory_space<vmem>>
        %dma_start3A_562 = tpu.memref_squeeze %dma_start3A_561 : memref<1x8x125xi32, #tpu.memory_space<vmem>> -> memref<8x125xi32, #tpu.memory_space<vmem>>
        %dma_start3A_563 = arith.constant 0 : i32
        %dma_start3A_564 = tpu.memref_slice %dma_start3A_562[%dma_start3A_558, %dma_start3A_563] : memref<8x125xi32, #tpu.memory_space<vmem>> -> memref<1x125xi32, #tpu.memory_space<vmem>>
        %dma_start3A_565 = tpu.memref_squeeze %dma_start3A_564 : memref<1x125xi32, #tpu.memory_space<vmem>> -> memref<125xi32, #tpu.memory_space<vmem>>
        %dma_start3A_566 = arith.constant 0 : i32
        %dma_start3A_567 = arith.constant 0 : i32
        %dma_start3A_568 = tpu.memref_slice %arg2[%dma_start3A_566, %dma_start3A_567] : memref<20000x128xf32, #tpu.memory_space<hbm>> -> memref<20000x128xf32, #tpu.memory_space<hbm>>
        tpu.enqueue_indirect_dma source(%dma_start3A_568 : memref<20000x128xf32, #tpu.memory_space<hbm>>) target(%arg9 : memref<125x128xf32, #tpu.memory_space<vmem>>) offsets(%dma_start3A_565 : memref<125xi32, #tpu.memory_space<vmem>>) semaphore(%arg12 : memref<!tpu.dma_semaphore, #tpu.memory_space<semaphore_mem>>)
      } else {
      }
      %dma_wait3A_293 = arith.constant 0 : i32
      %dma_wait3A_294 = arith.constant 7 : i32
      %dma_wait3A_295 = arith.constant 0 : i32
      %dma_wait3A_296 = arith.constant 0 : i32
      %dma_wait3A_297 = tpu.memref_slice %arg7[%dma_wait3A_293, %dma_wait3A_295, %dma_wait3A_296] : memref<2x8x125xi32, #tpu.memory_space<vmem>> -> memref<1x8x125xi32, #tpu.memory_space<vmem>>
      %dma_wait3A_298 = tpu.memref_squeeze %dma_wait3A_297 : memref<1x8x125xi32, #tpu.memory_space<vmem>> -> memref<8x125xi32, #tpu.memory_space<vmem>>
      %dma_wait3A_299 = arith.constant 0 : i32
      %dma_wait3A_300 = tpu.memref_slice %dma_wait3A_298[%dma_wait3A_294, %dma_wait3A_299] : memref<8x125xi32, #tpu.memory_space<vmem>> -> memref<1x125xi32, #tpu.memory_space<vmem>>
      %dma_wait3A_301 = tpu.memref_squeeze %dma_wait3A_300 : memref<1x125xi32, #tpu.memory_space<vmem>> -> memref<125xi32, #tpu.memory_space<vmem>>
      %dma_wait3A_302 = arith.constant 0 : i32
      %dma_wait3A_303 = arith.constant 0 : i32
      %dma_wait3A_304 = tpu.memref_slice %arg2[%dma_wait3A_302, %dma_wait3A_303] : memref<20000x128xf32, #tpu.memory_space<hbm>> -> memref<20000x128xf32, #tpu.memory_space<hbm>>
      tpu.wait_indirect_dma semaphore(%arg13 : memref<!tpu.dma_semaphore, #tpu.memory_space<semaphore_mem>>) src(%dma_wait3A_304 : memref<20000x128xf32, #tpu.memory_space<hbm>>) dst(%arg10 : memref<125x128xf32, #tpu.memory_space<vmem>>)
      %run_scoped3A_305 = arith.constant 0 : i32
      %run_scoped3A_306 = arith.constant 7 : i32
      "tpu.region"() ({
        %run_scoped3A_523 = tpu.sem_alloc : memref<!tpu.dma_semaphore, #tpu.memory_space<semaphore_mem>>
        %dma_start3A_524 = arith.constant 0 : i32
        %dma_start3A_525 = arith.constant 0 : i32
        %dma_start3A_526 = tpu.memref_slice %arg8[%run_scoped3A_305, %dma_start3A_524, %dma_start3A_525] : memref<2x8x125xi32, #tpu.memory_space<vmem>> -> memref<1x8x125xi32, #tpu.memory_space<vmem>>
        %dma_start3A_527 = tpu.memref_squeeze %dma_start3A_526 : memref<1x8x125xi32, #tpu.memory_space<vmem>> -> memref<8x125xi32, #tpu.memory_space<vmem>>
        %dma_start3A_528 = arith.constant 0 : i32
        %dma_start3A_529 = tpu.memref_slice %dma_start3A_527[%run_scoped3A_306, %dma_start3A_528] : memref<8x125xi32, #tpu.memory_space<vmem>> -> memref<1x125xi32, #tpu.memory_space<vmem>>
        %dma_start3A_530 = tpu.memref_squeeze %dma_start3A_529 : memref<1x125xi32, #tpu.memory_space<vmem>> -> memref<125xi32, #tpu.memory_space<vmem>>
        %dma_start3A_531 = arith.constant 0 : i32
        %dma_start3A_532 = arith.constant 0 : i32
        %dma_start3A_533 = tpu.memref_slice %arg11[%dma_start3A_531, %dma_start3A_532] : memref<10000x128xf32, #tpu.memory_space<vmem_shared>> -> memref<10000x128xf32, #tpu.memory_space<vmem_shared>>
        tpu.enqueue_indirect_dma source(%arg10 : memref<125x128xf32, #tpu.memory_space<vmem>>) target(%dma_start3A_533 : memref<10000x128xf32, #tpu.memory_space<vmem_shared>>) offsets(%dma_start3A_530 : memref<125xi32, #tpu.memory_space<vmem>>) semaphore(%run_scoped3A_523 : memref<!tpu.dma_semaphore, #tpu.memory_space<semaphore_mem>>) {add = true}
        %dma_wait3A_534 = arith.constant 0 : i32
        %dma_wait3A_535 = arith.constant 0 : i32
        %dma_wait3A_536 = tpu.memref_slice %arg8[%run_scoped3A_305, %dma_wait3A_534, %dma_wait3A_535] : memref<2x8x125xi32, #tpu.memory_space<vmem>> -> memref<1x8x125xi32, #tpu.memory_space<vmem>>
        %dma_wait3A_537 = tpu.memref_squeeze %dma_wait3A_536 : memref<1x8x125xi32, #tpu.memory_space<vmem>> -> memref<8x125xi32, #tpu.memory_space<vmem>>
        %dma_wait3A_538 = arith.constant 0 : i32
        %dma_wait3A_539 = tpu.memref_slice %dma_wait3A_537[%run_scoped3A_306, %dma_wait3A_538] : memref<8x125xi32, #tpu.memory_space<vmem>> -> memref<1x125xi32, #tpu.memory_space<vmem>>
        %dma_wait3A_540 = tpu.memref_squeeze %dma_wait3A_539 : memref<1x125xi32, #tpu.memory_space<vmem>> -> memref<125xi32, #tpu.memory_space<vmem>>
        %dma_wait3A_541 = arith.constant 0 : i32
        %dma_wait3A_542 = arith.constant 0 : i32
        %dma_wait3A_543 = tpu.memref_slice %arg11[%dma_wait3A_541, %dma_wait3A_542] : memref<10000x128xf32, #tpu.memory_space<vmem_shared>> -> memref<10000x128xf32, #tpu.memory_space<vmem_shared>>
        tpu.wait_indirect_dma semaphore(%run_scoped3A_523 : memref<!tpu.dma_semaphore, #tpu.memory_space<semaphore_mem>>) src(%arg10 : memref<125x128xf32, #tpu.memory_space<vmem>>) dst(%dma_wait3A_543 : memref<10000x128xf32, #tpu.memory_space<vmem_shared>>)
        tpu.yield
      }) : () -> ()
      %add3A_307 = arith.constant 1 : i32
      %add3A_308 = arith.addi %mul3A_110, %add3A_307 : i32
      %lt3A_309 = arith.constant 20 : i32
      %lt3A_310 = arith.cmpi slt, %add3A_308, %lt3A_309 : i32
      %convert_element_type3A_311 = arith.extui %lt3A_310 : i1 to i32
      %cond3A_312 = arith.constant 0 : i32
      %cond3A_313 = arith.cmpi ne, %convert_element_type3A_311, %cond3A_312 : i32
      scf.if %cond3A_313 {
        %dma_start3A_523 = arith.constant 1 : i32
        %dma_start3A_524 = arith.constant 1 : i32
        %dma_start3A_525 = arith.constant 0 : i32
        %dma_start3A_526 = arith.constant 0 : i32
        %dma_start3A_527 = tpu.memref_slice %arg7[%dma_start3A_523, %dma_start3A_525, %dma_start3A_526] : memref<2x8x125xi32, #tpu.memory_space<vmem>> -> memref<1x8x125xi32, #tpu.memory_space<vmem>>
        %dma_start3A_528 = tpu.memref_squeeze %dma_start3A_527 : memref<1x8x125xi32, #tpu.memory_space<vmem>> -> memref<8x125xi32, #tpu.memory_space<vmem>>
        %dma_start3A_529 = arith.constant 0 : i32
        %dma_start3A_530 = tpu.memref_slice %dma_start3A_528[%dma_start3A_524, %dma_start3A_529] : memref<8x125xi32, #tpu.memory_space<vmem>> -> memref<1x125xi32, #tpu.memory_space<vmem>>
        %dma_start3A_531 = tpu.memref_squeeze %dma_start3A_530 : memref<1x125xi32, #tpu.memory_space<vmem>> -> memref<125xi32, #tpu.memory_space<vmem>>
        %dma_start3A_532 = arith.constant 0 : i32
        %dma_start3A_533 = arith.constant 0 : i32
        %dma_start3A_534 = tpu.memref_slice %arg2[%dma_start3A_532, %dma_start3A_533] : memref<20000x128xf32, #tpu.memory_space<hbm>> -> memref<20000x128xf32, #tpu.memory_space<hbm>>
        tpu.enqueue_indirect_dma source(%dma_start3A_534 : memref<20000x128xf32, #tpu.memory_space<hbm>>) target(%arg10 : memref<125x128xf32, #tpu.memory_space<vmem>>) offsets(%dma_start3A_531 : memref<125xi32, #tpu.memory_space<vmem>>) semaphore(%arg13 : memref<!tpu.dma_semaphore, #tpu.memory_space<semaphore_mem>>)
      } else {
      }
      %mul3A_314 = arith.constant 2 : i32
      %mul3A_315 = arith.muli %mul3A_314, %add3A_108 : i32
      %add3A_316 = arith.constant 1 : i32
      %add3A_317 = arith.addi %mul3A_315, %add3A_316 : i32
      %add3A_318 = arith.constant 1 : i32
      %add3A_319 = arith.addi %add3A_317, %add3A_318 : i32
      %lt3A_320 = arith.constant 20 : i32
      %lt3A_321 = arith.cmpi slt, %add3A_319, %lt3A_320 : i32
      %convert_element_type3A_322 = arith.extui %lt3A_321 : i1 to i32
      %cond3A_323 = arith.constant 0 : i32
      %cond3A_324 = arith.cmpi ne, %convert_element_type3A_322, %cond3A_323 : i32
      scf.if %cond3A_324 {
        %add3A_523 = arith.constant 1 : i32
        %add3A_524 = arith.addi %add3A_317, %add3A_523 : i32
        %mul3A_525 = arith.constant 8 : i32
        %mul3A_526 = arith.muli %add3A_524, %mul3A_525 : i32
        %add3A_527 = arith.addi %add3A, %mul3A_526 : i32
        %dma_start3A_528 = arith.constant 0 : i32
        %dma_start3A_529 = arith.constant 0 : i32
        %dma_start3A_530 = arith.constant 0 : i32
        %dma_start3A_531 = tpu.memref_slice %arg7[%dma_start3A_528, %dma_start3A_529, %dma_start3A_530] : memref<2x8x125xi32, #tpu.memory_space<vmem>> -> memref<1x8x125xi32, #tpu.memory_space<vmem>>
        %dma_start3A_532 = tpu.memref_squeeze %dma_start3A_531 : memref<1x8x125xi32, #tpu.memory_space<vmem>> -> memref<8x125xi32, #tpu.memory_space<vmem>>
        %dma_start3A_533 = arith.constant 0 : i32
        %dma_start3A_534 = tpu.memref_slice %arg3[%add3A_527, %dma_start3A_533] : memref<5120x125xi32, #tpu.memory_space<hbm>> -> memref<8x125xi32, #tpu.memory_space<hbm>>
        %dma_start3A_535 = arith.constant 0 : i32
        %dma_start3A_536 = arith.constant 0 : i32
        %dma_start3A_537 = tpu.memref_slice %arg7[%dma_start3A_528, %dma_start3A_535, %dma_start3A_536] : memref<2x8x125xi32, #tpu.memory_space<vmem>> -> memref<1x8x125xi32, #tpu.memory_space<vmem>>
        %dma_start3A_538 = tpu.memref_squeeze %dma_start3A_537 : memref<1x8x125xi32, #tpu.memory_space<vmem>> -> memref<8x125xi32, #tpu.memory_space<vmem>>
        %dma_start3A_539 = arith.constant 0 : i32
        %dma_start3A_540 = tpu.memref_slice %arg3[%add3A_527, %dma_start3A_539] : memref<5120x125xi32, #tpu.memory_space<hbm>> -> memref<8x125xi32, #tpu.memory_space<hbm>>
        tpu.enqueue_dma source(%dma_start3A_540 : memref<8x125xi32, #tpu.memory_space<hbm>>) target(%dma_start3A_538 : memref<8x125xi32, #tpu.memory_space<vmem>>) target_semaphore(%arg14 : memref<!tpu.dma_semaphore, #tpu.memory_space<semaphore_mem>>)
        %mul3A_541 = arith.constant 8 : i32
        %mul3A_542 = arith.muli %add3A_524, %mul3A_541 : i32
        %add3A_543 = arith.addi %mul3A_6, %mul3A_542 : i32
        %dma_start3A_544 = arith.constant 0 : i32
        %dma_start3A_545 = arith.constant 0 : i32
        %dma_start3A_546 = arith.constant 0 : i32
        %dma_start3A_547 = tpu.memref_slice %arg8[%dma_start3A_544, %dma_start3A_545, %dma_start3A_546] : memref<2x8x125xi32, #tpu.memory_space<vmem>> -> memref<1x8x125xi32, #tpu.memory_space<vmem>>
        %dma_start3A_548 = tpu.memref_squeeze %dma_start3A_547 : memref<1x8x125xi32, #tpu.memory_space<vmem>> -> memref<8x125xi32, #tpu.memory_space<vmem>>
        %dma_start3A_549 = arith.constant 0 : i32
        %dma_start3A_550 = tpu.memref_slice %arg4[%add3A_543, %dma_start3A_549] : memref<2560x125xi32, #tpu.memory_space<hbm>> -> memref<8x125xi32, #tpu.memory_space<hbm>>
        %dma_start3A_551 = arith.constant 0 : i32
        %dma_start3A_552 = arith.constant 0 : i32
        %dma_start3A_553 = tpu.memref_slice %arg8[%dma_start3A_544, %dma_start3A_551, %dma_start3A_552] : memref<2x8x125xi32, #tpu.memory_space<vmem>> -> memref<1x8x125xi32, #tpu.memory_space<vmem>>
        %dma_start3A_554 = tpu.memref_squeeze %dma_start3A_553 : memref<1x8x125xi32, #tpu.memory_space<vmem>> -> memref<8x125xi32, #tpu.memory_space<vmem>>
        %dma_start3A_555 = arith.constant 0 : i32
        %dma_start3A_556 = tpu.memref_slice %arg4[%add3A_543, %dma_start3A_555] : memref<2560x125xi32, #tpu.memory_space<hbm>> -> memref<8x125xi32, #tpu.memory_space<hbm>>
        tpu.enqueue_dma source(%dma_start3A_556 : memref<8x125xi32, #tpu.memory_space<hbm>>) target(%dma_start3A_554 : memref<8x125xi32, #tpu.memory_space<vmem>>) target_semaphore(%arg14 : memref<!tpu.dma_semaphore, #tpu.memory_space<semaphore_mem>>)
      } else {
      }
      %dma_wait3A_325 = arith.constant 1 : i32
      %dma_wait3A_326 = arith.constant 0 : i32
      %dma_wait3A_327 = arith.constant 0 : i32
      %dma_wait3A_328 = arith.constant 0 : i32
      %dma_wait3A_329 = tpu.memref_slice %arg7[%dma_wait3A_325, %dma_wait3A_327, %dma_wait3A_328] : memref<2x8x125xi32, #tpu.memory_space<vmem>> -> memref<1x8x125xi32, #tpu.memory_space<vmem>>
      %dma_wait3A_330 = tpu.memref_squeeze %dma_wait3A_329 : memref<1x8x125xi32, #tpu.memory_space<vmem>> -> memref<8x125xi32, #tpu.memory_space<vmem>>
      %dma_wait3A_331 = arith.constant 0 : i32
      %dma_wait3A_332 = tpu.memref_slice %dma_wait3A_330[%dma_wait3A_326, %dma_wait3A_331] : memref<8x125xi32, #tpu.memory_space<vmem>> -> memref<1x125xi32, #tpu.memory_space<vmem>>
      %dma_wait3A_333 = tpu.memref_squeeze %dma_wait3A_332 : memref<1x125xi32, #tpu.memory_space<vmem>> -> memref<125xi32, #tpu.memory_space<vmem>>
      %dma_wait3A_334 = arith.constant 0 : i32
      %dma_wait3A_335 = arith.constant 0 : i32
      %dma_wait3A_336 = tpu.memref_slice %arg2[%dma_wait3A_334, %dma_wait3A_335] : memref<20000x128xf32, #tpu.memory_space<hbm>> -> memref<20000x128xf32, #tpu.memory_space<hbm>>
      tpu.wait_indirect_dma semaphore(%arg12 : memref<!tpu.dma_semaphore, #tpu.memory_space<semaphore_mem>>) src(%dma_wait3A_336 : memref<20000x128xf32, #tpu.memory_space<hbm>>) dst(%arg9 : memref<125x128xf32, #tpu.memory_space<vmem>>)
      %run_scoped3A_337 = arith.constant 1 : i32
      %run_scoped3A_338 = arith.constant 0 : i32
      "tpu.region"() ({
        %run_scoped3A_523 = tpu.sem_alloc : memref<!tpu.dma_semaphore, #tpu.memory_space<semaphore_mem>>
        %dma_start3A_524 = arith.constant 0 : i32
        %dma_start3A_525 = arith.constant 0 : i32
        %dma_start3A_526 = tpu.memref_slice %arg8[%run_scoped3A_337, %dma_start3A_524, %dma_start3A_525] : memref<2x8x125xi32, #tpu.memory_space<vmem>> -> memref<1x8x125xi32, #tpu.memory_space<vmem>>
        %dma_start3A_527 = tpu.memref_squeeze %dma_start3A_526 : memref<1x8x125xi32, #tpu.memory_space<vmem>> -> memref<8x125xi32, #tpu.memory_space<vmem>>
        %dma_start3A_528 = arith.constant 0 : i32
        %dma_start3A_529 = tpu.memref_slice %dma_start3A_527[%run_scoped3A_338, %dma_start3A_528] : memref<8x125xi32, #tpu.memory_space<vmem>> -> memref<1x125xi32, #tpu.memory_space<vmem>>
        %dma_start3A_530 = tpu.memref_squeeze %dma_start3A_529 : memref<1x125xi32, #tpu.memory_space<vmem>> -> memref<125xi32, #tpu.memory_space<vmem>>
        %dma_start3A_531 = arith.constant 0 : i32
        %dma_start3A_532 = arith.constant 0 : i32
        %dma_start3A_533 = tpu.memref_slice %arg11[%dma_start3A_531, %dma_start3A_532] : memref<10000x128xf32, #tpu.memory_space<vmem_shared>> -> memref<10000x128xf32, #tpu.memory_space<vmem_shared>>
        tpu.enqueue_indirect_dma source(%arg9 : memref<125x128xf32, #tpu.memory_space<vmem>>) target(%dma_start3A_533 : memref<10000x128xf32, #tpu.memory_space<vmem_shared>>) offsets(%dma_start3A_530 : memref<125xi32, #tpu.memory_space<vmem>>) semaphore(%run_scoped3A_523 : memref<!tpu.dma_semaphore, #tpu.memory_space<semaphore_mem>>) {add = true}
        %dma_wait3A_534 = arith.constant 0 : i32
        %dma_wait3A_535 = arith.constant 0 : i32
        %dma_wait3A_536 = tpu.memref_slice %arg8[%run_scoped3A_337, %dma_wait3A_534, %dma_wait3A_535] : memref<2x8x125xi32, #tpu.memory_space<vmem>> -> memref<1x8x125xi32, #tpu.memory_space<vmem>>
        %dma_wait3A_537 = tpu.memref_squeeze %dma_wait3A_536 : memref<1x8x125xi32, #tpu.memory_space<vmem>> -> memref<8x125xi32, #tpu.memory_space<vmem>>
        %dma_wait3A_538 = arith.constant 0 : i32
        %dma_wait3A_539 = tpu.memref_slice %dma_wait3A_537[%run_scoped3A_338, %dma_wait3A_538] : memref<8x125xi32, #tpu.memory_space<vmem>> -> memref<1x125xi32, #tpu.memory_space<vmem>>
        %dma_wait3A_540 = tpu.memref_squeeze %dma_wait3A_539 : memref<1x125xi32, #tpu.memory_space<vmem>> -> memref<125xi32, #tpu.memory_space<vmem>>
        %dma_wait3A_541 = arith.constant 0 : i32
        %dma_wait3A_542 = arith.constant 0 : i32
        %dma_wait3A_543 = tpu.memref_slice %arg11[%dma_wait3A_541, %dma_wait3A_542] : memref<10000x128xf32, #tpu.memory_space<vmem_shared>> -> memref<10000x128xf32, #tpu.memory_space<vmem_shared>>
        tpu.wait_indirect_dma semaphore(%run_scoped3A_523 : memref<!tpu.dma_semaphore, #tpu.memory_space<semaphore_mem>>) src(%arg9 : memref<125x128xf32, #tpu.memory_space<vmem>>) dst(%dma_wait3A_543 : memref<10000x128xf32, #tpu.memory_space<vmem_shared>>)
        tpu.yield
      }) : () -> ()
      %dma_start3A_339 = arith.constant 1 : i32
      %dma_start3A_340 = arith.constant 2 : i32
      %dma_start3A_341 = arith.constant 0 : i32
      %dma_start3A_342 = arith.constant 0 : i32
      %dma_start3A_343 = tpu.memref_slice %arg7[%dma_start3A_339, %dma_start3A_341, %dma_start3A_342] : memref<2x8x125xi32, #tpu.memory_space<vmem>> -> memref<1x8x125xi32, #tpu.memory_space<vmem>>
      %dma_start3A_344 = tpu.memref_squeeze %dma_start3A_343 : memref<1x8x125xi32, #tpu.memory_space<vmem>> -> memref<8x125xi32, #tpu.memory_space<vmem>>
      %dma_start3A_345 = arith.constant 0 : i32
      %dma_start3A_346 = tpu.memref_slice %dma_start3A_344[%dma_start3A_340, %dma_start3A_345] : memref<8x125xi32, #tpu.memory_space<vmem>> -> memref<1x125xi32, #tpu.memory_space<vmem>>
      %dma_start3A_347 = tpu.memref_squeeze %dma_start3A_346 : memref<1x125xi32, #tpu.memory_space<vmem>> -> memref<125xi32, #tpu.memory_space<vmem>>
      %dma_start3A_348 = arith.constant 0 : i32
      %dma_start3A_349 = arith.constant 0 : i32
      %dma_start3A_350 = tpu.memref_slice %arg2[%dma_start3A_348, %dma_start3A_349] : memref<20000x128xf32, #tpu.memory_space<hbm>> -> memref<20000x128xf32, #tpu.memory_space<hbm>>
      tpu.enqueue_indirect_dma source(%dma_start3A_350 : memref<20000x128xf32, #tpu.memory_space<hbm>>) target(%arg9 : memref<125x128xf32, #tpu.memory_space<vmem>>) offsets(%dma_start3A_347 : memref<125xi32, #tpu.memory_space<vmem>>) semaphore(%arg12 : memref<!tpu.dma_semaphore, #tpu.memory_space<semaphore_mem>>)
      %dma_wait3A_351 = arith.constant 1 : i32
      %dma_wait3A_352 = arith.constant 1 : i32
      %dma_wait3A_353 = arith.constant 0 : i32
      %dma_wait3A_354 = arith.constant 0 : i32
      %dma_wait3A_355 = tpu.memref_slice %arg7[%dma_wait3A_351, %dma_wait3A_353, %dma_wait3A_354] : memref<2x8x125xi32, #tpu.memory_space<vmem>> -> memref<1x8x125xi32, #tpu.memory_space<vmem>>
      %dma_wait3A_356 = tpu.memref_squeeze %dma_wait3A_355 : memref<1x8x125xi32, #tpu.memory_space<vmem>> -> memref<8x125xi32, #tpu.memory_space<vmem>>
      %dma_wait3A_357 = arith.constant 0 : i32
      %dma_wait3A_358 = tpu.memref_slice %dma_wait3A_356[%dma_wait3A_352, %dma_wait3A_357] : memref<8x125xi32, #tpu.memory_space<vmem>> -> memref<1x125xi32, #tpu.memory_space<vmem>>
      %dma_wait3A_359 = tpu.memref_squeeze %dma_wait3A_358 : memref<1x125xi32, #tpu.memory_space<vmem>> -> memref<125xi32, #tpu.memory_space<vmem>>
      %dma_wait3A_360 = arith.constant 0 : i32
      %dma_wait3A_361 = arith.constant 0 : i32
      %dma_wait3A_362 = tpu.memref_slice %arg2[%dma_wait3A_360, %dma_wait3A_361] : memref<20000x128xf32, #tpu.memory_space<hbm>> -> memref<20000x128xf32, #tpu.memory_space<hbm>>
      tpu.wait_indirect_dma semaphore(%arg13 : memref<!tpu.dma_semaphore, #tpu.memory_space<semaphore_mem>>) src(%dma_wait3A_362 : memref<20000x128xf32, #tpu.memory_space<hbm>>) dst(%arg10 : memref<125x128xf32, #tpu.memory_space<vmem>>)
      %run_scoped3A_363 = arith.constant 1 : i32
      %run_scoped3A_364 = arith.constant 1 : i32
      "tpu.region"() ({
        %run_scoped3A_523 = tpu.sem_alloc : memref<!tpu.dma_semaphore, #tpu.memory_space<semaphore_mem>>
        %dma_start3A_524 = arith.constant 0 : i32
        %dma_start3A_525 = arith.constant 0 : i32
        %dma_start3A_526 = tpu.memref_slice %arg8[%run_scoped3A_363, %dma_start3A_524, %dma_start3A_525] : memref<2x8x125xi32, #tpu.memory_space<vmem>> -> memref<1x8x125xi32, #tpu.memory_space<vmem>>
        %dma_start3A_527 = tpu.memref_squeeze %dma_start3A_526 : memref<1x8x125xi32, #tpu.memory_space<vmem>> -> memref<8x125xi32, #tpu.memory_space<vmem>>
        %dma_start3A_528 = arith.constant 0 : i32
        %dma_start3A_529 = tpu.memref_slice %dma_start3A_527[%run_scoped3A_364, %dma_start3A_528] : memref<8x125xi32, #tpu.memory_space<vmem>> -> memref<1x125xi32, #tpu.memory_space<vmem>>
        %dma_start3A_530 = tpu.memref_squeeze %dma_start3A_529 : memref<1x125xi32, #tpu.memory_space<vmem>> -> memref<125xi32, #tpu.memory_space<vmem>>
        %dma_start3A_531 = arith.constant 0 : i32
        %dma_start3A_532 = arith.constant 0 : i32
        %dma_start3A_533 = tpu.memref_slice %arg11[%dma_start3A_531, %dma_start3A_532] : memref<10000x128xf32, #tpu.memory_space<vmem_shared>> -> memref<10000x128xf32, #tpu.memory_space<vmem_shared>>
        tpu.enqueue_indirect_dma source(%arg10 : memref<125x128xf32, #tpu.memory_space<vmem>>) target(%dma_start3A_533 : memref<10000x128xf32, #tpu.memory_space<vmem_shared>>) offsets(%dma_start3A_530 : memref<125xi32, #tpu.memory_space<vmem>>) semaphore(%run_scoped3A_523 : memref<!tpu.dma_semaphore, #tpu.memory_space<semaphore_mem>>) {add = true}
        %dma_wait3A_534 = arith.constant 0 : i32
        %dma_wait3A_535 = arith.constant 0 : i32
        %dma_wait3A_536 = tpu.memref_slice %arg8[%run_scoped3A_363, %dma_wait3A_534, %dma_wait3A_535] : memref<2x8x125xi32, #tpu.memory_space<vmem>> -> memref<1x8x125xi32, #tpu.memory_space<vmem>>
        %dma_wait3A_537 = tpu.memref_squeeze %dma_wait3A_536 : memref<1x8x125xi32, #tpu.memory_space<vmem>> -> memref<8x125xi32, #tpu.memory_space<vmem>>
        %dma_wait3A_538 = arith.constant 0 : i32
        %dma_wait3A_539 = tpu.memref_slice %dma_wait3A_537[%run_scoped3A_364, %dma_wait3A_538] : memref<8x125xi32, #tpu.memory_space<vmem>> -> memref<1x125xi32, #tpu.memory_space<vmem>>
        %dma_wait3A_540 = tpu.memref_squeeze %dma_wait3A_539 : memref<1x125xi32, #tpu.memory_space<vmem>> -> memref<125xi32, #tpu.memory_space<vmem>>
        %dma_wait3A_541 = arith.constant 0 : i32
        %dma_wait3A_542 = arith.constant 0 : i32
        %dma_wait3A_543 = tpu.memref_slice %arg11[%dma_wait3A_541, %dma_wait3A_542] : memref<10000x128xf32, #tpu.memory_space<vmem_shared>> -> memref<10000x128xf32, #tpu.memory_space<vmem_shared>>
        tpu.wait_indirect_dma semaphore(%run_scoped3A_523 : memref<!tpu.dma_semaphore, #tpu.memory_space<semaphore_mem>>) src(%arg10 : memref<125x128xf32, #tpu.memory_space<vmem>>) dst(%dma_wait3A_543 : memref<10000x128xf32, #tpu.memory_space<vmem_shared>>)
        tpu.yield
      }) : () -> ()
      %dma_start3A_365 = arith.constant 1 : i32
      %dma_start3A_366 = arith.constant 3 : i32
      %dma_start3A_367 = arith.constant 0 : i32
      %dma_start3A_368 = arith.constant 0 : i32
      %dma_start3A_369 = tpu.memref_slice %arg7[%dma_start3A_365, %dma_start3A_367, %dma_start3A_368] : memref<2x8x125xi32, #tpu.memory_space<vmem>> -> memref<1x8x125xi32, #tpu.memory_space<vmem>>
      %dma_start3A_370 = tpu.memref_squeeze %dma_start3A_369 : memref<1x8x125xi32, #tpu.memory_space<vmem>> -> memref<8x125xi32, #tpu.memory_space<vmem>>
      %dma_start3A_371 = arith.constant 0 : i32
      %dma_start3A_372 = tpu.memref_slice %dma_start3A_370[%dma_start3A_366, %dma_start3A_371] : memref<8x125xi32, #tpu.memory_space<vmem>> -> memref<1x125xi32, #tpu.memory_space<vmem>>
      %dma_start3A_373 = tpu.memref_squeeze %dma_start3A_372 : memref<1x125xi32, #tpu.memory_space<vmem>> -> memref<125xi32, #tpu.memory_space<vmem>>
      %dma_start3A_374 = arith.constant 0 : i32
      %dma_start3A_375 = arith.constant 0 : i32
      %dma_start3A_376 = tpu.memref_slice %arg2[%dma_start3A_374, %dma_start3A_375] : memref<20000x128xf32, #tpu.memory_space<hbm>> -> memref<20000x128xf32, #tpu.memory_space<hbm>>
      tpu.enqueue_indirect_dma source(%dma_start3A_376 : memref<20000x128xf32, #tpu.memory_space<hbm>>) target(%arg10 : memref<125x128xf32, #tpu.memory_space<vmem>>) offsets(%dma_start3A_373 : memref<125xi32, #tpu.memory_space<vmem>>) semaphore(%arg13 : memref<!tpu.dma_semaphore, #tpu.memory_space<semaphore_mem>>)
      %dma_wait3A_377 = arith.constant 1 : i32
      %dma_wait3A_378 = arith.constant 2 : i32
      %dma_wait3A_379 = arith.constant 0 : i32
      %dma_wait3A_380 = arith.constant 0 : i32
      %dma_wait3A_381 = tpu.memref_slice %arg7[%dma_wait3A_377, %dma_wait3A_379, %dma_wait3A_380] : memref<2x8x125xi32, #tpu.memory_space<vmem>> -> memref<1x8x125xi32, #tpu.memory_space<vmem>>
      %dma_wait3A_382 = tpu.memref_squeeze %dma_wait3A_381 : memref<1x8x125xi32, #tpu.memory_space<vmem>> -> memref<8x125xi32, #tpu.memory_space<vmem>>
      %dma_wait3A_383 = arith.constant 0 : i32
      %dma_wait3A_384 = tpu.memref_slice %dma_wait3A_382[%dma_wait3A_378, %dma_wait3A_383] : memref<8x125xi32, #tpu.memory_space<vmem>> -> memref<1x125xi32, #tpu.memory_space<vmem>>
      %dma_wait3A_385 = tpu.memref_squeeze %dma_wait3A_384 : memref<1x125xi32, #tpu.memory_space<vmem>> -> memref<125xi32, #tpu.memory_space<vmem>>
      %dma_wait3A_386 = arith.constant 0 : i32
      %dma_wait3A_387 = arith.constant 0 : i32
      %dma_wait3A_388 = tpu.memref_slice %arg2[%dma_wait3A_386, %dma_wait3A_387] : memref<20000x128xf32, #tpu.memory_space<hbm>> -> memref<20000x128xf32, #tpu.memory_space<hbm>>
      tpu.wait_indirect_dma semaphore(%arg12 : memref<!tpu.dma_semaphore, #tpu.memory_space<semaphore_mem>>) src(%dma_wait3A_388 : memref<20000x128xf32, #tpu.memory_space<hbm>>) dst(%arg9 : memref<125x128xf32, #tpu.memory_space<vmem>>)
      %run_scoped3A_389 = arith.constant 1 : i32
      %run_scoped3A_390 = arith.constant 2 : i32
      "tpu.region"() ({
        %run_scoped3A_523 = tpu.sem_alloc : memref<!tpu.dma_semaphore, #tpu.memory_space<semaphore_mem>>
        %dma_start3A_524 = arith.constant 0 : i32
        %dma_start3A_525 = arith.constant 0 : i32
        %dma_start3A_526 = tpu.memref_slice %arg8[%run_scoped3A_389, %dma_start3A_524, %dma_start3A_525] : memref<2x8x125xi32, #tpu.memory_space<vmem>> -> memref<1x8x125xi32, #tpu.memory_space<vmem>>
        %dma_start3A_527 = tpu.memref_squeeze %dma_start3A_526 : memref<1x8x125xi32, #tpu.memory_space<vmem>> -> memref<8x125xi32, #tpu.memory_space<vmem>>
        %dma_start3A_528 = arith.constant 0 : i32
        %dma_start3A_529 = tpu.memref_slice %dma_start3A_527[%run_scoped3A_390, %dma_start3A_528] : memref<8x125xi32, #tpu.memory_space<vmem>> -> memref<1x125xi32, #tpu.memory_space<vmem>>
        %dma_start3A_530 = tpu.memref_squeeze %dma_start3A_529 : memref<1x125xi32, #tpu.memory_space<vmem>> -> memref<125xi32, #tpu.memory_space<vmem>>
        %dma_start3A_531 = arith.constant 0 : i32
        %dma_start3A_532 = arith.constant 0 : i32
        %dma_start3A_533 = tpu.memref_slice %arg11[%dma_start3A_531, %dma_start3A_532] : memref<10000x128xf32, #tpu.memory_space<vmem_shared>> -> memref<10000x128xf32, #tpu.memory_space<vmem_shared>>
        tpu.enqueue_indirect_dma source(%arg9 : memref<125x128xf32, #tpu.memory_space<vmem>>) target(%dma_start3A_533 : memref<10000x128xf32, #tpu.memory_space<vmem_shared>>) offsets(%dma_start3A_530 : memref<125xi32, #tpu.memory_space<vmem>>) semaphore(%run_scoped3A_523 : memref<!tpu.dma_semaphore, #tpu.memory_space<semaphore_mem>>) {add = true}
        %dma_wait3A_534 = arith.constant 0 : i32
        %dma_wait3A_535 = arith.constant 0 : i32
        %dma_wait3A_536 = tpu.memref_slice %arg8[%run_scoped3A_389, %dma_wait3A_534, %dma_wait3A_535] : memref<2x8x125xi32, #tpu.memory_space<vmem>> -> memref<1x8x125xi32, #tpu.memory_space<vmem>>
        %dma_wait3A_537 = tpu.memref_squeeze %dma_wait3A_536 : memref<1x8x125xi32, #tpu.memory_space<vmem>> -> memref<8x125xi32, #tpu.memory_space<vmem>>
        %dma_wait3A_538 = arith.constant 0 : i32
        %dma_wait3A_539 = tpu.memref_slice %dma_wait3A_537[%run_scoped3A_390, %dma_wait3A_538] : memref<8x125xi32, #tpu.memory_space<vmem>> -> memref<1x125xi32, #tpu.memory_space<vmem>>
        %dma_wait3A_540 = tpu.memref_squeeze %dma_wait3A_539 : memref<1x125xi32, #tpu.memory_space<vmem>> -> memref<125xi32, #tpu.memory_space<vmem>>
        %dma_wait3A_541 = arith.constant 0 : i32
        %dma_wait3A_542 = arith.constant 0 : i32
        %dma_wait3A_543 = tpu.memref_slice %arg11[%dma_wait3A_541, %dma_wait3A_542] : memref<10000x128xf32, #tpu.memory_space<vmem_shared>> -> memref<10000x128xf32, #tpu.memory_space<vmem_shared>>
        tpu.wait_indirect_dma semaphore(%run_scoped3A_523 : memref<!tpu.dma_semaphore, #tpu.memory_space<semaphore_mem>>) src(%arg9 : memref<125x128xf32, #tpu.memory_space<vmem>>) dst(%dma_wait3A_543 : memref<10000x128xf32, #tpu.memory_space<vmem_shared>>)
        tpu.yield
      }) : () -> ()
      %dma_start3A_391 = arith.constant 1 : i32
      %dma_start3A_392 = arith.constant 4 : i32
      %dma_start3A_393 = arith.constant 0 : i32
      %dma_start3A_394 = arith.constant 0 : i32
      %dma_start3A_395 = tpu.memref_slice %arg7[%dma_start3A_391, %dma_start3A_393, %dma_start3A_394] : memref<2x8x125xi32, #tpu.memory_space<vmem>> -> memref<1x8x125xi32, #tpu.memory_space<vmem>>
      %dma_start3A_396 = tpu.memref_squeeze %dma_start3A_395 : memref<1x8x125xi32, #tpu.memory_space<vmem>> -> memref<8x125xi32, #tpu.memory_space<vmem>>
      %dma_start3A_397 = arith.constant 0 : i32
      %dma_start3A_398 = tpu.memref_slice %dma_start3A_396[%dma_start3A_392, %dma_start3A_397] : memref<8x125xi32, #tpu.memory_space<vmem>> -> memref<1x125xi32, #tpu.memory_space<vmem>>
      %dma_start3A_399 = tpu.memref_squeeze %dma_start3A_398 : memref<1x125xi32, #tpu.memory_space<vmem>> -> memref<125xi32, #tpu.memory_space<vmem>>
      %dma_start3A_400 = arith.constant 0 : i32
      %dma_start3A_401 = arith.constant 0 : i32
      %dma_start3A_402 = tpu.memref_slice %arg2[%dma_start3A_400, %dma_start3A_401] : memref<20000x128xf32, #tpu.memory_space<hbm>> -> memref<20000x128xf32, #tpu.memory_space<hbm>>
      tpu.enqueue_indirect_dma source(%dma_start3A_402 : memref<20000x128xf32, #tpu.memory_space<hbm>>) target(%arg9 : memref<125x128xf32, #tpu.memory_space<vmem>>) offsets(%dma_start3A_399 : memref<125xi32, #tpu.memory_space<vmem>>) semaphore(%arg12 : memref<!tpu.dma_semaphore, #tpu.memory_space<semaphore_mem>>)
      %dma_wait3A_403 = arith.constant 1 : i32
      %dma_wait3A_404 = arith.constant 3 : i32
      %dma_wait3A_405 = arith.constant 0 : i32
      %dma_wait3A_406 = arith.constant 0 : i32
      %dma_wait3A_407 = tpu.memref_slice %arg7[%dma_wait3A_403, %dma_wait3A_405, %dma_wait3A_406] : memref<2x8x125xi32, #tpu.memory_space<vmem>> -> memref<1x8x125xi32, #tpu.memory_space<vmem>>
      %dma_wait3A_408 = tpu.memref_squeeze %dma_wait3A_407 : memref<1x8x125xi32, #tpu.memory_space<vmem>> -> memref<8x125xi32, #tpu.memory_space<vmem>>
      %dma_wait3A_409 = arith.constant 0 : i32
      %dma_wait3A_410 = tpu.memref_slice %dma_wait3A_408[%dma_wait3A_404, %dma_wait3A_409] : memref<8x125xi32, #tpu.memory_space<vmem>> -> memref<1x125xi32, #tpu.memory_space<vmem>>
      %dma_wait3A_411 = tpu.memref_squeeze %dma_wait3A_410 : memref<1x125xi32, #tpu.memory_space<vmem>> -> memref<125xi32, #tpu.memory_space<vmem>>
      %dma_wait3A_412 = arith.constant 0 : i32
      %dma_wait3A_413 = arith.constant 0 : i32
      %dma_wait3A_414 = tpu.memref_slice %arg2[%dma_wait3A_412, %dma_wait3A_413] : memref<20000x128xf32, #tpu.memory_space<hbm>> -> memref<20000x128xf32, #tpu.memory_space<hbm>>
      tpu.wait_indirect_dma semaphore(%arg13 : memref<!tpu.dma_semaphore, #tpu.memory_space<semaphore_mem>>) src(%dma_wait3A_414 : memref<20000x128xf32, #tpu.memory_space<hbm>>) dst(%arg10 : memref<125x128xf32, #tpu.memory_space<vmem>>)
      %run_scoped3A_415 = arith.constant 1 : i32
      %run_scoped3A_416 = arith.constant 3 : i32
      "tpu.region"() ({
        %run_scoped3A_523 = tpu.sem_alloc : memref<!tpu.dma_semaphore, #tpu.memory_space<semaphore_mem>>
        %dma_start3A_524 = arith.constant 0 : i32
        %dma_start3A_525 = arith.constant 0 : i32
        %dma_start3A_526 = tpu.memref_slice %arg8[%run_scoped3A_415, %dma_start3A_524, %dma_start3A_525] : memref<2x8x125xi32, #tpu.memory_space<vmem>> -> memref<1x8x125xi32, #tpu.memory_space<vmem>>
        %dma_start3A_527 = tpu.memref_squeeze %dma_start3A_526 : memref<1x8x125xi32, #tpu.memory_space<vmem>> -> memref<8x125xi32, #tpu.memory_space<vmem>>
        %dma_start3A_528 = arith.constant 0 : i32
        %dma_start3A_529 = tpu.memref_slice %dma_start3A_527[%run_scoped3A_416, %dma_start3A_528] : memref<8x125xi32, #tpu.memory_space<vmem>> -> memref<1x125xi32, #tpu.memory_space<vmem>>
        %dma_start3A_530 = tpu.memref_squeeze %dma_start3A_529 : memref<1x125xi32, #tpu.memory_space<vmem>> -> memref<125xi32, #tpu.memory_space<vmem>>
        %dma_start3A_531 = arith.constant 0 : i32
        %dma_start3A_532 = arith.constant 0 : i32
        %dma_start3A_533 = tpu.memref_slice %arg11[%dma_start3A_531, %dma_start3A_532] : memref<10000x128xf32, #tpu.memory_space<vmem_shared>> -> memref<10000x128xf32, #tpu.memory_space<vmem_shared>>
        tpu.enqueue_indirect_dma source(%arg10 : memref<125x128xf32, #tpu.memory_space<vmem>>) target(%dma_start3A_533 : memref<10000x128xf32, #tpu.memory_space<vmem_shared>>) offsets(%dma_start3A_530 : memref<125xi32, #tpu.memory_space<vmem>>) semaphore(%run_scoped3A_523 : memref<!tpu.dma_semaphore, #tpu.memory_space<semaphore_mem>>) {add = true}
        %dma_wait3A_534 = arith.constant 0 : i32
        %dma_wait3A_535 = arith.constant 0 : i32
        %dma_wait3A_536 = tpu.memref_slice %arg8[%run_scoped3A_415, %dma_wait3A_534, %dma_wait3A_535] : memref<2x8x125xi32, #tpu.memory_space<vmem>> -> memref<1x8x125xi32, #tpu.memory_space<vmem>>
        %dma_wait3A_537 = tpu.memref_squeeze %dma_wait3A_536 : memref<1x8x125xi32, #tpu.memory_space<vmem>> -> memref<8x125xi32, #tpu.memory_space<vmem>>
        %dma_wait3A_538 = arith.constant 0 : i32
        %dma_wait3A_539 = tpu.memref_slice %dma_wait3A_537[%run_scoped3A_416, %dma_wait3A_538] : memref<8x125xi32, #tpu.memory_space<vmem>> -> memref<1x125xi32, #tpu.memory_space<vmem>>
        %dma_wait3A_540 = tpu.memref_squeeze %dma_wait3A_539 : memref<1x125xi32, #tpu.memory_space<vmem>> -> memref<125xi32, #tpu.memory_space<vmem>>
        %dma_wait3A_541 = arith.constant 0 : i32
        %dma_wait3A_542 = arith.constant 0 : i32
        %dma_wait3A_543 = tpu.memref_slice %arg11[%dma_wait3A_541, %dma_wait3A_542] : memref<10000x128xf32, #tpu.memory_space<vmem_shared>> -> memref<10000x128xf32, #tpu.memory_space<vmem_shared>>
        tpu.wait_indirect_dma semaphore(%run_scoped3A_523 : memref<!tpu.dma_semaphore, #tpu.memory_space<semaphore_mem>>) src(%arg10 : memref<125x128xf32, #tpu.memory_space<vmem>>) dst(%dma_wait3A_543 : memref<10000x128xf32, #tpu.memory_space<vmem_shared>>)
        tpu.yield
      }) : () -> ()
      %dma_start3A_417 = arith.constant 1 : i32
      %dma_start3A_418 = arith.constant 5 : i32
      %dma_start3A_419 = arith.constant 0 : i32
      %dma_start3A_420 = arith.constant 0 : i32
      %dma_start3A_421 = tpu.memref_slice %arg7[%dma_start3A_417, %dma_start3A_419, %dma_start3A_420] : memref<2x8x125xi32, #tpu.memory_space<vmem>> -> memref<1x8x125xi32, #tpu.memory_space<vmem>>
      %dma_start3A_422 = tpu.memref_squeeze %dma_start3A_421 : memref<1x8x125xi32, #tpu.memory_space<vmem>> -> memref<8x125xi32, #tpu.memory_space<vmem>>
      %dma_start3A_423 = arith.constant 0 : i32
      %dma_start3A_424 = tpu.memref_slice %dma_start3A_422[%dma_start3A_418, %dma_start3A_423] : memref<8x125xi32, #tpu.memory_space<vmem>> -> memref<1x125xi32, #tpu.memory_space<vmem>>
      %dma_start3A_425 = tpu.memref_squeeze %dma_start3A_424 : memref<1x125xi32, #tpu.memory_space<vmem>> -> memref<125xi32, #tpu.memory_space<vmem>>
      %dma_start3A_426 = arith.constant 0 : i32
      %dma_start3A_427 = arith.constant 0 : i32
      %dma_start3A_428 = tpu.memref_slice %arg2[%dma_start3A_426, %dma_start3A_427] : memref<20000x128xf32, #tpu.memory_space<hbm>> -> memref<20000x128xf32, #tpu.memory_space<hbm>>
      tpu.enqueue_indirect_dma source(%dma_start3A_428 : memref<20000x128xf32, #tpu.memory_space<hbm>>) target(%arg10 : memref<125x128xf32, #tpu.memory_space<vmem>>) offsets(%dma_start3A_425 : memref<125xi32, #tpu.memory_space<vmem>>) semaphore(%arg13 : memref<!tpu.dma_semaphore, #tpu.memory_space<semaphore_mem>>)
      %dma_wait3A_429 = arith.constant 1 : i32
      %dma_wait3A_430 = arith.constant 4 : i32
      %dma_wait3A_431 = arith.constant 0 : i32
      %dma_wait3A_432 = arith.constant 0 : i32
      %dma_wait3A_433 = tpu.memref_slice %arg7[%dma_wait3A_429, %dma_wait3A_431, %dma_wait3A_432] : memref<2x8x125xi32, #tpu.memory_space<vmem>> -> memref<1x8x125xi32, #tpu.memory_space<vmem>>
      %dma_wait3A_434 = tpu.memref_squeeze %dma_wait3A_433 : memref<1x8x125xi32, #tpu.memory_space<vmem>> -> memref<8x125xi32, #tpu.memory_space<vmem>>
      %dma_wait3A_435 = arith.constant 0 : i32
      %dma_wait3A_436 = tpu.memref_slice %dma_wait3A_434[%dma_wait3A_430, %dma_wait3A_435] : memref<8x125xi32, #tpu.memory_space<vmem>> -> memref<1x125xi32, #tpu.memory_space<vmem>>
      %dma_wait3A_437 = tpu.memref_squeeze %dma_wait3A_436 : memref<1x125xi32, #tpu.memory_space<vmem>> -> memref<125xi32, #tpu.memory_space<vmem>>
      %dma_wait3A_438 = arith.constant 0 : i32
      %dma_wait3A_439 = arith.constant 0 : i32
      %dma_wait3A_440 = tpu.memref_slice %arg2[%dma_wait3A_438, %dma_wait3A_439] : memref<20000x128xf32, #tpu.memory_space<hbm>> -> memref<20000x128xf32, #tpu.memory_space<hbm>>
      tpu.wait_indirect_dma semaphore(%arg12 : memref<!tpu.dma_semaphore, #tpu.memory_space<semaphore_mem>>) src(%dma_wait3A_440 : memref<20000x128xf32, #tpu.memory_space<hbm>>) dst(%arg9 : memref<125x128xf32, #tpu.memory_space<vmem>>)
      %run_scoped3A_441 = arith.constant 1 : i32
      %run_scoped3A_442 = arith.constant 4 : i32
      "tpu.region"() ({
        %run_scoped3A_523 = tpu.sem_alloc : memref<!tpu.dma_semaphore, #tpu.memory_space<semaphore_mem>>
        %dma_start3A_524 = arith.constant 0 : i32
        %dma_start3A_525 = arith.constant 0 : i32
        %dma_start3A_526 = tpu.memref_slice %arg8[%run_scoped3A_441, %dma_start3A_524, %dma_start3A_525] : memref<2x8x125xi32, #tpu.memory_space<vmem>> -> memref<1x8x125xi32, #tpu.memory_space<vmem>>
        %dma_start3A_527 = tpu.memref_squeeze %dma_start3A_526 : memref<1x8x125xi32, #tpu.memory_space<vmem>> -> memref<8x125xi32, #tpu.memory_space<vmem>>
        %dma_start3A_528 = arith.constant 0 : i32
        %dma_start3A_529 = tpu.memref_slice %dma_start3A_527[%run_scoped3A_442, %dma_start3A_528] : memref<8x125xi32, #tpu.memory_space<vmem>> -> memref<1x125xi32, #tpu.memory_space<vmem>>
        %dma_start3A_530 = tpu.memref_squeeze %dma_start3A_529 : memref<1x125xi32, #tpu.memory_space<vmem>> -> memref<125xi32, #tpu.memory_space<vmem>>
        %dma_start3A_531 = arith.constant 0 : i32
        %dma_start3A_532 = arith.constant 0 : i32
        %dma_start3A_533 = tpu.memref_slice %arg11[%dma_start3A_531, %dma_start3A_532] : memref<10000x128xf32, #tpu.memory_space<vmem_shared>> -> memref<10000x128xf32, #tpu.memory_space<vmem_shared>>
        tpu.enqueue_indirect_dma source(%arg9 : memref<125x128xf32, #tpu.memory_space<vmem>>) target(%dma_start3A_533 : memref<10000x128xf32, #tpu.memory_space<vmem_shared>>) offsets(%dma_start3A_530 : memref<125xi32, #tpu.memory_space<vmem>>) semaphore(%run_scoped3A_523 : memref<!tpu.dma_semaphore, #tpu.memory_space<semaphore_mem>>) {add = true}
        %dma_wait3A_534 = arith.constant 0 : i32
        %dma_wait3A_535 = arith.constant 0 : i32
        %dma_wait3A_536 = tpu.memref_slice %arg8[%run_scoped3A_441, %dma_wait3A_534, %dma_wait3A_535] : memref<2x8x125xi32, #tpu.memory_space<vmem>> -> memref<1x8x125xi32, #tpu.memory_space<vmem>>
        %dma_wait3A_537 = tpu.memref_squeeze %dma_wait3A_536 : memref<1x8x125xi32, #tpu.memory_space<vmem>> -> memref<8x125xi32, #tpu.memory_space<vmem>>
        %dma_wait3A_538 = arith.constant 0 : i32
        %dma_wait3A_539 = tpu.memref_slice %dma_wait3A_537[%run_scoped3A_442, %dma_wait3A_538] : memref<8x125xi32, #tpu.memory_space<vmem>> -> memref<1x125xi32, #tpu.memory_space<vmem>>
        %dma_wait3A_540 = tpu.memref_squeeze %dma_wait3A_539 : memref<1x125xi32, #tpu.memory_space<vmem>> -> memref<125xi32, #tpu.memory_space<vmem>>
        %dma_wait3A_541 = arith.constant 0 : i32
        %dma_wait3A_542 = arith.constant 0 : i32
        %dma_wait3A_543 = tpu.memref_slice %arg11[%dma_wait3A_541, %dma_wait3A_542] : memref<10000x128xf32, #tpu.memory_space<vmem_shared>> -> memref<10000x128xf32, #tpu.memory_space<vmem_shared>>
        tpu.wait_indirect_dma semaphore(%run_scoped3A_523 : memref<!tpu.dma_semaphore, #tpu.memory_space<semaphore_mem>>) src(%arg9 : memref<125x128xf32, #tpu.memory_space<vmem>>) dst(%dma_wait3A_543 : memref<10000x128xf32, #tpu.memory_space<vmem_shared>>)
        tpu.yield
      }) : () -> ()
      %dma_start3A_443 = arith.constant 1 : i32
      %dma_start3A_444 = arith.constant 6 : i32
      %dma_start3A_445 = arith.constant 0 : i32
      %dma_start3A_446 = arith.constant 0 : i32
      %dma_start3A_447 = tpu.memref_slice %arg7[%dma_start3A_443, %dma_start3A_445, %dma_start3A_446] : memref<2x8x125xi32, #tpu.memory_space<vmem>> -> memref<1x8x125xi32, #tpu.memory_space<vmem>>
      %dma_start3A_448 = tpu.memref_squeeze %dma_start3A_447 : memref<1x8x125xi32, #tpu.memory_space<vmem>> -> memref<8x125xi32, #tpu.memory_space<vmem>>
      %dma_start3A_449 = arith.constant 0 : i32
      %dma_start3A_450 = tpu.memref_slice %dma_start3A_448[%dma_start3A_444, %dma_start3A_449] : memref<8x125xi32, #tpu.memory_space<vmem>> -> memref<1x125xi32, #tpu.memory_space<vmem>>
      %dma_start3A_451 = tpu.memref_squeeze %dma_start3A_450 : memref<1x125xi32, #tpu.memory_space<vmem>> -> memref<125xi32, #tpu.memory_space<vmem>>
      %dma_start3A_452 = arith.constant 0 : i32
      %dma_start3A_453 = arith.constant 0 : i32
      %dma_start3A_454 = tpu.memref_slice %arg2[%dma_start3A_452, %dma_start3A_453] : memref<20000x128xf32, #tpu.memory_space<hbm>> -> memref<20000x128xf32, #tpu.memory_space<hbm>>
      tpu.enqueue_indirect_dma source(%dma_start3A_454 : memref<20000x128xf32, #tpu.memory_space<hbm>>) target(%arg9 : memref<125x128xf32, #tpu.memory_space<vmem>>) offsets(%dma_start3A_451 : memref<125xi32, #tpu.memory_space<vmem>>) semaphore(%arg12 : memref<!tpu.dma_semaphore, #tpu.memory_space<semaphore_mem>>)
      %dma_wait3A_455 = arith.constant 1 : i32
      %dma_wait3A_456 = arith.constant 5 : i32
      %dma_wait3A_457 = arith.constant 0 : i32
      %dma_wait3A_458 = arith.constant 0 : i32
      %dma_wait3A_459 = tpu.memref_slice %arg7[%dma_wait3A_455, %dma_wait3A_457, %dma_wait3A_458] : memref<2x8x125xi32, #tpu.memory_space<vmem>> -> memref<1x8x125xi32, #tpu.memory_space<vmem>>
      %dma_wait3A_460 = tpu.memref_squeeze %dma_wait3A_459 : memref<1x8x125xi32, #tpu.memory_space<vmem>> -> memref<8x125xi32, #tpu.memory_space<vmem>>
      %dma_wait3A_461 = arith.constant 0 : i32
      %dma_wait3A_462 = tpu.memref_slice %dma_wait3A_460[%dma_wait3A_456, %dma_wait3A_461] : memref<8x125xi32, #tpu.memory_space<vmem>> -> memref<1x125xi32, #tpu.memory_space<vmem>>
      %dma_wait3A_463 = tpu.memref_squeeze %dma_wait3A_462 : memref<1x125xi32, #tpu.memory_space<vmem>> -> memref<125xi32, #tpu.memory_space<vmem>>
      %dma_wait3A_464 = arith.constant 0 : i32
      %dma_wait3A_465 = arith.constant 0 : i32
      %dma_wait3A_466 = tpu.memref_slice %arg2[%dma_wait3A_464, %dma_wait3A_465] : memref<20000x128xf32, #tpu.memory_space<hbm>> -> memref<20000x128xf32, #tpu.memory_space<hbm>>
      tpu.wait_indirect_dma semaphore(%arg13 : memref<!tpu.dma_semaphore, #tpu.memory_space<semaphore_mem>>) src(%dma_wait3A_466 : memref<20000x128xf32, #tpu.memory_space<hbm>>) dst(%arg10 : memref<125x128xf32, #tpu.memory_space<vmem>>)
      %run_scoped3A_467 = arith.constant 1 : i32
      %run_scoped3A_468 = arith.constant 5 : i32
      "tpu.region"() ({
        %run_scoped3A_523 = tpu.sem_alloc : memref<!tpu.dma_semaphore, #tpu.memory_space<semaphore_mem>>
        %dma_start3A_524 = arith.constant 0 : i32
        %dma_start3A_525 = arith.constant 0 : i32
        %dma_start3A_526 = tpu.memref_slice %arg8[%run_scoped3A_467, %dma_start3A_524, %dma_start3A_525] : memref<2x8x125xi32, #tpu.memory_space<vmem>> -> memref<1x8x125xi32, #tpu.memory_space<vmem>>
        %dma_start3A_527 = tpu.memref_squeeze %dma_start3A_526 : memref<1x8x125xi32, #tpu.memory_space<vmem>> -> memref<8x125xi32, #tpu.memory_space<vmem>>
        %dma_start3A_528 = arith.constant 0 : i32
        %dma_start3A_529 = tpu.memref_slice %dma_start3A_527[%run_scoped3A_468, %dma_start3A_528] : memref<8x125xi32, #tpu.memory_space<vmem>> -> memref<1x125xi32, #tpu.memory_space<vmem>>
        %dma_start3A_530 = tpu.memref_squeeze %dma_start3A_529 : memref<1x125xi32, #tpu.memory_space<vmem>> -> memref<125xi32, #tpu.memory_space<vmem>>
        %dma_start3A_531 = arith.constant 0 : i32
        %dma_start3A_532 = arith.constant 0 : i32
        %dma_start3A_533 = tpu.memref_slice %arg11[%dma_start3A_531, %dma_start3A_532] : memref<10000x128xf32, #tpu.memory_space<vmem_shared>> -> memref<10000x128xf32, #tpu.memory_space<vmem_shared>>
        tpu.enqueue_indirect_dma source(%arg10 : memref<125x128xf32, #tpu.memory_space<vmem>>) target(%dma_start3A_533 : memref<10000x128xf32, #tpu.memory_space<vmem_shared>>) offsets(%dma_start3A_530 : memref<125xi32, #tpu.memory_space<vmem>>) semaphore(%run_scoped3A_523 : memref<!tpu.dma_semaphore, #tpu.memory_space<semaphore_mem>>) {add = true}
        %dma_wait3A_534 = arith.constant 0 : i32
        %dma_wait3A_535 = arith.constant 0 : i32
        %dma_wait3A_536 = tpu.memref_slice %arg8[%run_scoped3A_467, %dma_wait3A_534, %dma_wait3A_535] : memref<2x8x125xi32, #tpu.memory_space<vmem>> -> memref<1x8x125xi32, #tpu.memory_space<vmem>>
        %dma_wait3A_537 = tpu.memref_squeeze %dma_wait3A_536 : memref<1x8x125xi32, #tpu.memory_space<vmem>> -> memref<8x125xi32, #tpu.memory_space<vmem>>
        %dma_wait3A_538 = arith.constant 0 : i32
        %dma_wait3A_539 = tpu.memref_slice %dma_wait3A_537[%run_scoped3A_468, %dma_wait3A_538] : memref<8x125xi32, #tpu.memory_space<vmem>> -> memref<1x125xi32, #tpu.memory_space<vmem>>
        %dma_wait3A_540 = tpu.memref_squeeze %dma_wait3A_539 : memref<1x125xi32, #tpu.memory_space<vmem>> -> memref<125xi32, #tpu.memory_space<vmem>>
        %dma_wait3A_541 = arith.constant 0 : i32
        %dma_wait3A_542 = arith.constant 0 : i32
        %dma_wait3A_543 = tpu.memref_slice %arg11[%dma_wait3A_541, %dma_wait3A_542] : memref<10000x128xf32, #tpu.memory_space<vmem_shared>> -> memref<10000x128xf32, #tpu.memory_space<vmem_shared>>
        tpu.wait_indirect_dma semaphore(%run_scoped3A_523 : memref<!tpu.dma_semaphore, #tpu.memory_space<semaphore_mem>>) src(%arg10 : memref<125x128xf32, #tpu.memory_space<vmem>>) dst(%dma_wait3A_543 : memref<10000x128xf32, #tpu.memory_space<vmem_shared>>)
        tpu.yield
      }) : () -> ()
      %dma_start3A_469 = arith.constant 1 : i32
      %dma_start3A_470 = arith.constant 7 : i32
      %dma_start3A_471 = arith.constant 0 : i32
      %dma_start3A_472 = arith.constant 0 : i32
      %dma_start3A_473 = tpu.memref_slice %arg7[%dma_start3A_469, %dma_start3A_471, %dma_start3A_472] : memref<2x8x125xi32, #tpu.memory_space<vmem>> -> memref<1x8x125xi32, #tpu.memory_space<vmem>>
      %dma_start3A_474 = tpu.memref_squeeze %dma_start3A_473 : memref<1x8x125xi32, #tpu.memory_space<vmem>> -> memref<8x125xi32, #tpu.memory_space<vmem>>
      %dma_start3A_475 = arith.constant 0 : i32
      %dma_start3A_476 = tpu.memref_slice %dma_start3A_474[%dma_start3A_470, %dma_start3A_475] : memref<8x125xi32, #tpu.memory_space<vmem>> -> memref<1x125xi32, #tpu.memory_space<vmem>>
      %dma_start3A_477 = tpu.memref_squeeze %dma_start3A_476 : memref<1x125xi32, #tpu.memory_space<vmem>> -> memref<125xi32, #tpu.memory_space<vmem>>
      %dma_start3A_478 = arith.constant 0 : i32
      %dma_start3A_479 = arith.constant 0 : i32
      %dma_start3A_480 = tpu.memref_slice %arg2[%dma_start3A_478, %dma_start3A_479] : memref<20000x128xf32, #tpu.memory_space<hbm>> -> memref<20000x128xf32, #tpu.memory_space<hbm>>
      tpu.enqueue_indirect_dma source(%dma_start3A_480 : memref<20000x128xf32, #tpu.memory_space<hbm>>) target(%arg10 : memref<125x128xf32, #tpu.memory_space<vmem>>) offsets(%dma_start3A_477 : memref<125xi32, #tpu.memory_space<vmem>>) semaphore(%arg13 : memref<!tpu.dma_semaphore, #tpu.memory_space<semaphore_mem>>)
      %dma_wait3A_481 = arith.constant 1 : i32
      %dma_wait3A_482 = arith.constant 6 : i32
      %dma_wait3A_483 = arith.constant 0 : i32
      %dma_wait3A_484 = arith.constant 0 : i32
      %dma_wait3A_485 = tpu.memref_slice %arg7[%dma_wait3A_481, %dma_wait3A_483, %dma_wait3A_484] : memref<2x8x125xi32, #tpu.memory_space<vmem>> -> memref<1x8x125xi32, #tpu.memory_space<vmem>>
      %dma_wait3A_486 = tpu.memref_squeeze %dma_wait3A_485 : memref<1x8x125xi32, #tpu.memory_space<vmem>> -> memref<8x125xi32, #tpu.memory_space<vmem>>
      %dma_wait3A_487 = arith.constant 0 : i32
      %dma_wait3A_488 = tpu.memref_slice %dma_wait3A_486[%dma_wait3A_482, %dma_wait3A_487] : memref<8x125xi32, #tpu.memory_space<vmem>> -> memref<1x125xi32, #tpu.memory_space<vmem>>
      %dma_wait3A_489 = tpu.memref_squeeze %dma_wait3A_488 : memref<1x125xi32, #tpu.memory_space<vmem>> -> memref<125xi32, #tpu.memory_space<vmem>>
      %dma_wait3A_490 = arith.constant 0 : i32
      %dma_wait3A_491 = arith.constant 0 : i32
      %dma_wait3A_492 = tpu.memref_slice %arg2[%dma_wait3A_490, %dma_wait3A_491] : memref<20000x128xf32, #tpu.memory_space<hbm>> -> memref<20000x128xf32, #tpu.memory_space<hbm>>
      tpu.wait_indirect_dma semaphore(%arg12 : memref<!tpu.dma_semaphore, #tpu.memory_space<semaphore_mem>>) src(%dma_wait3A_492 : memref<20000x128xf32, #tpu.memory_space<hbm>>) dst(%arg9 : memref<125x128xf32, #tpu.memory_space<vmem>>)
      %run_scoped3A_493 = arith.constant 1 : i32
      %run_scoped3A_494 = arith.constant 6 : i32
      "tpu.region"() ({
        %run_scoped3A_523 = tpu.sem_alloc : memref<!tpu.dma_semaphore, #tpu.memory_space<semaphore_mem>>
        %dma_start3A_524 = arith.constant 0 : i32
        %dma_start3A_525 = arith.constant 0 : i32
        %dma_start3A_526 = tpu.memref_slice %arg8[%run_scoped3A_493, %dma_start3A_524, %dma_start3A_525] : memref<2x8x125xi32, #tpu.memory_space<vmem>> -> memref<1x8x125xi32, #tpu.memory_space<vmem>>
        %dma_start3A_527 = tpu.memref_squeeze %dma_start3A_526 : memref<1x8x125xi32, #tpu.memory_space<vmem>> -> memref<8x125xi32, #tpu.memory_space<vmem>>
        %dma_start3A_528 = arith.constant 0 : i32
        %dma_start3A_529 = tpu.memref_slice %dma_start3A_527[%run_scoped3A_494, %dma_start3A_528] : memref<8x125xi32, #tpu.memory_space<vmem>> -> memref<1x125xi32, #tpu.memory_space<vmem>>
        %dma_start3A_530 = tpu.memref_squeeze %dma_start3A_529 : memref<1x125xi32, #tpu.memory_space<vmem>> -> memref<125xi32, #tpu.memory_space<vmem>>
        %dma_start3A_531 = arith.constant 0 : i32
        %dma_start3A_532 = arith.constant 0 : i32
        %dma_start3A_533 = tpu.memref_slice %arg11[%dma_start3A_531, %dma_start3A_532] : memref<10000x128xf32, #tpu.memory_space<vmem_shared>> -> memref<10000x128xf32, #tpu.memory_space<vmem_shared>>
        tpu.enqueue_indirect_dma source(%arg9 : memref<125x128xf32, #tpu.memory_space<vmem>>) target(%dma_start3A_533 : memref<10000x128xf32, #tpu.memory_space<vmem_shared>>) offsets(%dma_start3A_530 : memref<125xi32, #tpu.memory_space<vmem>>) semaphore(%run_scoped3A_523 : memref<!tpu.dma_semaphore, #tpu.memory_space<semaphore_mem>>) {add = true}
        %dma_wait3A_534 = arith.constant 0 : i32
        %dma_wait3A_535 = arith.constant 0 : i32
        %dma_wait3A_536 = tpu.memref_slice %arg8[%run_scoped3A_493, %dma_wait3A_534, %dma_wait3A_535] : memref<2x8x125xi32, #tpu.memory_space<vmem>> -> memref<1x8x125xi32, #tpu.memory_space<vmem>>
        %dma_wait3A_537 = tpu.memref_squeeze %dma_wait3A_536 : memref<1x8x125xi32, #tpu.memory_space<vmem>> -> memref<8x125xi32, #tpu.memory_space<vmem>>
        %dma_wait3A_538 = arith.constant 0 : i32
        %dma_wait3A_539 = tpu.memref_slice %dma_wait3A_537[%run_scoped3A_494, %dma_wait3A_538] : memref<8x125xi32, #tpu.memory_space<vmem>> -> memref<1x125xi32, #tpu.memory_space<vmem>>
        %dma_wait3A_540 = tpu.memref_squeeze %dma_wait3A_539 : memref<1x125xi32, #tpu.memory_space<vmem>> -> memref<125xi32, #tpu.memory_space<vmem>>
        %dma_wait3A_541 = arith.constant 0 : i32
        %dma_wait3A_542 = arith.constant 0 : i32
        %dma_wait3A_543 = tpu.memref_slice %arg11[%dma_wait3A_541, %dma_wait3A_542] : memref<10000x128xf32, #tpu.memory_space<vmem_shared>> -> memref<10000x128xf32, #tpu.memory_space<vmem_shared>>
        tpu.wait_indirect_dma semaphore(%run_scoped3A_523 : memref<!tpu.dma_semaphore, #tpu.memory_space<semaphore_mem>>) src(%arg9 : memref<125x128xf32, #tpu.memory_space<vmem>>) dst(%dma_wait3A_543 : memref<10000x128xf32, #tpu.memory_space<vmem_shared>>)
        tpu.yield
      }) : () -> ()
      %add3A_495 = arith.constant 1 : i32
      %add3A_496 = arith.addi %add3A_317, %add3A_495 : i32
      %lt3A_497 = arith.constant 20 : i32
      %lt3A_498 = arith.cmpi slt, %add3A_496, %lt3A_497 : i32
      %convert_element_type3A_499 = arith.extui %lt3A_498 : i1 to i32
      %cond3A_500 = arith.constant 0 : i32
      %cond3A_501 = arith.cmpi ne, %convert_element_type3A_499, %cond3A_500 : i32
      scf.if %cond3A_501 {
        %add3A_523 = arith.constant 1 : i32
        %add3A_524 = arith.addi %add3A_317, %add3A_523 : i32
        %mul3A_525 = arith.constant 8 : i32
        %mul3A_526 = arith.muli %add3A_524, %mul3A_525 : i32
        %add3A_527 = arith.addi %add3A, %mul3A_526 : i32
        %dma_wait3A_528 = arith.constant 0 : i32
        %dma_wait3A_529 = arith.constant 0 : i32
        %dma_wait3A_530 = arith.constant 0 : i32
        %dma_wait3A_531 = tpu.memref_slice %arg7[%dma_wait3A_528, %dma_wait3A_529, %dma_wait3A_530] : memref<2x8x125xi32, #tpu.memory_space<vmem>> -> memref<1x8x125xi32, #tpu.memory_space<vmem>>
        %dma_wait3A_532 = tpu.memref_squeeze %dma_wait3A_531 : memref<1x8x125xi32, #tpu.memory_space<vmem>> -> memref<8x125xi32, #tpu.memory_space<vmem>>
        %dma_wait3A_533 = arith.constant 0 : i32
        %dma_wait3A_534 = tpu.memref_slice %arg3[%add3A_527, %dma_wait3A_533] : memref<5120x125xi32, #tpu.memory_space<hbm>> -> memref<8x125xi32, #tpu.memory_space<hbm>>
        %dma_wait3A_535 = arith.constant 0 : i32
        %dma_wait3A_536 = arith.constant 0 : i32
        %dma_wait3A_537 = tpu.memref_slice %arg7[%dma_wait3A_528, %dma_wait3A_535, %dma_wait3A_536] : memref<2x8x125xi32, #tpu.memory_space<vmem>> -> memref<1x8x125xi32, #tpu.memory_space<vmem>>
        %dma_wait3A_538 = tpu.memref_squeeze %dma_wait3A_537 : memref<1x8x125xi32, #tpu.memory_space<vmem>> -> memref<8x125xi32, #tpu.memory_space<vmem>>
        %dma_wait3A_539 = arith.constant 0 : i32
        %dma_wait3A_540 = tpu.memref_slice %arg3[%add3A_527, %dma_wait3A_539] : memref<5120x125xi32, #tpu.memory_space<hbm>> -> memref<8x125xi32, #tpu.memory_space<hbm>>
        tpu.wait_dma2 semaphore(%arg14 : memref<!tpu.dma_semaphore, #tpu.memory_space<semaphore_mem>>) src(%dma_wait3A_540 : memref<8x125xi32, #tpu.memory_space<hbm>>) dst(%dma_wait3A_538 : memref<8x125xi32, #tpu.memory_space<vmem>>)
        %mul3A_541 = arith.constant 8 : i32
        %mul3A_542 = arith.muli %add3A_524, %mul3A_541 : i32
        %add3A_543 = arith.addi %mul3A_6, %mul3A_542 : i32
        %dma_wait3A_544 = arith.constant 0 : i32
        %dma_wait3A_545 = arith.constant 0 : i32
        %dma_wait3A_546 = arith.constant 0 : i32
        %dma_wait3A_547 = tpu.memref_slice %arg8[%dma_wait3A_544, %dma_wait3A_545, %dma_wait3A_546] : memref<2x8x125xi32, #tpu.memory_space<vmem>> -> memref<1x8x125xi32, #tpu.memory_space<vmem>>
        %dma_wait3A_548 = tpu.memref_squeeze %dma_wait3A_547 : memref<1x8x125xi32, #tpu.memory_space<vmem>> -> memref<8x125xi32, #tpu.memory_space<vmem>>
        %dma_wait3A_549 = arith.constant 0 : i32
        %dma_wait3A_550 = tpu.memref_slice %arg4[%add3A_543, %dma_wait3A_549] : memref<2560x125xi32, #tpu.memory_space<hbm>> -> memref<8x125xi32, #tpu.memory_space<hbm>>
        %dma_wait3A_551 = arith.constant 0 : i32
        %dma_wait3A_552 = arith.constant 0 : i32
        %dma_wait3A_553 = tpu.memref_slice %arg8[%dma_wait3A_544, %dma_wait3A_551, %dma_wait3A_552] : memref<2x8x125xi32, #tpu.memory_space<vmem>> -> memref<1x8x125xi32, #tpu.memory_space<vmem>>
        %dma_wait3A_554 = tpu.memref_squeeze %dma_wait3A_553 : memref<1x8x125xi32, #tpu.memory_space<vmem>> -> memref<8x125xi32, #tpu.memory_space<vmem>>
        %dma_wait3A_555 = arith.constant 0 : i32
        %dma_wait3A_556 = tpu.memref_slice %arg4[%add3A_543, %dma_wait3A_555] : memref<2560x125xi32, #tpu.memory_space<hbm>> -> memref<8x125xi32, #tpu.memory_space<hbm>>
        tpu.wait_dma2 semaphore(%arg14 : memref<!tpu.dma_semaphore, #tpu.memory_space<semaphore_mem>>) src(%dma_wait3A_556 : memref<8x125xi32, #tpu.memory_space<hbm>>) dst(%dma_wait3A_554 : memref<8x125xi32, #tpu.memory_space<vmem>>)
        %dma_start3A_557 = arith.constant 0 : i32
        %dma_start3A_558 = arith.constant 0 : i32
        %dma_start3A_559 = arith.constant 0 : i32
        %dma_start3A_560 = arith.constant 0 : i32
        %dma_start3A_561 = tpu.memref_slice %arg7[%dma_start3A_557, %dma_start3A_559, %dma_start3A_560] : memref<2x8x125xi32, #tpu.memory_space<vmem>> -> memref<1x8x125xi32, #tpu.memory_space<vmem>>
        %dma_start3A_562 = tpu.memref_squeeze %dma_start3A_561 : memref<1x8x125xi32, #tpu.memory_space<vmem>> -> memref<8x125xi32, #tpu.memory_space<vmem>>
        %dma_start3A_563 = arith.constant 0 : i32
        %dma_start3A_564 = tpu.memref_slice %dma_start3A_562[%dma_start3A_558, %dma_start3A_563] : memref<8x125xi32, #tpu.memory_space<vmem>> -> memref<1x125xi32, #tpu.memory_space<vmem>>
        %dma_start3A_565 = tpu.memref_squeeze %dma_start3A_564 : memref<1x125xi32, #tpu.memory_space<vmem>> -> memref<125xi32, #tpu.memory_space<vmem>>
        %dma_start3A_566 = arith.constant 0 : i32
        %dma_start3A_567 = arith.constant 0 : i32
        %dma_start3A_568 = tpu.memref_slice %arg2[%dma_start3A_566, %dma_start3A_567] : memref<20000x128xf32, #tpu.memory_space<hbm>> -> memref<20000x128xf32, #tpu.memory_space<hbm>>
        tpu.enqueue_indirect_dma source(%dma_start3A_568 : memref<20000x128xf32, #tpu.memory_space<hbm>>) target(%arg9 : memref<125x128xf32, #tpu.memory_space<vmem>>) offsets(%dma_start3A_565 : memref<125xi32, #tpu.memory_space<vmem>>) semaphore(%arg12 : memref<!tpu.dma_semaphore, #tpu.memory_space<semaphore_mem>>)
      } else {
      }
      %dma_wait3A_502 = arith.constant 1 : i32
      %dma_wait3A_503 = arith.constant 7 : i32
      %dma_wait3A_504 = arith.constant 0 : i32
      %dma_wait3A_505 = arith.constant 0 : i32
      %dma_wait3A_506 = tpu.memref_slice %arg7[%dma_wait3A_502, %dma_wait3A_504, %dma_wait3A_505] : memref<2x8x125xi32, #tpu.memory_space<vmem>> -> memref<1x8x125xi32, #tpu.memory_space<vmem>>
      %dma_wait3A_507 = tpu.memref_squeeze %dma_wait3A_506 : memref<1x8x125xi32, #tpu.memory_space<vmem>> -> memref<8x125xi32, #tpu.memory_space<vmem>>
      %dma_wait3A_508 = arith.constant 0 : i32
      %dma_wait3A_509 = tpu.memref_slice %dma_wait3A_507[%dma_wait3A_503, %dma_wait3A_508] : memref<8x125xi32, #tpu.memory_space<vmem>> -> memref<1x125xi32, #tpu.memory_space<vmem>>
      %dma_wait3A_510 = tpu.memref_squeeze %dma_wait3A_509 : memref<1x125xi32, #tpu.memory_space<vmem>> -> memref<125xi32, #tpu.memory_space<vmem>>
      %dma_wait3A_511 = arith.constant 0 : i32
      %dma_wait3A_512 = arith.constant 0 : i32
      %dma_wait3A_513 = tpu.memref_slice %arg2[%dma_wait3A_511, %dma_wait3A_512] : memref<20000x128xf32, #tpu.memory_space<hbm>> -> memref<20000x128xf32, #tpu.memory_space<hbm>>
      tpu.wait_indirect_dma semaphore(%arg13 : memref<!tpu.dma_semaphore, #tpu.memory_space<semaphore_mem>>) src(%dma_wait3A_513 : memref<20000x128xf32, #tpu.memory_space<hbm>>) dst(%arg10 : memref<125x128xf32, #tpu.memory_space<vmem>>)
      %run_scoped3A_514 = arith.constant 1 : i32
      %run_scoped3A_515 = arith.constant 7 : i32
      "tpu.region"() ({
        %run_scoped3A_523 = tpu.sem_alloc : memref<!tpu.dma_semaphore, #tpu.memory_space<semaphore_mem>>
        %dma_start3A_524 = arith.constant 0 : i32
        %dma_start3A_525 = arith.constant 0 : i32
        %dma_start3A_526 = tpu.memref_slice %arg8[%run_scoped3A_514, %dma_start3A_524, %dma_start3A_525] : memref<2x8x125xi32, #tpu.memory_space<vmem>> -> memref<1x8x125xi32, #tpu.memory_space<vmem>>
        %dma_start3A_527 = tpu.memref_squeeze %dma_start3A_526 : memref<1x8x125xi32, #tpu.memory_space<vmem>> -> memref<8x125xi32, #tpu.memory_space<vmem>>
        %dma_start3A_528 = arith.constant 0 : i32
        %dma_start3A_529 = tpu.memref_slice %dma_start3A_527[%run_scoped3A_515, %dma_start3A_528] : memref<8x125xi32, #tpu.memory_space<vmem>> -> memref<1x125xi32, #tpu.memory_space<vmem>>
        %dma_start3A_530 = tpu.memref_squeeze %dma_start3A_529 : memref<1x125xi32, #tpu.memory_space<vmem>> -> memref<125xi32, #tpu.memory_space<vmem>>
        %dma_start3A_531 = arith.constant 0 : i32
        %dma_start3A_532 = arith.constant 0 : i32
        %dma_start3A_533 = tpu.memref_slice %arg11[%dma_start3A_531, %dma_start3A_532] : memref<10000x128xf32, #tpu.memory_space<vmem_shared>> -> memref<10000x128xf32, #tpu.memory_space<vmem_shared>>
        tpu.enqueue_indirect_dma source(%arg10 : memref<125x128xf32, #tpu.memory_space<vmem>>) target(%dma_start3A_533 : memref<10000x128xf32, #tpu.memory_space<vmem_shared>>) offsets(%dma_start3A_530 : memref<125xi32, #tpu.memory_space<vmem>>) semaphore(%run_scoped3A_523 : memref<!tpu.dma_semaphore, #tpu.memory_space<semaphore_mem>>) {add = true}
        %dma_wait3A_534 = arith.constant 0 : i32
        %dma_wait3A_535 = arith.constant 0 : i32
        %dma_wait3A_536 = tpu.memref_slice %arg8[%run_scoped3A_514, %dma_wait3A_534, %dma_wait3A_535] : memref<2x8x125xi32, #tpu.memory_space<vmem>> -> memref<1x8x125xi32, #tpu.memory_space<vmem>>
        %dma_wait3A_537 = tpu.memref_squeeze %dma_wait3A_536 : memref<1x8x125xi32, #tpu.memory_space<vmem>> -> memref<8x125xi32, #tpu.memory_space<vmem>>
        %dma_wait3A_538 = arith.constant 0 : i32
        %dma_wait3A_539 = tpu.memref_slice %dma_wait3A_537[%run_scoped3A_515, %dma_wait3A_538] : memref<8x125xi32, #tpu.memory_space<vmem>> -> memref<1x125xi32, #tpu.memory_space<vmem>>
        %dma_wait3A_540 = tpu.memref_squeeze %dma_wait3A_539 : memref<1x125xi32, #tpu.memory_space<vmem>> -> memref<125xi32, #tpu.memory_space<vmem>>
        %dma_wait3A_541 = arith.constant 0 : i32
        %dma_wait3A_542 = arith.constant 0 : i32
        %dma_wait3A_543 = tpu.memref_slice %arg11[%dma_wait3A_541, %dma_wait3A_542] : memref<10000x128xf32, #tpu.memory_space<vmem_shared>> -> memref<10000x128xf32, #tpu.memory_space<vmem_shared>>
        tpu.wait_indirect_dma semaphore(%run_scoped3A_523 : memref<!tpu.dma_semaphore, #tpu.memory_space<semaphore_mem>>) src(%arg10 : memref<125x128xf32, #tpu.memory_space<vmem>>) dst(%dma_wait3A_543 : memref<10000x128xf32, #tpu.memory_space<vmem_shared>>)
        tpu.yield
      }) : () -> ()
      %add3A_516 = arith.constant 1 : i32
      %add3A_517 = arith.addi %add3A_317, %add3A_516 : i32
      %lt3A_518 = arith.constant 20 : i32
      %lt3A_519 = arith.cmpi slt, %add3A_517, %lt3A_518 : i32
      %convert_element_type3A_520 = arith.extui %lt3A_519 : i1 to i32
      %cond3A_521 = arith.constant 0 : i32
      %cond3A_522 = arith.cmpi ne, %convert_element_type3A_520, %cond3A_521 : i32
      scf.if %cond3A_522 {
        %dma_start3A_523 = arith.constant 0 : i32
        %dma_start3A_524 = arith.constant 1 : i32
        %dma_start3A_525 = arith.constant 0 : i32
        %dma_start3A_526 = arith.constant 0 : i32
        %dma_start3A_527 = tpu.memref_slice %arg7[%dma_start3A_523, %dma_start3A_525, %dma_start3A_526] : memref<2x8x125xi32, #tpu.memory_space<vmem>> -> memref<1x8x125xi32, #tpu.memory_space<vmem>>
        %dma_start3A_528 = tpu.memref_squeeze %dma_start3A_527 : memref<1x8x125xi32, #tpu.memory_space<vmem>> -> memref<8x125xi32, #tpu.memory_space<vmem>>
        %dma_start3A_529 = arith.constant 0 : i32
        %dma_start3A_530 = tpu.memref_slice %dma_start3A_528[%dma_start3A_524, %dma_start3A_529] : memref<8x125xi32, #tpu.memory_space<vmem>> -> memref<1x125xi32, #tpu.memory_space<vmem>>
        %dma_start3A_531 = tpu.memref_squeeze %dma_start3A_530 : memref<1x125xi32, #tpu.memory_space<vmem>> -> memref<125xi32, #tpu.memory_space<vmem>>
        %dma_start3A_532 = arith.constant 0 : i32
        %dma_start3A_533 = arith.constant 0 : i32
        %dma_start3A_534 = tpu.memref_slice %arg2[%dma_start3A_532, %dma_start3A_533] : memref<20000x128xf32, #tpu.memory_space<hbm>> -> memref<20000x128xf32, #tpu.memory_space<hbm>>
        tpu.enqueue_indirect_dma source(%dma_start3A_534 : memref<20000x128xf32, #tpu.memory_space<hbm>>) target(%arg10 : memref<125x128xf32, #tpu.memory_space<vmem>>) offsets(%dma_start3A_531 : memref<125xi32, #tpu.memory_space<vmem>>) semaphore(%arg13 : memref<!tpu.dma_semaphore, #tpu.memory_space<semaphore_mem>>)
      } else {
      }
    }
    %scan3A_94 = arith.constant 10 : i32
    %barrier3A_95 = arith.constant 0 : index
    tpu.barrier barrier_id(%barrier3A_95)
    %mul3A_96 = arith.constant 10000 : i32
    %mul3A_97 = arith.muli %arg0, %mul3A_96 : i32
    %add3A_98 = arith.addi %mul3A_97, %mul3A_0 : i32
    "tpu.region"() ({
      %run_scoped3A = tpu.sem_alloc : memref<!tpu.dma_semaphore, #tpu.memory_space<semaphore_mem>>
      %dma_start3A_104 = arith.constant 0 : i32
      %dma_start3A_105 = tpu.memref_slice %arg6[%add3A_98, %dma_start3A_104] : memref<20000x128xf32, #tpu.memory_space<hbm>> -> memref<624x128xf32, #tpu.memory_space<hbm>>
      %dma_start3A_106 = arith.constant 0 : i32
      %dma_start3A_107 = tpu.memref_slice %arg11[%mul3A_0, %dma_start3A_106] : memref<10000x128xf32, #tpu.memory_space<vmem_shared>> -> memref<624x128xf32, #tpu.memory_space<vmem_shared>>
      tpu.enqueue_dma source(%dma_start3A_107 : memref<624x128xf32, #tpu.memory_space<vmem_shared>>) target(%dma_start3A_105 : memref<624x128xf32, #tpu.memory_space<hbm>>) target_semaphore(%run_scoped3A : memref<!tpu.dma_semaphore, #tpu.memory_space<semaphore_mem>>)
      %dma_wait3A_108 = arith.constant 0 : i32
      %dma_wait3A_109 = tpu.memref_slice %arg6[%add3A_98, %dma_wait3A_108] : memref<20000x128xf32, #tpu.memory_space<hbm>> -> memref<624x128xf32, #tpu.memory_space<hbm>>
      %dma_wait3A_110 = arith.constant 0 : i32
      %dma_wait3A_111 = tpu.memref_slice %arg11[%mul3A_0, %dma_wait3A_110] : memref<10000x128xf32, #tpu.memory_space<vmem_shared>> -> memref<624x128xf32, #tpu.memory_space<vmem_shared>>
      tpu.wait_dma2 semaphore(%run_scoped3A : memref<!tpu.dma_semaphore, #tpu.memory_space<semaphore_mem>>) src(%dma_wait3A_111 : memref<624x128xf32, #tpu.memory_space<vmem_shared>>) dst(%dma_wait3A_109 : memref<624x128xf32, #tpu.memory_space<hbm>>)
      tpu.yield
    }) : () -> ()
    %eq3A_99 = arith.constant 15 : i32
    %eq3A_100 = arith.cmpi eq, %arg1, %eq3A_99 : i32
    %convert_element_type3A_101 = arith.extui %eq3A_100 : i1 to i32
    %cond3A_102 = arith.constant 0 : i32
    %cond3A_103 = arith.cmpi ne, %convert_element_type3A_101, %cond3A_102 : i32
    scf.if %cond3A_103 {
      %mul3A_104 = arith.constant 10000 : i32
      %mul3A_105 = arith.muli %arg0, %mul3A_104 : i32
      %add3A_106 = arith.constant 9984 : i32
      %add3A_107 = arith.addi %mul3A_105, %add3A_106 : i32
      "tpu.region"() ({
        %run_scoped3A = tpu.sem_alloc : memref<!tpu.dma_semaphore, #tpu.memory_space<semaphore_mem>>
        %dma_start3A_108 = arith.constant 0 : i32
        %dma_start3A_109 = tpu.memref_slice %arg6[%add3A_107, %dma_start3A_108] : memref<20000x128xf32, #tpu.memory_space<hbm>> -> memref<16x128xf32, #tpu.memory_space<hbm>>
        %dma_start3A_110 = arith.constant 9984 : i32
        %dma_start3A_111 = arith.constant 0 : i32
        %dma_start3A_112 = tpu.memref_slice %arg11[%dma_start3A_110, %dma_start3A_111] : memref<10000x128xf32, #tpu.memory_space<vmem_shared>> -> memref<16x128xf32, #tpu.memory_space<vmem_shared>>
        tpu.enqueue_dma source(%dma_start3A_112 : memref<16x128xf32, #tpu.memory_space<vmem_shared>>) target(%dma_start3A_109 : memref<16x128xf32, #tpu.memory_space<hbm>>) target_semaphore(%run_scoped3A : memref<!tpu.dma_semaphore, #tpu.memory_space<semaphore_mem>>)
        %dma_wait3A_113 = arith.constant 0 : i32
        %dma_wait3A_114 = tpu.memref_slice %arg6[%add3A_107, %dma_wait3A_113] : memref<20000x128xf32, #tpu.memory_space<hbm>> -> memref<16x128xf32, #tpu.memory_space<hbm>>
        %dma_wait3A_115 = arith.constant 9984 : i32
        %dma_wait3A_116 = arith.constant 0 : i32
        %dma_wait3A_117 = tpu.memref_slice %arg11[%dma_wait3A_115, %dma_wait3A_116] : memref<10000x128xf32, #tpu.memory_space<vmem_shared>> -> memref<16x128xf32, #tpu.memory_space<vmem_shared>>
        tpu.wait_dma2 semaphore(%run_scoped3A : memref<!tpu.dma_semaphore, #tpu.memory_space<semaphore_mem>>) src(%dma_wait3A_117 : memref<16x128xf32, #tpu.memory_space<vmem_shared>>) dst(%dma_wait3A_114 : memref<16x128xf32, #tpu.memory_space<hbm>>)
        tpu.yield
      }) : () -> ()
    } else {
    }
    return
  }
}

module attributes {stable_mosaic.version = 14 : i64} {
  func.func @body(%arg0: i32, %arg1: memref<2000x128xf32, #tpu.memory_space<vmem>>, %arg2: memref<2000x128xf32, #tpu.memory_space<vmem>>) attributes {dimension_semantics = [#tpu.dimension_semantics<arbitrary>], iteration_bounds = array<i64: 5>, scalar_prefetch = 0 : i64, scratch_operands = 0 : i64, tpu.core_type = #tpu.core_type<tc>, window_params = [{transform_indices = @transform_0, window_bounds = array<i64: 2000, 128>}, {transform_indices = @transform_1, window_bounds = array<i64: 2000, 128>}]} {
    %get3A = arith.constant 0 : index
    %get3A_0 = arith.constant 0 : index
    %get3A_1 = vector.load %arg1[%get3A, %get3A_0] : memref<2000x128xf32, #tpu.memory_space<vmem>>, vector<2000x128xf32>
    %abs3A = math.absf %get3A_1 : vector<2000x128xf32>
    %swap3A = arith.constant 0 : index
    %swap3A_2 = arith.constant 0 : index
    %swap3A_3 = vector.load %arg2[%swap3A, %swap3A_2] : memref<2000x128xf32, #tpu.memory_space<vmem>>, vector<2000x128xf32>
    tpu.vector_store %arg2[%swap3A, %swap3A_2], %abs3A {strides = array<i32>} : memref<2000x128xf32, #tpu.memory_space<vmem>>, vector<2000x128xf32>,
    return
  }
  func.func @transform_0(%arg0: i32) -> (i32, i32) {
    %c0_i32 = arith.constant 0 : i32
    %c0_i32_0 = arith.constant 0 : i32
    return %arg0, %c0_i32 : i32, i32
  }
  func.func @transform_1(%arg0: i32) -> (i32, i32) {
    %c0_i32 = arith.constant 0 : i32
    %c0_i32_0 = arith.constant 0 : i32
    return %arg0, %c0_i32 : i32, i32
  }
}

module attributes {stable_mosaic.version = 14 : i64} {
  func.func @body(%arg0: i32, %arg1: memref<2x2000x128xf32, #tpu.memory_space<vmem>>, %arg2: memref<2000x128xf32, #tpu.memory_space<vmem>>, %arg3: memref<128x256xf32, #tpu.memory_space<vmem>>, %arg4: memref<128x256xf32, #tpu.memory_space<vmem>>, %arg5: memref<2x2000x128xf32, #tpu.memory_space<vmem>>) attributes {dimension_semantics = [#tpu.dimension_semantics<arbitrary>], iteration_bounds = array<i64: 5>, scalar_prefetch = 0 : i64, scratch_operands = 0 : i64, tpu.core_type = #tpu.core_type<tc>, window_params = [{transform_indices = @transform_0, window_bounds = array<i64: 2, 2000, 128>}, {transform_indices = @transform_1, window_bounds = array<i64: 2000, 128>}, {pipeline_mode = #tpu.pipeline_mode<synchronous>, transform_indices = @transform_2, window_bounds = array<i64: 128, 256>}, {pipeline_mode = #tpu.pipeline_mode<synchronous>, transform_indices = @transform_3, window_bounds = array<i64: 128, 256>}, {transform_indices = @transform_4, window_bounds = array<i64: 2, 2000, 128>}]} {
    %get3A = arith.constant 0 : index
    %get3A_0 = arith.constant 0 : index
    %get3A_1 = arith.constant 0 : index
    %get3A_2 = vector.load %arg1[%get3A, %get3A_0, %get3A_1] : memref<2x2000x128xf32, #tpu.memory_space<vmem>>, vector<1x2000x128xf32>
    %get3A_3 = vector.shape_cast %get3A_2 : vector<1x2000x128xf32> to vector<2000x128xf32>
    %get3A_4 = arith.constant 1 : index
    %get3A_5 = arith.constant 0 : index
    %get3A_6 = arith.constant 0 : index
    %get3A_7 = vector.load %arg1[%get3A_4, %get3A_5, %get3A_6] : memref<2x2000x128xf32, #tpu.memory_space<vmem>>, vector<1x2000x128xf32>
    %get3A_8 = vector.shape_cast %get3A_7 : vector<1x2000x128xf32> to vector<2000x128xf32>
    %add3A = arith.addf %get3A_3, %get3A_8 : vector<2000x128xf32>
    %get3A_9 = arith.constant 0 : index
    %get3A_10 = arith.constant 0 : index
    %get3A_11 = vector.load %arg3[%get3A_9, %get3A_10] : memref<128x256xf32, #tpu.memory_space<vmem>>, vector<128x256xf32>
    %dot_general3A = arith.constant dense<0.000000e+00> : vector<2000x256xf32>
    %dot_general3A_12 = tpu.matmul %add3A, %get3A_11, %dot_general3A {dimension_numbers = #tpu.dot_dimension_numbers<[1], [0], [0], [1], [0, 0, 1, 1], [], []>, transpose_lhs_hint = false} : vector<2000x128xf32>, vector<128x256xf32>, vector<2000x256xf32> -> vector<2000x256xf32>
    %get3A_13 = arith.constant 0 : index
    %get3A_14 = arith.constant 0 : index
    %get3A_15 = vector.load %arg2[%get3A_13, %get3A_14] : memref<2000x128xf32, #tpu.memory_space<vmem>>, vector<2000x128xf32>
    %get3A_16 = arith.constant 0 : index
    %get3A_17 = arith.constant 0 : index
    %get3A_18 = vector.load %arg4[%get3A_16, %get3A_17] : memref<128x256xf32, #tpu.memory_space<vmem>>, vector<128x256xf32>
    %dot_general3A_19 = arith.constant dense<0.000000e+00> : vector<2000x256xf32>
    %dot_general3A_20 = tpu.matmul %get3A_15, %get3A_18, %dot_general3A_19 {dimension_numbers = #tpu.dot_dimension_numbers<[1], [0], [0], [1], [0, 0, 1, 1], [], []>, transpose_lhs_hint = false} : vector<2000x128xf32>, vector<128x256xf32>, vector<2000x256xf32> -> vector<2000x256xf32>
    %add3A_21 = arith.addf %dot_general3A_12, %dot_general3A_20 : vector<2000x256xf32>
    %max3A = arith.constant 0.000000e+00 : f32
    %max3A_22 = vector.broadcast %max3A : f32 to vector<2000x256xf32>
    %max3A_23 = arith.maximumf %add3A_21, %max3A_22 : vector<2000x256xf32>
    %slice3A = vector.extract_strided_slice %max3A_23 {offsets = [0, 0], sizes = [2000, 128], strides = [1, 1]} : vector<2000x256xf32> to vector<2000x128xf32>
    %swap3A = arith.constant 0 : index
    %swap3A_24 = arith.constant 0 : index
    %swap3A_25 = arith.constant 0 : index
    %swap3A_26 = vector.load %arg5[%swap3A, %swap3A_24, %swap3A_25] : memref<2x2000x128xf32, #tpu.memory_space<vmem>>, vector<1x2000x128xf32>
    %swap3A_27 = vector.shape_cast %swap3A_26 : vector<1x2000x128xf32> to vector<2000x128xf32>
    %swap3A_28 = vector.shape_cast %slice3A : vector<2000x128xf32> to vector<1x2000x128xf32>
    tpu.vector_store %arg5[%swap3A, %swap3A_24, %swap3A_25], %swap3A_28 {strides = array<i32>} : memref<2x2000x128xf32, #tpu.memory_space<vmem>>, vector<1x2000x128xf32>,
    %slice3A_29 = vector.extract_strided_slice %max3A_23 {offsets = [0, 128], sizes = [2000, 128], strides = [1, 1]} : vector<2000x256xf32> to vector<2000x128xf32>
    %swap3A_30 = arith.constant 1 : index
    %swap3A_31 = arith.constant 0 : index
    %swap3A_32 = arith.constant 0 : index
    %swap3A_33 = vector.load %arg5[%swap3A_30, %swap3A_31, %swap3A_32] : memref<2x2000x128xf32, #tpu.memory_space<vmem>>, vector<1x2000x128xf32>
    %swap3A_34 = vector.shape_cast %swap3A_33 : vector<1x2000x128xf32> to vector<2000x128xf32>
    %swap3A_35 = vector.shape_cast %slice3A_29 : vector<2000x128xf32> to vector<1x2000x128xf32>
    tpu.vector_store %arg5[%swap3A_30, %swap3A_31, %swap3A_32], %swap3A_35 {strides = array<i32>} : memref<2x2000x128xf32, #tpu.memory_space<vmem>>, vector<1x2000x128xf32>,
    return
  }
  func.func @transform_0(%arg0: i32) -> (i32, i32, i32) {
    %c0_i32 = arith.constant 0 : i32
    %c0_i32_0 = arith.constant 0 : i32
    %c0_i32_1 = arith.constant 0 : i32
    return %c0_i32, %arg0, %c0_i32_0 : i32, i32, i32
  }
  func.func @transform_1(%arg0: i32) -> (i32, i32) {
    %c0_i32 = arith.constant 0 : i32
    %c0_i32_0 = arith.constant 0 : i32
    return %arg0, %c0_i32 : i32, i32
  }
  func.func @transform_2(%arg0: i32) -> (i32, i32) {
    %c0_i32 = arith.constant 0 : i32
    %c0_i32_0 = arith.constant 0 : i32
    %c0_i32_1 = arith.constant 0 : i32
    return %c0_i32, %c0_i32_0 : i32, i32
  }
  func.func @transform_3(%arg0: i32) -> (i32, i32) {
    %c0_i32 = arith.constant 0 : i32
    %c0_i32_0 = arith.constant 0 : i32
    %c0_i32_1 = arith.constant 0 : i32
    return %c0_i32, %c0_i32_0 : i32, i32
  }
  func.func @transform_4(%arg0: i32) -> (i32, i32, i32) {
    %c0_i32 = arith.constant 0 : i32
    %c0_i32_0 = arith.constant 0 : i32
    %c0_i32_1 = arith.constant 0 : i32
    return %c0_i32, %arg0, %c0_i32_0 : i32, i32, i32
  }
}

module attributes {stable_mosaic.version = 14 : i64} {
  func.func @body(%arg0: i32, %arg1: memref<2x2000x128xf32, #tpu.memory_space<vmem>>, %arg2: memref<2x2000x128xf32, #tpu.memory_space<vmem>>, %arg3: memref<256x256xf32, #tpu.memory_space<vmem>>, %arg4: memref<256x256xf32, #tpu.memory_space<vmem>>, %arg5: memref<2x2000x128xf32, #tpu.memory_space<vmem>>) attributes {dimension_semantics = [#tpu.dimension_semantics<arbitrary>], iteration_bounds = array<i64: 5>, scalar_prefetch = 0 : i64, scratch_operands = 0 : i64, tpu.core_type = #tpu.core_type<tc>, window_params = [{transform_indices = @transform_0, window_bounds = array<i64: 2, 2000, 128>}, {transform_indices = @transform_1, window_bounds = array<i64: 2, 2000, 128>}, {pipeline_mode = #tpu.pipeline_mode<synchronous>, transform_indices = @transform_2, window_bounds = array<i64: 256, 256>}, {pipeline_mode = #tpu.pipeline_mode<synchronous>, transform_indices = @transform_3, window_bounds = array<i64: 256, 256>}, {transform_indices = @transform_4, window_bounds = array<i64: 2, 2000, 128>}]} {
    %get3A = arith.constant 0 : index
    %get3A_0 = arith.constant 0 : index
    %get3A_1 = arith.constant 0 : index
    %get3A_2 = vector.load %arg1[%get3A, %get3A_0, %get3A_1] : memref<2x2000x128xf32, #tpu.memory_space<vmem>>, vector<1x2000x128xf32>
    %get3A_3 = vector.shape_cast %get3A_2 : vector<1x2000x128xf32> to vector<2000x128xf32>
    %get3A_4 = arith.constant 0 : index
    %get3A_5 = arith.constant 0 : index
    %get3A_6 = vector.load %arg3[%get3A_4, %get3A_5] : memref<256x256xf32, #tpu.memory_space<vmem>>, vector<128x256xf32>
    %dot_general3A = arith.constant dense<0.000000e+00> : vector<2000x256xf32>
    %dot_general3A_7 = tpu.matmul %get3A_3, %get3A_6, %dot_general3A {dimension_numbers = #tpu.dot_dimension_numbers<[1], [0], [0], [1], [0, 0, 1, 1], [], []>, transpose_lhs_hint = false} : vector<2000x128xf32>, vector<128x256xf32>, vector<2000x256xf32> -> vector<2000x256xf32>
    %get3A_8 = arith.constant 1 : index
    %get3A_9 = arith.constant 0 : index
    %get3A_10 = arith.constant 0 : index
    %get3A_11 = vector.load %arg1[%get3A_8, %get3A_9, %get3A_10] : memref<2x2000x128xf32, #tpu.memory_space<vmem>>, vector<1x2000x128xf32>
    %get3A_12 = vector.shape_cast %get3A_11 : vector<1x2000x128xf32> to vector<2000x128xf32>
    %get3A_13 = arith.constant 128 : index
    %get3A_14 = arith.constant 0 : index
    %get3A_15 = vector.load %arg3[%get3A_13, %get3A_14] : memref<256x256xf32, #tpu.memory_space<vmem>>, vector<128x256xf32>
    %dot_general3A_16 = arith.constant dense<0.000000e+00> : vector<2000x256xf32>
    %dot_general3A_17 = tpu.matmul %get3A_12, %get3A_15, %dot_general3A_16 {dimension_numbers = #tpu.dot_dimension_numbers<[1], [0], [0], [1], [0, 0, 1, 1], [], []>, transpose_lhs_hint = false} : vector<2000x128xf32>, vector<128x256xf32>, vector<2000x256xf32> -> vector<2000x256xf32>
    %add3A = arith.addf %dot_general3A_7, %dot_general3A_17 : vector<2000x256xf32>
    %get3A_18 = arith.constant 0 : index
    %get3A_19 = arith.constant 0 : index
    %get3A_20 = arith.constant 0 : index
    %get3A_21 = vector.load %arg2[%get3A_18, %get3A_19, %get3A_20] : memref<2x2000x128xf32, #tpu.memory_space<vmem>>, vector<1x2000x128xf32>
    %get3A_22 = vector.shape_cast %get3A_21 : vector<1x2000x128xf32> to vector<2000x128xf32>
    %get3A_23 = arith.constant 0 : index
    %get3A_24 = arith.constant 0 : index
    %get3A_25 = vector.load %arg4[%get3A_23, %get3A_24] : memref<256x256xf32, #tpu.memory_space<vmem>>, vector<128x256xf32>
    %dot_general3A_26 = arith.constant dense<0.000000e+00> : vector<2000x256xf32>
    %dot_general3A_27 = tpu.matmul %get3A_22, %get3A_25, %dot_general3A_26 {dimension_numbers = #tpu.dot_dimension_numbers<[1], [0], [0], [1], [0, 0, 1, 1], [], []>, transpose_lhs_hint = false} : vector<2000x128xf32>, vector<128x256xf32>, vector<2000x256xf32> -> vector<2000x256xf32>
    %get3A_28 = arith.constant 1 : index
    %get3A_29 = arith.constant 0 : index
    %get3A_30 = arith.constant 0 : index
    %get3A_31 = vector.load %arg2[%get3A_28, %get3A_29, %get3A_30] : memref<2x2000x128xf32, #tpu.memory_space<vmem>>, vector<1x2000x128xf32>
    %get3A_32 = vector.shape_cast %get3A_31 : vector<1x2000x128xf32> to vector<2000x128xf32>
    %get3A_33 = arith.constant 128 : index
    %get3A_34 = arith.constant 0 : index
    %get3A_35 = vector.load %arg4[%get3A_33, %get3A_34] : memref<256x256xf32, #tpu.memory_space<vmem>>, vector<128x256xf32>
    %dot_general3A_36 = arith.constant dense<0.000000e+00> : vector<2000x256xf32>
    %dot_general3A_37 = tpu.matmul %get3A_32, %get3A_35, %dot_general3A_36 {dimension_numbers = #tpu.dot_dimension_numbers<[1], [0], [0], [1], [0, 0, 1, 1], [], []>, transpose_lhs_hint = false} : vector<2000x128xf32>, vector<128x256xf32>, vector<2000x256xf32> -> vector<2000x256xf32>
    %add3A_38 = arith.addf %dot_general3A_27, %dot_general3A_37 : vector<2000x256xf32>
    %add3A_39 = arith.addf %add3A, %add3A_38 : vector<2000x256xf32>
    %max3A = arith.constant 0.000000e+00 : f32
    %max3A_40 = vector.broadcast %max3A : f32 to vector<2000x256xf32>
    %max3A_41 = arith.maximumf %add3A_39, %max3A_40 : vector<2000x256xf32>
    %slice3A = vector.extract_strided_slice %max3A_41 {offsets = [0, 0], sizes = [2000, 128], strides = [1, 1]} : vector<2000x256xf32> to vector<2000x128xf32>
    %swap3A = arith.constant 0 : index
    %swap3A_42 = arith.constant 0 : index
    %swap3A_43 = arith.constant 0 : index
    %swap3A_44 = vector.load %arg5[%swap3A, %swap3A_42, %swap3A_43] : memref<2x2000x128xf32, #tpu.memory_space<vmem>>, vector<1x2000x128xf32>
    %swap3A_45 = vector.shape_cast %swap3A_44 : vector<1x2000x128xf32> to vector<2000x128xf32>
    %swap3A_46 = vector.shape_cast %slice3A : vector<2000x128xf32> to vector<1x2000x128xf32>
    tpu.vector_store %arg5[%swap3A, %swap3A_42, %swap3A_43], %swap3A_46 {strides = array<i32>} : memref<2x2000x128xf32, #tpu.memory_space<vmem>>, vector<1x2000x128xf32>,
    %slice3A_47 = vector.extract_strided_slice %max3A_41 {offsets = [0, 128], sizes = [2000, 128], strides = [1, 1]} : vector<2000x256xf32> to vector<2000x128xf32>
    %swap3A_48 = arith.constant 1 : index
    %swap3A_49 = arith.constant 0 : index
    %swap3A_50 = arith.constant 0 : index
    %swap3A_51 = vector.load %arg5[%swap3A_48, %swap3A_49, %swap3A_50] : memref<2x2000x128xf32, #tpu.memory_space<vmem>>, vector<1x2000x128xf32>
    %swap3A_52 = vector.shape_cast %swap3A_51 : vector<1x2000x128xf32> to vector<2000x128xf32>
    %swap3A_53 = vector.shape_cast %slice3A_47 : vector<2000x128xf32> to vector<1x2000x128xf32>
    tpu.vector_store %arg5[%swap3A_48, %swap3A_49, %swap3A_50], %swap3A_53 {strides = array<i32>} : memref<2x2000x128xf32, #tpu.memory_space<vmem>>, vector<1x2000x128xf32>,
    return
  }
  func.func @transform_0(%arg0: i32) -> (i32, i32, i32) {
    %c0_i32 = arith.constant 0 : i32
    %c0_i32_0 = arith.constant 0 : i32
    %c0_i32_1 = arith.constant 0 : i32
    return %c0_i32, %arg0, %c0_i32_0 : i32, i32, i32
  }
  func.func @transform_1(%arg0: i32) -> (i32, i32, i32) {
    %c0_i32 = arith.constant 0 : i32
    %c0_i32_0 = arith.constant 0 : i32
    %c0_i32_1 = arith.constant 0 : i32
    return %c0_i32, %arg0, %c0_i32_0 : i32, i32, i32
  }
  func.func @transform_2(%arg0: i32) -> (i32, i32) {
    %c0_i32 = arith.constant 0 : i32
    %c0_i32_0 = arith.constant 0 : i32
    %c0_i32_1 = arith.constant 0 : i32
    return %c0_i32, %c0_i32_0 : i32, i32
  }
  func.func @transform_3(%arg0: i32) -> (i32, i32) {
    %c0_i32 = arith.constant 0 : i32
    %c0_i32_0 = arith.constant 0 : i32
    %c0_i32_1 = arith.constant 0 : i32
    return %c0_i32, %c0_i32_0 : i32, i32
  }
  func.func @transform_4(%arg0: i32) -> (i32, i32, i32) {
    %c0_i32 = arith.constant 0 : i32
    %c0_i32_0 = arith.constant 0 : i32
    %c0_i32_1 = arith.constant 0 : i32
    return %c0_i32, %arg0, %c0_i32_0 : i32, i32, i32
  }
}

module attributes {stable_mosaic.version = 14 : i64} {
  func.func @body(%arg0: i32, %arg1: memref<2x2000x128xf32, #tpu.memory_space<vmem>>, %arg2: memref<2x2000x128xf32, #tpu.memory_space<vmem>>, %arg3: memref<256x256xf32, #tpu.memory_space<vmem>>, %arg4: memref<256x256xf32, #tpu.memory_space<vmem>>, %arg5: memref<2000x1xi32, #tpu.memory_space<vmem>>, %arg6: memref<256x256xf32, #tpu.memory_space<vmem>>, %arg7: memref<1x256xf32, #tpu.memory_space<vmem>>, %arg8: memref<256x10xf32, #tpu.memory_space<vmem>>, %arg9: memref<1x10xf32, #tpu.memory_space<vmem>>, %arg10: memref<64x10xf32, #tpu.memory_space<vmem>>, %arg11: memref<64x256xf32, #tpu.memory_space<vmem>>) attributes {dimension_semantics = [#tpu.dimension_semantics<arbitrary>], iteration_bounds = array<i64: 5>, scalar_prefetch = 0 : i64, scratch_operands = 1 : i64, tpu.core_type = #tpu.core_type<tc>, window_params = [{transform_indices = @transform_0, window_bounds = array<i64: 2, 2000, 128>}, {transform_indices = @transform_1, window_bounds = array<i64: 2, 2000, 128>}, {pipeline_mode = #tpu.pipeline_mode<synchronous>, transform_indices = @transform_2, window_bounds = array<i64: 256, 256>}, {pipeline_mode = #tpu.pipeline_mode<synchronous>, transform_indices = @transform_3, window_bounds = array<i64: 256, 256>}, {transform_indices = @transform_4, window_bounds = array<i64: 2000, 1>}, {pipeline_mode = #tpu.pipeline_mode<synchronous>, transform_indices = @transform_5, window_bounds = array<i64: 256, 256>}, {pipeline_mode = #tpu.pipeline_mode<synchronous>, transform_indices = @transform_6, window_bounds = array<i64: 1, 256>}, {pipeline_mode = #tpu.pipeline_mode<synchronous>, transform_indices = @transform_7, window_bounds = array<i64: 256, 10>}, {pipeline_mode = #tpu.pipeline_mode<synchronous>, transform_indices = @transform_8, window_bounds = array<i64: 1, 10>}, {pipeline_mode = #tpu.pipeline_mode<synchronous>, transform_indices = @transform_9, window_bounds = array<i64: 64, 10>}]} {
    %get3A = arith.constant 0 : index
    %get3A_0 = arith.constant 0 : index
    %get3A_1 = arith.constant 0 : index
    %get3A_2 = vector.load %arg1[%get3A, %get3A_0, %get3A_1] : memref<2x2000x128xf32, #tpu.memory_space<vmem>>, vector<1x2000x128xf32>
    %get3A_3 = vector.shape_cast %get3A_2 : vector<1x2000x128xf32> to vector<2000x128xf32>
    %get3A_4 = arith.constant 0 : index
    %get3A_5 = arith.constant 0 : index
    %get3A_6 = vector.load %arg3[%get3A_4, %get3A_5] : memref<256x256xf32, #tpu.memory_space<vmem>>, vector<128x256xf32>
    %dot_general3A = arith.constant dense<0.000000e+00> : vector<2000x256xf32>
    %dot_general3A_7 = tpu.matmul %get3A_3, %get3A_6, %dot_general3A {dimension_numbers = #tpu.dot_dimension_numbers<[1], [0], [0], [1], [0, 0, 1, 1], [], []>, transpose_lhs_hint = false} : vector<2000x128xf32>, vector<128x256xf32>, vector<2000x256xf32> -> vector<2000x256xf32>
    %get3A_8 = arith.constant 1 : index
    %get3A_9 = arith.constant 0 : index
    %get3A_10 = arith.constant 0 : index
    %get3A_11 = vector.load %arg1[%get3A_8, %get3A_9, %get3A_10] : memref<2x2000x128xf32, #tpu.memory_space<vmem>>, vector<1x2000x128xf32>
    %get3A_12 = vector.shape_cast %get3A_11 : vector<1x2000x128xf32> to vector<2000x128xf32>
    %get3A_13 = arith.constant 128 : index
    %get3A_14 = arith.constant 0 : index
    %get3A_15 = vector.load %arg3[%get3A_13, %get3A_14] : memref<256x256xf32, #tpu.memory_space<vmem>>, vector<128x256xf32>
    %dot_general3A_16 = arith.constant dense<0.000000e+00> : vector<2000x256xf32>
    %dot_general3A_17 = tpu.matmul %get3A_12, %get3A_15, %dot_general3A_16 {dimension_numbers = #tpu.dot_dimension_numbers<[1], [0], [0], [1], [0, 0, 1, 1], [], []>, transpose_lhs_hint = false} : vector<2000x128xf32>, vector<128x256xf32>, vector<2000x256xf32> -> vector<2000x256xf32>
    %add3A = arith.addf %dot_general3A_7, %dot_general3A_17 : vector<2000x256xf32>
    %get3A_18 = arith.constant 0 : index
    %get3A_19 = arith.constant 0 : index
    %get3A_20 = arith.constant 0 : index
    %get3A_21 = vector.load %arg2[%get3A_18, %get3A_19, %get3A_20] : memref<2x2000x128xf32, #tpu.memory_space<vmem>>, vector<1x2000x128xf32>
    %get3A_22 = vector.shape_cast %get3A_21 : vector<1x2000x128xf32> to vector<2000x128xf32>
    %get3A_23 = arith.constant 0 : index
    %get3A_24 = arith.constant 0 : index
    %get3A_25 = vector.load %arg4[%get3A_23, %get3A_24] : memref<256x256xf32, #tpu.memory_space<vmem>>, vector<128x256xf32>
    %dot_general3A_26 = arith.constant dense<0.000000e+00> : vector<2000x256xf32>
    %dot_general3A_27 = tpu.matmul %get3A_22, %get3A_25, %dot_general3A_26 {dimension_numbers = #tpu.dot_dimension_numbers<[1], [0], [0], [1], [0, 0, 1, 1], [], []>, transpose_lhs_hint = false} : vector<2000x128xf32>, vector<128x256xf32>, vector<2000x256xf32> -> vector<2000x256xf32>
    %get3A_28 = arith.constant 1 : index
    %get3A_29 = arith.constant 0 : index
    %get3A_30 = arith.constant 0 : index
    %get3A_31 = vector.load %arg2[%get3A_28, %get3A_29, %get3A_30] : memref<2x2000x128xf32, #tpu.memory_space<vmem>>, vector<1x2000x128xf32>
    %get3A_32 = vector.shape_cast %get3A_31 : vector<1x2000x128xf32> to vector<2000x128xf32>
    %get3A_33 = arith.constant 128 : index
    %get3A_34 = arith.constant 0 : index
    %get3A_35 = vector.load %arg4[%get3A_33, %get3A_34] : memref<256x256xf32, #tpu.memory_space<vmem>>, vector<128x256xf32>
    %dot_general3A_36 = arith.constant dense<0.000000e+00> : vector<2000x256xf32>
    %dot_general3A_37 = tpu.matmul %get3A_32, %get3A_35, %dot_general3A_36 {dimension_numbers = #tpu.dot_dimension_numbers<[1], [0], [0], [1], [0, 0, 1, 1], [], []>, transpose_lhs_hint = false} : vector<2000x128xf32>, vector<128x256xf32>, vector<2000x256xf32> -> vector<2000x256xf32>
    %add3A_38 = arith.addf %dot_general3A_27, %dot_general3A_37 : vector<2000x256xf32>
    %add3A_39 = arith.addf %add3A, %add3A_38 : vector<2000x256xf32>
    %max3A = arith.constant 0.000000e+00 : f32
    %max3A_40 = vector.broadcast %max3A : f32 to vector<2000x256xf32>
    %max3A_41 = arith.maximumf %add3A_39, %max3A_40 : vector<2000x256xf32>
    %eq3A = arith.constant 0 : i32
    %eq3A_42 = arith.cmpi eq, %arg0, %eq3A : i32
    %convert_element_type3A = arith.extui %eq3A_42 : i1 to i32
    %cond3A = arith.constant 0 : i32
    %cond3A_43 = arith.cmpi ne, %convert_element_type3A, %cond3A : i32
    scf.if %cond3A_43 {
      %broadcast_in_dim3A = arith.constant 0.000000e+00 : f32
      %broadcast_in_dim3A_64 = vector.broadcast %broadcast_in_dim3A : f32 to vector<64x256xf32>
      %swap3A_65 = arith.constant 0 : index
      %swap3A_66 = arith.constant 0 : index
      %swap3A_67 = vector.load %arg11[%swap3A_65, %swap3A_66] : memref<64x256xf32, #tpu.memory_space<vmem>>, vector<64x256xf32>
      tpu.vector_store %arg11[%swap3A_65, %swap3A_66], %broadcast_in_dim3A_64 {strides = array<i32>} : memref<64x256xf32, #tpu.memory_space<vmem>>, vector<64x256xf32>,
    } else {
    }
    %get3A_44 = arith.constant 0 : index
    %get3A_45 = arith.constant 0 : index
    %get3A_46 = vector.load %arg5[%get3A_44, %get3A_45] : memref<2000x1xi32, #tpu.memory_space<vmem>>, vector<2000x1xi32>
    %iota3A = tpu.iota {dimensions = array<i32: 1>} : vector<2000x64xi32>
    %eq3A_47 = vector.broadcast %get3A_46 : vector<2000x1xi32> to vector<2000x64xi32>
    %eq3A_48 = arith.cmpi eq, %eq3A_47, %iota3A : vector<2000x64xi32>
    %get3A_49 = arith.constant 0 : index
    %get3A_50 = arith.constant 0 : index
    %get3A_51 = vector.load %arg11[%get3A_49, %get3A_50] : memref<64x256xf32, #tpu.memory_space<vmem>>, vector<64x256xf32>
    %convert_element_type3A_52 = arith.extui %eq3A_48 : vector<2000x64xi1> to vector<2000x64xi32>
    %convert_element_type3A_53 = arith.sitofp %convert_element_type3A_52 : vector<2000x64xi32> to vector<2000x64xf32>
    %dot_general3A_54 = arith.constant dense<0.000000e+00> : vector<64x256xf32>
    %dot_general3A_55 = tpu.matmul %convert_element_type3A_53, %max3A_41, %dot_general3A_54 {dimension_numbers = #tpu.dot_dimension_numbers<[0], [0], [1], [1], [0, 1, 1, 1], [], []>, transpose_lhs_hint = false} : vector<2000x64xf32>, vector<2000x256xf32>, vector<64x256xf32> -> vector<64x256xf32>
    %add3A_56 = arith.addf %get3A_51, %dot_general3A_55 : vector<64x256xf32>
    %swap3A = arith.constant 0 : index
    %swap3A_57 = arith.constant 0 : index
    %swap3A_58 = vector.load %arg11[%swap3A, %swap3A_57] : memref<64x256xf32, #tpu.memory_space<vmem>>, vector<64x256xf32>
    tpu.vector_store %arg11[%swap3A, %swap3A_57], %add3A_56 {strides = array<i32>} : memref<64x256xf32, #tpu.memory_space<vmem>>, vector<64x256xf32>,
    %eq3A_59 = arith.constant 4 : i32
    %eq3A_60 = arith.cmpi eq, %arg0, %eq3A_59 : i32
    %convert_element_type3A_61 = arith.extui %eq3A_60 : i1 to i32
    %cond3A_62 = arith.constant 0 : i32
    %cond3A_63 = arith.cmpi ne, %convert_element_type3A_61, %cond3A_62 : i32
    scf.if %cond3A_63 {
      %get3A_64 = arith.constant 0 : index
      %get3A_65 = arith.constant 0 : index
      %get3A_66 = vector.load %arg11[%get3A_64, %get3A_65] : memref<64x256xf32, #tpu.memory_space<vmem>>, vector<64x256xf32>
      %get3A_67 = arith.constant 0 : index
      %get3A_68 = arith.constant 0 : index
      %get3A_69 = vector.load %arg6[%get3A_67, %get3A_68] : memref<256x256xf32, #tpu.memory_space<vmem>>, vector<256x256xf32>
      %dot_general3A_70 = arith.constant dense<0.000000e+00> : vector<64x256xf32>
      %dot_general3A_71 = tpu.matmul %get3A_66, %get3A_69, %dot_general3A_70 {dimension_numbers = #tpu.dot_dimension_numbers<[1], [0], [0], [1], [0, 0, 1, 1], [], []>, transpose_lhs_hint = false} : vector<64x256xf32>, vector<256x256xf32>, vector<64x256xf32> -> vector<64x256xf32>
      %get3A_72 = arith.constant 0 : index
      %get3A_73 = arith.constant 0 : index
      %get3A_74 = vector.load %arg7[%get3A_72, %get3A_73] : memref<1x256xf32, #tpu.memory_space<vmem>>, vector<1x256xf32>
      %add3A_75 = vector.broadcast %get3A_74 : vector<1x256xf32> to vector<64x256xf32>
      %add3A_76 = arith.addf %dot_general3A_71, %add3A_75 : vector<64x256xf32>
      %max3A_77 = arith.constant 0.000000e+00 : f32
      %max3A_78 = vector.broadcast %max3A_77 : f32 to vector<64x256xf32>
      %max3A_79 = arith.maximumf %add3A_76, %max3A_78 : vector<64x256xf32>
      %get3A_80 = arith.constant 0 : index
      %get3A_81 = arith.constant 0 : index
      %get3A_82 = vector.load %arg8[%get3A_80, %get3A_81] : memref<256x10xf32, #tpu.memory_space<vmem>>, vector<256x10xf32>
      %dot_general3A_83 = arith.constant dense<0.000000e+00> : vector<64x10xf32>
      %dot_general3A_84 = tpu.matmul %max3A_79, %get3A_82, %dot_general3A_83 {dimension_numbers = #tpu.dot_dimension_numbers<[1], [0], [0], [1], [0, 0, 1, 1], [], []>, transpose_lhs_hint = false} : vector<64x256xf32>, vector<256x10xf32>, vector<64x10xf32> -> vector<64x10xf32>
      %get3A_85 = arith.constant 0 : index
      %get3A_86 = arith.constant 0 : index
      %get3A_87 = vector.load %arg9[%get3A_85, %get3A_86] : memref<1x10xf32, #tpu.memory_space<vmem>>, vector<1x10xf32>
      %add3A_88 = vector.broadcast %get3A_87 : vector<1x10xf32> to vector<64x10xf32>
      %add3A_89 = arith.addf %dot_general3A_84, %add3A_88 : vector<64x10xf32>
      %swap3A_90 = arith.constant 0 : index
      %swap3A_91 = arith.constant 0 : index
      %swap3A_92 = vector.load %arg10[%swap3A_90, %swap3A_91] : memref<64x10xf32, #tpu.memory_space<vmem>>, vector<64x10xf32>
      tpu.vector_store %arg10[%swap3A_90, %swap3A_91], %add3A_89 {strides = array<i32>} : memref<64x10xf32, #tpu.memory_space<vmem>>, vector<64x10xf32>,
    } else {
    }
    return
  }
  func.func @transform_0(%arg0: i32) -> (i32, i32, i32) {
    %c0_i32 = arith.constant 0 : i32
    %c0_i32_0 = arith.constant 0 : i32
    %c0_i32_1 = arith.constant 0 : i32
    return %c0_i32, %arg0, %c0_i32_0 : i32, i32, i32
  }
  func.func @transform_1(%arg0: i32) -> (i32, i32, i32) {
    %c0_i32 = arith.constant 0 : i32
    %c0_i32_0 = arith.constant 0 : i32
    %c0_i32_1 = arith.constant 0 : i32
    return %c0_i32, %arg0, %c0_i32_0 : i32, i32, i32
  }
  func.func @transform_2(%arg0: i32) -> (i32, i32) {
    %c0_i32 = arith.constant 0 : i32
    %c0_i32_0 = arith.constant 0 : i32
    %c0_i32_1 = arith.constant 0 : i32
    return %c0_i32, %c0_i32_0 : i32, i32
  }
  func.func @transform_3(%arg0: i32) -> (i32, i32) {
    %c0_i32 = arith.constant 0 : i32
    %c0_i32_0 = arith.constant 0 : i32
    %c0_i32_1 = arith.constant 0 : i32
    return %c0_i32, %c0_i32_0 : i32, i32
  }
  func.func @transform_4(%arg0: i32) -> (i32, i32) {
    %c0_i32 = arith.constant 0 : i32
    %c0_i32_0 = arith.constant 0 : i32
    return %arg0, %c0_i32 : i32, i32
  }
  func.func @transform_5(%arg0: i32) -> (i32, i32) {
    %c0_i32 = arith.constant 0 : i32
    %c0_i32_0 = arith.constant 0 : i32
    %c0_i32_1 = arith.constant 0 : i32
    return %c0_i32, %c0_i32_0 : i32, i32
  }
  func.func @transform_6(%arg0: i32) -> (i32, i32) {
    %c0_i32 = arith.constant 0 : i32
    %c0_i32_0 = arith.constant 0 : i32
    %c0_i32_1 = arith.constant 0 : i32
    return %c0_i32, %c0_i32_0 : i32, i32
  }
  func.func @transform_7(%arg0: i32) -> (i32, i32) {
    %c0_i32 = arith.constant 0 : i32
    %c0_i32_0 = arith.constant 0 : i32
    %c0_i32_1 = arith.constant 0 : i32
    return %c0_i32, %c0_i32_0 : i32, i32
  }
  func.func @transform_8(%arg0: i32) -> (i32, i32) {
    %c0_i32 = arith.constant 0 : i32
    %c0_i32_0 = arith.constant 0 : i32
    %c0_i32_1 = arith.constant 0 : i32
    return %c0_i32, %c0_i32_0 : i32, i32
  }
  func.func @transform_9(%arg0: i32) -> (i32, i32) {
    %c0_i32 = arith.constant 0 : i32
    %c0_i32_0 = arith.constant 0 : i32
    %c0_i32_1 = arith.constant 0 : i32
    return %c0_i32, %c0_i32_0 : i32, i32
  }
}

</mosaic_0001>

<sc_bundles>
// kernel: kernel.12.cloned.1.call-start
scs
__scs_entry_jumppad:
0x0: {  	(pc) =	sbr.rel $0x88, $3  }
0x1: {  	(tag) =	ssettag $0x0;
	lr =	simm.s32 $0x1  }
0x2: {  	[smem:$0x3F94] =	sst lr;
	_ =	strace $0xD0000000  }
0x3: {  	_ = 	snop  }
0x4: {  	_ = 	snop  }
0x5: {  	_ = 	snop  }
0x6: {  	_ = 	snop  }
0x7: {  	_ = 	snop  }
__scs_overlays_trampoline_lowered:
0x8: {  	[smem:$0x3FA3] =	sst s0  }
0x9: {  	[smem:$0x3FA4] =	sst s1  }
0xa: {  	[smem:$0x3FA5] =	sst s2  }
0xb: {  	[smem:$0x3FA6] =	sst s3  }
0xc: {  	[smem:$0x3FA7] =	sst s4  }
0xd: {  	[smem:$0x3FA8] =	sst s5  }
0xe: {  	[smem:$0x3FA9] =	sst s6  }
0xf: {  	[smem:$0x3FAA] =	sst s7  }
0x10: {  	[smem:$0x3FAB] =	sst s8  }
0x11: {  	[smem:$0x3FAC] =	sst s9;
	s0 =	simm.s32 @!p0 $0x0  }
0x12: {  	s1 =	sld [smem:$0x3F92];
	s0 =	simm.s32 @p0 $0x1  }
0x13: {  	[smem:$0x3FAD] =	sst s0;
	s0 =	simm.s32 @!p1 $0x0  }
0x14: {  	s2 =	sld [smem:$0x3F91];
	s0 =	simm.s32 @p1 $0x1  }
0x15: {  	[smem:$0x3FAE] =	sst s0;
	s0 =	simm.s32 @!p2 $0x0  }
0x16: {  	s3 =	sld [smem:$0x3FDB];
	s0 =	simm.s32 @p2 $0x1  }
0x17: {  	s4 =	simm.s32 $0x1BF5;
	[smem:$0x3FB0] =	sst s0  }
0x18: {  	s0 =	sld [smem:$0x3F93];
	_ =	swait.ge [sflag:s4], $0x0  }
0x19: {  	s7 =	sld [smem:$0x3F94]  }
0x1a: {  	s8 =	sadd.s32 $0xFFFFE003, lr  }
0x1b: {  	s9 =	sadd.s32 $0xFFFFFEF7, lr;
	s5 =	simm.s32 $0xFFFFFFFF;
	p2 =	slt.u32 s8, $0xFFFFF086  }
0x1c: {  	p1 =	slt.u32 s9, $0xF7A;
	s5 =	simm.s32 @!p2 $0x0  }
0x1d: {  	s5 =	simm.s32 @p1 $0x1;
	p0 =	seq.s32 s7, s2  }
0x1e: {  	s7 =	smul.u32 @!p0 $0xF7A, s2;
	p2 =	seq.s32 @!p0 s5, $0x0  }
0x1f: {  	s9 =	smul.u32 $0xF7A, s1;
	s8 =	simm.s32 @!p0 $0x1BF5;
	p2 =	por !p2, p0  }
0x20: {  	[sflag:s8] =	ssyncset.s32 @!p0 $0xFFFFF086;
	s6 =	sadd.s32 @!p0 s3, s7;
	s7 =	simm.s32 @!p0 $0x108  }
0x21: {  	s3 =	sadd.s32 s3, s9;
	s6 =	sadd.s32 @!p0 $0x88, s6;
	s7 =	simm.s32 @p2 $0x1082  }
0x22: {  	[simem:s7], [sflag:s8] =	dma.local @!p0 [hbm:s6], $0xF7A  }
0x23: {  	s9 =	sor.u32 $0xD0000000, s2;
	s6 =	simm.s32 $0x108;
	_ =	swait.ge @!p0 [sflag:s8], $0x0  }
0x24: {  	s3 =	sadd.s32 $0x88, s3;
	s6 =	simm.s32 @!p1 $0x1082;
	[sflag:s4] =	ssyncset.s32 $0xFFFFF086  }
0x25: {  	[simem:s6], [sflag:s4] =	dma.local [hbm:s3], $0xF7A  }
0x26: {  	[smem:$0x3F94] =	sst s1;
	(tag) =	ssettag s2;
	_ =	strace s9  }
0x27: {  	s1 =	sld [smem:$0x3FA4]  }
0x28: {  	s2 =	sld [smem:$0x3FA5]  }
0x29: {  	s4 =	sld [smem:$0x3FA7]  }
0x2a: {  	p0 =	seq.s32 s5, $0x0;
	s5 =	sld [smem:$0x3FA8]  }
0x2b: {  	s6 =	sld [smem:$0x3FA9]  }
0x2c: {  	s7 =	sld [smem:$0x3FAA]  }
0x2d: {  	s3 =	simm.s32 $0x108;
	s8 =	sld [smem:$0x3FAB]  }
0x2e: {  	s3 =	simm.s32 @!p0 $0x1082;
	s9 =	sld [smem:$0x3FAC]  }
0x2f: {  	lr =	sadd.s32 s0, s3;
	s0 =	sld [smem:$0x3FA3]  }
0x30: {  	s3 =	sld [smem:$0x3FA6]  }
0x31: {  	[smem:$0x3FAF] =	sst s10  }
0x32: {  	s10 =	sld [smem:$0x3FAD];
	_ =	sdelay $0x3  }
0x33: {  	p0 =	seq.s32 s10, $0x1;
	s10 =	sld [smem:$0x3FAF];
	_ =	sdelay $0x3  }
0x34: {  	[smem:$0x3FAF] =	sst s10  }
0x35: {  	s10 =	sld [smem:$0x3FAE];
	_ =	sdelay $0x3  }
0x36: {  	p1 =	seq.s32 s10, $0x1;
	s10 =	sld [smem:$0x3FAF];
	_ =	sdelay $0x3  }
0x37: {  	[smem:$0x3FAF] =	sst s10  }
0x38: {  	s10 =	sld [smem:$0x3FB0]  }
0x39: {  	_ = 	snop;
	(pc) =	sbr.ind lr, $3  }
0x3a: {  	_ = 	snop  }
0x3b: {  	_ = 	snop  }
0x3c: {  	p2 =	seq.s32 s10, $0x1;
	s10 =	sld [smem:$0x3FAF]  }
0x3d: {  	_ =	shalt  }
0x3e: {  	_ =	shalt  }
0x3f: {  	_ =	shalt  }
0x40: {  	_ =	shalt  }
0x41: {  	_ =	shalt  }
0x42: {  	_ =	shalt  }
0x43: {  	_ =	shalt  }
0x44: {  	_ =	shalt  }
0x45: {  	_ =	shalt  }
0x46: {  	_ =	shalt  }
0x47: {  	_ =	shalt  }
0x48: {  	_ =	shalt  }
0x49: {  	_ =	shalt  }
0x4a: {  	_ =	shalt  }
0x4b: {  	_ =	shalt  }
0x4c: {  	_ =	shalt  }
0x4d: {  	_ =	shalt  }
0x4e: {  	_ =	shalt  }
0x4f: {  	_ =	shalt  }
0x50: {  	_ =	shalt  }
0x51: {  	_ =	shalt  }
0x52: {  	_ =	shalt  }
0x53: {  	_ =	shalt  }
0x54: {  	_ =	shalt  }
0x55: {  	_ =	shalt  }
0x56: {  	_ =	shalt  }
0x57: {  	_ =	shalt  }
0x58: {  	_ =	shalt  }
0x59: {  	_ =	shalt  }
0x5a: {  	_ =	shalt  }
0x5b: {  	_ =	shalt  }
0x5c: {  	_ =	shalt  }
0x5d: {  	_ =	shalt  }
0x5e: {  	_ =	shalt  }
0x5f: {  	_ =	shalt  }
0x60: {  	_ =	shalt  }
0x61: {  	_ =	shalt  }
0x62: {  	_ =	shalt  }
0x63: {  	_ =	shalt  }
0x64: {  	_ =	shalt  }
0x65: {  	_ =	shalt  }
0x66: {  	_ =	shalt  }
0x67: {  	_ =	shalt  }
0x68: {  	_ =	shalt  }
0x69: {  	_ =	shalt  }
0x6a: {  	_ =	shalt  }
0x6b: {  	_ =	shalt  }
0x6c: {  	_ =	shalt  }
0x6d: {  	_ =	shalt  }
0x6e: {  	_ =	shalt  }
0x6f: {  	_ =	shalt  }
0x70: {  	_ =	shalt  }
0x71: {  	_ =	shalt  }
0x72: {  	_ =	shalt  }
0x73: {  	_ =	shalt  }
0x74: {  	_ =	shalt  }
0x75: {  	_ =	shalt  }
0x76: {  	_ =	shalt  }
0x77: {  	_ =	shalt  }
0x78: {  	_ =	shalt  }
0x79: {  	_ =	shalt  }
0x7a: {  	_ =	shalt  }
0x7b: {  	_ =	shalt  }
0x7c: {  	_ =	shalt  }
0x7d: {  	_ =	shalt  }
0x7e: {  	_ =	shalt  }
0x7f: {  	_ =	shalt  }
0x80: {  	_ =	shalt  }
0x81: {  	_ =	shalt  }
0x82: {  	_ =	shalt  }
0x83: {  	_ =	shalt  }
0x84: {  	_ =	shalt  }
0x85: {  	_ =	shalt  }
0x86: {  	_ =	shalt  }
0x87: {  	_ =	shalt  }
.Lfunc_end0:
.L_simem_size_0:
called_computation.1_lowered:
.L_overlay_start_0:
0x88: {  	s2 =	sld [smem:$0x3FD9]  }
0x89: {  	s3 =	sld [smem:$0x3FFE];
	_ =	sdelay $0x1  }
0x8a: {  	s1 =	srdreg.scid  }
0x8b: {  	s0 =	sand.u32 $0x1, s1  }
0x8c: {  	s16 =	sshll.u32 s0, $0xA;
	s2 =	sadd.s32 s3, s2  }
0x8d: {  	s2 =	sadd.s32 s2, s16  }
0x8e: {  	[smem:$0x3FBB] =	sst s2  }
0x8f: {  	_ = 	snop  }
0x90: {  	(tm) =	ssettm $0x1  }
0x91: {  	s17 =	sld [smem:$0x3FFB];
	_ =	sdelay $0x3  }
0x92: {  	_ =	strace s17  }
0x93: {  	s2 =	sld [smem:$0x3FFC];
	_ =	sdelay $0x3  }
0x94: {  	_ =	strace s2  }
0x95: {  	s2 =	sld [smem:$0x3FFD];
	_ =	sdelay $0x3  }
0x96: {  	_ =	strace s2  }
0x97: {  	_ =	strace $0x8FFFFFFF  }
0x98: {  	s18 =	sld [smem:$0x3FDB];
	_ =	sdelay $0x1  }
0x99: {  	s19 =	simm.s32 $_scs_section_size  }
0x9a: {  	s4 =	simm.s32 $_size__tile_overlayer_lowered;
	s5 =	simm.s32 $_tile_overlayer_lowered  }
0x9b: {  	s22 =	simm.s32 $0x1BFF;
	s21 =	sshll.u32 s5, $0x1;
	s2 =	sadd.s32 s19, s18  }
0x9c: {  	s6 =	simm.s32 $0x0;
	s20 =	sshll.u32 s4, $0x1;
	s4 =	sadd.s32 s21, s2  }
0x9d: {  	[timem:s6], [sflag:s22] =	dma.local [hbm:s4], s20  }
0x9e: {  	_ =	swait.ge [sflag:s22], s20  }
0x9f: {  	s3 =	ssub.s32 $0x0, s20;
	[sflag:s22] =	ssyncset.done $0x0  }
0xa0: {  	[sflag:s22] =	ssyncadd.s32 s3;
	_ =	sdelay $0x1  }
0xa1: {  	s23 =	simm.s32 $0x1B8B  }
0xa2: {  	_ =	swait.ge [sflag:s23], $0x1  }
0xa3: {  	[sflag:s23] =	ssyncset.done $0x0  }
0xa4: {  	s25 =	simm.s32 $0x1B8E;
	s24 =	sld [smem:$0x3FFE];
	[sflag:s23] =	ssyncadd.s32 $0xFFFFFFFF  }
0xa5: {  	s26 =	simm.s32 $execute0_lowered;
	[smem:$0x3FD2] =	sst s25  }
0xa6: {  	s4 =	sshll.u32 s26, $0x1;
	_ =	strace $0x80000049;
	[dreg:$0x1] =	wrdreg $0xFFFFFFFF  }
0xa7: {  	s28 =	simm.s32 $_size_execute0_lowered;
	s2 =	sadd.s32 s2, s4;
	[dreg:$0x0] =	wrdreg $0x0  }
0xa8: {  	s4 =	sshll.u32 s28, $0x1;
	[dreg:$0x2] =	wrdreg s2  }
0xa9: {  	[dreg:$0x3] =	wrdreg s4  }
0xaa: {  	[dreg:$0x4] =	wrdreg $0xC0  }
0xab: {  	_ =	task [dreg:s6], $0x5FFFF  }
0xac: {  	[dreg:$0x1] =	wrdreg $0xFFFFFFFF  }
0xad: {  	[dreg:$0x0] =	wrdreg $0x60  }
0xae: {  	[dreg:$0x2] =	wrdreg s24  }
0xaf: {  	[dreg:$0x3] =	wrdreg $0x90000  }
0xb0: {  	[dreg:$0x4] =	wrdreg $0x9  }
0xb1: {  	_ =	task.clear_ibuf [dreg:s6], $0x5FFFF;
	_ =	strace $0x90000049  }
0xb2: {  	s29 =	simm.s32 $0x9;
	_ =	strace $0x8000004B  }
0xb3: {  	_ =	swait.ge [sflag:s29], $0x1  }
0xb4: {  	[sflag:s29] =	ssyncadd.s32 $0xFFFFFFFF  }
0xb5: {  	_ =	strace $0x9000004B  }
0xb6: {  	_ =	sfence  }
0xb7: {  	s30 =	sld [smem:$0x0];
	_ =	sdelay $0x2  }
0xb8: {  	s31 =	sshll.u32 s1, $0xD;
	s1 =	sshrl.u32 s1, $0x2  }
0xb9: {  	s3 =	sand.u32 $0x4000, s31;
	s1 =	sadd.s32 s1, s30  }
0xba: {  	s0 =	sor.u32 s3, s0;
	s1 =	sshll.u32 s1, $0x11  }
0xbb: {  	s0 =	sor.u32 s1, s0  }
0xbc: {  	s0 =	sadd.s32 $0x8F2B, s0  }
0xbd: {  	[sflag:s0] =	ssyncadd.remote.s32 $0x1  }
0xbe: {  	_ =	sfence.sel $0xFFFF  }
0xbf: {  	[dreg:$0x0] =	wrdreg $0xFFFFFFFF;
	(pc) =	sbr.abs _section_cstart, $3  }
0xc0: {  	[dreg:$0x1] =	wrdreg $0xFFFFFFFF  }
0xc1: {  	_ =	task.clear_ibuf [dreg:s6], $0x2FFFF;
	_ =	strace $0x9FFFFFFF  }
0xc2: {  	(tm) =	ssettm $0x7FFFFFFF  }
0xc3: {  	_ =	shalt  }
tec
execute0_lowered:
.L_overlay_start_1:
0x0: {  	(tag) =	ssettag $0x1  }
0x1: {  	s0 =	rddreg [dreg:$0x0]  }
0x2: {  	s2 =	rddreg [dreg:$0x1]  }
0x3: {  	s18 =	stileid.u32;
	s4 =	srdreg.scid  }
0x4: {  	s3 =	simm.s32 $0x0;
	s15 =	simm.s32 $0x3;
	s16 =	simm.s32 $0x7D  }
0x5: {  	s17 =	simm.s32 $0x1000;
	s19 =	simm.s32 $0x5000;
	s1 =	smul.u32 $0xA00, s18  }
0x6: {  	s29 =	simm.s32 $0xD00;
	s30 =	simm.s32 $0x600;
	s5 =	smul.u32 $0x2700, s18  }
0x7: {  	s31 =	simm.s32 $0xD80;
	s7 =	sand.u32 $0x1, s4;
	s8 =	smul.u32 $0xA0, s18  }
0x8: {  	[smem:$0x7FF] =	sst s3;
	s4 =	sadd.s32 $0x6F200, s0;
	s14 =	smul.u32 $0x4E000, s18  }
0x9: {  	s9 =	sadd.s32 $0x2E00, s0;
	s12 =	sadd.s32 $0xBD400, s0;
	s6 =	smul.u32 $0xA00, s7  }
0xa: {  	s25 =	sadd.s32 $0x138000, s2;
	p0 =	sne.s32 s18, $0xF;
	s22 =	smul.u32 $0x27100, s7  }
0xb: {  	s28 =	simm.s32 $0x2;
	_ =	strace $0x8000004A;
	s24 =	smul.u32 $0x138800, s7  }
0xc: {  	s13 =	ssub.s32 $0x2, s7;
	[dreg:$0x5] =	wrdreg s25;
	s7 =	smul.u32 $0xA000, s7  }
0xd: {  	s25 =	simm.s32 $0x1;
	s10 =	sadd.s32 s1, s0;
	s11 =	sadd.s32 s5, s0  }
0xe: {  	s21 =	sshrl.u32 s13, $0x1;
	s23 =	sshrl.u32 s14, $0x2;
	s0 =	sadd.s32 $0x6F000, s0  }
0xf: {  	s14 =	sshll.u32 s18, $0x6;
	s18 =	simm.s32 $0x0;
	s6 =	sadd.s32 s8, s6  }
0x10: {  	s8 =	ssub.s32 s13, s21;
	s11 =	sadd.s32 $0x48000, s11;
	s5 =	sadd.s32 s5, s22  }
0x11: {  	s26 =	sshrl.u32 s24, $0x3;
	[dreg:$0x6] =	wrdreg s0;
	s13 =	sadd.s32 s7, s9  }
0x12: {  	s20 =	sor.u32 $0x1C05, s14;
	s22 =	simm.s32 $0x5;
	s24 =	simm.s32 $0xC00  }
0x13: {  	s14 =	simm.s32 $0xC80;
	s7 =	simm.s32 $0xE80;
	[dreg:$0xc] =	wrdreg s18  }
0x14: {  	s6 =	sshll.u32 s6, $0x4;
	[dreg:$0x4] =	wrdreg s11;
	s5 =	sadd.s32 s12, s5  }
0x15: {  	s11 =	sadd.s32 s12, s26;
	s12 =	smax.u32 s8, $0x1;
	s13 =	sadd.s32 s1, s13  }
0x16: {  	s26 =	simm.s32 $0x580;
	s1 =	simm.s32 $0xE00;
	[dreg:$0xa] =	wrdreg s20  }
0x17: {  	s8 =	simm.s32 $0x780;
	s6 =	sadd.s32 s9, s6;
	[dreg:$0x7] =	wrdreg s5  }
.Ltmp0:
0x18: {  	s0 =	sadd.s32 $0x27000, s11;
	[dreg:$0x9] =	wrdreg s12;
	(pc) =	sbr.rel .LBB2_1-.Ltmp0, $4  }
0x19: {  	s12 =	simm.s32 $0x4;
	s5 =	simm.s32 $0x700;
	s9 =	simm.s32 $0xF00  }
0x1a: {  	[dreg:$0x3] =	wrdreg s6;
	s6 =	sadd.s32 $0x16E00, s10;
	s10 =	sadd.s32 s23, s2  }
0x1b: {  	[dreg:$0x8] =	wrdreg s0;
	s23 =	simm.s32 $0x400;
	s21 =	sshrl.u32 s10, $0x3  }
0x1c: {  	s0 =	simm.s32 $0x680;
	s10 =	simm.s32 $0xF80;
	[dreg:$0xb] =	wrdreg s21  }
.LBB2_4:
0x1d: {  	_ =	swait.ge [sflag:s28], $0x3E80  }
0x1e: {  	[sflag:s28] =	ssyncset.done $0x0  }
0x1f: {  	[sflag:s28] =	ssyncadd.s32 $0xFFFFC180  }
0x20: {  	[spmem:s2] =	stream.indirect.scatter.add.f32 [tilespmem:s19], [sflag:$0x5], $0x80, s10, s16, $0xb8;
	[tilespmem:$0x1C880] =	vst v63  }
0x21: {  	_ =	swait.ge [sflag:s22], $0x3E80  }
0x22: {  	[sflag:s22] =	ssyncset.done $0x0  }
0x23: {  	[sflag:s22] =	ssyncadd.s32 $0xFFFFC180  }
0x24: {  	[bflag:$0x0] =	sbarrier.arrive $0xFFFF  }
0x25: {  	s11 =	rddreg [dreg:$0x7]  }
0x26: {  	s20 =	rddreg [dreg:$0xa]  }
0x27: {  	s21 =	rddreg [dreg:$0xb]  }
0x28: {  	[hbm:s11], [sflag:s20] =	dma.local [spmem:s21], $0x2700  }
0x29: {  	_ =	swait.ge [sflag:s22], $0x2700  }
0x2a: {  	[sflag:s22] =	ssyncset.done $0x0;
	s11 =	rddreg [dreg:$0x8]  }
0x2b: {  	s14 =	rddreg [dreg:$0xd];
	[sflag:s22] =	ssyncadd.s32 $0xFFFFD900  }
0x2c: {  	[hbm:s11], [sflag:s20] =	dma.local @!p0 [spmem:s14], $0x100  }
0x2d: {  	s11 =	simm.s32 @!p0 $0x5  }
0x2e: {  	_ =	swait.ge @!p0 [sflag:s11], $0x100  }
0x2f: {  	s18 =	rddreg [dreg:$0xc]  }
0x30: {  	s14 =	sadd.s32 $0x1, s18;
	s18 =	rddreg [dreg:$0x9]  }
0x31: {  	p1 =	sne.s32 s14, s18  }
.Ltmp1:
0x32: {  	_ = 	snop;
	(pc) =	sbr.rel @!p1 .LBB2_5-.Ltmp1, $3  }
0x33: {  	_ =	sdelay $0x1  }
0x34: {  	[sflag:s11] =	ssyncset.done @!p0 $0x0  }
0x35: {  	[sflag:s11] =	ssyncadd.s32 @!p0 $0xFFFFFF00;
	[dreg:$0xc] =	wrdreg s14;
	s14 =	simm.s32 $0xC80  }
.LBB2_1:
0x36: {  	s11 =	rddreg [dreg:$0x3]  }
0x37: {  	[tilespmem:s3], [sflag:$0x3] =	stream.linear.gather [hbm4b:s11+s3], $0x400, $0x38;
	[tilespmem:$0x1C880] =	vst v63  }
0x38: {  	s18 =	simm.s32 $0x800  }
0x39: {  	[tilespmem:s18], [sflag:$0x3] =	stream.linear.gather [hbm4b:s6+s3], $0x400, $0x38;
	[tilespmem:$0x1C880] =	vst v63  }
0x3a: {  	_ =	swait.ge [sflag:s15], $0x400  }
0x3b: {  	[sflag:s15] =	ssyncset.done $0x0  }
0x3c: {  	[sflag:s15] =	ssyncadd.s32 $0xFFFFFC00  }
0x3d: {  	_ =	swait.ge [sflag:s15], $0x400  }
0x3e: {  	[sflag:s15] =	ssyncset.done $0x0  }
0x3f: {  	[sflag:s15] =	ssyncadd.s32 $0xFFFFFC00  }
0x40: {  	[tilespmem:s17], [sflag:$0x1] =	stream.indirect.gather [hbm4b:s4+s16], $0x80, s3, s16, $0xb8;
	[tilespmem:$0x1C880] =	vst v63  }
0x41: {  	s18 =	simm.s32 $0x80  }
0x42: {  	[tilespmem:s19], [sflag:$0x2] =	stream.indirect.gather [hbm4b:s4+s16], $0x80, s18, s16, $0xb8;
	[tilespmem:$0x1C880] =	vst v63  }
0x43: {  	s18 =	rddreg [dreg:$0x4]  }
0x44: {  	[spmem:s21], [sflag:s20] =	dma.local [hbm:s18], $0x2700  }
0x45: {  	_ =	swait.ge [sflag:s22], $0x2700  }
0x46: {  	s11 =	rddreg [dreg:$0x5]  }
0x47: {  	[sflag:s22] =	ssyncset.done $0x0;
	s18 =	sshrl.u32 @!p0 s11, $0x3;
	s11 =	rddreg [dreg:$0x6]  }
0x48: {  	[sflag:s22] =	ssyncadd.s32 $0xFFFFD900;
	[dreg:$0xd] =	wrdreg s18  }
0x49: {  	[spmem:s18], [sflag:s20] =	dma.local @!p0 [hbm:s11], $0x100  }
0x4a: {  	s11 =	simm.s32 @!p0 $0x5  }
0x4b: {  	_ =	swait.ge @!p0 [sflag:s11], $0x100  }
0x4c: {  	[sflag:s11] =	ssyncset.done @!p0 $0x0  }
0x4d: {  	[sflag:s11] =	ssyncadd.s32 @!p0 $0xFFFFFF00  }
0x4e: {  	s11 =	simm.s32 $0x0;
	[bflag:$0x0] =	sbarrier.arrive $0xFFFF  }
.LBB2_2:
0x4f: {  	s21 =	sadd.s32 s11, s13  }
0x50: {  	s20 =	sadd.s32 s11, s6;
	s21 =	sadd.s32 $0x80, s21  }
0x51: {  	[tilespmem:s23], [sflag:$0x4] =	stream.linear.gather [hbm4b:s21+s3], $0x400, $0x38;
	[tilespmem:$0x1C880] =	vst v63  }
0x52: {  	s21 =	sadd.s32 $0x80, s20  }
0x53: {  	[tilespmem:s24], [sflag:$0x4] =	stream.linear.gather [hbm4b:s21+s3], $0x400, $0x38;
	[tilespmem:$0x1C880] =	vst v63  }
0x54: {  	_ =	swait.ge [sflag:s25], $0x3E80  }
0x55: {  	[sflag:s25] =	ssyncset.done $0x0  }
0x56: {  	s18 =	simm.s32 $0x800;
	[sflag:s25] =	ssyncadd.s32 $0xFFFFC180  }
0x57: {  	[spmem:s2] =	stream.indirect.scatter.add.f32 [tilespmem:s17], [sflag:$0x5], $0x80, s18, s16, $0xb8;
	[tilespmem:$0x1C880] =	vst v63  }
0x58: {  	_ =	swait.ge [sflag:s22], $0x3E80  }
0x59: {  	[sflag:s22] =	ssyncset.done $0x0  }
0x5a: {  	s21 =	simm.s32 $0x100;
	[sflag:s22] =	ssyncadd.s32 $0xFFFFC180  }
0x5b: {  	[tilespmem:s17], [sflag:$0x1] =	stream.indirect.gather [hbm4b:s4+s16], $0x80, s21, s16, $0xb8;
	[tilespmem:$0x1C880] =	vst v63  }
0x5c: {  	_ =	swait.ge [sflag:s28], $0x3E80  }
0x5d: {  	[sflag:s28] =	ssyncset.done $0x0  }
0x5e: {  	s20 =	simm.s32 $0x880;
	[sflag:s28] =	ssyncadd.s32 $0xFFFFC180  }
0x5f: {  	[spmem:s2] =	stream.indirect.scatter.add.f32 [tilespmem:s19], [sflag:$0x5], $0x80, s20, s16, $0xb8;
	[tilespmem:$0x1C880] =	vst v63  }
0x60: {  	_ =	swait.ge [sflag:s22], $0x3E80  }
0x61: {  	[sflag:s22] =	ssyncset.done $0x0  }
0x62: {  	s21 =	simm.s32 $0x180;
	[sflag:s22] =	ssyncadd.s32 $0xFFFFC180  }
0x63: {  	[tilespmem:s19], [sflag:$0x2] =	stream.indirect.gather [hbm4b:s4+s16], $0x80, s21, s16, $0xb8;
	[tilespmem:$0x1C880] =	vst v63  }
0x64: {  	_ =	swait.ge [sflag:s25], $0x3E80  }
0x65: {  	[sflag:s25] =	ssyncset.done $0x0  }
0x66: {  	s20 =	simm.s32 $0x900;
	[sflag:s25] =	ssyncadd.s32 $0xFFFFC180  }
0x67: {  	[spmem:s2] =	stream.indirect.scatter.add.f32 [tilespmem:s17], [sflag:$0x5], $0x80, s20, s16, $0xb8;
	[tilespmem:$0x1C880] =	vst v63  }
0x68: {  	_ =	swait.ge [sflag:s22], $0x3E80  }
0x69: {  	[sflag:s22] =	ssyncset.done $0x0  }
0x6a: {  	s21 =	simm.s32 $0x200;
	[sflag:s22] =	ssyncadd.s32 $0xFFFFC180  }
0x6b: {  	[tilespmem:s17], [sflag:$0x1] =	stream.indirect.gather [hbm4b:s4+s16], $0x80, s21, s16, $0xb8;
	[tilespmem:$0x1C880] =	vst v63  }
0x6c: {  	_ =	swait.ge [sflag:s28], $0x3E80  }
0x6d: {  	[sflag:s28] =	ssyncset.done $0x0  }
0x6e: {  	s20 =	simm.s32 $0x980;
	[sflag:s28] =	ssyncadd.s32 $0xFFFFC180  }
0x6f: {  	[spmem:s2] =	stream.indirect.scatter.add.f32 [tilespmem:s19], [sflag:$0x5], $0x80, s20, s16, $0xb8;
	[tilespmem:$0x1C880] =	vst v63  }
0x70: {  	_ =	swait.ge [sflag:s22], $0x3E80  }
0x71: {  	[sflag:s22] =	ssyncset.done $0x0  }
0x72: {  	s21 =	simm.s32 $0x280;
	[sflag:s22] =	ssyncadd.s32 $0xFFFFC180  }
0x73: {  	[tilespmem:s19], [sflag:$0x2] =	stream.indirect.gather [hbm4b:s4+s16], $0x80, s21, s16, $0xb8;
	[tilespmem:$0x1C880] =	vst v63  }
0x74: {  	_ =	swait.ge [sflag:s25], $0x3E80  }
0x75: {  	[sflag:s25] =	ssyncset.done $0x0  }
0x76: {  	s20 =	simm.s32 $0xA00;
	[sflag:s25] =	ssyncadd.s32 $0xFFFFC180  }
0x77: {  	[spmem:s2] =	stream.indirect.scatter.add.f32 [tilespmem:s17], [sflag:$0x5], $0x80, s20, s16, $0xb8;
	[tilespmem:$0x1C880] =	vst v63  }
0x78: {  	_ =	swait.ge [sflag:s22], $0x3E80  }
0x79: {  	[sflag:s22] =	ssyncset.done $0x0  }
0x7a: {  	s21 =	simm.s32 $0x300;
	[sflag:s22] =	ssyncadd.s32 $0xFFFFC180  }
0x7b: {  	[tilespmem:s17], [sflag:$0x1] =	stream.indirect.gather [hbm4b:s4+s16], $0x80, s21, s16, $0xb8;
	[tilespmem:$0x1C880] =	vst v63  }
0x7c: {  	_ =	swait.ge [sflag:s28], $0x3E80  }
0x7d: {  	[sflag:s28] =	ssyncset.done $0x0  }
0x7e: {  	s20 =	simm.s32 $0xA80;
	[sflag:s28] =	ssyncadd.s32 $0xFFFFC180  }
0x7f: {  	[spmem:s2] =	stream.indirect.scatter.add.f32 [tilespmem:s19], [sflag:$0x5], $0x80, s20, s16, $0xb8;
	[tilespmem:$0x1C880] =	vst v63  }
0x80: {  	_ =	swait.ge [sflag:s22], $0x3E80  }
0x81: {  	[sflag:s22] =	ssyncset.done $0x0  }
0x82: {  	s21 =	simm.s32 $0x380;
	[sflag:s22] =	ssyncadd.s32 $0xFFFFC180  }
0x83: {  	[tilespmem:s19], [sflag:$0x2] =	stream.indirect.gather [hbm4b:s4+s16], $0x80, s21, s16, $0xb8;
	[tilespmem:$0x1C880] =	vst v63  }
0x84: {  	_ =	swait.ge [sflag:s25], $0x3E80  }
0x85: {  	[sflag:s25] =	ssyncset.done $0x0  }
0x86: {  	s20 =	simm.s32 $0xB00;
	[sflag:s25] =	ssyncadd.s32 $0xFFFFC180  }
0x87: {  	[spmem:s2] =	stream.indirect.scatter.add.f32 [tilespmem:s17], [sflag:$0x5], $0x80, s20, s16, $0xb8;
	[tilespmem:$0x1C880] =	vst v63  }
0x88: {  	_ =	swait.ge [sflag:s22], $0x3E80  }
0x89: {  	[sflag:s22] =	ssyncset.done $0x0  }
0x8a: {  	[sflag:s22] =	ssyncadd.s32 $0xFFFFC180  }
0x8b: {  	_ =	swait.ge [sflag:s12], $0x400  }
0x8c: {  	[sflag:s12] =	ssyncset.done $0x0  }
0x8d: {  	[sflag:s12] =	ssyncadd.s32 $0xFFFFFC00  }
0x8e: {  	_ =	swait.ge [sflag:s12], $0x400  }
0x8f: {  	[sflag:s12] =	ssyncset.done $0x0  }
0x90: {  	[sflag:s12] =	ssyncadd.s32 $0xFFFFFC00  }
0x91: {  	[tilespmem:s17], [sflag:$0x1] =	stream.indirect.gather [hbm4b:s4+s16], $0x80, s23, s16, $0xb8;
	[tilespmem:$0x1C880] =	vst v63  }
0x92: {  	_ =	swait.ge [sflag:s28], $0x3E80  }
0x93: {  	[sflag:s28] =	ssyncset.done $0x0  }
0x94: {  	s21 =	simm.s32 $0xB80;
	[sflag:s28] =	ssyncadd.s32 $0xFFFFC180  }
0x95: {  	[spmem:s2] =	stream.indirect.scatter.add.f32 [tilespmem:s19], [sflag:$0x5], $0x80, s21, s16, $0xb8;
	[tilespmem:$0x1C880] =	vst v63  }
0x96: {  	_ =	swait.ge [sflag:s22], $0x3E80  }
0x97: {  	p1 =	seq.s32 s11, $0x900;
	[sflag:s22] =	ssyncset.done $0x0  }
0x98: {  	s20 =	simm.s32 $0x480;
	s21 =	sadd.s32 @!p1 s11, s13;
	[sflag:s22] =	ssyncadd.s32 $0xFFFFC180  }
0x99: {  	[tilespmem:s19], [sflag:$0x2] =	stream.indirect.gather [hbm4b:s4+s16], $0x80, s20, s16, $0xb8;
	[tilespmem:$0x1C880] =	vst v63  }
0x9a: {  	s21 =	sadd.s32 @!p1 $0x100, s21;
	s20 =	simm.s32 @!p1 $0x0  }
0x9b: {  	[tilespmem:s20], [sflag:$0x3] =	stream.linear.gather @!p1 [hbm4b:s21+s20], $0x400, $0x38;
	[tilespmem:$0x1C880] =	vst v63  }
0x9c: {  	s21 =	sadd.s32 @!p1 s11, s6  }
0x9d: {  	s18 =	simm.s32 @!p1 $0x800;
	s21 =	sadd.s32 @!p1 $0x100, s21  }
0x9e: {  	[tilespmem:s18], [sflag:$0x3] =	stream.linear.gather @!p1 [hbm4b:s21+s20], $0x400, $0x38;
	[tilespmem:$0x1C880] =	vst v63  }
0x9f: {  	_ =	swait.ge [sflag:s25], $0x3E80  }
0xa0: {  	[sflag:s25] =	ssyncset.done $0x0  }
0xa1: {  	[sflag:s25] =	ssyncadd.s32 $0xFFFFC180  }
0xa2: {  	[spmem:s2] =	stream.indirect.scatter.add.f32 [tilespmem:s17], [sflag:$0x5], $0x80, s24, s16, $0xb8;
	[tilespmem:$0x1C880] =	vst v63  }
0xa3: {  	_ =	swait.ge [sflag:s22], $0x3E80  }
0xa4: {  	[sflag:s22] =	ssyncset.done $0x0  }
0xa5: {  	s21 =	simm.s32 $0x500;
	[sflag:s22] =	ssyncadd.s32 $0xFFFFC180  }
0xa6: {  	[tilespmem:s17], [sflag:$0x1] =	stream.indirect.gather [hbm4b:s4+s16], $0x80, s21, s16, $0xb8;
	[tilespmem:$0x1C880] =	vst v63  }
0xa7: {  	_ =	swait.ge [sflag:s28], $0x3E80  }
0xa8: {  	[sflag:s28] =	ssyncset.done $0x0  }
0xa9: {  	[sflag:s28] =	ssyncadd.s32 $0xFFFFC180  }
0xaa: {  	[spmem:s2] =	stream.indirect.scatter.add.f32 [tilespmem:s19], [sflag:$0x5], $0x80, s14, s16, $0xb8;
	[tilespmem:$0x1C880] =	vst v63  }
0xab: {  	_ =	swait.ge [sflag:s22], $0x3E80  }
0xac: {  	[sflag:s22] =	ssyncset.done $0x0  }
0xad: {  	[sflag:s22] =	ssyncadd.s32 $0xFFFFC180  }
0xae: {  	[tilespmem:s19], [sflag:$0x2] =	stream.indirect.gather [hbm4b:s4+s16], $0x80, s26, s16, $0xb8;
	[tilespmem:$0x1C880] =	vst v63  }
0xaf: {  	_ =	swait.ge [sflag:s25], $0x3E80  }
0xb0: {  	[sflag:s25] =	ssyncset.done $0x0  }
0xb1: {  	[sflag:s25] =	ssyncadd.s32 $0xFFFFC180  }
0xb2: {  	[spmem:s2] =	stream.indirect.scatter.add.f32 [tilespmem:s17], [sflag:$0x5], $0x80, s29, s16, $0xb8;
	[tilespmem:$0x1C880] =	vst v63  }
0xb3: {  	_ =	swait.ge [sflag:s22], $0x3E80  }
0xb4: {  	[sflag:s22] =	ssyncset.done $0x0  }
0xb5: {  	[sflag:s22] =	ssyncadd.s32 $0xFFFFC180  }
0xb6: {  	[tilespmem:s17], [sflag:$0x1] =	stream.indirect.gather [hbm4b:s4+s16], $0x80, s30, s16, $0xb8;
	[tilespmem:$0x1C880] =	vst v63  }
0xb7: {  	_ =	swait.ge [sflag:s28], $0x3E80  }
0xb8: {  	[sflag:s28] =	ssyncset.done $0x0  }
0xb9: {  	[sflag:s28] =	ssyncadd.s32 $0xFFFFC180  }
0xba: {  	[spmem:s2] =	stream.indirect.scatter.add.f32 [tilespmem:s19], [sflag:$0x5], $0x80, s31, s16, $0xb8;
	[tilespmem:$0x1C880] =	vst v63  }
0xbb: {  	_ =	swait.ge [sflag:s22], $0x3E80  }
0xbc: {  	[sflag:s22] =	ssyncset.done $0x0  }
0xbd: {  	[sflag:s22] =	ssyncadd.s32 $0xFFFFC180  }
0xbe: {  	[tilespmem:s19], [sflag:$0x2] =	stream.indirect.gather [hbm4b:s4+s16], $0x80, s0, s16, $0xb8;
	[tilespmem:$0x1C880] =	vst v63  }
0xbf: {  	_ =	swait.ge [sflag:s25], $0x3E80  }
0xc0: {  	[sflag:s25] =	ssyncset.done $0x0  }
0xc1: {  	[sflag:s25] =	ssyncadd.s32 $0xFFFFC180  }
0xc2: {  	[spmem:s2] =	stream.indirect.scatter.add.f32 [tilespmem:s17], [sflag:$0x5], $0x80, s1, s16, $0xb8;
	[tilespmem:$0x1C880] =	vst v63  }
0xc3: {  	_ =	swait.ge [sflag:s22], $0x3E80  }
0xc4: {  	[sflag:s22] =	ssyncset.done $0x0  }
0xc5: {  	[sflag:s22] =	ssyncadd.s32 $0xFFFFC180  }
0xc6: {  	[tilespmem:s17], [sflag:$0x1] =	stream.indirect.gather [hbm4b:s4+s16], $0x80, s5, s16, $0xb8;
	[tilespmem:$0x1C880] =	vst v63  }
0xc7: {  	_ =	swait.ge [sflag:s28], $0x3E80  }
0xc8: {  	[sflag:s28] =	ssyncset.done $0x0  }
0xc9: {  	[sflag:s28] =	ssyncadd.s32 $0xFFFFC180  }
0xca: {  	[spmem:s2] =	stream.indirect.scatter.add.f32 [tilespmem:s19], [sflag:$0x5], $0x80, s7, s16, $0xb8;
	[tilespmem:$0x1C880] =	vst v63  }
0xcb: {  	_ =	swait.ge [sflag:s22], $0x3E80  }
0xcc: {  	[sflag:s22] =	ssyncset.done $0x0  }
0xcd: {  	[sflag:s22] =	ssyncadd.s32 $0xFFFFC180  }
0xce: {  	[tilespmem:s19], [sflag:$0x2] =	stream.indirect.gather [hbm4b:s4+s16], $0x80, s8, s16, $0xb8;
	[tilespmem:$0x1C880] =	vst v63  }
0xcf: {  	_ =	swait.ge [sflag:s25], $0x3E80  }
0xd0: {  	[sflag:s25] =	ssyncset.done $0x0  }
.Ltmp2:
0xd1: {  	[sflag:s25] =	ssyncadd.s32 $0xFFFFC180;
	(pc) =	sbr.rel @p1 .LBB2_4-.Ltmp2, $4  }
0xd2: {  	[spmem:s2] =	stream.indirect.scatter.add.f32 [tilespmem:s17], [sflag:$0x5], $0x80, s9, s16, $0xb8;
	[tilespmem:$0x1C880] =	vst v63  }
0xd3: {  	_ =	swait.ge [sflag:s22], $0x3E80  }
0xd4: {  	[sflag:s22] =	ssyncset.done $0x0  }
0xd5: {  	[sflag:s22] =	ssyncadd.s32 $0xFFFFC180  }
0xd6: {  	_ =	swait.ge [sflag:s15], $0x400  }
0xd7: {  	[sflag:s15] =	ssyncset.done $0x0  }
0xd8: {  	[sflag:s15] =	ssyncadd.s32 $0xFFFFFC00  }
0xd9: {  	_ =	swait.ge [sflag:s15], $0x400  }
0xda: {  	[sflag:s15] =	ssyncset.done $0x0  }
0xdb: {  	[sflag:s15] =	ssyncadd.s32 $0xFFFFFC00  }
0xdc: {  	[tilespmem:s17], [sflag:$0x1] =	stream.indirect.gather [hbm4b:s4+s16], $0x80, s3, s16, $0xb8;
	[tilespmem:$0x1C880] =	vst v63  }
0xdd: {  	_ =	swait.ge [sflag:s28], $0x3E80  }
0xde: {  	[sflag:s28] =	ssyncset.done $0x0  }
0xdf: {  	[sflag:s28] =	ssyncadd.s32 $0xFFFFC180  }
0xe0: {  	[spmem:s2] =	stream.indirect.scatter.add.f32 [tilespmem:s19], [sflag:$0x5], $0x80, s10, s16, $0xb8;
	[tilespmem:$0x1C880] =	vst v63  }
.Ltmp3:
0xe1: {  	_ = 	snop;
	(pc) =	sbr.rel .LBB2_2-.Ltmp3, $4  }
0xe2: {  	_ =	swait.ge [sflag:s22], $0x3E80  }
0xe3: {  	[sflag:s22] =	ssyncset.done $0x0  }
0xe4: {  	s18 =	simm.s32 $0x80;
	s11 =	sadd.s32 $0x100, s11;
	[sflag:s22] =	ssyncadd.s32 $0xFFFFC180  }
0xe5: {  	[tilespmem:s19], [sflag:$0x2] =	stream.indirect.gather [hbm4b:s4+s16], $0x80, s18, s16, $0xb8;
	[tilespmem:$0x1C880] =	vst v63  }
.LBB2_5:
0xe6: {  	_ =	sfence.sel $0x180000  }
0xe7: {  	[bflag:$0x0] =	sbarrier.arrive $0xFFFF  }
0xe8: {  	_ =	strace $0x9000004A  }
0xe9: {  	s0 =	stileid.u32;
	[bflag:$0x2] =	sbarrier.arrive $0xFFFF  }
0xea: {  	p0 =	sne.s32 s0, $0x0;
	s0 =	rddreg [dreg:$0x2]  }
0xeb: {  	s0 =	sadd.s32 @!p0 $0x100000, s0  }
0xec: {  	[sflag:s0] =	ssyncadd.tile.s32 @!p0 $0x1;
	_ =	shalt  }
.Lfunc_end2:
_tile_overlayer_lowered:
.L_overlay_start_2:
0xed: {  	(tag) =	ssettag $0x2  }
0xee: {  	s0 =	rddreg [dreg:$0x0];
	s2 =	stileid.u32  }
0xef: {  	s1 =	rddreg [dreg:$0x1];
	p0 =	sne.s32 s2, $0x0  }
0xf0: {  	s3 =	rddreg [dreg:$0x2];
	[bflag:$0x3] =	sbarrier.arrive $0xFFFF;
	s2 =	simm.s32 @!p0 $0x1C05  }
0xf1: {  	[timem:s3], [sflag:s2] =	dma.local @!p0 [hbm:s0], s1  }
0xf2: {  	s0 =	simm.s32 @!p0 $0x5  }
0xf3: {  	_ =	swait.ge @!p0 [sflag:s0], s1  }
0xf4: {  	s1 =	ssub.s32 @!p0 $0x0, s1;
	[sflag:s0] =	ssyncset.done @!p0 $0x0  }
0xf5: {  	[sflag:s0] =	ssyncadd.s32 @!p0 s1  }
0xf6: {  	[bflag:$0x3] =	sbarrier.arrive $0xFFFF  }
0xf7: {  	_ =	shalt  }

// kernel: kernel.15.cloned.1.call-start
scs
__scs_entry_jumppad:
0x0: {  	(pc) =	sbr.rel $0x88, $3  }
0x1: {  	(tag) =	ssettag $0x0;
	lr =	simm.s32 $0x1  }
0x2: {  	[smem:$0x3F94] =	sst lr;
	_ =	strace $0xD0000000  }
0x3: {  	_ = 	snop  }
0x4: {  	_ = 	snop  }
0x5: {  	_ = 	snop  }
0x6: {  	_ = 	snop  }
0x7: {  	_ = 	snop  }
__scs_overlays_trampoline_lowered:
0x8: {  	[smem:$0x3FA3] =	sst s0  }
0x9: {  	[smem:$0x3FA4] =	sst s1  }
0xa: {  	[smem:$0x3FA5] =	sst s2  }
0xb: {  	[smem:$0x3FA6] =	sst s3  }
0xc: {  	[smem:$0x3FA7] =	sst s4  }
0xd: {  	[smem:$0x3FA8] =	sst s5  }
0xe: {  	[smem:$0x3FA9] =	sst s6  }
0xf: {  	[smem:$0x3FAA] =	sst s7  }
0x10: {  	[smem:$0x3FAB] =	sst s8  }
0x11: {  	[smem:$0x3FAC] =	sst s9;
	s0 =	simm.s32 @!p0 $0x0  }
0x12: {  	s1 =	sld [smem:$0x3F92];
	s0 =	simm.s32 @p0 $0x1  }
0x13: {  	[smem:$0x3FAD] =	sst s0;
	s0 =	simm.s32 @!p1 $0x0  }
0x14: {  	s2 =	sld [smem:$0x3F91];
	s0 =	simm.s32 @p1 $0x1  }
0x15: {  	[smem:$0x3FAE] =	sst s0;
	s0 =	simm.s32 @!p2 $0x0  }
0x16: {  	s3 =	sld [smem:$0x3FDB];
	s0 =	simm.s32 @p2 $0x1  }
0x17: {  	s4 =	simm.s32 $0x1BF5;
	[smem:$0x3FB0] =	sst s0  }
0x18: {  	s0 =	sld [smem:$0x3F93];
	_ =	swait.ge [sflag:s4], $0x0  }
0x19: {  	s7 =	sld [smem:$0x3F94]  }
0x1a: {  	s8 =	sadd.s32 $0xFFFFE003, lr  }
0x1b: {  	s9 =	sadd.s32 $0xFFFFFEF7, lr;
	s5 =	simm.s32 $0xFFFFFFFF;
	p2 =	slt.u32 s8, $0xFFFFF086  }
0x1c: {  	p1 =	slt.u32 s9, $0xF7A;
	s5 =	simm.s32 @!p2 $0x0  }
0x1d: {  	s5 =	simm.s32 @p1 $0x1;
	p0 =	seq.s32 s7, s2  }
0x1e: {  	s7 =	smul.u32 @!p0 $0xF7A, s2;
	p2 =	seq.s32 @!p0 s5, $0x0  }
0x1f: {  	s9 =	smul.u32 $0xF7A, s1;
	s8 =	simm.s32 @!p0 $0x1BF5;
	p2 =	por !p2, p0  }
0x20: {  	[sflag:s8] =	ssyncset.s32 @!p0 $0xFFFFF086;
	s6 =	sadd.s32 @!p0 s3, s7;
	s7 =	simm.s32 @!p0 $0x108  }
0x21: {  	s3 =	sadd.s32 s3, s9;
	s6 =	sadd.s32 @!p0 $0x88, s6;
	s7 =	simm.s32 @p2 $0x1082  }
0x22: {  	[simem:s7], [sflag:s8] =	dma.local @!p0 [hbm:s6], $0xF7A  }
0x23: {  	s9 =	sor.u32 $0xD0000000, s2;
	s6 =	simm.s32 $0x108;
	_ =	swait.ge @!p0 [sflag:s8], $0x0  }
0x24: {  	s3 =	sadd.s32 $0x88, s3;
	s6 =	simm.s32 @!p1 $0x1082;
	[sflag:s4] =	ssyncset.s32 $0xFFFFF086  }
0x25: {  	[simem:s6], [sflag:s4] =	dma.local [hbm:s3], $0xF7A  }
0x26: {  	[smem:$0x3F94] =	sst s1;
	(tag) =	ssettag s2;
	_ =	strace s9  }
0x27: {  	s1 =	sld [smem:$0x3FA4]  }
0x28: {  	s2 =	sld [smem:$0x3FA5]  }
0x29: {  	s4 =	sld [smem:$0x3FA7]  }
0x2a: {  	p0 =	seq.s32 s5, $0x0;
	s5 =	sld [smem:$0x3FA8]  }
0x2b: {  	s6 =	sld [smem:$0x3FA9]  }
0x2c: {  	s7 =	sld [smem:$0x3FAA]  }
0x2d: {  	s3 =	simm.s32 $0x108;
	s8 =	sld [smem:$0x3FAB]  }
0x2e: {  	s3 =	simm.s32 @!p0 $0x1082;
	s9 =	sld [smem:$0x3FAC]  }
0x2f: {  	lr =	sadd.s32 s0, s3;
	s0 =	sld [smem:$0x3FA3]  }
0x30: {  	s3 =	sld [smem:$0x3FA6]  }
0x31: {  	[smem:$0x3FAF] =	sst s10  }
0x32: {  	s10 =	sld [smem:$0x3FAD];
	_ =	sdelay $0x3  }
0x33: {  	p0 =	seq.s32 s10, $0x1;
	s10 =	sld [smem:$0x3FAF];
	_ =	sdelay $0x3  }
0x34: {  	[smem:$0x3FAF] =	sst s10  }
0x35: {  	s10 =	sld [smem:$0x3FAE];
	_ =	sdelay $0x3  }
0x36: {  	p1 =	seq.s32 s10, $0x1;
	s10 =	sld [smem:$0x3FAF];
	_ =	sdelay $0x3  }
0x37: {  	[smem:$0x3FAF] =	sst s10  }
0x38: {  	s10 =	sld [smem:$0x3FB0]  }
0x39: {  	_ = 	snop;
	(pc) =	sbr.ind lr, $3  }
0x3a: {  	_ = 	snop  }
0x3b: {  	_ = 	snop  }
0x3c: {  	p2 =	seq.s32 s10, $0x1;
	s10 =	sld [smem:$0x3FAF]  }
0x3d: {  	_ =	shalt  }
0x3e: {  	_ =	shalt  }
0x3f: {  	_ =	shalt  }
0x40: {  	_ =	shalt  }
0x41: {  	_ =	shalt  }
0x42: {  	_ =	shalt  }
0x43: {  	_ =	shalt  }
0x44: {  	_ =	shalt  }
0x45: {  	_ =	shalt  }
0x46: {  	_ =	shalt  }
0x47: {  	_ =	shalt  }
0x48: {  	_ =	shalt  }
0x49: {  	_ =	shalt  }
0x4a: {  	_ =	shalt  }
0x4b: {  	_ =	shalt  }
0x4c: {  	_ =	shalt  }
0x4d: {  	_ =	shalt  }
0x4e: {  	_ =	shalt  }
0x4f: {  	_ =	shalt  }
0x50: {  	_ =	shalt  }
0x51: {  	_ =	shalt  }
0x52: {  	_ =	shalt  }
0x53: {  	_ =	shalt  }
0x54: {  	_ =	shalt  }
0x55: {  	_ =	shalt  }
0x56: {  	_ =	shalt  }
0x57: {  	_ =	shalt  }
0x58: {  	_ =	shalt  }
0x59: {  	_ =	shalt  }
0x5a: {  	_ =	shalt  }
0x5b: {  	_ =	shalt  }
0x5c: {  	_ =	shalt  }
0x5d: {  	_ =	shalt  }
0x5e: {  	_ =	shalt  }
0x5f: {  	_ =	shalt  }
0x60: {  	_ =	shalt  }
0x61: {  	_ =	shalt  }
0x62: {  	_ =	shalt  }
0x63: {  	_ =	shalt  }
0x64: {  	_ =	shalt  }
0x65: {  	_ =	shalt  }
0x66: {  	_ =	shalt  }
0x67: {  	_ =	shalt  }
0x68: {  	_ =	shalt  }
0x69: {  	_ =	shalt  }
0x6a: {  	_ =	shalt  }
0x6b: {  	_ =	shalt  }
0x6c: {  	_ =	shalt  }
0x6d: {  	_ =	shalt  }
0x6e: {  	_ =	shalt  }
0x6f: {  	_ =	shalt  }
0x70: {  	_ =	shalt  }
0x71: {  	_ =	shalt  }
0x72: {  	_ =	shalt  }
0x73: {  	_ =	shalt  }
0x74: {  	_ =	shalt  }
0x75: {  	_ =	shalt  }
0x76: {  	_ =	shalt  }
0x77: {  	_ =	shalt  }
0x78: {  	_ =	shalt  }
0x79: {  	_ =	shalt  }
0x7a: {  	_ =	shalt  }
0x7b: {  	_ =	shalt  }
0x7c: {  	_ =	shalt  }
0x7d: {  	_ =	shalt  }
0x7e: {  	_ =	shalt  }
0x7f: {  	_ =	shalt  }
0x80: {  	_ =	shalt  }
0x81: {  	_ =	shalt  }
0x82: {  	_ =	shalt  }
0x83: {  	_ =	shalt  }
0x84: {  	_ =	shalt  }
0x85: {  	_ =	shalt  }
0x86: {  	_ =	shalt  }
0x87: {  	_ =	shalt  }
.Lfunc_end0:
.L_simem_size_0:
called_computation.2_lowered:
.L_overlay_start_0:
0x88: {  	s2 =	sld [smem:$0x3FD9]  }
0x89: {  	s3 =	sld [smem:$0x3FFE];
	_ =	sdelay $0x1  }
0x8a: {  	s1 =	srdreg.scid  }
0x8b: {  	s0 =	sand.u32 $0x1, s1  }
0x8c: {  	s16 =	sshll.u32 s0, $0xA;
	s2 =	sadd.s32 s3, s2  }
0x8d: {  	s2 =	sadd.s32 s2, s16  }
0x8e: {  	[smem:$0x3FBB] =	sst s2  }
0x8f: {  	_ = 	snop  }
0x90: {  	(tm) =	ssettm $0x1  }
0x91: {  	s17 =	sld [smem:$0x3FFB];
	_ =	sdelay $0x3  }
0x92: {  	_ =	strace s17  }
0x93: {  	s2 =	sld [smem:$0x3FFC];
	_ =	sdelay $0x3  }
0x94: {  	_ =	strace s2  }
0x95: {  	s2 =	sld [smem:$0x3FFD];
	_ =	sdelay $0x3  }
0x96: {  	_ =	strace s2  }
0x97: {  	_ =	strace $0x8FFFFFFF  }
0x98: {  	s18 =	sld [smem:$0x3FDB];
	_ =	sdelay $0x1  }
0x99: {  	s19 =	simm.s32 $_scs_section_size  }
0x9a: {  	s4 =	simm.s32 $_size__tile_overlayer_lowered;
	s5 =	simm.s32 $_tile_overlayer_lowered  }
0x9b: {  	s22 =	simm.s32 $0x1BFF;
	s21 =	sshll.u32 s5, $0x1;
	s2 =	sadd.s32 s19, s18  }
0x9c: {  	s6 =	simm.s32 $0x0;
	s20 =	sshll.u32 s4, $0x1;
	s4 =	sadd.s32 s21, s2  }
0x9d: {  	[timem:s6], [sflag:s22] =	dma.local [hbm:s4], s20  }
0x9e: {  	_ =	swait.ge [sflag:s22], s20  }
0x9f: {  	s3 =	ssub.s32 $0x0, s20;
	[sflag:s22] =	ssyncset.done $0x0  }
0xa0: {  	[sflag:s22] =	ssyncadd.s32 s3;
	_ =	sdelay $0x1  }
0xa1: {  	s23 =	simm.s32 $0x1B8B  }
0xa2: {  	_ =	swait.ge [sflag:s23], $0x1  }
0xa3: {  	[sflag:s23] =	ssyncset.done $0x0  }
0xa4: {  	s25 =	simm.s32 $0x1B8E;
	s24 =	sld [smem:$0x3FFE];
	[sflag:s23] =	ssyncadd.s32 $0xFFFFFFFF  }
0xa5: {  	s26 =	simm.s32 $execute0_lowered;
	[smem:$0x3FD2] =	sst s25  }
0xa6: {  	s4 =	sshll.u32 s26, $0x1;
	_ =	strace $0x8000004C;
	[dreg:$0x1] =	wrdreg $0xFFFFFFFF  }
0xa7: {  	s28 =	simm.s32 $_size_execute0_lowered;
	s2 =	sadd.s32 s2, s4;
	[dreg:$0x0] =	wrdreg $0x0  }
0xa8: {  	s4 =	sshll.u32 s28, $0x1;
	[dreg:$0x2] =	wrdreg s2  }
0xa9: {  	[dreg:$0x3] =	wrdreg s4  }
0xaa: {  	[dreg:$0x4] =	wrdreg $0xC0  }
0xab: {  	_ =	task [dreg:s6], $0x5FFFF  }
0xac: {  	[dreg:$0x1] =	wrdreg $0xFFFFFFFF  }
0xad: {  	[dreg:$0x0] =	wrdreg $0x60  }
0xae: {  	[dreg:$0x2] =	wrdreg s24  }
0xaf: {  	[dreg:$0x3] =	wrdreg $0x90000  }
0xb0: {  	[dreg:$0x4] =	wrdreg $0x9  }
0xb1: {  	_ =	task.clear_ibuf [dreg:s6], $0x5FFFF;
	_ =	strace $0x9000004C  }
0xb2: {  	s29 =	simm.s32 $0x9;
	_ =	strace $0x8000004E  }
0xb3: {  	_ =	swait.ge [sflag:s29], $0x1  }
0xb4: {  	[sflag:s29] =	ssyncadd.s32 $0xFFFFFFFF  }
0xb5: {  	_ =	strace $0x9000004E  }
0xb6: {  	_ =	sfence  }
0xb7: {  	s30 =	sld [smem:$0x0];
	_ =	sdelay $0x2  }
0xb8: {  	s31 =	sshll.u32 s1, $0xD;
	s1 =	sshrl.u32 s1, $0x2  }
0xb9: {  	s3 =	sand.u32 $0x4000, s31;
	s1 =	sadd.s32 s1, s30  }
0xba: {  	s0 =	sor.u32 s3, s0;
	s1 =	sshll.u32 s1, $0x11  }
0xbb: {  	s0 =	sor.u32 s1, s0  }
0xbc: {  	s0 =	sadd.s32 $0x8F2B, s0  }
0xbd: {  	[sflag:s0] =	ssyncadd.remote.s32 $0x1  }
0xbe: {  	_ =	sfence.sel $0xFFFF  }
0xbf: {  	[dreg:$0x0] =	wrdreg $0xFFFFFFFF;
	(pc) =	sbr.abs _section_cstart, $3  }
0xc0: {  	[dreg:$0x1] =	wrdreg $0xFFFFFFFF  }
0xc1: {  	_ =	task.clear_ibuf [dreg:s6], $0x2FFFF;
	_ =	strace $0x9FFFFFFF  }
0xc2: {  	(tm) =	ssettm $0x7FFFFFFF  }
0xc3: {  	_ =	shalt  }
tec
execute0_lowered:
.L_overlay_start_1:
0x0: {  	(tag) =	ssettag $0x1  }
0x1: {  	s0 =	rddreg [dreg:$0x0]  }
0x2: {  	s2 =	rddreg [dreg:$0x1]  }
0x3: {  	s18 =	stileid.u32;
	s4 =	srdreg.scid  }
0x4: {  	s3 =	simm.s32 $0x0;
	s15 =	simm.s32 $0x3;
	s16 =	simm.s32 $0x7D  }
0x5: {  	s17 =	simm.s32 $0x1000;
	s19 =	simm.s32 $0x5000;
	s1 =	smul.u32 $0xA00, s18  }
0x6: {  	s29 =	simm.s32 $0xD00;
	s30 =	simm.s32 $0x600;
	s5 =	smul.u32 $0x2700, s18  }
0x7: {  	s31 =	simm.s32 $0xD80;
	s7 =	sand.u32 $0x1, s4;
	s8 =	smul.u32 $0xA0, s18  }
0x8: {  	[smem:$0x7FF] =	sst s3;
	s4 =	sadd.s32 $0x6F200, s0;
	s14 =	smul.u32 $0x4E000, s18  }
0x9: {  	s9 =	sadd.s32 $0x2E00, s0;
	s12 =	sadd.s32 $0xBD400, s0;
	s6 =	smul.u32 $0xA00, s7  }
0xa: {  	s25 =	sadd.s32 $0x138000, s2;
	p0 =	sne.s32 s18, $0xF;
	s22 =	smul.u32 $0x27100, s7  }
0xb: {  	s28 =	simm.s32 $0x2;
	_ =	strace $0x8000004D;
	s24 =	smul.u32 $0x138800, s7  }
0xc: {  	s13 =	ssub.s32 $0x2, s7;
	[dreg:$0x5] =	wrdreg s25;
	s7 =	smul.u32 $0xA000, s7  }
0xd: {  	s25 =	simm.s32 $0x1;
	s10 =	sadd.s32 s1, s0;
	s11 =	sadd.s32 s5, s0  }
0xe: {  	s21 =	sshrl.u32 s13, $0x1;
	s23 =	sshrl.u32 s14, $0x2;
	s0 =	sadd.s32 $0x6F000, s0  }
0xf: {  	s14 =	sshll.u32 s18, $0x6;
	s18 =	simm.s32 $0x0;
	s6 =	sadd.s32 s8, s6  }
0x10: {  	s8 =	ssub.s32 s13, s21;
	s11 =	sadd.s32 $0x48000, s11;
	s5 =	sadd.s32 s5, s22  }
0x11: {  	s26 =	sshrl.u32 s24, $0x3;
	[dreg:$0x6] =	wrdreg s0;
	s13 =	sadd.s32 s7, s9  }
0x12: {  	s20 =	sor.u32 $0x1C05, s14;
	s22 =	simm.s32 $0x5;
	s24 =	simm.s32 $0xC00  }
0x13: {  	s14 =	simm.s32 $0xC80;
	s7 =	simm.s32 $0xE80;
	[dreg:$0xc] =	wrdreg s18  }
0x14: {  	s6 =	sshll.u32 s6, $0x4;
	[dreg:$0x4] =	wrdreg s11;
	s5 =	sadd.s32 s12, s5  }
0x15: {  	s11 =	sadd.s32 s12, s26;
	s12 =	smax.u32 s8, $0x1;
	s13 =	sadd.s32 s1, s13  }
0x16: {  	s26 =	simm.s32 $0x580;
	s1 =	simm.s32 $0xE00;
	[dreg:$0xa] =	wrdreg s20  }
0x17: {  	s8 =	simm.s32 $0x780;
	s6 =	sadd.s32 s9, s6;
	[dreg:$0x7] =	wrdreg s5  }
.Ltmp0:
0x18: {  	s0 =	sadd.s32 $0x27000, s11;
	[dreg:$0x9] =	wrdreg s12;
	(pc) =	sbr.rel .LBB2_1-.Ltmp0, $4  }
0x19: {  	s12 =	simm.s32 $0x4;
	s5 =	simm.s32 $0x700;
	s9 =	simm.s32 $0xF00  }
0x1a: {  	[dreg:$0x3] =	wrdreg s6;
	s6 =	sadd.s32 $0x16E00, s10;
	s10 =	sadd.s32 s23, s2  }
0x1b: {  	[dreg:$0x8] =	wrdreg s0;
	s23 =	simm.s32 $0x400;
	s21 =	sshrl.u32 s10, $0x3  }
0x1c: {  	s0 =	simm.s32 $0x680;
	s10 =	simm.s32 $0xF80;
	[dreg:$0xb] =	wrdreg s21  }
.LBB2_4:
0x1d: {  	_ =	swait.ge [sflag:s28], $0x3E80  }
0x1e: {  	[sflag:s28] =	ssyncset.done $0x0  }
0x1f: {  	[sflag:s28] =	ssyncadd.s32 $0xFFFFC180  }
0x20: {  	[spmem:s2] =	stream.indirect.scatter.add.f32 [tilespmem:s19], [sflag:$0x5], $0x80, s10, s16, $0xb8;
	[tilespmem:$0x1C880] =	vst v63  }
0x21: {  	_ =	swait.ge [sflag:s22], $0x3E80  }
0x22: {  	[sflag:s22] =	ssyncset.done $0x0  }
0x23: {  	[sflag:s22] =	ssyncadd.s32 $0xFFFFC180  }
0x24: {  	[bflag:$0x0] =	sbarrier.arrive $0xFFFF  }
0x25: {  	s11 =	rddreg [dreg:$0x7]  }
0x26: {  	s20 =	rddreg [dreg:$0xa]  }
0x27: {  	s21 =	rddreg [dreg:$0xb]  }
0x28: {  	[hbm:s11], [sflag:s20] =	dma.local [spmem:s21], $0x2700  }
0x29: {  	_ =	swait.ge [sflag:s22], $0x2700  }
0x2a: {  	[sflag:s22] =	ssyncset.done $0x0;
	s11 =	rddreg [dreg:$0x8]  }
0x2b: {  	s14 =	rddreg [dreg:$0xd];
	[sflag:s22] =	ssyncadd.s32 $0xFFFFD900  }
0x2c: {  	[hbm:s11], [sflag:s20] =	dma.local @!p0 [spmem:s14], $0x100  }
0x2d: {  	s11 =	simm.s32 @!p0 $0x5  }
0x2e: {  	_ =	swait.ge @!p0 [sflag:s11], $0x100  }
0x2f: {  	s18 =	rddreg [dreg:$0xc]  }
0x30: {  	s14 =	sadd.s32 $0x1, s18;
	s18 =	rddreg [dreg:$0x9]  }
0x31: {  	p1 =	sne.s32 s14, s18  }
.Ltmp1:
0x32: {  	_ = 	snop;
	(pc) =	sbr.rel @!p1 .LBB2_5-.Ltmp1, $3  }
0x33: {  	_ =	sdelay $0x1  }
0x34: {  	[sflag:s11] =	ssyncset.done @!p0 $0x0  }
0x35: {  	[sflag:s11] =	ssyncadd.s32 @!p0 $0xFFFFFF00;
	[dreg:$0xc] =	wrdreg s14;
	s14 =	simm.s32 $0xC80  }
.LBB2_1:
0x36: {  	s11 =	rddreg [dreg:$0x3]  }
0x37: {  	[tilespmem:s3], [sflag:$0x3] =	stream.linear.gather [hbm4b:s11+s3], $0x400, $0x38;
	[tilespmem:$0x1C880] =	vst v63  }
0x38: {  	s18 =	simm.s32 $0x800  }
0x39: {  	[tilespmem:s18], [sflag:$0x3] =	stream.linear.gather [hbm4b:s6+s3], $0x400, $0x38;
	[tilespmem:$0x1C880] =	vst v63  }
0x3a: {  	_ =	swait.ge [sflag:s15], $0x400  }
0x3b: {  	[sflag:s15] =	ssyncset.done $0x0  }
0x3c: {  	[sflag:s15] =	ssyncadd.s32 $0xFFFFFC00  }
0x3d: {  	_ =	swait.ge [sflag:s15], $0x400  }
0x3e: {  	[sflag:s15] =	ssyncset.done $0x0  }
0x3f: {  	[sflag:s15] =	ssyncadd.s32 $0xFFFFFC00  }
0x40: {  	[tilespmem:s17], [sflag:$0x1] =	stream.indirect.gather [hbm4b:s4+s16], $0x80, s3, s16, $0xb8;
	[tilespmem:$0x1C880] =	vst v63  }
0x41: {  	s18 =	simm.s32 $0x80  }
0x42: {  	[tilespmem:s19], [sflag:$0x2] =	stream.indirect.gather [hbm4b:s4+s16], $0x80, s18, s16, $0xb8;
	[tilespmem:$0x1C880] =	vst v63  }
0x43: {  	s18 =	rddreg [dreg:$0x4]  }
0x44: {  	[spmem:s21], [sflag:s20] =	dma.local [hbm:s18], $0x2700  }
0x45: {  	_ =	swait.ge [sflag:s22], $0x2700  }
0x46: {  	s11 =	rddreg [dreg:$0x5]  }
0x47: {  	[sflag:s22] =	ssyncset.done $0x0;
	s18 =	sshrl.u32 @!p0 s11, $0x3;
	s11 =	rddreg [dreg:$0x6]  }
0x48: {  	[sflag:s22] =	ssyncadd.s32 $0xFFFFD900;
	[dreg:$0xd] =	wrdreg s18  }
0x49: {  	[spmem:s18], [sflag:s20] =	dma.local @!p0 [hbm:s11], $0x100  }
0x4a: {  	s11 =	simm.s32 @!p0 $0x5  }
0x4b: {  	_ =	swait.ge @!p0 [sflag:s11], $0x100  }
0x4c: {  	[sflag:s11] =	ssyncset.done @!p0 $0x0  }
0x4d: {  	[sflag:s11] =	ssyncadd.s32 @!p0 $0xFFFFFF00  }
0x4e: {  	s11 =	simm.s32 $0x0;
	[bflag:$0x0] =	sbarrier.arrive $0xFFFF  }
.LBB2_2:
0x4f: {  	s21 =	sadd.s32 s11, s13  }
0x50: {  	s20 =	sadd.s32 s11, s6;
	s21 =	sadd.s32 $0x80, s21  }
0x51: {  	[tilespmem:s23], [sflag:$0x4] =	stream.linear.gather [hbm4b:s21+s3], $0x400, $0x38;
	[tilespmem:$0x1C880] =	vst v63  }
0x52: {  	s21 =	sadd.s32 $0x80, s20  }
0x53: {  	[tilespmem:s24], [sflag:$0x4] =	stream.linear.gather [hbm4b:s21+s3], $0x400, $0x38;
	[tilespmem:$0x1C880] =	vst v63  }
0x54: {  	_ =	swait.ge [sflag:s25], $0x3E80  }
0x55: {  	[sflag:s25] =	ssyncset.done $0x0  }
0x56: {  	s18 =	simm.s32 $0x800;
	[sflag:s25] =	ssyncadd.s32 $0xFFFFC180  }
0x57: {  	[spmem:s2] =	stream.indirect.scatter.add.f32 [tilespmem:s17], [sflag:$0x5], $0x80, s18, s16, $0xb8;
	[tilespmem:$0x1C880] =	vst v63  }
0x58: {  	_ =	swait.ge [sflag:s22], $0x3E80  }
0x59: {  	[sflag:s22] =	ssyncset.done $0x0  }
0x5a: {  	s21 =	simm.s32 $0x100;
	[sflag:s22] =	ssyncadd.s32 $0xFFFFC180  }
0x5b: {  	[tilespmem:s17], [sflag:$0x1] =	stream.indirect.gather [hbm4b:s4+s16], $0x80, s21, s16, $0xb8;
	[tilespmem:$0x1C880] =	vst v63  }
0x5c: {  	_ =	swait.ge [sflag:s28], $0x3E80  }
0x5d: {  	[sflag:s28] =	ssyncset.done $0x0  }
0x5e: {  	s20 =	simm.s32 $0x880;
	[sflag:s28] =	ssyncadd.s32 $0xFFFFC180  }
0x5f: {  	[spmem:s2] =	stream.indirect.scatter.add.f32 [tilespmem:s19], [sflag:$0x5], $0x80, s20, s16, $0xb8;
	[tilespmem:$0x1C880] =	vst v63  }
0x60: {  	_ =	swait.ge [sflag:s22], $0x3E80  }
0x61: {  	[sflag:s22] =	ssyncset.done $0x0  }
0x62: {  	s21 =	simm.s32 $0x180;
	[sflag:s22] =	ssyncadd.s32 $0xFFFFC180  }
0x63: {  	[tilespmem:s19], [sflag:$0x2] =	stream.indirect.gather [hbm4b:s4+s16], $0x80, s21, s16, $0xb8;
	[tilespmem:$0x1C880] =	vst v63  }
0x64: {  	_ =	swait.ge [sflag:s25], $0x3E80  }
0x65: {  	[sflag:s25] =	ssyncset.done $0x0  }
0x66: {  	s20 =	simm.s32 $0x900;
	[sflag:s25] =	ssyncadd.s32 $0xFFFFC180  }
0x67: {  	[spmem:s2] =	stream.indirect.scatter.add.f32 [tilespmem:s17], [sflag:$0x5], $0x80, s20, s16, $0xb8;
	[tilespmem:$0x1C880] =	vst v63  }
0x68: {  	_ =	swait.ge [sflag:s22], $0x3E80  }
0x69: {  	[sflag:s22] =	ssyncset.done $0x0  }
0x6a: {  	s21 =	simm.s32 $0x200;
	[sflag:s22] =	ssyncadd.s32 $0xFFFFC180  }
0x6b: {  	[tilespmem:s17], [sflag:$0x1] =	stream.indirect.gather [hbm4b:s4+s16], $0x80, s21, s16, $0xb8;
	[tilespmem:$0x1C880] =	vst v63  }
0x6c: {  	_ =	swait.ge [sflag:s28], $0x3E80  }
0x6d: {  	[sflag:s28] =	ssyncset.done $0x0  }
0x6e: {  	s20 =	simm.s32 $0x980;
	[sflag:s28] =	ssyncadd.s32 $0xFFFFC180  }
0x6f: {  	[spmem:s2] =	stream.indirect.scatter.add.f32 [tilespmem:s19], [sflag:$0x5], $0x80, s20, s16, $0xb8;
	[tilespmem:$0x1C880] =	vst v63  }
0x70: {  	_ =	swait.ge [sflag:s22], $0x3E80  }
0x71: {  	[sflag:s22] =	ssyncset.done $0x0  }
0x72: {  	s21 =	simm.s32 $0x280;
	[sflag:s22] =	ssyncadd.s32 $0xFFFFC180  }
0x73: {  	[tilespmem:s19], [sflag:$0x2] =	stream.indirect.gather [hbm4b:s4+s16], $0x80, s21, s16, $0xb8;
	[tilespmem:$0x1C880] =	vst v63  }
0x74: {  	_ =	swait.ge [sflag:s25], $0x3E80  }
0x75: {  	[sflag:s25] =	ssyncset.done $0x0  }
0x76: {  	s20 =	simm.s32 $0xA00;
	[sflag:s25] =	ssyncadd.s32 $0xFFFFC180  }
0x77: {  	[spmem:s2] =	stream.indirect.scatter.add.f32 [tilespmem:s17], [sflag:$0x5], $0x80, s20, s16, $0xb8;
	[tilespmem:$0x1C880] =	vst v63  }
0x78: {  	_ =	swait.ge [sflag:s22], $0x3E80  }
0x79: {  	[sflag:s22] =	ssyncset.done $0x0  }
0x7a: {  	s21 =	simm.s32 $0x300;
	[sflag:s22] =	ssyncadd.s32 $0xFFFFC180  }
0x7b: {  	[tilespmem:s17], [sflag:$0x1] =	stream.indirect.gather [hbm4b:s4+s16], $0x80, s21, s16, $0xb8;
	[tilespmem:$0x1C880] =	vst v63  }
0x7c: {  	_ =	swait.ge [sflag:s28], $0x3E80  }
0x7d: {  	[sflag:s28] =	ssyncset.done $0x0  }
0x7e: {  	s20 =	simm.s32 $0xA80;
	[sflag:s28] =	ssyncadd.s32 $0xFFFFC180  }
0x7f: {  	[spmem:s2] =	stream.indirect.scatter.add.f32 [tilespmem:s19], [sflag:$0x5], $0x80, s20, s16, $0xb8;
	[tilespmem:$0x1C880] =	vst v63  }
0x80: {  	_ =	swait.ge [sflag:s22], $0x3E80  }
0x81: {  	[sflag:s22] =	ssyncset.done $0x0  }
0x82: {  	s21 =	simm.s32 $0x380;
	[sflag:s22] =	ssyncadd.s32 $0xFFFFC180  }
0x83: {  	[tilespmem:s19], [sflag:$0x2] =	stream.indirect.gather [hbm4b:s4+s16], $0x80, s21, s16, $0xb8;
	[tilespmem:$0x1C880] =	vst v63  }
0x84: {  	_ =	swait.ge [sflag:s25], $0x3E80  }
0x85: {  	[sflag:s25] =	ssyncset.done $0x0  }
0x86: {  	s20 =	simm.s32 $0xB00;
	[sflag:s25] =	ssyncadd.s32 $0xFFFFC180  }
0x87: {  	[spmem:s2] =	stream.indirect.scatter.add.f32 [tilespmem:s17], [sflag:$0x5], $0x80, s20, s16, $0xb8;
	[tilespmem:$0x1C880] =	vst v63  }
0x88: {  	_ =	swait.ge [sflag:s22], $0x3E80  }
0x89: {  	[sflag:s22] =	ssyncset.done $0x0  }
0x8a: {  	[sflag:s22] =	ssyncadd.s32 $0xFFFFC180  }
0x8b: {  	_ =	swait.ge [sflag:s12], $0x400  }
0x8c: {  	[sflag:s12] =	ssyncset.done $0x0  }
0x8d: {  	[sflag:s12] =	ssyncadd.s32 $0xFFFFFC00  }
0x8e: {  	_ =	swait.ge [sflag:s12], $0x400  }
0x8f: {  	[sflag:s12] =	ssyncset.done $0x0  }
0x90: {  	[sflag:s12] =	ssyncadd.s32 $0xFFFFFC00  }
0x91: {  	[tilespmem:s17], [sflag:$0x1] =	stream.indirect.gather [hbm4b:s4+s16], $0x80, s23, s16, $0xb8;
	[tilespmem:$0x1C880] =	vst v63  }
0x92: {  	_ =	swait.ge [sflag:s28], $0x3E80  }
0x93: {  	[sflag:s28] =	ssyncset.done $0x0  }
0x94: {  	s21 =	simm.s32 $0xB80;
	[sflag:s28] =	ssyncadd.s32 $0xFFFFC180  }
0x95: {  	[spmem:s2] =	stream.indirect.scatter.add.f32 [tilespmem:s19], [sflag:$0x5], $0x80, s21, s16, $0xb8;
	[tilespmem:$0x1C880] =	vst v63  }
0x96: {  	_ =	swait.ge [sflag:s22], $0x3E80  }
0x97: {  	p1 =	seq.s32 s11, $0x900;
	[sflag:s22] =	ssyncset.done $0x0  }
0x98: {  	s20 =	simm.s32 $0x480;
	s21 =	sadd.s32 @!p1 s11, s13;
	[sflag:s22] =	ssyncadd.s32 $0xFFFFC180  }
0x99: {  	[tilespmem:s19], [sflag:$0x2] =	stream.indirect.gather [hbm4b:s4+s16], $0x80, s20, s16, $0xb8;
	[tilespmem:$0x1C880] =	vst v63  }
0x9a: {  	s21 =	sadd.s32 @!p1 $0x100, s21;
	s20 =	simm.s32 @!p1 $0x0  }
0x9b: {  	[tilespmem:s20], [sflag:$0x3] =	stream.linear.gather @!p1 [hbm4b:s21+s20], $0x400, $0x38;
	[tilespmem:$0x1C880] =	vst v63  }
0x9c: {  	s21 =	sadd.s32 @!p1 s11, s6  }
0x9d: {  	s18 =	simm.s32 @!p1 $0x800;
	s21 =	sadd.s32 @!p1 $0x100, s21  }
0x9e: {  	[tilespmem:s18], [sflag:$0x3] =	stream.linear.gather @!p1 [hbm4b:s21+s20], $0x400, $0x38;
	[tilespmem:$0x1C880] =	vst v63  }
0x9f: {  	_ =	swait.ge [sflag:s25], $0x3E80  }
0xa0: {  	[sflag:s25] =	ssyncset.done $0x0  }
0xa1: {  	[sflag:s25] =	ssyncadd.s32 $0xFFFFC180  }
0xa2: {  	[spmem:s2] =	stream.indirect.scatter.add.f32 [tilespmem:s17], [sflag:$0x5], $0x80, s24, s16, $0xb8;
	[tilespmem:$0x1C880] =	vst v63  }
0xa3: {  	_ =	swait.ge [sflag:s22], $0x3E80  }
0xa4: {  	[sflag:s22] =	ssyncset.done $0x0  }
0xa5: {  	s21 =	simm.s32 $0x500;
	[sflag:s22] =	ssyncadd.s32 $0xFFFFC180  }
0xa6: {  	[tilespmem:s17], [sflag:$0x1] =	stream.indirect.gather [hbm4b:s4+s16], $0x80, s21, s16, $0xb8;
	[tilespmem:$0x1C880] =	vst v63  }
0xa7: {  	_ =	swait.ge [sflag:s28], $0x3E80  }
0xa8: {  	[sflag:s28] =	ssyncset.done $0x0  }
0xa9: {  	[sflag:s28] =	ssyncadd.s32 $0xFFFFC180  }
0xaa: {  	[spmem:s2] =	stream.indirect.scatter.add.f32 [tilespmem:s19], [sflag:$0x5], $0x80, s14, s16, $0xb8;
	[tilespmem:$0x1C880] =	vst v63  }
0xab: {  	_ =	swait.ge [sflag:s22], $0x3E80  }
0xac: {  	[sflag:s22] =	ssyncset.done $0x0  }
0xad: {  	[sflag:s22] =	ssyncadd.s32 $0xFFFFC180  }
0xae: {  	[tilespmem:s19], [sflag:$0x2] =	stream.indirect.gather [hbm4b:s4+s16], $0x80, s26, s16, $0xb8;
	[tilespmem:$0x1C880] =	vst v63  }
0xaf: {  	_ =	swait.ge [sflag:s25], $0x3E80  }
0xb0: {  	[sflag:s25] =	ssyncset.done $0x0  }
0xb1: {  	[sflag:s25] =	ssyncadd.s32 $0xFFFFC180  }
0xb2: {  	[spmem:s2] =	stream.indirect.scatter.add.f32 [tilespmem:s17], [sflag:$0x5], $0x80, s29, s16, $0xb8;
	[tilespmem:$0x1C880] =	vst v63  }
0xb3: {  	_ =	swait.ge [sflag:s22], $0x3E80  }
0xb4: {  	[sflag:s22] =	ssyncset.done $0x0  }
0xb5: {  	[sflag:s22] =	ssyncadd.s32 $0xFFFFC180  }
0xb6: {  	[tilespmem:s17], [sflag:$0x1] =	stream.indirect.gather [hbm4b:s4+s16], $0x80, s30, s16, $0xb8;
	[tilespmem:$0x1C880] =	vst v63  }
0xb7: {  	_ =	swait.ge [sflag:s28], $0x3E80  }
0xb8: {  	[sflag:s28] =	ssyncset.done $0x0  }
0xb9: {  	[sflag:s28] =	ssyncadd.s32 $0xFFFFC180  }
0xba: {  	[spmem:s2] =	stream.indirect.scatter.add.f32 [tilespmem:s19], [sflag:$0x5], $0x80, s31, s16, $0xb8;
	[tilespmem:$0x1C880] =	vst v63  }
0xbb: {  	_ =	swait.ge [sflag:s22], $0x3E80  }
0xbc: {  	[sflag:s22] =	ssyncset.done $0x0  }
0xbd: {  	[sflag:s22] =	ssyncadd.s32 $0xFFFFC180  }
0xbe: {  	[tilespmem:s19], [sflag:$0x2] =	stream.indirect.gather [hbm4b:s4+s16], $0x80, s0, s16, $0xb8;
	[tilespmem:$0x1C880] =	vst v63  }
0xbf: {  	_ =	swait.ge [sflag:s25], $0x3E80  }
0xc0: {  	[sflag:s25] =	ssyncset.done $0x0  }
0xc1: {  	[sflag:s25] =	ssyncadd.s32 $0xFFFFC180  }
0xc2: {  	[spmem:s2] =	stream.indirect.scatter.add.f32 [tilespmem:s17], [sflag:$0x5], $0x80, s1, s16, $0xb8;
	[tilespmem:$0x1C880] =	vst v63  }
0xc3: {  	_ =	swait.ge [sflag:s22], $0x3E80  }
0xc4: {  	[sflag:s22] =	ssyncset.done $0x0  }
0xc5: {  	[sflag:s22] =	ssyncadd.s32 $0xFFFFC180  }
0xc6: {  	[tilespmem:s17], [sflag:$0x1] =	stream.indirect.gather [hbm4b:s4+s16], $0x80, s5, s16, $0xb8;
	[tilespmem:$0x1C880] =	vst v63  }
0xc7: {  	_ =	swait.ge [sflag:s28], $0x3E80  }
0xc8: {  	[sflag:s28] =	ssyncset.done $0x0  }
0xc9: {  	[sflag:s28] =	ssyncadd.s32 $0xFFFFC180  }
0xca: {  	[spmem:s2] =	stream.indirect.scatter.add.f32 [tilespmem:s19], [sflag:$0x5], $0x80, s7, s16, $0xb8;
	[tilespmem:$0x1C880] =	vst v63  }
0xcb: {  	_ =	swait.ge [sflag:s22], $0x3E80  }
0xcc: {  	[sflag:s22] =	ssyncset.done $0x0  }
0xcd: {  	[sflag:s22] =	ssyncadd.s32 $0xFFFFC180  }
0xce: {  	[tilespmem:s19], [sflag:$0x2] =	stream.indirect.gather [hbm4b:s4+s16], $0x80, s8, s16, $0xb8;
	[tilespmem:$0x1C880] =	vst v63  }
0xcf: {  	_ =	swait.ge [sflag:s25], $0x3E80  }
0xd0: {  	[sflag:s25] =	ssyncset.done $0x0  }
.Ltmp2:
0xd1: {  	[sflag:s25] =	ssyncadd.s32 $0xFFFFC180;
	(pc) =	sbr.rel @p1 .LBB2_4-.Ltmp2, $4  }
0xd2: {  	[spmem:s2] =	stream.indirect.scatter.add.f32 [tilespmem:s17], [sflag:$0x5], $0x80, s9, s16, $0xb8;
	[tilespmem:$0x1C880] =	vst v63  }
0xd3: {  	_ =	swait.ge [sflag:s22], $0x3E80  }
0xd4: {  	[sflag:s22] =	ssyncset.done $0x0  }
0xd5: {  	[sflag:s22] =	ssyncadd.s32 $0xFFFFC180  }
0xd6: {  	_ =	swait.ge [sflag:s15], $0x400  }
0xd7: {  	[sflag:s15] =	ssyncset.done $0x0  }
0xd8: {  	[sflag:s15] =	ssyncadd.s32 $0xFFFFFC00  }
0xd9: {  	_ =	swait.ge [sflag:s15], $0x400  }
0xda: {  	[sflag:s15] =	ssyncset.done $0x0  }
0xdb: {  	[sflag:s15] =	ssyncadd.s32 $0xFFFFFC00  }
0xdc: {  	[tilespmem:s17], [sflag:$0x1] =	stream.indirect.gather [hbm4b:s4+s16], $0x80, s3, s16, $0xb8;
	[tilespmem:$0x1C880] =	vst v63  }
0xdd: {  	_ =	swait.ge [sflag:s28], $0x3E80  }
0xde: {  	[sflag:s28] =	ssyncset.done $0x0  }
0xdf: {  	[sflag:s28] =	ssyncadd.s32 $0xFFFFC180  }
0xe0: {  	[spmem:s2] =	stream.indirect.scatter.add.f32 [tilespmem:s19], [sflag:$0x5], $0x80, s10, s16, $0xb8;
	[tilespmem:$0x1C880] =	vst v63  }
.Ltmp3:
0xe1: {  	_ = 	snop;
	(pc) =	sbr.rel .LBB2_2-.Ltmp3, $4  }
0xe2: {  	_ =	swait.ge [sflag:s22], $0x3E80  }
0xe3: {  	[sflag:s22] =	ssyncset.done $0x0  }
0xe4: {  	s18 =	simm.s32 $0x80;
	s11 =	sadd.s32 $0x100, s11;
	[sflag:s22] =	ssyncadd.s32 $0xFFFFC180  }
0xe5: {  	[tilespmem:s19], [sflag:$0x2] =	stream.indirect.gather [hbm4b:s4+s16], $0x80, s18, s16, $0xb8;
	[tilespmem:$0x1C880] =	vst v63  }
.LBB2_5:
0xe6: {  	_ =	sfence.sel $0x180000  }
0xe7: {  	[bflag:$0x0] =	sbarrier.arrive $0xFFFF  }
0xe8: {  	_ =	strace $0x9000004D  }
0xe9: {  	s0 =	stileid.u32;
	[bflag:$0x2] =	sbarrier.arrive $0xFFFF  }
0xea: {  	p0 =	sne.s32 s0, $0x0;
	s0 =	rddreg [dreg:$0x2]  }
0xeb: {  	s0 =	sadd.s32 @!p0 $0x100000, s0  }
0xec: {  	[sflag:s0] =	ssyncadd.tile.s32 @!p0 $0x1;
	_ =	shalt  }
.Lfunc_end2:
_tile_overlayer_lowered:
.L_overlay_start_2:
0xed: {  	(tag) =	ssettag $0x2  }
0xee: {  	s0 =	rddreg [dreg:$0x0];
	s2 =	stileid.u32  }
0xef: {  	s1 =	rddreg [dreg:$0x1];
	p0 =	sne.s32 s2, $0x0  }
0xf0: {  	s3 =	rddreg [dreg:$0x2];
	[bflag:$0x3] =	sbarrier.arrive $0xFFFF;
	s2 =	simm.s32 @!p0 $0x1C05  }
0xf1: {  	[timem:s3], [sflag:s2] =	dma.local @!p0 [hbm:s0], s1  }
0xf2: {  	s0 =	simm.s32 @!p0 $0x5  }
0xf3: {  	_ =	swait.ge @!p0 [sflag:s0], s1  }
0xf4: {  	s1 =	ssub.s32 @!p0 $0x0, s1;
	[sflag:s0] =	ssyncset.done @!p0 $0x0  }
0xf5: {  	[sflag:s0] =	ssyncadd.s32 @!p0 s1  }
0xf6: {  	[bflag:$0x3] =	sbarrier.arrive $0xFFFF  }
0xf7: {  	_ =	shalt  }

// kernel: kernel.9.cloned.1.call-start
scs
__scs_entry_jumppad:
0x0: {  	(pc) =	sbr.rel $0x88, $3  }
0x1: {  	(tag) =	ssettag $0x0;
	lr =	simm.s32 $0x1  }
0x2: {  	[smem:$0x3F94] =	sst lr;
	_ =	strace $0xD0000000  }
0x3: {  	_ = 	snop  }
0x4: {  	_ = 	snop  }
0x5: {  	_ = 	snop  }
0x6: {  	_ = 	snop  }
0x7: {  	_ = 	snop  }
__scs_overlays_trampoline_lowered:
0x8: {  	[smem:$0x3FA3] =	sst s0  }
0x9: {  	[smem:$0x3FA4] =	sst s1  }
0xa: {  	[smem:$0x3FA5] =	sst s2  }
0xb: {  	[smem:$0x3FA6] =	sst s3  }
0xc: {  	[smem:$0x3FA7] =	sst s4  }
0xd: {  	[smem:$0x3FA8] =	sst s5  }
0xe: {  	[smem:$0x3FA9] =	sst s6  }
0xf: {  	[smem:$0x3FAA] =	sst s7  }
0x10: {  	[smem:$0x3FAB] =	sst s8  }
0x11: {  	[smem:$0x3FAC] =	sst s9;
	s0 =	simm.s32 @!p0 $0x0  }
0x12: {  	s1 =	sld [smem:$0x3F92];
	s0 =	simm.s32 @p0 $0x1  }
0x13: {  	[smem:$0x3FAD] =	sst s0;
	s0 =	simm.s32 @!p1 $0x0  }
0x14: {  	s2 =	sld [smem:$0x3F91];
	s0 =	simm.s32 @p1 $0x1  }
0x15: {  	[smem:$0x3FAE] =	sst s0;
	s0 =	simm.s32 @!p2 $0x0  }
0x16: {  	s3 =	sld [smem:$0x3FDB];
	s0 =	simm.s32 @p2 $0x1  }
0x17: {  	s4 =	simm.s32 $0x1BF5;
	[smem:$0x3FB0] =	sst s0  }
0x18: {  	s0 =	sld [smem:$0x3F93];
	_ =	swait.ge [sflag:s4], $0x0  }
0x19: {  	s7 =	sld [smem:$0x3F94]  }
0x1a: {  	s8 =	sadd.s32 $0xFFFFE003, lr  }
0x1b: {  	s9 =	sadd.s32 $0xFFFFFEF7, lr;
	s5 =	simm.s32 $0xFFFFFFFF;
	p2 =	slt.u32 s8, $0xFFFFF086  }
0x1c: {  	p1 =	slt.u32 s9, $0xF7A;
	s5 =	simm.s32 @!p2 $0x0  }
0x1d: {  	s5 =	simm.s32 @p1 $0x1;
	p0 =	seq.s32 s7, s2  }
0x1e: {  	s7 =	smul.u32 @!p0 $0xF7A, s2;
	p2 =	seq.s32 @!p0 s5, $0x0  }
0x1f: {  	s9 =	smul.u32 $0xF7A, s1;
	s8 =	simm.s32 @!p0 $0x1BF5;
	p2 =	por !p2, p0  }
0x20: {  	[sflag:s8] =	ssyncset.s32 @!p0 $0xFFFFF086;
	s6 =	sadd.s32 @!p0 s3, s7;
	s7 =	simm.s32 @!p0 $0x108  }
0x21: {  	s3 =	sadd.s32 s3, s9;
	s6 =	sadd.s32 @!p0 $0x88, s6;
	s7 =	simm.s32 @p2 $0x1082  }
0x22: {  	[simem:s7], [sflag:s8] =	dma.local @!p0 [hbm:s6], $0xF7A  }
0x23: {  	s9 =	sor.u32 $0xD0000000, s2;
	s6 =	simm.s32 $0x108;
	_ =	swait.ge @!p0 [sflag:s8], $0x0  }
0x24: {  	s3 =	sadd.s32 $0x88, s3;
	s6 =	simm.s32 @!p1 $0x1082;
	[sflag:s4] =	ssyncset.s32 $0xFFFFF086  }
0x25: {  	[simem:s6], [sflag:s4] =	dma.local [hbm:s3], $0xF7A  }
0x26: {  	[smem:$0x3F94] =	sst s1;
	(tag) =	ssettag s2;
	_ =	strace s9  }
0x27: {  	s1 =	sld [smem:$0x3FA4]  }
0x28: {  	s2 =	sld [smem:$0x3FA5]  }
0x29: {  	s4 =	sld [smem:$0x3FA7]  }
0x2a: {  	p0 =	seq.s32 s5, $0x0;
	s5 =	sld [smem:$0x3FA8]  }
0x2b: {  	s6 =	sld [smem:$0x3FA9]  }
0x2c: {  	s7 =	sld [smem:$0x3FAA]  }
0x2d: {  	s3 =	simm.s32 $0x108;
	s8 =	sld [smem:$0x3FAB]  }
0x2e: {  	s3 =	simm.s32 @!p0 $0x1082;
	s9 =	sld [smem:$0x3FAC]  }
0x2f: {  	lr =	sadd.s32 s0, s3;
	s0 =	sld [smem:$0x3FA3]  }
0x30: {  	s3 =	sld [smem:$0x3FA6]  }
0x31: {  	[smem:$0x3FAF] =	sst s10  }
0x32: {  	s10 =	sld [smem:$0x3FAD];
	_ =	sdelay $0x3  }
0x33: {  	p0 =	seq.s32 s10, $0x1;
	s10 =	sld [smem:$0x3FAF];
	_ =	sdelay $0x3  }
0x34: {  	[smem:$0x3FAF] =	sst s10  }
0x35: {  	s10 =	sld [smem:$0x3FAE];
	_ =	sdelay $0x3  }
0x36: {  	p1 =	seq.s32 s10, $0x1;
	s10 =	sld [smem:$0x3FAF];
	_ =	sdelay $0x3  }
0x37: {  	[smem:$0x3FAF] =	sst s10  }
0x38: {  	s10 =	sld [smem:$0x3FB0]  }
0x39: {  	_ = 	snop;
	(pc) =	sbr.ind lr, $3  }
0x3a: {  	_ = 	snop  }
0x3b: {  	_ = 	snop  }
0x3c: {  	p2 =	seq.s32 s10, $0x1;
	s10 =	sld [smem:$0x3FAF]  }
0x3d: {  	_ =	shalt  }
0x3e: {  	_ =	shalt  }
0x3f: {  	_ =	shalt  }
0x40: {  	_ =	shalt  }
0x41: {  	_ =	shalt  }
0x42: {  	_ =	shalt  }
0x43: {  	_ =	shalt  }
0x44: {  	_ =	shalt  }
0x45: {  	_ =	shalt  }
0x46: {  	_ =	shalt  }
0x47: {  	_ =	shalt  }
0x48: {  	_ =	shalt  }
0x49: {  	_ =	shalt  }
0x4a: {  	_ =	shalt  }
0x4b: {  	_ =	shalt  }
0x4c: {  	_ =	shalt  }
0x4d: {  	_ =	shalt  }
0x4e: {  	_ =	shalt  }
0x4f: {  	_ =	shalt  }
0x50: {  	_ =	shalt  }
0x51: {  	_ =	shalt  }
0x52: {  	_ =	shalt  }
0x53: {  	_ =	shalt  }
0x54: {  	_ =	shalt  }
0x55: {  	_ =	shalt  }
0x56: {  	_ =	shalt  }
0x57: {  	_ =	shalt  }
0x58: {  	_ =	shalt  }
0x59: {  	_ =	shalt  }
0x5a: {  	_ =	shalt  }
0x5b: {  	_ =	shalt  }
0x5c: {  	_ =	shalt  }
0x5d: {  	_ =	shalt  }
0x5e: {  	_ =	shalt  }
0x5f: {  	_ =	shalt  }
0x60: {  	_ =	shalt  }
0x61: {  	_ =	shalt  }
0x62: {  	_ =	shalt  }
0x63: {  	_ =	shalt  }
0x64: {  	_ =	shalt  }
0x65: {  	_ =	shalt  }
0x66: {  	_ =	shalt  }
0x67: {  	_ =	shalt  }
0x68: {  	_ =	shalt  }
0x69: {  	_ =	shalt  }
0x6a: {  	_ =	shalt  }
0x6b: {  	_ =	shalt  }
0x6c: {  	_ =	shalt  }
0x6d: {  	_ =	shalt  }
0x6e: {  	_ =	shalt  }
0x6f: {  	_ =	shalt  }
0x70: {  	_ =	shalt  }
0x71: {  	_ =	shalt  }
0x72: {  	_ =	shalt  }
0x73: {  	_ =	shalt  }
0x74: {  	_ =	shalt  }
0x75: {  	_ =	shalt  }
0x76: {  	_ =	shalt  }
0x77: {  	_ =	shalt  }
0x78: {  	_ =	shalt  }
0x79: {  	_ =	shalt  }
0x7a: {  	_ =	shalt  }
0x7b: {  	_ =	shalt  }
0x7c: {  	_ =	shalt  }
0x7d: {  	_ =	shalt  }
0x7e: {  	_ =	shalt  }
0x7f: {  	_ =	shalt  }
0x80: {  	_ =	shalt  }
0x81: {  	_ =	shalt  }
0x82: {  	_ =	shalt  }
0x83: {  	_ =	shalt  }
0x84: {  	_ =	shalt  }
0x85: {  	_ =	shalt  }
0x86: {  	_ =	shalt  }
0x87: {  	_ =	shalt  }
.Lfunc_end0:
.L_simem_size_0:
called_computation_lowered:
.L_overlay_start_0:
0x88: {  	s2 =	sld [smem:$0x3FD9]  }
0x89: {  	s3 =	sld [smem:$0x3FFE];
	_ =	sdelay $0x1  }
0x8a: {  	s1 =	srdreg.scid  }
0x8b: {  	s0 =	sand.u32 $0x1, s1  }
0x8c: {  	s16 =	sshll.u32 s0, $0xA;
	s2 =	sadd.s32 s3, s2  }
0x8d: {  	s2 =	sadd.s32 s2, s16  }
0x8e: {  	[smem:$0x3FBB] =	sst s2  }
0x8f: {  	_ = 	snop  }
0x90: {  	(tm) =	ssettm $0x1  }
0x91: {  	s17 =	sld [smem:$0x3FFB];
	_ =	sdelay $0x3  }
0x92: {  	_ =	strace s17  }
0x93: {  	s2 =	sld [smem:$0x3FFC];
	_ =	sdelay $0x3  }
0x94: {  	_ =	strace s2  }
0x95: {  	s2 =	sld [smem:$0x3FFD];
	_ =	sdelay $0x3  }
0x96: {  	_ =	strace s2  }
0x97: {  	_ =	strace $0x8FFFFFFF  }
0x98: {  	s18 =	sld [smem:$0x3FDB];
	_ =	sdelay $0x1  }
0x99: {  	s19 =	simm.s32 $_scs_section_size  }
0x9a: {  	s4 =	simm.s32 $_size__tile_overlayer_lowered;
	s5 =	simm.s32 $_tile_overlayer_lowered  }
0x9b: {  	s22 =	simm.s32 $0x1BFF;
	s21 =	sshll.u32 s5, $0x1;
	s2 =	sadd.s32 s19, s18  }
0x9c: {  	s6 =	simm.s32 $0x0;
	s20 =	sshll.u32 s4, $0x1;
	s4 =	sadd.s32 s21, s2  }
0x9d: {  	[timem:s6], [sflag:s22] =	dma.local [hbm:s4], s20  }
0x9e: {  	_ =	swait.ge [sflag:s22], s20  }
0x9f: {  	s3 =	ssub.s32 $0x0, s20;
	[sflag:s22] =	ssyncset.done $0x0  }
0xa0: {  	[sflag:s22] =	ssyncadd.s32 s3;
	_ =	sdelay $0x1  }
0xa1: {  	s23 =	simm.s32 $0x1B8B  }
0xa2: {  	_ =	swait.ge [sflag:s23], $0x1  }
0xa3: {  	[sflag:s23] =	ssyncset.done $0x0  }
0xa4: {  	s25 =	simm.s32 $0x1B8E;
	s24 =	sld [smem:$0x3FFE];
	[sflag:s23] =	ssyncadd.s32 $0xFFFFFFFF  }
0xa5: {  	s26 =	simm.s32 $execute0_lowered;
	[smem:$0x3FD2] =	sst s25  }
0xa6: {  	s4 =	sshll.u32 s26, $0x1;
	_ =	strace $0x80000046;
	[dreg:$0x1] =	wrdreg $0xFFFFFFFF  }
0xa7: {  	s28 =	simm.s32 $_size_execute0_lowered;
	s2 =	sadd.s32 s2, s4;
	[dreg:$0x0] =	wrdreg $0x0  }
0xa8: {  	s4 =	sshll.u32 s28, $0x1;
	[dreg:$0x2] =	wrdreg s2  }
0xa9: {  	[dreg:$0x3] =	wrdreg s4  }
0xaa: {  	[dreg:$0x4] =	wrdreg $0xC0  }
0xab: {  	_ =	task [dreg:s6], $0x5FFFF  }
0xac: {  	[dreg:$0x1] =	wrdreg $0xFFFFFFFF  }
0xad: {  	[dreg:$0x0] =	wrdreg $0x60  }
0xae: {  	[dreg:$0x2] =	wrdreg s24  }
0xaf: {  	[dreg:$0x3] =	wrdreg $0x90000  }
0xb0: {  	[dreg:$0x4] =	wrdreg $0x9  }
0xb1: {  	_ =	task.clear_ibuf [dreg:s6], $0x5FFFF;
	_ =	strace $0x90000046  }
0xb2: {  	s29 =	simm.s32 $0x9;
	_ =	strace $0x80000048  }
0xb3: {  	_ =	swait.ge [sflag:s29], $0x1  }
0xb4: {  	[sflag:s29] =	ssyncadd.s32 $0xFFFFFFFF  }
0xb5: {  	_ =	strace $0x90000048  }
0xb6: {  	_ =	sfence  }
0xb7: {  	s30 =	sld [smem:$0x0];
	_ =	sdelay $0x2  }
0xb8: {  	s31 =	sshll.u32 s1, $0xD;
	s1 =	sshrl.u32 s1, $0x2  }
0xb9: {  	s3 =	sand.u32 $0x4000, s31;
	s1 =	sadd.s32 s1, s30  }
0xba: {  	s0 =	sor.u32 s3, s0;
	s1 =	sshll.u32 s1, $0x11  }
0xbb: {  	s0 =	sor.u32 s1, s0  }
0xbc: {  	s0 =	sadd.s32 $0x8F2B, s0  }
0xbd: {  	[sflag:s0] =	ssyncadd.remote.s32 $0x1  }
0xbe: {  	_ =	sfence.sel $0xFFFF  }
0xbf: {  	[dreg:$0x0] =	wrdreg $0xFFFFFFFF;
	(pc) =	sbr.abs _section_cstart, $3  }
0xc0: {  	[dreg:$0x1] =	wrdreg $0xFFFFFFFF  }
0xc1: {  	_ =	task.clear_ibuf [dreg:s6], $0x2FFFF;
	_ =	strace $0x9FFFFFFF  }
0xc2: {  	(tm) =	ssettm $0x7FFFFFFF  }
0xc3: {  	_ =	shalt  }
tec
execute0_lowered:
.L_overlay_start_1:
0x0: {  	(tag) =	ssettag $0x1  }
0x1: {  	s0 =	rddreg [dreg:$0x0]  }
0x2: {  	s2 =	rddreg [dreg:$0x1]  }
0x3: {  	s3 =	simm.s32 $0x0;
	s18 =	stileid.u32;
	s1 =	srdreg.scid  }
0x4: {  	s19 =	simm.s32 $0x3;
	s28 =	simm.s32 $0x1;
	s30 =	simm.s32 $0x2  }
0x5: {  	s29 =	simm.s32 $0x0;
	[smem:$0x7FF] =	sst s3;
	s5 =	smul.u32 $0x2700, s18  }
0x6: {  	s1 =	sand.u32 $0x1, s1;
	s4 =	sadd.s32 $0x20E00, s0;
	s9 =	smul.u32 $0x50, s18  }
0x7: {  	s7 =	sadd.s32 $0x2E00, s0;
	s8 =	sadd.s32 $0x16E00, s0;
	s20 =	smul.u32 $0x4E000, s18  }
0x8: {  	s11 =	sadd.s32 $0x6F200, s0;
	s23 =	sadd.s32 $0x138000, s2;
	s6 =	smul.u32 $0x500, s1  }
0x9: {  	p0 =	sne.s32 s18, $0xF;
	_ =	strace $0x80000047;
	s21 =	smul.u32 $0x27100, s1  }
0xa: {  	s12 =	ssub.s32 $0x2, s1;
	s1 =	smul.u32 $0x138800, s1;
	[dreg:$0x7] =	wrdreg s23  }
0xb: {  	s23 =	simm.s32 $0x5000;
	s10 =	sadd.s32 s5, s0;
	s13 =	sshrl.u32 s12, $0x1  }
0xc: {  	s0 =	sadd.s32 $0x6F000, s0;
	s6 =	sadd.s32 s9, s6;
	s12 =	ssub.s32 s12, s13  }
0xd: {  	s9 =	sshrl.u32 s20, $0x2;
	s22 =	sadd.s32 $0x48000, s10;
	s5 =	sadd.s32 s5, s21  }
0xe: {  	s1 =	sshrl.u32 s1, $0x3;
	[dreg:$0x8] =	wrdreg s0;
	s20 =	simm.s32 $0x7D  }
0xf: {  	s21 =	simm.s32 $0x1000;
	s13 =	simm.s32 $0x4;
	s10 =	simm.s32 $0x700  }
0x10: {  	s6 =	sshll.u32 s6, $0x4;
	s9 =	sadd.s32 s9, s2;
	[dreg:$0x6] =	wrdreg s22  }
0x11: {  	s24 =	sadd.s32 s11, s5;
	s25 =	sadd.s32 s11, s1;
	s26 =	smax.u32 s12, $0x1  }
0x12: {  	s1 =	simm.s32 $0xD00;
	s5 =	simm.s32 $0xE00;
	s11 =	simm.s32 $0xE80  }
0x13: {  	s12 =	simm.s32 $0xF00;
	s22 =	simm.s32 $0xF80;
	[dreg:$0x5] =	wrdreg s9  }
0x14: {  	s17 =	sadd.s32 s7, s6;
	s16 =	sadd.s32 s8, s6;
	[dreg:$0x9] =	wrdreg s24  }
0x15: {  	s0 =	sadd.s32 $0x27000, s25;
	[dreg:$0xb] =	wrdreg s26;
	s31 =	sadd.s32 $0x100, s6  }
.Ltmp0:
0x16: {  	s24 =	simm.s32 $0x5;
	s25 =	simm.s32 $0x400;
	(pc) =	sbr.rel .LBB2_1-.Ltmp0, $4  }
0x17: {  	s26 =	simm.s32 $0xC00;
	s9 =	simm.s32 $0x680;
	[dreg:$0xa] =	wrdreg s0  }
0x18: {  	s6 =	simm.s32 $0x780;
	s14 =	sadd.s32 s31, s7;
	[dreg:$0x4] =	wrdreg s16  }
0x19: {  	s15 =	sadd.s32 s31, s8;
	s16 =	sadd.s32 $0x80, s16;
	[dreg:$0x3] =	wrdreg s17  }
0x1a: {  	s17 =	sadd.s32 $0x80, s17;
	s7 =	simm.s32 $0x600;
	s8 =	simm.s32 $0xD80  }
.LBB2_4:
0x1b: {  	_ =	swait.ge [sflag:s30], $0x3E80  }
0x1c: {  	[sflag:s30] =	ssyncset.done $0x0  }
0x1d: {  	[sflag:s30] =	ssyncadd.s32 $0xFFFFC180  }
0x1e: {  	[spmem:s2] =	stream.indirect.scatter.add.f32 [tilespmem:s23], [sflag:$0x5], $0x80, s22, s20, $0xb8;
	[tilespmem:$0x1C880] =	vst v63  }
0x1f: {  	_ =	swait.ge [sflag:s24], $0x3E80  }
0x20: {  	[sflag:s24] =	ssyncset.done $0x0  }
0x21: {  	[sflag:s24] =	ssyncadd.s32 $0xFFFFC180  }
0x22: {  	[bflag:$0x0] =	sbarrier.arrive $0xFFFF  }
0x23: {  	s0 =	rddreg [dreg:$0x9]  }
0x24: {  	s18 =	rddreg [dreg:$0xd]  }
0x25: {  	s29 =	rddreg [dreg:$0xe]  }
0x26: {  	[hbm:s0], [sflag:s18] =	dma.local [spmem:s29], $0x2700  }
0x27: {  	_ =	swait.ge [sflag:s24], $0x2700  }
0x28: {  	[sflag:s24] =	ssyncset.done $0x0;
	s0 =	rddreg [dreg:$0xa]  }
0x29: {  	s29 =	rddreg [dreg:$0xf];
	[sflag:s24] =	ssyncadd.s32 $0xFFFFD900  }
0x2a: {  	[hbm:s0], [sflag:s18] =	dma.local @!p0 [spmem:s29], $0x100  }
0x2b: {  	s0 =	simm.s32 @!p0 $0x5  }
0x2c: {  	_ =	swait.ge @!p0 [sflag:s0], $0x100  }
0x2d: {  	s29 =	rddreg [dreg:$0xc]  }
0x2e: {  	s31 =	rddreg [dreg:$0xb];
	s29 =	sadd.s32 $0x1, s29  }
0x2f: {  	p1 =	sne.s32 s29, s31  }
.Ltmp1:
0x30: {  	_ = 	snop;
	(pc) =	sbr.rel @!p1 .LBB2_5-.Ltmp1, $3  }
0x31: {  	_ =	sdelay $0x1  }
0x32: {  	[sflag:s0] =	ssyncset.done @!p0 $0x0  }
0x33: {  	[sflag:s0] =	ssyncadd.s32 @!p0 $0xFFFFFF00  }
.LBB2_1:
0x34: {  	[dreg:$0xc] =	wrdreg s29  }
0x35: {  	s0 =	rddreg [dreg:$0x3]  }
0x36: {  	[tilespmem:s3], [sflag:$0x3] =	stream.linear.gather [hbm4b:s0+s3], $0x400, $0x38;
	[tilespmem:$0x1C880] =	vst v63  }
0x37: {  	s29 =	rddreg [dreg:$0x4];
	s18 =	simm.s32 $0x800  }
0x38: {  	[tilespmem:s18], [sflag:$0x3] =	stream.linear.gather [hbm4b:s29+s3], $0x400, $0x38;
	[tilespmem:$0x1C880] =	vst v63  }
0x39: {  	_ =	swait.ge [sflag:s19], $0x400  }
0x3a: {  	[sflag:s19] =	ssyncset.done $0x0  }
0x3b: {  	[sflag:s19] =	ssyncadd.s32 $0xFFFFFC00  }
0x3c: {  	_ =	swait.ge [sflag:s19], $0x400  }
0x3d: {  	[sflag:s19] =	ssyncset.done $0x0  }
0x3e: {  	[sflag:s19] =	ssyncadd.s32 $0xFFFFFC00  }
0x3f: {  	[tilespmem:s21], [sflag:$0x1] =	stream.indirect.gather [hbm4b:s4+s20], $0x80, s3, s20, $0xb8;
	[tilespmem:$0x1C880] =	vst v63  }
0x40: {  	s31 =	simm.s32 $0x80  }
0x41: {  	[tilespmem:s23], [sflag:$0x2] =	stream.indirect.gather [hbm4b:s4+s20], $0x80, s31, s20, $0xb8;
	[tilespmem:$0x1C880] =	vst v63  }
0x42: {  	s18 =	stileid.u32;
	s31 =	rddreg [dreg:$0x5]  }
0x43: {  	s29 =	sshll.u32 s18, $0x6;
	s0 =	sshrl.u32 s31, $0x3;
	s31 =	rddreg [dreg:$0x6]  }
0x44: {  	s18 =	sor.u32 $0x1C05, s29;
	[dreg:$0xe] =	wrdreg s0  }
0x45: {  	[spmem:s0], [sflag:s18] =	dma.local [hbm:s31], $0x2700  }
0x46: {  	_ =	swait.ge [sflag:s24], $0x2700;
	[dreg:$0xd] =	wrdreg s18  }
0x47: {  	s0 =	rddreg [dreg:$0x7]  }
0x48: {  	[sflag:s24] =	ssyncset.done $0x0;
	s29 =	sshrl.u32 @!p0 s0, $0x3;
	s0 =	rddreg [dreg:$0x8]  }
0x49: {  	[sflag:s24] =	ssyncadd.s32 $0xFFFFD900;
	[dreg:$0xf] =	wrdreg s29  }
0x4a: {  	[spmem:s29], [sflag:s18] =	dma.local @!p0 [hbm:s0], $0x100  }
0x4b: {  	s18 =	simm.s32 @!p0 $0x5  }
0x4c: {  	_ =	swait.ge @!p0 [sflag:s18], $0x100  }
0x4d: {  	[sflag:s18] =	ssyncset.done @!p0 $0x0  }
0x4e: {  	[sflag:s18] =	ssyncadd.s32 @!p0 $0xFFFFFF00  }
0x4f: {  	s18 =	simm.s32 $0x0;
	[bflag:$0x0] =	sbarrier.arrive $0xFFFF  }
.LBB2_2:
0x50: {  	s29 =	sadd.s32 s18, s17  }
0x51: {  	[tilespmem:s25], [sflag:$0x4] =	stream.linear.gather [hbm4b:s29+s3], $0x400, $0x38;
	[tilespmem:$0x1C880] =	vst v63  }
0x52: {  	s0 =	sadd.s32 s18, s16  }
0x53: {  	[tilespmem:s26], [sflag:$0x4] =	stream.linear.gather [hbm4b:s0+s3], $0x400, $0x38;
	[tilespmem:$0x1C880] =	vst v63  }
0x54: {  	_ =	swait.ge [sflag:s28], $0x3E80  }
0x55: {  	[sflag:s28] =	ssyncset.done $0x0  }
0x56: {  	s0 =	simm.s32 $0x800;
	[sflag:s28] =	ssyncadd.s32 $0xFFFFC180  }
0x57: {  	[spmem:s2] =	stream.indirect.scatter.add.f32 [tilespmem:s21], [sflag:$0x5], $0x80, s0, s20, $0xb8;
	[tilespmem:$0x1C880] =	vst v63  }
0x58: {  	_ =	swait.ge [sflag:s24], $0x3E80  }
0x59: {  	[sflag:s24] =	ssyncset.done $0x0  }
0x5a: {  	s31 =	simm.s32 $0x100;
	[sflag:s24] =	ssyncadd.s32 $0xFFFFC180  }
0x5b: {  	[tilespmem:s21], [sflag:$0x1] =	stream.indirect.gather [hbm4b:s4+s20], $0x80, s31, s20, $0xb8;
	[tilespmem:$0x1C880] =	vst v63  }
0x5c: {  	_ =	swait.ge [sflag:s30], $0x3E80  }
0x5d: {  	[sflag:s30] =	ssyncset.done $0x0  }
0x5e: {  	s29 =	simm.s32 $0x880;
	[sflag:s30] =	ssyncadd.s32 $0xFFFFC180  }
0x5f: {  	[spmem:s2] =	stream.indirect.scatter.add.f32 [tilespmem:s23], [sflag:$0x5], $0x80, s29, s20, $0xb8;
	[tilespmem:$0x1C880] =	vst v63  }
0x60: {  	_ =	swait.ge [sflag:s24], $0x3E80  }
0x61: {  	[sflag:s24] =	ssyncset.done $0x0  }
0x62: {  	s31 =	simm.s32 $0x180;
	[sflag:s24] =	ssyncadd.s32 $0xFFFFC180  }
0x63: {  	[tilespmem:s23], [sflag:$0x2] =	stream.indirect.gather [hbm4b:s4+s20], $0x80, s31, s20, $0xb8;
	[tilespmem:$0x1C880] =	vst v63  }
0x64: {  	_ =	swait.ge [sflag:s28], $0x3E80  }
0x65: {  	[sflag:s28] =	ssyncset.done $0x0  }
0x66: {  	s29 =	simm.s32 $0x900;
	[sflag:s28] =	ssyncadd.s32 $0xFFFFC180  }
0x67: {  	[spmem:s2] =	stream.indirect.scatter.add.f32 [tilespmem:s21], [sflag:$0x5], $0x80, s29, s20, $0xb8;
	[tilespmem:$0x1C880] =	vst v63  }
0x68: {  	_ =	swait.ge [sflag:s24], $0x3E80  }
0x69: {  	[sflag:s24] =	ssyncset.done $0x0  }
0x6a: {  	s31 =	simm.s32 $0x200;
	[sflag:s24] =	ssyncadd.s32 $0xFFFFC180  }
0x6b: {  	[tilespmem:s21], [sflag:$0x1] =	stream.indirect.gather [hbm4b:s4+s20], $0x80, s31, s20, $0xb8;
	[tilespmem:$0x1C880] =	vst v63  }
0x6c: {  	_ =	swait.ge [sflag:s30], $0x3E80  }
0x6d: {  	[sflag:s30] =	ssyncset.done $0x0  }
0x6e: {  	s29 =	simm.s32 $0x980;
	[sflag:s30] =	ssyncadd.s32 $0xFFFFC180  }
0x6f: {  	[spmem:s2] =	stream.indirect.scatter.add.f32 [tilespmem:s23], [sflag:$0x5], $0x80, s29, s20, $0xb8;
	[tilespmem:$0x1C880] =	vst v63  }
0x70: {  	_ =	swait.ge [sflag:s24], $0x3E80  }
0x71: {  	[sflag:s24] =	ssyncset.done $0x0  }
0x72: {  	s31 =	simm.s32 $0x280;
	[sflag:s24] =	ssyncadd.s32 $0xFFFFC180  }
0x73: {  	[tilespmem:s23], [sflag:$0x2] =	stream.indirect.gather [hbm4b:s4+s20], $0x80, s31, s20, $0xb8;
	[tilespmem:$0x1C880] =	vst v63  }
0x74: {  	_ =	swait.ge [sflag:s28], $0x3E80  }
0x75: {  	[sflag:s28] =	ssyncset.done $0x0  }
0x76: {  	s29 =	simm.s32 $0xA00;
	[sflag:s28] =	ssyncadd.s32 $0xFFFFC180  }
0x77: {  	[spmem:s2] =	stream.indirect.scatter.add.f32 [tilespmem:s21], [sflag:$0x5], $0x80, s29, s20, $0xb8;
	[tilespmem:$0x1C880] =	vst v63  }
0x78: {  	_ =	swait.ge [sflag:s24], $0x3E80  }
0x79: {  	[sflag:s24] =	ssyncset.done $0x0  }
0x7a: {  	s31 =	simm.s32 $0x300;
	[sflag:s24] =	ssyncadd.s32 $0xFFFFC180  }
0x7b: {  	[tilespmem:s21], [sflag:$0x1] =	stream.indirect.gather [hbm4b:s4+s20], $0x80, s31, s20, $0xb8;
	[tilespmem:$0x1C880] =	vst v63  }
0x7c: {  	_ =	swait.ge [sflag:s30], $0x3E80  }
0x7d: {  	[sflag:s30] =	ssyncset.done $0x0  }
0x7e: {  	s29 =	simm.s32 $0xA80;
	[sflag:s30] =	ssyncadd.s32 $0xFFFFC180  }
0x7f: {  	[spmem:s2] =	stream.indirect.scatter.add.f32 [tilespmem:s23], [sflag:$0x5], $0x80, s29, s20, $0xb8;
	[tilespmem:$0x1C880] =	vst v63  }
0x80: {  	_ =	swait.ge [sflag:s24], $0x3E80  }
0x81: {  	[sflag:s24] =	ssyncset.done $0x0  }
0x82: {  	s31 =	simm.s32 $0x380;
	[sflag:s24] =	ssyncadd.s32 $0xFFFFC180  }
0x83: {  	[tilespmem:s23], [sflag:$0x2] =	stream.indirect.gather [hbm4b:s4+s20], $0x80, s31, s20, $0xb8;
	[tilespmem:$0x1C880] =	vst v63  }
0x84: {  	_ =	swait.ge [sflag:s28], $0x3E80  }
0x85: {  	[sflag:s28] =	ssyncset.done $0x0  }
0x86: {  	s29 =	simm.s32 $0xB00;
	[sflag:s28] =	ssyncadd.s32 $0xFFFFC180  }
0x87: {  	[spmem:s2] =	stream.indirect.scatter.add.f32 [tilespmem:s21], [sflag:$0x5], $0x80, s29, s20, $0xb8;
	[tilespmem:$0x1C880] =	vst v63  }
0x88: {  	_ =	swait.ge [sflag:s24], $0x3E80  }
0x89: {  	[sflag:s24] =	ssyncset.done $0x0  }
0x8a: {  	[sflag:s24] =	ssyncadd.s32 $0xFFFFC180  }
0x8b: {  	_ =	swait.ge [sflag:s13], $0x400  }
0x8c: {  	[sflag:s13] =	ssyncset.done $0x0  }
0x8d: {  	[sflag:s13] =	ssyncadd.s32 $0xFFFFFC00  }
0x8e: {  	_ =	swait.ge [sflag:s13], $0x400  }
0x8f: {  	[sflag:s13] =	ssyncset.done $0x0  }
0x90: {  	[sflag:s13] =	ssyncadd.s32 $0xFFFFFC00  }
0x91: {  	[tilespmem:s21], [sflag:$0x1] =	stream.indirect.gather [hbm4b:s4+s20], $0x80, s25, s20, $0xb8;
	[tilespmem:$0x1C880] =	vst v63  }
0x92: {  	_ =	swait.ge [sflag:s30], $0x3E80  }
0x93: {  	[sflag:s30] =	ssyncset.done $0x0  }
0x94: {  	s31 =	simm.s32 $0xB80;
	[sflag:s30] =	ssyncadd.s32 $0xFFFFC180  }
0x95: {  	[spmem:s2] =	stream.indirect.scatter.add.f32 [tilespmem:s23], [sflag:$0x5], $0x80, s31, s20, $0xb8;
	[tilespmem:$0x1C880] =	vst v63  }
0x96: {  	_ =	swait.ge [sflag:s24], $0x3E80  }
0x97: {  	[sflag:s24] =	ssyncset.done $0x0  }
0x98: {  	p1 =	seq.s32 s18, $0x400;
	s29 =	simm.s32 $0x480;
	[sflag:s24] =	ssyncadd.s32 $0xFFFFC180  }
0x99: {  	[tilespmem:s23], [sflag:$0x2] =	stream.indirect.gather [hbm4b:s4+s20], $0x80, s29, s20, $0xb8;
	[tilespmem:$0x1C880] =	vst v63  }
0x9a: {  	s31 =	simm.s32 @!p1 $0x0;
	s29 =	sadd.s32 @!p1 s18, s14  }
0x9b: {  	[tilespmem:s31], [sflag:$0x3] =	stream.linear.gather @!p1 [hbm4b:s29+s31], $0x400, $0x38;
	[tilespmem:$0x1C880] =	vst v63  }
0x9c: {  	s0 =	simm.s32 @!p1 $0x800;
	s29 =	sadd.s32 @!p1 s18, s15  }
0x9d: {  	[tilespmem:s0], [sflag:$0x3] =	stream.linear.gather @!p1 [hbm4b:s29+s31], $0x400, $0x38;
	[tilespmem:$0x1C880] =	vst v63  }
0x9e: {  	_ =	swait.ge [sflag:s28], $0x3E80  }
0x9f: {  	[sflag:s28] =	ssyncset.done $0x0  }
0xa0: {  	[sflag:s28] =	ssyncadd.s32 $0xFFFFC180  }
0xa1: {  	[spmem:s2] =	stream.indirect.scatter.add.f32 [tilespmem:s21], [sflag:$0x5], $0x80, s26, s20, $0xb8;
	[tilespmem:$0x1C880] =	vst v63  }
0xa2: {  	_ =	swait.ge [sflag:s24], $0x3E80  }
0xa3: {  	[sflag:s24] =	ssyncset.done $0x0  }
0xa4: {  	s31 =	simm.s32 $0x500;
	[sflag:s24] =	ssyncadd.s32 $0xFFFFC180  }
0xa5: {  	[tilespmem:s21], [sflag:$0x1] =	stream.indirect.gather [hbm4b:s4+s20], $0x80, s31, s20, $0xb8;
	[tilespmem:$0x1C880] =	vst v63  }
0xa6: {  	_ =	swait.ge [sflag:s30], $0x3E80  }
0xa7: {  	[sflag:s30] =	ssyncset.done $0x0  }
0xa8: {  	s29 =	simm.s32 $0xC80;
	[sflag:s30] =	ssyncadd.s32 $0xFFFFC180  }
0xa9: {  	[spmem:s2] =	stream.indirect.scatter.add.f32 [tilespmem:s23], [sflag:$0x5], $0x80, s29, s20, $0xb8;
	[tilespmem:$0x1C880] =	vst v63  }
0xaa: {  	_ =	swait.ge [sflag:s24], $0x3E80  }
0xab: {  	[sflag:s24] =	ssyncset.done $0x0  }
0xac: {  	s31 =	simm.s32 $0x580;
	[sflag:s24] =	ssyncadd.s32 $0xFFFFC180  }
0xad: {  	[tilespmem:s23], [sflag:$0x2] =	stream.indirect.gather [hbm4b:s4+s20], $0x80, s31, s20, $0xb8;
	[tilespmem:$0x1C880] =	vst v63  }
0xae: {  	_ =	swait.ge [sflag:s28], $0x3E80  }
0xaf: {  	[sflag:s28] =	ssyncset.done $0x0  }
0xb0: {  	[sflag:s28] =	ssyncadd.s32 $0xFFFFC180  }
0xb1: {  	[spmem:s2] =	stream.indirect.scatter.add.f32 [tilespmem:s21], [sflag:$0x5], $0x80, s1, s20, $0xb8;
	[tilespmem:$0x1C880] =	vst v63  }
0xb2: {  	_ =	swait.ge [sflag:s24], $0x3E80  }
0xb3: {  	[sflag:s24] =	ssyncset.done $0x0  }
0xb4: {  	[sflag:s24] =	ssyncadd.s32 $0xFFFFC180  }
0xb5: {  	[tilespmem:s21], [sflag:$0x1] =	stream.indirect.gather [hbm4b:s4+s20], $0x80, s7, s20, $0xb8;
	[tilespmem:$0x1C880] =	vst v63  }
0xb6: {  	_ =	swait.ge [sflag:s30], $0x3E80  }
0xb7: {  	[sflag:s30] =	ssyncset.done $0x0  }
0xb8: {  	[sflag:s30] =	ssyncadd.s32 $0xFFFFC180  }
0xb9: {  	[spmem:s2] =	stream.indirect.scatter.add.f32 [tilespmem:s23], [sflag:$0x5], $0x80, s8, s20, $0xb8;
	[tilespmem:$0x1C880] =	vst v63  }
0xba: {  	_ =	swait.ge [sflag:s24], $0x3E80  }
0xbb: {  	[sflag:s24] =	ssyncset.done $0x0  }
0xbc: {  	[sflag:s24] =	ssyncadd.s32 $0xFFFFC180  }
0xbd: {  	[tilespmem:s23], [sflag:$0x2] =	stream.indirect.gather [hbm4b:s4+s20], $0x80, s9, s20, $0xb8;
	[tilespmem:$0x1C880] =	vst v63  }
0xbe: {  	_ =	swait.ge [sflag:s28], $0x3E80  }
0xbf: {  	[sflag:s28] =	ssyncset.done $0x0  }
0xc0: {  	[sflag:s28] =	ssyncadd.s32 $0xFFFFC180  }
0xc1: {  	[spmem:s2] =	stream.indirect.scatter.add.f32 [tilespmem:s21], [sflag:$0x5], $0x80, s5, s20, $0xb8;
	[tilespmem:$0x1C880] =	vst v63  }
0xc2: {  	_ =	swait.ge [sflag:s24], $0x3E80  }
0xc3: {  	[sflag:s24] =	ssyncset.done $0x0  }
0xc4: {  	[sflag:s24] =	ssyncadd.s32 $0xFFFFC180  }
0xc5: {  	[tilespmem:s21], [sflag:$0x1] =	stream.indirect.gather [hbm4b:s4+s20], $0x80, s10, s20, $0xb8;
	[tilespmem:$0x1C880] =	vst v63  }
0xc6: {  	_ =	swait.ge [sflag:s30], $0x3E80  }
0xc7: {  	[sflag:s30] =	ssyncset.done $0x0  }
0xc8: {  	[sflag:s30] =	ssyncadd.s32 $0xFFFFC180  }
0xc9: {  	[spmem:s2] =	stream.indirect.scatter.add.f32 [tilespmem:s23], [sflag:$0x5], $0x80, s11, s20, $0xb8;
	[tilespmem:$0x1C880] =	vst v63  }
0xca: {  	_ =	swait.ge [sflag:s24], $0x3E80  }
0xcb: {  	[sflag:s24] =	ssyncset.done $0x0  }
0xcc: {  	[sflag:s24] =	ssyncadd.s32 $0xFFFFC180  }
0xcd: {  	[tilespmem:s23], [sflag:$0x2] =	stream.indirect.gather [hbm4b:s4+s20], $0x80, s6, s20, $0xb8;
	[tilespmem:$0x1C880] =	vst v63  }
0xce: {  	_ =	swait.ge [sflag:s28], $0x3E80  }
0xcf: {  	[sflag:s28] =	ssyncset.done $0x0  }
.Ltmp2:
0xd0: {  	[sflag:s28] =	ssyncadd.s32 $0xFFFFC180;
	(pc) =	sbr.rel @p1 .LBB2_4-.Ltmp2, $4  }
0xd1: {  	[spmem:s2] =	stream.indirect.scatter.add.f32 [tilespmem:s21], [sflag:$0x5], $0x80, s12, s20, $0xb8;
	[tilespmem:$0x1C880] =	vst v63  }
0xd2: {  	_ =	swait.ge [sflag:s24], $0x3E80  }
0xd3: {  	[sflag:s24] =	ssyncset.done $0x0  }
0xd4: {  	[sflag:s24] =	ssyncadd.s32 $0xFFFFC180  }
0xd5: {  	_ =	swait.ge [sflag:s19], $0x400  }
0xd6: {  	[sflag:s19] =	ssyncset.done $0x0  }
0xd7: {  	[sflag:s19] =	ssyncadd.s32 $0xFFFFFC00  }
0xd8: {  	_ =	swait.ge [sflag:s19], $0x400  }
0xd9: {  	[sflag:s19] =	ssyncset.done $0x0  }
0xda: {  	[sflag:s19] =	ssyncadd.s32 $0xFFFFFC00  }
0xdb: {  	[tilespmem:s21], [sflag:$0x1] =	stream.indirect.gather [hbm4b:s4+s20], $0x80, s3, s20, $0xb8;
	[tilespmem:$0x1C880] =	vst v63  }
0xdc: {  	_ =	swait.ge [sflag:s30], $0x3E80  }
0xdd: {  	[sflag:s30] =	ssyncset.done $0x0  }
0xde: {  	[sflag:s30] =	ssyncadd.s32 $0xFFFFC180  }
0xdf: {  	[spmem:s2] =	stream.indirect.scatter.add.f32 [tilespmem:s23], [sflag:$0x5], $0x80, s22, s20, $0xb8;
	[tilespmem:$0x1C880] =	vst v63  }
.Ltmp3:
0xe0: {  	_ = 	snop;
	(pc) =	sbr.rel .LBB2_2-.Ltmp3, $4  }
0xe1: {  	_ =	swait.ge [sflag:s24], $0x3E80  }
0xe2: {  	[sflag:s24] =	ssyncset.done $0x0  }
0xe3: {  	s0 =	simm.s32 $0x80;
	s18 =	sadd.s32 $0x100, s18;
	[sflag:s24] =	ssyncadd.s32 $0xFFFFC180  }
0xe4: {  	[tilespmem:s23], [sflag:$0x2] =	stream.indirect.gather [hbm4b:s4+s20], $0x80, s0, s20, $0xb8;
	[tilespmem:$0x1C880] =	vst v63  }
.LBB2_5:
0xe5: {  	_ =	sfence.sel $0x180000  }
0xe6: {  	[bflag:$0x0] =	sbarrier.arrive $0xFFFF  }
0xe7: {  	_ =	strace $0x90000047  }
0xe8: {  	s0 =	stileid.u32;
	[bflag:$0x2] =	sbarrier.arrive $0xFFFF  }
0xe9: {  	p0 =	sne.s32 s0, $0x0;
	s0 =	rddreg [dreg:$0x2]  }
0xea: {  	s0 =	sadd.s32 @!p0 $0x100000, s0  }
0xeb: {  	[sflag:s0] =	ssyncadd.tile.s32 @!p0 $0x1;
	_ =	shalt  }
.Lfunc_end2:
_tile_overlayer_lowered:
.L_overlay_start_2:
0xec: {  	(tag) =	ssettag $0x2  }
0xed: {  	s0 =	rddreg [dreg:$0x0];
	s2 =	stileid.u32  }
0xee: {  	s1 =	rddreg [dreg:$0x1];
	p0 =	sne.s32 s2, $0x0  }
0xef: {  	s3 =	rddreg [dreg:$0x2];
	[bflag:$0x3] =	sbarrier.arrive $0xFFFF;
	s2 =	simm.s32 @!p0 $0x1C05  }
0xf0: {  	[timem:s3], [sflag:s2] =	dma.local @!p0 [hbm:s0], s1  }
0xf1: {  	s0 =	simm.s32 @!p0 $0x5  }
0xf2: {  	_ =	swait.ge @!p0 [sflag:s0], s1  }
0xf3: {  	s1 =	ssub.s32 @!p0 $0x0, s1;
	[sflag:s0] =	ssyncset.done @!p0 $0x0  }
0xf4: {  	[sflag:s0] =	ssyncadd.s32 @!p0 s1  }
0xf5: {  	[bflag:$0x3] =	sbarrier.arrive $0xFFFF  }
0xf6: {  	_ =	shalt  }

</sc_bundles>
